<compile_context>
chip_gen: v7x
topology: tpu7x:2x2x1
jax: 0.10.2.dev20260603
libtpu: 0.0.44.dev20260713+nightly
codegen_flags: <defaults>
</compile_context>

<pallas_src>
import functools

import jax
import jax.numpy as jnp
from jax import lax
from jax.experimental import pallas as pl
from jax.experimental.pallas import tpu as pltpu
from jax.experimental.pallas import tpu_sc as plsc

_PROPOSALS = 1000
_NMS_T = 0.7
_PRE = 6000
_ROWS = 8
_COLS = 768

_B = 2
_N = 261888
_CHUNK = 16368
_NT = 16
_SELO = 6400
_CAP = 6016
_PERT = _SELO // _NT


def _select_kernel(
    probs_hbm, bbox_hbm, anch_hbm,
    scr_hbm, idx_hbm, dlt_hbm, anc_hbm,
    stage, ubuf, hist, merged, totals, abv_idx, abv_scr, eq_idx, eqscr,
    posbuf, posd, clbuf, cnt_pub, cnts_rd, initf, initi, idx4, rowd, rowa,
    spm_hist, spm_cnt, sem1, sem2,
):
    b = lax.axis_index("c")
    w = lax.axis_index("s")
    iota = lax.broadcasted_iota(jnp.int32, (16,), 0)
    zrow = jnp.zeros((16,), jnp.int32)

    neg = jnp.full((16,), -2e9, jnp.float32)

    def init_body(j, _):
        initf[pl.ds(j * 16, 16)] = neg
        initi[pl.ds(j * 16, 16)] = zrow
        return 0

    lax.fori_loop(0, _PERT // 16, init_body, 0)
    obase = b * _SELO + w * _PERT
    pltpu.sync_copy(initf, scr_hbm.at[pl.ds(obase, _PERT)])
    pltpu.sync_copy(initi, idx_hbm.at[pl.ds(obase, _PERT)])

    start = b * (_N * 2) + w * (_CHUNK * 2)
    pltpu.sync_copy(probs_hbm.at[pl.ds(start, _CHUNK * 2)], stage)
    io2 = iota * 2 + 1

    def deint(i, _):
        gi = plsc.load_gather(stage, [i * 32 + io2])
        ubuf[pl.ds(i * 16, 16)] = plsc.bitcast(gi, jnp.uint32)
        return 0

    lax.fori_loop(0, _CHUNK // 16, deint, 0)

    ones = jnp.ones((16,), jnp.int32)

    def hist_pass(shift, pshift, prefix, k):
        def z(j, _):
            hist[pl.ds(j * 16, 16)] = zrow
            return 0

        lax.fori_loop(0, 1024, z, 0)

        def scan(i, _):
            u = ubuf[pl.ds(i * 16, 16)]
            pred = jnp.right_shift(u, jnp.uint32(pshift)) == prefix
            digit = (jnp.right_shift(u, jnp.uint32(shift)) & jnp.uint32(1023)).astype(jnp.int32)
            plsc.addupdate_scatter(hist, [iota * 1024 + digit], ones, mask=pred)
            return 0

        lax.fori_loop(0, _CHUNK // 16, scan, 0)

        def mg(j, _):
            def inner(c, acc):
                return acc + hist[pl.ds(c * 1024 + j * 16, 16)]
            acc = lax.fori_loop(0, 16, inner, zrow)
            merged[pl.ds(j * 16, 16)] = acc
            return 0

        lax.fori_loop(0, 64, mg, 0)
        pltpu.sync_copy(merged, spm_hist.at[pl.ds(w * 1024, 1024)])
        plsc.subcore_barrier()
        pltpu.sync_copy(spm_hist, hist)
        plsc.subcore_barrier()

        def mg2(j, _):
            def inner(c, acc):
                return acc + hist[pl.ds(c * 1024 + j * 16, 16)]
            acc = lax.fori_loop(0, 16, inner, zrow)
            totals[pl.ds(j * 16, 16)] = acc
            return 0

        lax.fori_loop(0, 64, mg2, 0)

        def find(jj, carry):
            acc, found, bin_, rem = carry
            j = 63 - jj
            chunk = totals[pl.ds(j * 16, 16)]
            csum = jnp.sum(chunk)
            hit = jnp.logical_and(found == 0, acc + csum >= k)
            rv = lax.rev(chunk, (0,))
            cum = plsc.cumsum(rv)
            need = k - acc
            pos = jnp.sum(jnp.where(cum < need, 1, 0).astype(jnp.int32))
            cnt_at = jnp.sum(jnp.where(iota == pos, rv, 0))
            cum_at = jnp.sum(jnp.where(iota == pos, cum, 0))
            bin_new = j * 16 + 15 - pos
            rem_new = need - (cum_at - cnt_at)
            return (
                acc + jnp.where(hit, 0, csum),
                jnp.where(hit, jnp.int32(1), found),
                jnp.where(hit, bin_new, bin_),
                jnp.where(hit, rem_new, rem),
            )

        zero = jnp.int32(0)
        _, _, bin_, rem = lax.fori_loop(0, 64, find, (zero, zero, zero, zero))
        return bin_, rem

    b0, k1 = hist_pass(20, 30, jnp.uint32(0), jnp.int32(_PRE))
    b1, k2 = hist_pass(10, 20, b0.astype(jnp.uint32), k1)
    pref2 = ((b0 << 10) | b1).astype(jnp.uint32)
    b2, k_eq = hist_pass(0, 10, pref2, k2)
    t_bits = ((b0 << 20) | (b1 << 10) | b2).astype(jnp.uint32)
    t_vec = plsc.bitcast(jnp.zeros((16,), jnp.uint32) + t_bits, jnp.float32)

    def fill_eqscr(j, _):
        eqscr[pl.ds(j * 16, 16)] = t_vec
        return 0

    lax.fori_loop(0, 8, fill_eqscr, 0)

    base_g = w * _CHUNK

    def sel(i, carry):
        ac, ec = carry
        u = ubuf[pl.ds(i * 16, 16)]
        gidx = base_g + i * 16 + iota
        above = u > t_bits
        eq = u == t_bits
        am = above.astype(jnp.int32)
        em = eq.astype(jnp.int32)
        apos = ac + plsc.cumsum(am) - 1
        epos = ec + plsc.cumsum(em) - 1
        ma = jnp.logical_and(above, apos < _CAP)
        me = jnp.logical_and(eq, epos < _CAP)
        plsc.store_scatter(abv_idx, [apos], gidx, mask=ma)
        plsc.store_scatter(abv_scr, [apos], plsc.bitcast(u, jnp.float32), mask=ma)
        plsc.store_scatter(eq_idx, [epos], gidx, mask=me)
        return ac + jnp.sum(am), ec + jnp.sum(em)

    ac, ec = lax.fori_loop(0, _CHUNK // 16, sel, (jnp.int32(0), jnp.int32(0)))

    cnt_pub[pl.ds(0, 16)] = jnp.where(
        iota == 0, ac, jnp.where(iota == 1, ec, jnp.int32(0))
    )
    pltpu.sync_copy(cnt_pub, spm_cnt.at[pl.ds(w * 16, 16)])
    plsc.subcore_barrier()
    pltpu.sync_copy(spm_cnt, cnts_rd)
    plsc.subcore_barrier()

    def pref(x, carry):
        ap, ep, at = carry
        row = cnts_rd[pl.ds(x * 16, 16)]
        a_x = jnp.sum(jnp.where(iota == 0, row, 0))
        e_x = jnp.sum(jnp.where(iota == 1, row, 0))
        lt = (x < w).astype(jnp.int32)
        return ap + a_x * lt, ep + e_x * lt, at + a_x

    ap, ep, at = lax.fori_loop(
        0, 16, pref, (jnp.int32(0), jnp.int32(0), jnp.int32(0))
    )
    take = jnp.clip(k_eq - ep, 0, ec)
    a_base = b * _SELO + ap
    e_base = b * _SELO + at + jnp.minimum(ep, k_eq)
    trash = b * _SELO + 6144 + w * 16

    def zf(j, _):
        initf[pl.ds(j * 16, 16)] = jnp.zeros((16,), jnp.float32)
        return 0

    lax.fori_loop(0, _PERT // 16, zf, 0)
    for c in range(4):
        pltpu.sync_copy(initf, dlt_hbm.at[pl.ds(c * (_B * _SELO) + obase, _PERT)])
        pltpu.sync_copy(initf, anc_hbm.at[pl.ds(c * (_B * _SELO) + obase, _PERT)])

    def emit(src_idx, cnt, base, scr_src_fn):
        def chunk(c5, _):
            def fill(j, _):
                r = c5 * 128 + j * 16 + iota
                posbuf[pl.ds(j * 16, 16)] = jnp.where(r < cnt, base + r, trash)
                v = src_idx[pl.ds(c5 * 128 + j * 16, 16)]
                clbuf[pl.ds(j * 16, 16)] = (
                    jnp.minimum(jnp.maximum(v, 0), _N - 1) + b * _N
                ) * 4
                return 0

            lax.fori_loop(0, 8, fill, 0)
            d1 = pltpu.async_copy(
                src_idx.at[pl.ds(c5 * 128, 128)], idx_hbm.at[posbuf], sem1
            )
            d2 = pltpu.async_copy(scr_src_fn(c5), scr_hbm.at[posbuf], sem2)
            d1.wait()
            d2.wait()
            for c in range(4):
                def mk(j, _):
                    idx4[pl.ds(j * 16, 16)] = clbuf[pl.ds(j * 16, 16)] + c
                    posd[pl.ds(j * 16, 16)] = posbuf[pl.ds(j * 16, 16)] + c * (_B * _SELO)
                    return 0

                lax.fori_loop(0, 8, mk, 0)
                g1 = pltpu.async_copy(bbox_hbm.at[idx4], rowd, sem1)
                g2 = pltpu.async_copy(anch_hbm.at[idx4], rowa, sem2)
                g1.wait()
                g2.wait()
                s1 = pltpu.async_copy(rowd, dlt_hbm.at[posd], sem1)
                s2 = pltpu.async_copy(rowa, anc_hbm.at[posd], sem2)
                s1.wait()
                s2.wait()
            return 0

        lax.fori_loop(0, (cnt + 127) // 128, chunk, 0)

    emit(abv_idx, ac, a_base, lambda c5: abv_scr.at[pl.ds(c5 * 128, 128)])
    emit(eq_idx, take, e_base, lambda c5: eqscr)

_sel_call = pl.kernel(
    _select_kernel,
    out_type=[
        jax.ShapeDtypeStruct((_B * _SELO,), jnp.float32),
        jax.ShapeDtypeStruct((_B * _SELO,), jnp.int32),
        jax.ShapeDtypeStruct((4 * _B * _SELO,), jnp.float32),
        jax.ShapeDtypeStruct((4 * _B * _SELO,), jnp.float32),
    ],
    mesh=plsc.VectorSubcoreMesh(
        core_axis_name="c", subcore_axis_name="s", num_cores=2
    ),
    compiler_params=pltpu.CompilerParams(needs_layout_passes=False, use_tc_tiling_on_sc=True),
    scratch_types=[
        pltpu.VMEM((_CHUNK * 2,), jnp.float32),
        pltpu.VMEM((_CHUNK,), jnp.uint32),
        pltpu.VMEM((16384,), jnp.int32),
        pltpu.VMEM((1024,), jnp.int32),
        pltpu.VMEM((1024,), jnp.int32),
        pltpu.VMEM((_CAP,), jnp.int32),
        pltpu.VMEM((_CAP,), jnp.float32),
        pltpu.VMEM((_CAP,), jnp.int32),
        pltpu.VMEM((128,), jnp.float32),
        pltpu.VMEM((128,), jnp.int32),
        pltpu.VMEM((128,), jnp.int32),
        pltpu.VMEM((128,), jnp.int32),
        pltpu.VMEM((16,), jnp.int32),
        pltpu.VMEM((256,), jnp.int32),
        pltpu.VMEM((_PERT,), jnp.float32),
        pltpu.VMEM((_PERT,), jnp.int32),
        pltpu.VMEM((128,), jnp.int32),
        pltpu.VMEM((128,), jnp.float32),
        pltpu.VMEM((128,), jnp.float32),
        pltpu.VMEM_SHARED((16384,), jnp.int32),
        pltpu.VMEM_SHARED((256,), jnp.int32),
        pltpu.SemaphoreType.DMA,
        pltpu.SemaphoreType.DMA,
    ],
)


def _nms_kernel(s_ref, tid_ref, a_ref, d_ref, out_ref, *, n_prop):
    s0 = s_ref[...]
    tid = tid_ref[...]
    a0 = a_ref[0]
    a1 = a_ref[1]
    a2 = a_ref[2]
    a3 = a_ref[3]
    d0 = d_ref[0] * 0.1
    d1 = d_ref[1] * 0.1
    d2 = d_ref[2] * 0.2
    d3 = d_ref[3] * 0.2
    h = a2 - a0
    w = a3 - a1
    cy = a0 + 0.5 * h + d0 * h
    cx = a1 + 0.5 * w + d1 * w
    hh = h * jnp.exp(d2)
    ww = w * jnp.exp(d3)
    y1 = cy - 0.5 * hh
    x1 = cx - 0.5 * ww
    y2 = y1 + hh
    x2 = x1 + ww
    one = jnp.float32(1.0)
    zero = jnp.float32(0.0)
    y1 = jnp.maximum(jnp.minimum(y1, one), zero)
    x1 = jnp.maximum(jnp.minimum(x1, one), zero)
    y2 = jnp.maximum(jnp.minimum(y2, one), zero)
    x2 = jnp.maximum(jnp.minimum(x2, one), zero)
    areas = (y2 - y1) * (x2 - x1)
    lane = jax.lax.broadcasted_iota(jnp.int32, (1, 128), 1)
    m0 = (lane == 0).astype(jnp.float32)
    m1 = (lane == 1).astype(jnp.float32)
    m2 = (lane == 2).astype(jnp.float32)
    m3 = (lane == 3).astype(jnp.float32)

    def step(t, s):
        m = jnp.max(s)
        tsel = jnp.min(jnp.where(s == m, tid, jnp.int32(2147483647)))
        pm = (s == m) & (tid == tsel)
        pmf = pm.astype(jnp.float32)
        py1 = jnp.sum(pmf * y1)
        px1 = jnp.sum(pmf * x1)
        py2 = jnp.sum(pmf * y2)
        px2 = jnp.sum(pmf * x2)
        pa = jnp.sum(pmf * areas)
        valid = (m > -1e8).astype(jnp.float32)
        row = (py1 * m0 + px1 * m1 + py2 * m2 + px2 * m3) * valid
        out_ref[pl.ds(t, 1), :] = row
        yy1 = jnp.maximum(py1, y1)
        xx1 = jnp.maximum(px1, x1)
        yy2 = jnp.minimum(py2, y2)
        xx2 = jnp.minimum(px2, x2)
        inter = jnp.maximum(yy2 - yy1, zero) * jnp.maximum(xx2 - xx1, zero)
        iou = inter / (pa + areas - inter + 1e-8)
        supp = (iou > _NMS_T) | pm
        return jnp.where(supp, jnp.float32(-1e9), s)

    jax.lax.fori_loop(0, n_prop, step, s0)


def _run_nms(s_p, tid_p, a_p, d_p, n_prop, out_rows, interpret=False):
    B, R, C = s_p.shape
    f = pl.pallas_call(
        functools.partial(_nms_kernel, n_prop=n_prop),
        grid=(B,),
        in_specs=[
            pl.BlockSpec((None, R, C), lambda b: (b, 0, 0)),
            pl.BlockSpec((None, R, C), lambda b: (b, 0, 0)),
            pl.BlockSpec((None, 4, R, C), lambda b: (b, 0, 0, 0)),
            pl.BlockSpec((None, 4, R, C), lambda b: (b, 0, 0, 0)),
        ],
        out_specs=pl.BlockSpec((None, out_rows, 128), lambda b: (b, 0, 0)),
        out_shape=jax.ShapeDtypeStruct((B, out_rows, 128), jnp.float32),
        interpret=interpret,
    )
    return f(s_p, tid_p, a_p, d_p)


def kernel(rpn_probs, rpn_bbox, anchors):
    B, N, _ = rpn_probs.shape
    probs_flat = rpn_probs.reshape(-1)
    bbox_flat = rpn_bbox.reshape(-1)
    anch_flat = anchors.reshape(-1)
    scr, idx, dlt, anc = _sel_call(probs_flat, bbox_flat, anch_flat)
    npts = _ROWS * _COLS
    s_p = scr.reshape(B, _SELO)[:, :npts].reshape(B, _ROWS, _COLS)
    tid_p = idx.reshape(B, _SELO)[:, :npts].reshape(B, _ROWS, _COLS)
    d_p = (
        dlt.reshape(4, B, _SELO)[:, :, :npts]
        .transpose(1, 0, 2)
        .reshape(B, 4, _ROWS, _COLS)
    )
    a_p = (
        anc.reshape(4, B, _SELO)[:, :, :npts]
        .transpose(1, 0, 2)
        .reshape(B, 4, _ROWS, _COLS)
    )
    out = _run_nms(s_p, tid_p, a_p, d_p, _PROPOSALS, 1024)
    return out[:, :_PROPOSALS, :4]

# --- scband reference (transcript-rebuilt; emitter-appended) ---
"""Pipeline reference for scband-proposal-layer-2388001816805 (READ-ONLY COPY).

The authoritative reference and input builder live on the scoring server;
editing this copy changes nothing except your own understanding.
"""

import jax, jax.numpy as jnp
import numpy as np

PROPOSAL_COUNT = 1000
NMS_THRESHOLD = 0.7
PRE_NMS_LIMIT = 6000
RPN_BBOX_STD_DEV = np.array([0.1, 0.1, 0.2, 0.2], dtype=np.float32)
BATCH = 2
NUM_ANCHORS = 261888


def setup_inputs(seed: int = 0) -> dict:
    key = jax.random.key(seed)
    k1, k2, k3, k4 = jax.random.split(key, 4)
    rpn_probs = jax.random.uniform(k1, (BATCH, NUM_ANCHORS, 2), dtype=jnp.float32)
    rpn_bbox = jax.random.normal(k2, (BATCH, NUM_ANCHORS, 4), dtype=jnp.float32)
    centers = jax.random.uniform(k3, (BATCH, NUM_ANCHORS, 2), dtype=jnp.float32)
    sizes = jax.random.uniform(k4, (BATCH, NUM_ANCHORS, 2), dtype=jnp.float32) * 0.2 + 0.01
    y1x1 = jnp.clip(centers - sizes / 2.0, 0.0, 1.0)
    y2x2 = jnp.clip(centers + sizes / 2.0, 0.0, 1.0)
    anchors = jnp.concatenate([y1x1, y2x2], axis=-1)  # (y1, x1, y2, x2) normalized
    return {"rpn_probs": rpn_probs, "rpn_bbox": rpn_bbox, "anchors": anchors}


def apply_box_deltas(boxes, deltas):
    # boxes: [N, 4] (y1, x1, y2, x2); deltas: [N, 4] (dy, dx, log(dh), log(dw))
    height = boxes[:, 2] - boxes[:, 0]
    width = boxes[:, 3] - boxes[:, 1]
    center_y = boxes[:, 0] + 0.5 * height
    center_x = boxes[:, 1] + 0.5 * width
    center_y = center_y + deltas[:, 0] * height
    center_x = center_x + deltas[:, 1] * width
    height = height * jnp.exp(deltas[:, 2])
    width = width * jnp.exp(deltas[:, 3])
    y1 = center_y - 0.5 * height
    x1 = center_x - 0.5 * width
    y2 = y1 + height
    x2 = x1 + width
    return jnp.stack([y1, x1, y2, x2], axis=1)


def clip_boxes(boxes, window):
    wy1, wx1, wy2, wx2 = window[0], window[1], window[2], window[3]
    y1 = jnp.maximum(jnp.minimum(boxes[:, 0], wy2), wy1)
    x1 = jnp.maximum(jnp.minimum(boxes[:, 1], wx2), wx1)
    y2 = jnp.maximum(jnp.minimum(boxes[:, 2], wy2), wy1)
    x2 = jnp.maximum(jnp.minimum(boxes[:, 3], wx2), wx1)
    return jnp.stack([y1, x1, y2, x2], axis=1)


def _iou_one_vs_all(box, boxes):
    yy1 = jnp.maximum(box[0], boxes[:, 0])
    xx1 = jnp.maximum(box[1], boxes[:, 1])
    yy2 = jnp.minimum(box[2], boxes[:, 2])
    xx2 = jnp.minimum(box[3], boxes[:, 3])
    inter = jnp.maximum(yy2 - yy1, 0.0) * jnp.maximum(xx2 - xx1, 0.0)
    area1 = (box[2] - box[0]) * (box[3] - box[1])
    areas = (boxes[:, 2] - boxes[:, 0]) * (boxes[:, 3] - boxes[:, 1])
    return inter / (area1 + areas - inter + 1e-8)


def _nms_single(boxes, scores):
    n = scores.shape[0]

    def step(s, _):
        idx = jnp.argmax(s)
        valid = s[idx] > -1e8
        box = jax.lax.stop_gradient(boxes)[idx]
        ious = _iou_one_vs_all(box, jax.lax.stop_gradient(boxes))
        suppress = (ious > NMS_THRESHOLD) | (jnp.arange(n) == idx)
        s_new = jnp.where(suppress, -1e9, s)
        return s_new, (idx, valid)

    _, (idxs, valids) = jax.lax.scan(step, scores, None, length=PROPOSAL_COUNT)
    proposals = boxes[idxs] * valids[:, None].astype(boxes.dtype)  # zero-pad invalid slots
    return proposals


def reference(rpn_probs, rpn_bbox, anchors):
    scores = rpn_probs[:, :, 1]
    deltas = rpn_bbox * jnp.asarray(RPN_BBOX_STD_DEV).reshape(1, 1, 4)
    pre_nms_limit = min(PRE_NMS_LIMIT, anchors.shape[1])
    top_scores, ix = jax.lax.top_k(scores, pre_nms_limit)  # [B, pre_nms_limit]
    deltas_g = jnp.take_along_axis(deltas, ix[..., None], axis=1)
    anchors_g = jnp.take_along_axis(anchors, ix[..., None], axis=1)
    boxes = jax.vmap(apply_box_deltas)(anchors_g, deltas_g)
    window = jnp.array([0.0, 0.0, 1.0, 1.0], dtype=jnp.float32)
    boxes = jax.vmap(lambda b: clip_boxes(b, window))(boxes)
    proposals = jax.vmap(_nms_single)(boxes, top_scores)
    return proposals

if __name__ == "__main__":
    import jax
    _d = setup_inputs()
    print(jax.jit(kernel)(*tuple(_d.values())))

</pallas_src>

<mosaic_0001>
#map = affine_map<(d0, d1) -> (0)>
module attributes {stable_mosaic.version = 14 : i64} {
  func.func @_select_kernel(%arg0: i32, %arg1: i32, %arg2: memref<1047552xf32, #tpu.memory_space<hbm>>, %arg3: memref<2095104xf32, #tpu.memory_space<hbm>>, %arg4: memref<2095104xf32, #tpu.memory_space<hbm>>, %arg5: memref<12800xf32, #tpu.memory_space<hbm>>, %arg6: memref<12800xi32, #tpu.memory_space<hbm>>, %arg7: memref<51200xf32, #tpu.memory_space<hbm>>, %arg8: memref<51200xf32, #tpu.memory_space<hbm>>, %arg9: memref<32736xf32, #tpu.memory_space<vmem>>, %arg10: memref<16368xi32, #tpu.memory_space<vmem>>, %arg11: memref<16384xi32, #tpu.memory_space<vmem>>, %arg12: memref<1024xi32, #tpu.memory_space<vmem>>, %arg13: memref<1024xi32, #tpu.memory_space<vmem>>, %arg14: memref<6016xi32, #tpu.memory_space<vmem>>, %arg15: memref<6016xf32, #tpu.memory_space<vmem>>, %arg16: memref<6016xi32, #tpu.memory_space<vmem>>, %arg17: memref<128xf32, #tpu.memory_space<vmem>>, %arg18: memref<128xi32, #tpu.memory_space<vmem>>, %arg19: memref<128xi32, #tpu.memory_space<vmem>>, %arg20: memref<128xi32, #tpu.memory_space<vmem>>, %arg21: memref<16xi32, #tpu.memory_space<vmem>>, %arg22: memref<256xi32, #tpu.memory_space<vmem>>, %arg23: memref<400xf32, #tpu.memory_space<vmem>>, %arg24: memref<400xi32, #tpu.memory_space<vmem>>, %arg25: memref<128xi32, #tpu.memory_space<vmem>>, %arg26: memref<128xf32, #tpu.memory_space<vmem>>, %arg27: memref<128xf32, #tpu.memory_space<vmem>>, %arg28: memref<16384xi32, #tpu.memory_space<vmem_shared>>, %arg29: memref<256xi32, #tpu.memory_space<vmem_shared>>, %arg30: memref<!tpu.dma_semaphore, #tpu.memory_space<semaphore_mem>>, %arg31: memref<!tpu.dma_semaphore, #tpu.memory_space<semaphore_mem>>) attributes {dimension_semantics = [#tpu.dimension_semantics<core_parallel>, #tpu.dimension_semantics<subcore_parallel>], iteration_bounds = array<i64: 2, 16>, scalar_prefetch = 0 : i64, scratch_operands = 23 : i64, tpu.core_type = #tpu.core_type<sc_vector_subcore>, window_params = [{transform_indices = #map}, {transform_indices = #map}, {transform_indices = #map}, {transform_indices = #map}, {transform_indices = #map}, {transform_indices = #map}, {transform_indices = #map}]} {
    %iota3A = tpu.iota {dimensions = array<i32: 0>} : vector<16xi32>
    %broadcast_in_dim3A = arith.constant 0 : i32
    %broadcast_in_dim3A_0 = vector.broadcast %broadcast_in_dim3A : i32 to vector<16xi32>
    %broadcast_in_dim3A_1 = arith.constant -2.000000e+09 : f32
    %broadcast_in_dim3A_2 = vector.broadcast %broadcast_in_dim3A_1 : f32 to vector<16xf32>
    %scan3A = arith.constant 0 : i32
    %scan3A_3 = arith.constant 0 : i32
    %scan3A_4 = arith.constant 25 : i32
    %scan3A_5 = arith.addi %scan3A_3, %scan3A_4 : i32
    %scan3A_6 = arith.constant 1 : i32
    %scan3A_7 = scf.for %scan3A_319 = %scan3A_3 to %scan3A_5 step %scan3A_6 iter_args(%scan3A_320 = %scan3A) -> (i32)  : i32 {
      %mul3A_321 = arith.constant 16 : i32
      %mul3A_322 = arith.muli %scan3A_319, %mul3A_321 : i32
      %swap3A_323 = arith.index_cast %mul3A_322 : i32 to index
      %swap3A_324 = tpu.vector_load %arg23[%swap3A_323] {strides = array<i32>} : memref<400xf32, #tpu.memory_space<vmem>>, vector<16xf32>,
      tpu.vector_store %arg23[%swap3A_323], %broadcast_in_dim3A_2 {strides = array<i32>} : memref<400xf32, #tpu.memory_space<vmem>>, vector<16xf32>,
      %mul3A_325 = arith.constant 16 : i32
      %mul3A_326 = arith.muli %scan3A_319, %mul3A_325 : i32
      %swap3A_327 = arith.index_cast %mul3A_326 : i32 to index
      %swap3A_328 = tpu.vector_load %arg24[%swap3A_327] {strides = array<i32>} : memref<400xi32, #tpu.memory_space<vmem>>, vector<16xi32>,
      tpu.vector_store %arg24[%swap3A_327], %broadcast_in_dim3A_0 {strides = array<i32>} : memref<400xi32, #tpu.memory_space<vmem>>, vector<16xi32>,
      %scan3A_329 = arith.constant 0 : i32
      scf.yield %scan3A_329 : i32
    }
    %scan3A_8 = arith.constant 25 : i32
    %mul3A = arith.constant 6400 : i32
    %mul3A_9 = arith.muli %arg0, %mul3A : i32
    %mul3A_10 = arith.constant 400 : i32
    %mul3A_11 = arith.muli %arg1, %mul3A_10 : i32
    %add3A = arith.addi %mul3A_9, %mul3A_11 : i32
    "tpu.region"() ({
      %run_scoped3A = tpu.sem_alloc : memref<!tpu.dma_semaphore, #tpu.memory_space<semaphore_mem>>
      %dma_start3A = tpu.memref_slice %arg5[%add3A] : memref<12800xf32, #tpu.memory_space<hbm>> -> memref<400xf32, #tpu.memory_space<hbm>>
      %dma_start3A_319 = tpu.memref_slice %arg5[%add3A] : memref<12800xf32, #tpu.memory_space<hbm>> -> memref<400xf32, #tpu.memory_space<hbm>>
      tpu.enqueue_dma source(%arg23 : memref<400xf32, #tpu.memory_space<vmem>>) target(%dma_start3A_319 : memref<400xf32, #tpu.memory_space<hbm>>) target_semaphore(%run_scoped3A : memref<!tpu.dma_semaphore, #tpu.memory_space<semaphore_mem>>)
      %dma_wait3A = tpu.memref_slice %arg5[%add3A] : memref<12800xf32, #tpu.memory_space<hbm>> -> memref<400xf32, #tpu.memory_space<hbm>>
      %dma_wait3A_320 = tpu.memref_slice %arg5[%add3A] : memref<12800xf32, #tpu.memory_space<hbm>> -> memref<400xf32, #tpu.memory_space<hbm>>
      tpu.wait_dma2 semaphore(%run_scoped3A : memref<!tpu.dma_semaphore, #tpu.memory_space<semaphore_mem>>) src(%arg23 : memref<400xf32, #tpu.memory_space<vmem>>) dst(%dma_wait3A_320 : memref<400xf32, #tpu.memory_space<hbm>>)
      tpu.yield
    }) : () -> ()
    "tpu.region"() ({
      %run_scoped3A = tpu.sem_alloc : memref<!tpu.dma_semaphore, #tpu.memory_space<semaphore_mem>>
      %dma_start3A = tpu.memref_slice %arg6[%add3A] : memref<12800xi32, #tpu.memory_space<hbm>> -> memref<400xi32, #tpu.memory_space<hbm>>
      %dma_start3A_319 = tpu.memref_slice %arg6[%add3A] : memref<12800xi32, #tpu.memory_space<hbm>> -> memref<400xi32, #tpu.memory_space<hbm>>
      tpu.enqueue_dma source(%arg24 : memref<400xi32, #tpu.memory_space<vmem>>) target(%dma_start3A_319 : memref<400xi32, #tpu.memory_space<hbm>>) target_semaphore(%run_scoped3A : memref<!tpu.dma_semaphore, #tpu.memory_space<semaphore_mem>>)
      %dma_wait3A = tpu.memref_slice %arg6[%add3A] : memref<12800xi32, #tpu.memory_space<hbm>> -> memref<400xi32, #tpu.memory_space<hbm>>
      %dma_wait3A_320 = tpu.memref_slice %arg6[%add3A] : memref<12800xi32, #tpu.memory_space<hbm>> -> memref<400xi32, #tpu.memory_space<hbm>>
      tpu.wait_dma2 semaphore(%run_scoped3A : memref<!tpu.dma_semaphore, #tpu.memory_space<semaphore_mem>>) src(%arg24 : memref<400xi32, #tpu.memory_space<vmem>>) dst(%dma_wait3A_320 : memref<400xi32, #tpu.memory_space<hbm>>)
      tpu.yield
    }) : () -> ()
    %mul3A_12 = arith.constant 523776 : i32
    %mul3A_13 = arith.muli %arg0, %mul3A_12 : i32
    %mul3A_14 = arith.constant 32736 : i32
    %mul3A_15 = arith.muli %arg1, %mul3A_14 : i32
    %add3A_16 = arith.addi %mul3A_13, %mul3A_15 : i32
    "tpu.region"() ({
      %run_scoped3A = tpu.sem_alloc : memref<!tpu.dma_semaphore, #tpu.memory_space<semaphore_mem>>
      %dma_start3A = tpu.memref_slice %arg2[%add3A_16] : memref<1047552xf32, #tpu.memory_space<hbm>> -> memref<32736xf32, #tpu.memory_space<hbm>>
      %dma_start3A_319 = tpu.memref_slice %arg2[%add3A_16] : memref<1047552xf32, #tpu.memory_space<hbm>> -> memref<32736xf32, #tpu.memory_space<hbm>>
      tpu.enqueue_dma source(%dma_start3A_319 : memref<32736xf32, #tpu.memory_space<hbm>>) target(%arg9 : memref<32736xf32, #tpu.memory_space<vmem>>) target_semaphore(%run_scoped3A : memref<!tpu.dma_semaphore, #tpu.memory_space<semaphore_mem>>)
      %dma_wait3A = tpu.memref_slice %arg2[%add3A_16] : memref<1047552xf32, #tpu.memory_space<hbm>> -> memref<32736xf32, #tpu.memory_space<hbm>>
      %dma_wait3A_320 = tpu.memref_slice %arg2[%add3A_16] : memref<1047552xf32, #tpu.memory_space<hbm>> -> memref<32736xf32, #tpu.memory_space<hbm>>
      tpu.wait_dma2 semaphore(%run_scoped3A : memref<!tpu.dma_semaphore, #tpu.memory_space<semaphore_mem>>) src(%dma_wait3A_320 : memref<32736xf32, #tpu.memory_space<hbm>>) dst(%arg9 : memref<32736xf32, #tpu.memory_space<vmem>>)
      tpu.yield
    }) : () -> ()
    %mul3A_17 = arith.constant 2 : i32
    %mul3A_18 = vector.broadcast %mul3A_17 : i32 to vector<16xi32>
    %mul3A_19 = arith.muli %iota3A, %mul3A_18 : vector<16xi32>
    %add3A_20 = arith.constant 1 : i32
    %add3A_21 = vector.broadcast %add3A_20 : i32 to vector<16xi32>
    %add3A_22 = arith.addi %mul3A_19, %add3A_21 : vector<16xi32>
    %scan3A_23 = arith.constant 0 : i32
    %scan3A_24 = arith.constant 0 : i32
    %scan3A_25 = arith.constant 1023 : i32
    %scan3A_26 = arith.addi %scan3A_24, %scan3A_25 : i32
    %scan3A_27 = arith.constant 1 : i32
    %scan3A_28 = scf.for %scan3A_319 = %scan3A_24 to %scan3A_26 step %scan3A_27 iter_args(%scan3A_320 = %scan3A_23) -> (i32)  : i32 {
      %mul3A_321 = arith.constant 32 : i32
      %mul3A_322 = arith.muli %scan3A_319, %mul3A_321 : i32
      %add3A_323 = vector.broadcast %mul3A_322 : i32 to vector<16xi32>
      %add3A_324 = arith.addi %add3A_323, %add3A_22 : vector<16xi32>
      %gather3A = tpu.vector_load_idx %arg9[%add3A_324] : memref<32736xf32, #tpu.memory_space<vmem>>[vector<16xi32>], vector<16xf32>,
      %bitcast3A_325 = vector.bitcast %gather3A : vector<16xf32> to vector<16xi32>
      %mul3A_326 = arith.constant 16 : i32
      %mul3A_327 = arith.muli %scan3A_319, %mul3A_326 : i32
      %swap3A_328 = arith.index_cast %mul3A_327 : i32 to index
      %swap3A_329 = tpu.vector_load %arg10[%swap3A_328] {strides = array<i32>} : memref<16368xi32, #tpu.memory_space<vmem>>, vector<16xi32>,
      tpu.vector_store %arg10[%swap3A_328], %bitcast3A_325 {strides = array<i32>} : memref<16368xi32, #tpu.memory_space<vmem>>, vector<16xi32>,
      %scan3A_330 = arith.constant 0 : i32
      scf.yield %scan3A_330 : i32
    }
    %scan3A_29 = arith.constant 1023 : i32
    %broadcast_in_dim3A_30 = arith.constant 1 : i32
    %broadcast_in_dim3A_31 = vector.broadcast %broadcast_in_dim3A_30 : i32 to vector<16xi32>
    %scan3A_32 = arith.constant 0 : i32
    %scan3A_33 = arith.constant 0 : i32
    %scan3A_34 = arith.constant 1024 : i32
    %scan3A_35 = arith.addi %scan3A_33, %scan3A_34 : i32
    %scan3A_36 = arith.constant 1 : i32
    %scan3A_37 = scf.for %scan3A_319 = %scan3A_33 to %scan3A_35 step %scan3A_36 iter_args(%scan3A_320 = %scan3A_32) -> (i32)  : i32 {
      %mul3A_321 = arith.constant 16 : i32
      %mul3A_322 = arith.muli %scan3A_319, %mul3A_321 : i32
      %swap3A_323 = arith.index_cast %mul3A_322 : i32 to index
      %swap3A_324 = tpu.vector_load %arg11[%swap3A_323] {strides = array<i32>} : memref<16384xi32, #tpu.memory_space<vmem>>, vector<16xi32>,
      tpu.vector_store %arg11[%swap3A_323], %broadcast_in_dim3A_0 {strides = array<i32>} : memref<16384xi32, #tpu.memory_space<vmem>>, vector<16xi32>,
      %scan3A_325 = arith.constant 0 : i32
      scf.yield %scan3A_325 : i32
    }
    %scan3A_38 = arith.constant 1024 : i32
    %scan3A_39 = arith.constant 0 : i32
    %scan3A_40 = arith.constant 0 : i32
    %scan3A_41 = arith.constant 0 : i32
    %scan3A_42 = arith.constant 1023 : i32
    %scan3A_43 = arith.addi %scan3A_41, %scan3A_42 : i32
    %scan3A_44 = arith.constant 1 : i32
    %scan3A_45 = scf.for %scan3A_319 = %scan3A_41 to %scan3A_43 step %scan3A_44 iter_args(%scan3A_320 = %scan3A_40) -> (i32)  : i32 {
      %mul3A_321 = arith.constant 16 : i32
      %mul3A_322 = arith.muli %scan3A_319, %mul3A_321 : i32
      %get3A = arith.index_cast %mul3A_322 : i32 to index
      %get3A_323 = tpu.vector_load %arg10[%get3A] {strides = array<i32>} : memref<16368xi32, #tpu.memory_space<vmem>>, vector<16xi32>,
      %shift_right_logical3A = arith.constant 30 : i32
      %shift_right_logical3A_324 = vector.broadcast %shift_right_logical3A : i32 to vector<16xi32>
      %shift_right_logical3A_325 = arith.shrui %get3A_323, %shift_right_logical3A_324 : vector<16xi32>
      %eq3A_326 = vector.broadcast %scan3A_39 : i32 to vector<16xi32>
      %eq3A_327 = arith.cmpi eq, %shift_right_logical3A_325, %eq3A_326 : vector<16xi32>
      %shift_right_logical3A_328 = arith.constant 20 : i32
      %shift_right_logical3A_329 = vector.broadcast %shift_right_logical3A_328 : i32 to vector<16xi32>
      %shift_right_logical3A_330 = arith.shrui %get3A_323, %shift_right_logical3A_329 : vector<16xi32>
      %and3A_331 = arith.constant 1023 : i32
      %and3A_332 = vector.broadcast %and3A_331 : i32 to vector<16xi32>
      %and3A_333 = arith.andi %shift_right_logical3A_330, %and3A_332 : vector<16xi32>
      %mul3A_334 = arith.constant 1024 : i32
      %mul3A_335 = vector.broadcast %mul3A_334 : i32 to vector<16xi32>
      %mul3A_336 = arith.muli %iota3A, %mul3A_335 : vector<16xi32>
      %add3A_337 = arith.addi %mul3A_336, %and3A_333 : vector<16xi32>
      tpu.vector_store_idx %arg11[%add3A_337], %broadcast_in_dim3A_31 masked %eq3A_327 {add = true} : memref<16384xi32, #tpu.memory_space<vmem>>[vector<16xi32>], vector<16xi32>, vector<16xi1>
      %scan3A_338 = arith.constant 0 : i32
      scf.yield %scan3A_338 : i32
    }
    %scan3A_46 = arith.constant 1023 : i32
    %scan3A_47 = arith.constant 0 : i32
    %scan3A_48 = arith.constant 0 : i32
    %scan3A_49 = arith.constant 64 : i32
    %scan3A_50 = arith.addi %scan3A_48, %scan3A_49 : i32
    %scan3A_51 = arith.constant 1 : i32
    %scan3A_52 = scf.for %scan3A_319 = %scan3A_48 to %scan3A_50 step %scan3A_51 iter_args(%scan3A_320 = %scan3A_47) -> (i32)  : i32 {
      %scan3A_321 = arith.constant 0 : i32
      %scan3A_322 = arith.constant 16 : i32
      %scan3A_323 = arith.addi %scan3A_321, %scan3A_322 : i32
      %scan3A_324 = arith.constant 1 : i32
      %scan3A_325 = scf.for %scan3A_332 = %scan3A_321 to %scan3A_323 step %scan3A_324 iter_args(%scan3A_333 = %broadcast_in_dim3A_0) -> (vector<16xi32>)  : i32 {
        %mul3A_334 = arith.constant 1024 : i32
        %mul3A_335 = arith.muli %scan3A_332, %mul3A_334 : i32
        %mul3A_336 = arith.constant 16 : i32
        %mul3A_337 = arith.muli %scan3A_319, %mul3A_336 : i32
        %add3A_338 = arith.addi %mul3A_335, %mul3A_337 : i32
        %get3A = arith.index_cast %add3A_338 : i32 to index
        %get3A_339 = tpu.vector_load %arg11[%get3A] {strides = array<i32>} : memref<16384xi32, #tpu.memory_space<vmem>>, vector<16xi32>,
        %add3A_340 = arith.addi %scan3A_333, %get3A_339 : vector<16xi32>
        scf.yield %add3A_340 : vector<16xi32>
      }
      %scan3A_326 = arith.constant 16 : i32
      %mul3A_327 = arith.constant 16 : i32
      %mul3A_328 = arith.muli %scan3A_319, %mul3A_327 : i32
      %swap3A_329 = arith.index_cast %mul3A_328 : i32 to index
      %swap3A_330 = tpu.vector_load %arg12[%swap3A_329] {strides = array<i32>} : memref<1024xi32, #tpu.memory_space<vmem>>, vector<16xi32>,
      tpu.vector_store %arg12[%swap3A_329], %scan3A_325 {strides = array<i32>} : memref<1024xi32, #tpu.memory_space<vmem>>, vector<16xi32>,
      %scan3A_331 = arith.constant 0 : i32
      scf.yield %scan3A_331 : i32
    }
    %scan3A_53 = arith.constant 64 : i32
    %mul3A_54 = arith.constant 1024 : i32
    %mul3A_55 = arith.muli %arg1, %mul3A_54 : i32
    "tpu.region"() ({
      %run_scoped3A = tpu.sem_alloc : memref<!tpu.dma_semaphore, #tpu.memory_space<semaphore_mem>>
      %dma_start3A = tpu.memref_slice %arg28[%mul3A_55] : memref<16384xi32, #tpu.memory_space<vmem_shared>> -> memref<1024xi32, #tpu.memory_space<vmem_shared>>
      %dma_start3A_319 = tpu.memref_slice %arg28[%mul3A_55] : memref<16384xi32, #tpu.memory_space<vmem_shared>> -> memref<1024xi32, #tpu.memory_space<vmem_shared>>
      tpu.enqueue_dma source(%arg12 : memref<1024xi32, #tpu.memory_space<vmem>>) target(%dma_start3A_319 : memref<1024xi32, #tpu.memory_space<vmem_shared>>) target_semaphore(%run_scoped3A : memref<!tpu.dma_semaphore, #tpu.memory_space<semaphore_mem>>)
      %dma_wait3A = tpu.memref_slice %arg28[%mul3A_55] : memref<16384xi32, #tpu.memory_space<vmem_shared>> -> memref<1024xi32, #tpu.memory_space<vmem_shared>>
      %dma_wait3A_320 = tpu.memref_slice %arg28[%mul3A_55] : memref<16384xi32, #tpu.memory_space<vmem_shared>> -> memref<1024xi32, #tpu.memory_space<vmem_shared>>
      tpu.wait_dma2 semaphore(%run_scoped3A : memref<!tpu.dma_semaphore, #tpu.memory_space<semaphore_mem>>) src(%arg12 : memref<1024xi32, #tpu.memory_space<vmem>>) dst(%dma_wait3A_320 : memref<1024xi32, #tpu.memory_space<vmem_shared>>)
      tpu.yield
    }) : () -> ()
    %barrier3A = arith.constant 0 : index
    tpu.barrier barrier_id(%barrier3A)
    "tpu.region"() ({
      %run_scoped3A = tpu.sem_alloc : memref<!tpu.dma_semaphore, #tpu.memory_space<semaphore_mem>>
      tpu.enqueue_dma source(%arg28 : memref<16384xi32, #tpu.memory_space<vmem_shared>>) target(%arg11 : memref<16384xi32, #tpu.memory_space<vmem>>) target_semaphore(%run_scoped3A : memref<!tpu.dma_semaphore, #tpu.memory_space<semaphore_mem>>)
      tpu.wait_dma2 semaphore(%run_scoped3A : memref<!tpu.dma_semaphore, #tpu.memory_space<semaphore_mem>>) src(%arg28 : memref<16384xi32, #tpu.memory_space<vmem_shared>>) dst(%arg11 : memref<16384xi32, #tpu.memory_space<vmem>>)
      tpu.yield
    }) : () -> ()
    %barrier3A_56 = arith.constant 0 : index
    tpu.barrier barrier_id(%barrier3A_56)
    %scan3A_57 = arith.constant 0 : i32
    %scan3A_58 = arith.constant 0 : i32
    %scan3A_59 = arith.constant 64 : i32
    %scan3A_60 = arith.addi %scan3A_58, %scan3A_59 : i32
    %scan3A_61 = arith.constant 1 : i32
    %scan3A_62 = scf.for %scan3A_319 = %scan3A_58 to %scan3A_60 step %scan3A_61 iter_args(%scan3A_320 = %scan3A_57) -> (i32)  : i32 {
      %scan3A_321 = arith.constant 0 : i32
      %scan3A_322 = arith.constant 16 : i32
      %scan3A_323 = arith.addi %scan3A_321, %scan3A_322 : i32
      %scan3A_324 = arith.constant 1 : i32
      %scan3A_325 = scf.for %scan3A_332 = %scan3A_321 to %scan3A_323 step %scan3A_324 iter_args(%scan3A_333 = %broadcast_in_dim3A_0) -> (vector<16xi32>)  : i32 {
        %mul3A_334 = arith.constant 1024 : i32
        %mul3A_335 = arith.muli %scan3A_332, %mul3A_334 : i32
        %mul3A_336 = arith.constant 16 : i32
        %mul3A_337 = arith.muli %scan3A_319, %mul3A_336 : i32
        %add3A_338 = arith.addi %mul3A_335, %mul3A_337 : i32
        %get3A = arith.index_cast %add3A_338 : i32 to index
        %get3A_339 = tpu.vector_load %arg11[%get3A] {strides = array<i32>} : memref<16384xi32, #tpu.memory_space<vmem>>, vector<16xi32>,
        %add3A_340 = arith.addi %scan3A_333, %get3A_339 : vector<16xi32>
        scf.yield %add3A_340 : vector<16xi32>
      }
      %scan3A_326 = arith.constant 16 : i32
      %mul3A_327 = arith.constant 16 : i32
      %mul3A_328 = arith.muli %scan3A_319, %mul3A_327 : i32
      %swap3A_329 = arith.index_cast %mul3A_328 : i32 to index
      %swap3A_330 = tpu.vector_load %arg13[%swap3A_329] {strides = array<i32>} : memref<1024xi32, #tpu.memory_space<vmem>>, vector<16xi32>,
      tpu.vector_store %arg13[%swap3A_329], %scan3A_325 {strides = array<i32>} : memref<1024xi32, #tpu.memory_space<vmem>>, vector<16xi32>,
      %scan3A_331 = arith.constant 0 : i32
      scf.yield %scan3A_331 : i32
    }
    %scan3A_63 = arith.constant 64 : i32
    %scan3A_64 = arith.constant 6000 : i32
    %scan3A_65 = arith.constant 0 : i32
    %scan3A_66 = arith.constant 0 : i32
    %scan3A_67 = arith.constant 0 : i32
    %scan3A_68 = arith.constant 0 : i32
    %scan3A_69 = arith.constant 0 : i32
    %scan3A_70 = arith.constant 64 : i32
    %scan3A_71 = arith.addi %scan3A_69, %scan3A_70 : i32
    %scan3A_72 = arith.constant 1 : i32
    %scan3A_73:4 = scf.for %scan3A_319 = %scan3A_69 to %scan3A_71 step %scan3A_72 iter_args(%scan3A_320 = %scan3A_65, %scan3A_321 = %scan3A_66, %scan3A_322 = %scan3A_67, %scan3A_323 = %scan3A_68) -> (i32, i32, i32, i32)  : i32 {
      %sub3A_324 = arith.constant 63 : i32
      %sub3A_325 = arith.subi %sub3A_324, %scan3A_319 : i32
      %mul3A_326 = arith.constant 16 : i32
      %mul3A_327 = arith.muli %sub3A_325, %mul3A_326 : i32
      %get3A = arith.index_cast %mul3A_327 : i32 to index
      %get3A_328 = tpu.vector_load %arg13[%get3A] {strides = array<i32>} : memref<1024xi32, #tpu.memory_space<vmem>>, vector<16xi32>,
      %reduce_sum3A = arith.constant true
      %reduce_sum3A_329 = vector.broadcast %reduce_sum3A : i1 to vector<16xi1>
      %reduce_sum3A_330 = tpu.scan <sum>, %get3A_328 masked %reduce_sum3A_329 : vector<16xi32>, vector<16xi1> -> vector<16xi32>
      %reduce_sum3A_331 = vector.extract %reduce_sum3A_330[15] : i32 from vector<16xi32>
      %eq3A_332 = arith.constant 0 : i32
      %eq3A_333 = arith.cmpi eq, %scan3A_321, %eq3A_332 : i32
      %add3A_334 = arith.addi %scan3A_320, %reduce_sum3A_331 : i32
      %ge3A = arith.cmpi sge, %add3A_334, %scan3A_64 : i32
      %and3A_335 = arith.andi %eq3A_333, %ge3A : i1
      %rev3A = arith.constant 15 : i32
      %rev3A_336 = vector.broadcast %rev3A : i32 to vector<16xi32>
      %rev3A_337 = tpu.iota {dimensions = array<i32: 0>} : vector<16xi32>
      %rev3A_338 = arith.subi %rev3A_336, %rev3A_337 : vector<16xi32>
      %rev3A_339 = tpu.dynamic_gather %get3A_328[%rev3A_338] in [0] : vector<16xi32>, vector<16xi32> -> vector<16xi32>
      %broadcast_in_dim3A_340 = arith.constant true
      %broadcast_in_dim3A_341 = vector.broadcast %broadcast_in_dim3A_340 : i1 to vector<16xi1>
      %masked_cumsum3A = tpu.scan <sum>, %rev3A_339 masked %broadcast_in_dim3A_341 : vector<16xi32>, vector<16xi1> -> vector<16xi32>
      %sub3A_342 = arith.subi %scan3A_64, %scan3A_320 : i32
      %lt3A = vector.broadcast %sub3A_342 : i32 to vector<16xi32>
      %lt3A_343 = arith.cmpi slt, %masked_cumsum3A, %lt3A : vector<16xi32>
      %jit3A_344 = arith.constant 1 : i32
      %jit3A_345 = arith.constant 0 : i32
      %broadcast_in_dim3A_346 = vector.broadcast %jit3A_344 : i32 to vector<16xi32>
      %broadcast_in_dim3A_347 = vector.broadcast %jit3A_345 : i32 to vector<16xi32>
      %select_n3A_348 = arith.select %lt3A_343, %broadcast_in_dim3A_346, %broadcast_in_dim3A_347 : vector<16xi1>, vector<16xi32>
      %reduce_sum3A_349 = arith.constant true
      %reduce_sum3A_350 = vector.broadcast %reduce_sum3A_349 : i1 to vector<16xi1>
      %reduce_sum3A_351 = tpu.scan <sum>, %select_n3A_348 masked %reduce_sum3A_350 : vector<16xi32>, vector<16xi1> -> vector<16xi32>
      %reduce_sum3A_352 = vector.extract %reduce_sum3A_351[15] : i32 from vector<16xi32>
      %eq3A_353 = vector.broadcast %reduce_sum3A_352 : i32 to vector<16xi32>
      %eq3A_354 = arith.cmpi eq, %iota3A, %eq3A_353 : vector<16xi32>
      %jit3A_355 = arith.constant 0 : i32
      %broadcast_in_dim3A_356 = vector.broadcast %jit3A_355 : i32 to vector<16xi32>
      %select_n3A_357 = arith.select %eq3A_354, %rev3A_339, %broadcast_in_dim3A_356 : vector<16xi1>, vector<16xi32>
      %reduce_sum3A_358 = arith.constant true
      %reduce_sum3A_359 = vector.broadcast %reduce_sum3A_358 : i1 to vector<16xi1>
      %reduce_sum3A_360 = tpu.scan <sum>, %select_n3A_357 masked %reduce_sum3A_359 : vector<16xi32>, vector<16xi1> -> vector<16xi32>
      %reduce_sum3A_361 = vector.extract %reduce_sum3A_360[15] : i32 from vector<16xi32>
      %eq3A_362 = vector.broadcast %reduce_sum3A_352 : i32 to vector<16xi32>
      %eq3A_363 = arith.cmpi eq, %iota3A, %eq3A_362 : vector<16xi32>
      %jit3A_364 = arith.constant 0 : i32
      %broadcast_in_dim3A_365 = vector.broadcast %jit3A_364 : i32 to vector<16xi32>
      %select_n3A_366 = arith.select %eq3A_363, %masked_cumsum3A, %broadcast_in_dim3A_365 : vector<16xi1>, vector<16xi32>
      %reduce_sum3A_367 = arith.constant true
      %reduce_sum3A_368 = vector.broadcast %reduce_sum3A_367 : i1 to vector<16xi1>
      %reduce_sum3A_369 = tpu.scan <sum>, %select_n3A_366 masked %reduce_sum3A_368 : vector<16xi32>, vector<16xi1> -> vector<16xi32>
      %reduce_sum3A_370 = vector.extract %reduce_sum3A_369[15] : i32 from vector<16xi32>
      %mul3A_371 = arith.constant 16 : i32
      %mul3A_372 = arith.muli %sub3A_325, %mul3A_371 : i32
      %add3A_373 = arith.constant 15 : i32
      %add3A_374 = arith.addi %mul3A_372, %add3A_373 : i32
      %sub3A_375 = arith.subi %add3A_374, %reduce_sum3A_352 : i32
      %sub3A_376 = arith.subi %reduce_sum3A_370, %reduce_sum3A_361 : i32
      %sub3A_377 = arith.subi %sub3A_342, %sub3A_376 : i32
      %jit3A_378 = arith.constant 0 : i32
      %select_n3A_379 = arith.select %and3A_335, %jit3A_378, %reduce_sum3A_331 : i32
      %add3A_380 = arith.addi %scan3A_320, %select_n3A_379 : i32
      %jit3A_381 = arith.constant 1 : i32
      %select_n3A_382 = arith.select %and3A_335, %jit3A_381, %scan3A_321 : i32
      %select_n3A_383 = arith.select %and3A_335, %sub3A_375, %scan3A_322 : i32
      %select_n3A_384 = arith.select %and3A_335, %sub3A_377, %scan3A_323 : i32
      scf.yield %add3A_380, %select_n3A_382, %select_n3A_383, %select_n3A_384 : i32, i32, i32, i32
    }
    %scan3A_74 = arith.constant 64 : i32
    %scan3A_75 = arith.constant 0 : i32
    %scan3A_76 = arith.constant 0 : i32
    %scan3A_77 = arith.constant 1024 : i32
    %scan3A_78 = arith.addi %scan3A_76, %scan3A_77 : i32
    %scan3A_79 = arith.constant 1 : i32
    %scan3A_80 = scf.for %scan3A_319 = %scan3A_76 to %scan3A_78 step %scan3A_79 iter_args(%scan3A_320 = %scan3A_75) -> (i32)  : i32 {
      %mul3A_321 = arith.constant 16 : i32
      %mul3A_322 = arith.muli %scan3A_319, %mul3A_321 : i32
      %swap3A_323 = arith.index_cast %mul3A_322 : i32 to index
      %swap3A_324 = tpu.vector_load %arg11[%swap3A_323] {strides = array<i32>} : memref<16384xi32, #tpu.memory_space<vmem>>, vector<16xi32>,
      tpu.vector_store %arg11[%swap3A_323], %broadcast_in_dim3A_0 {strides = array<i32>} : memref<16384xi32, #tpu.memory_space<vmem>>, vector<16xi32>,
      %scan3A_325 = arith.constant 0 : i32
      scf.yield %scan3A_325 : i32
    }
    %scan3A_81 = arith.constant 1024 : i32
    %scan3A_82 = arith.constant 0 : i32
    %scan3A_83 = arith.constant 0 : i32
    %scan3A_84 = arith.constant 1023 : i32
    %scan3A_85 = arith.addi %scan3A_83, %scan3A_84 : i32
    %scan3A_86 = arith.constant 1 : i32
    %scan3A_87 = scf.for %scan3A_319 = %scan3A_83 to %scan3A_85 step %scan3A_86 iter_args(%scan3A_320 = %scan3A_82) -> (i32)  : i32 {
      %mul3A_321 = arith.constant 16 : i32
      %mul3A_322 = arith.muli %scan3A_319, %mul3A_321 : i32
      %get3A = arith.index_cast %mul3A_322 : i32 to index
      %get3A_323 = tpu.vector_load %arg10[%get3A] {strides = array<i32>} : memref<16368xi32, #tpu.memory_space<vmem>>, vector<16xi32>,
      %shift_right_logical3A = arith.constant 20 : i32
      %shift_right_logical3A_324 = vector.broadcast %shift_right_logical3A : i32 to vector<16xi32>
      %shift_right_logical3A_325 = arith.shrui %get3A_323, %shift_right_logical3A_324 : vector<16xi32>
      %eq3A_326 = vector.broadcast %scan3A_73#2 : i32 to vector<16xi32>
      %eq3A_327 = arith.cmpi eq, %shift_right_logical3A_325, %eq3A_326 : vector<16xi32>
      %shift_right_logical3A_328 = arith.constant 10 : i32
      %shift_right_logical3A_329 = vector.broadcast %shift_right_logical3A_328 : i32 to vector<16xi32>
      %shift_right_logical3A_330 = arith.shrui %get3A_323, %shift_right_logical3A_329 : vector<16xi32>
      %and3A_331 = arith.constant 1023 : i32
      %and3A_332 = vector.broadcast %and3A_331 : i32 to vector<16xi32>
      %and3A_333 = arith.andi %shift_right_logical3A_330, %and3A_332 : vector<16xi32>
      %mul3A_334 = arith.constant 1024 : i32
      %mul3A_335 = vector.broadcast %mul3A_334 : i32 to vector<16xi32>
      %mul3A_336 = arith.muli %iota3A, %mul3A_335 : vector<16xi32>
      %add3A_337 = arith.addi %mul3A_336, %and3A_333 : vector<16xi32>
      tpu.vector_store_idx %arg11[%add3A_337], %broadcast_in_dim3A_31 masked %eq3A_327 {add = true} : memref<16384xi32, #tpu.memory_space<vmem>>[vector<16xi32>], vector<16xi32>, vector<16xi1>
      %scan3A_338 = arith.constant 0 : i32
      scf.yield %scan3A_338 : i32
    }
    %scan3A_88 = arith.constant 1023 : i32
    %scan3A_89 = arith.constant 0 : i32
    %scan3A_90 = arith.constant 0 : i32
    %scan3A_91 = arith.constant 64 : i32
    %scan3A_92 = arith.addi %scan3A_90, %scan3A_91 : i32
    %scan3A_93 = arith.constant 1 : i32
    %scan3A_94 = scf.for %scan3A_319 = %scan3A_90 to %scan3A_92 step %scan3A_93 iter_args(%scan3A_320 = %scan3A_89) -> (i32)  : i32 {
      %scan3A_321 = arith.constant 0 : i32
      %scan3A_322 = arith.constant 16 : i32
      %scan3A_323 = arith.addi %scan3A_321, %scan3A_322 : i32
      %scan3A_324 = arith.constant 1 : i32
      %scan3A_325 = scf.for %scan3A_332 = %scan3A_321 to %scan3A_323 step %scan3A_324 iter_args(%scan3A_333 = %broadcast_in_dim3A_0) -> (vector<16xi32>)  : i32 {
        %mul3A_334 = arith.constant 1024 : i32
        %mul3A_335 = arith.muli %scan3A_332, %mul3A_334 : i32
        %mul3A_336 = arith.constant 16 : i32
        %mul3A_337 = arith.muli %scan3A_319, %mul3A_336 : i32
        %add3A_338 = arith.addi %mul3A_335, %mul3A_337 : i32
        %get3A = arith.index_cast %add3A_338 : i32 to index
        %get3A_339 = tpu.vector_load %arg11[%get3A] {strides = array<i32>} : memref<16384xi32, #tpu.memory_space<vmem>>, vector<16xi32>,
        %add3A_340 = arith.addi %scan3A_333, %get3A_339 : vector<16xi32>
        scf.yield %add3A_340 : vector<16xi32>
      }
      %scan3A_326 = arith.constant 16 : i32
      %mul3A_327 = arith.constant 16 : i32
      %mul3A_328 = arith.muli %scan3A_319, %mul3A_327 : i32
      %swap3A_329 = arith.index_cast %mul3A_328 : i32 to index
      %swap3A_330 = tpu.vector_load %arg12[%swap3A_329] {strides = array<i32>} : memref<1024xi32, #tpu.memory_space<vmem>>, vector<16xi32>,
      tpu.vector_store %arg12[%swap3A_329], %scan3A_325 {strides = array<i32>} : memref<1024xi32, #tpu.memory_space<vmem>>, vector<16xi32>,
      %scan3A_331 = arith.constant 0 : i32
      scf.yield %scan3A_331 : i32
    }
    %scan3A_95 = arith.constant 64 : i32
    %mul3A_96 = arith.constant 1024 : i32
    %mul3A_97 = arith.muli %arg1, %mul3A_96 : i32
    "tpu.region"() ({
      %run_scoped3A = tpu.sem_alloc : memref<!tpu.dma_semaphore, #tpu.memory_space<semaphore_mem>>
      %dma_start3A = tpu.memref_slice %arg28[%mul3A_97] : memref<16384xi32, #tpu.memory_space<vmem_shared>> -> memref<1024xi32, #tpu.memory_space<vmem_shared>>
      %dma_start3A_319 = tpu.memref_slice %arg28[%mul3A_97] : memref<16384xi32, #tpu.memory_space<vmem_shared>> -> memref<1024xi32, #tpu.memory_space<vmem_shared>>
      tpu.enqueue_dma source(%arg12 : memref<1024xi32, #tpu.memory_space<vmem>>) target(%dma_start3A_319 : memref<1024xi32, #tpu.memory_space<vmem_shared>>) target_semaphore(%run_scoped3A : memref<!tpu.dma_semaphore, #tpu.memory_space<semaphore_mem>>)
      %dma_wait3A = tpu.memref_slice %arg28[%mul3A_97] : memref<16384xi32, #tpu.memory_space<vmem_shared>> -> memref<1024xi32, #tpu.memory_space<vmem_shared>>
      %dma_wait3A_320 = tpu.memref_slice %arg28[%mul3A_97] : memref<16384xi32, #tpu.memory_space<vmem_shared>> -> memref<1024xi32, #tpu.memory_space<vmem_shared>>
      tpu.wait_dma2 semaphore(%run_scoped3A : memref<!tpu.dma_semaphore, #tpu.memory_space<semaphore_mem>>) src(%arg12 : memref<1024xi32, #tpu.memory_space<vmem>>) dst(%dma_wait3A_320 : memref<1024xi32, #tpu.memory_space<vmem_shared>>)
      tpu.yield
    }) : () -> ()
    %barrier3A_98 = arith.constant 0 : index
    tpu.barrier barrier_id(%barrier3A_98)
    "tpu.region"() ({
      %run_scoped3A = tpu.sem_alloc : memref<!tpu.dma_semaphore, #tpu.memory_space<semaphore_mem>>
      tpu.enqueue_dma source(%arg28 : memref<16384xi32, #tpu.memory_space<vmem_shared>>) target(%arg11 : memref<16384xi32, #tpu.memory_space<vmem>>) target_semaphore(%run_scoped3A : memref<!tpu.dma_semaphore, #tpu.memory_space<semaphore_mem>>)
      tpu.wait_dma2 semaphore(%run_scoped3A : memref<!tpu.dma_semaphore, #tpu.memory_space<semaphore_mem>>) src(%arg28 : memref<16384xi32, #tpu.memory_space<vmem_shared>>) dst(%arg11 : memref<16384xi32, #tpu.memory_space<vmem>>)
      tpu.yield
    }) : () -> ()
    %barrier3A_99 = arith.constant 0 : index
    tpu.barrier barrier_id(%barrier3A_99)
    %scan3A_100 = arith.constant 0 : i32
    %scan3A_101 = arith.constant 0 : i32
    %scan3A_102 = arith.constant 64 : i32
    %scan3A_103 = arith.addi %scan3A_101, %scan3A_102 : i32
    %scan3A_104 = arith.constant 1 : i32
    %scan3A_105 = scf.for %scan3A_319 = %scan3A_101 to %scan3A_103 step %scan3A_104 iter_args(%scan3A_320 = %scan3A_100) -> (i32)  : i32 {
      %scan3A_321 = arith.constant 0 : i32
      %scan3A_322 = arith.constant 16 : i32
      %scan3A_323 = arith.addi %scan3A_321, %scan3A_322 : i32
      %scan3A_324 = arith.constant 1 : i32
      %scan3A_325 = scf.for %scan3A_332 = %scan3A_321 to %scan3A_323 step %scan3A_324 iter_args(%scan3A_333 = %broadcast_in_dim3A_0) -> (vector<16xi32>)  : i32 {
        %mul3A_334 = arith.constant 1024 : i32
        %mul3A_335 = arith.muli %scan3A_332, %mul3A_334 : i32
        %mul3A_336 = arith.constant 16 : i32
        %mul3A_337 = arith.muli %scan3A_319, %mul3A_336 : i32
        %add3A_338 = arith.addi %mul3A_335, %mul3A_337 : i32
        %get3A = arith.index_cast %add3A_338 : i32 to index
        %get3A_339 = tpu.vector_load %arg11[%get3A] {strides = array<i32>} : memref<16384xi32, #tpu.memory_space<vmem>>, vector<16xi32>,
        %add3A_340 = arith.addi %scan3A_333, %get3A_339 : vector<16xi32>
        scf.yield %add3A_340 : vector<16xi32>
      }
      %scan3A_326 = arith.constant 16 : i32
      %mul3A_327 = arith.constant 16 : i32
      %mul3A_328 = arith.muli %scan3A_319, %mul3A_327 : i32
      %swap3A_329 = arith.index_cast %mul3A_328 : i32 to index
      %swap3A_330 = tpu.vector_load %arg13[%swap3A_329] {strides = array<i32>} : memref<1024xi32, #tpu.memory_space<vmem>>, vector<16xi32>,
      tpu.vector_store %arg13[%swap3A_329], %scan3A_325 {strides = array<i32>} : memref<1024xi32, #tpu.memory_space<vmem>>, vector<16xi32>,
      %scan3A_331 = arith.constant 0 : i32
      scf.yield %scan3A_331 : i32
    }
    %scan3A_106 = arith.constant 64 : i32
    %scan3A_107 = arith.constant 0 : i32
    %scan3A_108 = arith.constant 0 : i32
    %scan3A_109 = arith.constant 0 : i32
    %scan3A_110 = arith.constant 0 : i32
    %scan3A_111 = arith.constant 0 : i32
    %scan3A_112 = arith.constant 64 : i32
    %scan3A_113 = arith.addi %scan3A_111, %scan3A_112 : i32
    %scan3A_114 = arith.constant 1 : i32
    %scan3A_115:4 = scf.for %scan3A_319 = %scan3A_111 to %scan3A_113 step %scan3A_114 iter_args(%scan3A_320 = %scan3A_107, %scan3A_321 = %scan3A_108, %scan3A_322 = %scan3A_109, %scan3A_323 = %scan3A_110) -> (i32, i32, i32, i32)  : i32 {
      %sub3A_324 = arith.constant 63 : i32
      %sub3A_325 = arith.subi %sub3A_324, %scan3A_319 : i32
      %mul3A_326 = arith.constant 16 : i32
      %mul3A_327 = arith.muli %sub3A_325, %mul3A_326 : i32
      %get3A = arith.index_cast %mul3A_327 : i32 to index
      %get3A_328 = tpu.vector_load %arg13[%get3A] {strides = array<i32>} : memref<1024xi32, #tpu.memory_space<vmem>>, vector<16xi32>,
      %reduce_sum3A = arith.constant true
      %reduce_sum3A_329 = vector.broadcast %reduce_sum3A : i1 to vector<16xi1>
      %reduce_sum3A_330 = tpu.scan <sum>, %get3A_328 masked %reduce_sum3A_329 : vector<16xi32>, vector<16xi1> -> vector<16xi32>
      %reduce_sum3A_331 = vector.extract %reduce_sum3A_330[15] : i32 from vector<16xi32>
      %eq3A_332 = arith.constant 0 : i32
      %eq3A_333 = arith.cmpi eq, %scan3A_321, %eq3A_332 : i32
      %add3A_334 = arith.addi %scan3A_320, %reduce_sum3A_331 : i32
      %ge3A = arith.cmpi sge, %add3A_334, %scan3A_73#3 : i32
      %and3A_335 = arith.andi %eq3A_333, %ge3A : i1
      %rev3A = arith.constant 15 : i32
      %rev3A_336 = vector.broadcast %rev3A : i32 to vector<16xi32>
      %rev3A_337 = tpu.iota {dimensions = array<i32: 0>} : vector<16xi32>
      %rev3A_338 = arith.subi %rev3A_336, %rev3A_337 : vector<16xi32>
      %rev3A_339 = tpu.dynamic_gather %get3A_328[%rev3A_338] in [0] : vector<16xi32>, vector<16xi32> -> vector<16xi32>
      %broadcast_in_dim3A_340 = arith.constant true
      %broadcast_in_dim3A_341 = vector.broadcast %broadcast_in_dim3A_340 : i1 to vector<16xi1>
      %masked_cumsum3A = tpu.scan <sum>, %rev3A_339 masked %broadcast_in_dim3A_341 : vector<16xi32>, vector<16xi1> -> vector<16xi32>
      %sub3A_342 = arith.subi %scan3A_73#3, %scan3A_320 : i32
      %lt3A = vector.broadcast %sub3A_342 : i32 to vector<16xi32>
      %lt3A_343 = arith.cmpi slt, %masked_cumsum3A, %lt3A : vector<16xi32>
      %jit3A_344 = arith.constant 1 : i32
      %jit3A_345 = arith.constant 0 : i32
      %broadcast_in_dim3A_346 = vector.broadcast %jit3A_344 : i32 to vector<16xi32>
      %broadcast_in_dim3A_347 = vector.broadcast %jit3A_345 : i32 to vector<16xi32>
      %select_n3A_348 = arith.select %lt3A_343, %broadcast_in_dim3A_346, %broadcast_in_dim3A_347 : vector<16xi1>, vector<16xi32>
      %reduce_sum3A_349 = arith.constant true
      %reduce_sum3A_350 = vector.broadcast %reduce_sum3A_349 : i1 to vector<16xi1>
      %reduce_sum3A_351 = tpu.scan <sum>, %select_n3A_348 masked %reduce_sum3A_350 : vector<16xi32>, vector<16xi1> -> vector<16xi32>
      %reduce_sum3A_352 = vector.extract %reduce_sum3A_351[15] : i32 from vector<16xi32>
      %eq3A_353 = vector.broadcast %reduce_sum3A_352 : i32 to vector<16xi32>
      %eq3A_354 = arith.cmpi eq, %iota3A, %eq3A_353 : vector<16xi32>
      %jit3A_355 = arith.constant 0 : i32
      %broadcast_in_dim3A_356 = vector.broadcast %jit3A_355 : i32 to vector<16xi32>
      %select_n3A_357 = arith.select %eq3A_354, %rev3A_339, %broadcast_in_dim3A_356 : vector<16xi1>, vector<16xi32>
      %reduce_sum3A_358 = arith.constant true
      %reduce_sum3A_359 = vector.broadcast %reduce_sum3A_358 : i1 to vector<16xi1>
      %reduce_sum3A_360 = tpu.scan <sum>, %select_n3A_357 masked %reduce_sum3A_359 : vector<16xi32>, vector<16xi1> -> vector<16xi32>
      %reduce_sum3A_361 = vector.extract %reduce_sum3A_360[15] : i32 from vector<16xi32>
      %eq3A_362 = vector.broadcast %reduce_sum3A_352 : i32 to vector<16xi32>
      %eq3A_363 = arith.cmpi eq, %iota3A, %eq3A_362 : vector<16xi32>
      %jit3A_364 = arith.constant 0 : i32
      %broadcast_in_dim3A_365 = vector.broadcast %jit3A_364 : i32 to vector<16xi32>
      %select_n3A_366 = arith.select %eq3A_363, %masked_cumsum3A, %broadcast_in_dim3A_365 : vector<16xi1>, vector<16xi32>
      %reduce_sum3A_367 = arith.constant true
      %reduce_sum3A_368 = vector.broadcast %reduce_sum3A_367 : i1 to vector<16xi1>
      %reduce_sum3A_369 = tpu.scan <sum>, %select_n3A_366 masked %reduce_sum3A_368 : vector<16xi32>, vector<16xi1> -> vector<16xi32>
      %reduce_sum3A_370 = vector.extract %reduce_sum3A_369[15] : i32 from vector<16xi32>
      %mul3A_371 = arith.constant 16 : i32
      %mul3A_372 = arith.muli %sub3A_325, %mul3A_371 : i32
      %add3A_373 = arith.constant 15 : i32
      %add3A_374 = arith.addi %mul3A_372, %add3A_373 : i32
      %sub3A_375 = arith.subi %add3A_374, %reduce_sum3A_352 : i32
      %sub3A_376 = arith.subi %reduce_sum3A_370, %reduce_sum3A_361 : i32
      %sub3A_377 = arith.subi %sub3A_342, %sub3A_376 : i32
      %jit3A_378 = arith.constant 0 : i32
      %select_n3A_379 = arith.select %and3A_335, %jit3A_378, %reduce_sum3A_331 : i32
      %add3A_380 = arith.addi %scan3A_320, %select_n3A_379 : i32
      %jit3A_381 = arith.constant 1 : i32
      %select_n3A_382 = arith.select %and3A_335, %jit3A_381, %scan3A_321 : i32
      %select_n3A_383 = arith.select %and3A_335, %sub3A_375, %scan3A_322 : i32
      %select_n3A_384 = arith.select %and3A_335, %sub3A_377, %scan3A_323 : i32
      scf.yield %add3A_380, %select_n3A_382, %select_n3A_383, %select_n3A_384 : i32, i32, i32, i32
    }
    %scan3A_116 = arith.constant 64 : i32
    %shift_left3A = arith.constant 10 : i32
    %shift_left3A_117 = arith.shli %scan3A_73#2, %shift_left3A : i32
    %or3A = arith.ori %shift_left3A_117, %scan3A_115#2 : i32
    %scan3A_118 = arith.constant 0 : i32
    %scan3A_119 = arith.constant 0 : i32
    %scan3A_120 = arith.constant 1024 : i32
    %scan3A_121 = arith.addi %scan3A_119, %scan3A_120 : i32
    %scan3A_122 = arith.constant 1 : i32
    %scan3A_123 = scf.for %scan3A_319 = %scan3A_119 to %scan3A_121 step %scan3A_122 iter_args(%scan3A_320 = %scan3A_118) -> (i32)  : i32 {
      %mul3A_321 = arith.constant 16 : i32
      %mul3A_322 = arith.muli %scan3A_319, %mul3A_321 : i32
      %swap3A_323 = arith.index_cast %mul3A_322 : i32 to index
      %swap3A_324 = tpu.vector_load %arg11[%swap3A_323] {strides = array<i32>} : memref<16384xi32, #tpu.memory_space<vmem>>, vector<16xi32>,
      tpu.vector_store %arg11[%swap3A_323], %broadcast_in_dim3A_0 {strides = array<i32>} : memref<16384xi32, #tpu.memory_space<vmem>>, vector<16xi32>,
      %scan3A_325 = arith.constant 0 : i32
      scf.yield %scan3A_325 : i32
    }
    %scan3A_124 = arith.constant 1024 : i32
    %scan3A_125 = arith.constant 0 : i32
    %scan3A_126 = arith.constant 0 : i32
    %scan3A_127 = arith.constant 1023 : i32
    %scan3A_128 = arith.addi %scan3A_126, %scan3A_127 : i32
    %scan3A_129 = arith.constant 1 : i32
    %scan3A_130 = scf.for %scan3A_319 = %scan3A_126 to %scan3A_128 step %scan3A_129 iter_args(%scan3A_320 = %scan3A_125) -> (i32)  : i32 {
      %mul3A_321 = arith.constant 16 : i32
      %mul3A_322 = arith.muli %scan3A_319, %mul3A_321 : i32
      %get3A = arith.index_cast %mul3A_322 : i32 to index
      %get3A_323 = tpu.vector_load %arg10[%get3A] {strides = array<i32>} : memref<16368xi32, #tpu.memory_space<vmem>>, vector<16xi32>,
      %shift_right_logical3A = arith.constant 10 : i32
      %shift_right_logical3A_324 = vector.broadcast %shift_right_logical3A : i32 to vector<16xi32>
      %shift_right_logical3A_325 = arith.shrui %get3A_323, %shift_right_logical3A_324 : vector<16xi32>
      %eq3A_326 = vector.broadcast %or3A : i32 to vector<16xi32>
      %eq3A_327 = arith.cmpi eq, %shift_right_logical3A_325, %eq3A_326 : vector<16xi32>
      %shift_right_logical3A_328 = arith.constant 0 : i32
      %shift_right_logical3A_329 = vector.broadcast %shift_right_logical3A_328 : i32 to vector<16xi32>
      %shift_right_logical3A_330 = arith.shrui %get3A_323, %shift_right_logical3A_329 : vector<16xi32>
      %and3A_331 = arith.constant 1023 : i32
      %and3A_332 = vector.broadcast %and3A_331 : i32 to vector<16xi32>
      %and3A_333 = arith.andi %shift_right_logical3A_330, %and3A_332 : vector<16xi32>
      %mul3A_334 = arith.constant 1024 : i32
      %mul3A_335 = vector.broadcast %mul3A_334 : i32 to vector<16xi32>
      %mul3A_336 = arith.muli %iota3A, %mul3A_335 : vector<16xi32>
      %add3A_337 = arith.addi %mul3A_336, %and3A_333 : vector<16xi32>
      tpu.vector_store_idx %arg11[%add3A_337], %broadcast_in_dim3A_31 masked %eq3A_327 {add = true} : memref<16384xi32, #tpu.memory_space<vmem>>[vector<16xi32>], vector<16xi32>, vector<16xi1>
      %scan3A_338 = arith.constant 0 : i32
      scf.yield %scan3A_338 : i32
    }
    %scan3A_131 = arith.constant 1023 : i32
    %scan3A_132 = arith.constant 0 : i32
    %scan3A_133 = arith.constant 0 : i32
    %scan3A_134 = arith.constant 64 : i32
    %scan3A_135 = arith.addi %scan3A_133, %scan3A_134 : i32
    %scan3A_136 = arith.constant 1 : i32
    %scan3A_137 = scf.for %scan3A_319 = %scan3A_133 to %scan3A_135 step %scan3A_136 iter_args(%scan3A_320 = %scan3A_132) -> (i32)  : i32 {
      %scan3A_321 = arith.constant 0 : i32
      %scan3A_322 = arith.constant 16 : i32
      %scan3A_323 = arith.addi %scan3A_321, %scan3A_322 : i32
      %scan3A_324 = arith.constant 1 : i32
      %scan3A_325 = scf.for %scan3A_332 = %scan3A_321 to %scan3A_323 step %scan3A_324 iter_args(%scan3A_333 = %broadcast_in_dim3A_0) -> (vector<16xi32>)  : i32 {
        %mul3A_334 = arith.constant 1024 : i32
        %mul3A_335 = arith.muli %scan3A_332, %mul3A_334 : i32
        %mul3A_336 = arith.constant 16 : i32
        %mul3A_337 = arith.muli %scan3A_319, %mul3A_336 : i32
        %add3A_338 = arith.addi %mul3A_335, %mul3A_337 : i32
        %get3A = arith.index_cast %add3A_338 : i32 to index
        %get3A_339 = tpu.vector_load %arg11[%get3A] {strides = array<i32>} : memref<16384xi32, #tpu.memory_space<vmem>>, vector<16xi32>,
        %add3A_340 = arith.addi %scan3A_333, %get3A_339 : vector<16xi32>
        scf.yield %add3A_340 : vector<16xi32>
      }
      %scan3A_326 = arith.constant 16 : i32
      %mul3A_327 = arith.constant 16 : i32
      %mul3A_328 = arith.muli %scan3A_319, %mul3A_327 : i32
      %swap3A_329 = arith.index_cast %mul3A_328 : i32 to index
      %swap3A_330 = tpu.vector_load %arg12[%swap3A_329] {strides = array<i32>} : memref<1024xi32, #tpu.memory_space<vmem>>, vector<16xi32>,
      tpu.vector_store %arg12[%swap3A_329], %scan3A_325 {strides = array<i32>} : memref<1024xi32, #tpu.memory_space<vmem>>, vector<16xi32>,
      %scan3A_331 = arith.constant 0 : i32
      scf.yield %scan3A_331 : i32
    }
    %scan3A_138 = arith.constant 64 : i32
    %mul3A_139 = arith.constant 1024 : i32
    %mul3A_140 = arith.muli %arg1, %mul3A_139 : i32
    "tpu.region"() ({
      %run_scoped3A = tpu.sem_alloc : memref<!tpu.dma_semaphore, #tpu.memory_space<semaphore_mem>>
      %dma_start3A = tpu.memref_slice %arg28[%mul3A_140] : memref<16384xi32, #tpu.memory_space<vmem_shared>> -> memref<1024xi32, #tpu.memory_space<vmem_shared>>
      %dma_start3A_319 = tpu.memref_slice %arg28[%mul3A_140] : memref<16384xi32, #tpu.memory_space<vmem_shared>> -> memref<1024xi32, #tpu.memory_space<vmem_shared>>
      tpu.enqueue_dma source(%arg12 : memref<1024xi32, #tpu.memory_space<vmem>>) target(%dma_start3A_319 : memref<1024xi32, #tpu.memory_space<vmem_shared>>) target_semaphore(%run_scoped3A : memref<!tpu.dma_semaphore, #tpu.memory_space<semaphore_mem>>)
      %dma_wait3A = tpu.memref_slice %arg28[%mul3A_140] : memref<16384xi32, #tpu.memory_space<vmem_shared>> -> memref<1024xi32, #tpu.memory_space<vmem_shared>>
      %dma_wait3A_320 = tpu.memref_slice %arg28[%mul3A_140] : memref<16384xi32, #tpu.memory_space<vmem_shared>> -> memref<1024xi32, #tpu.memory_space<vmem_shared>>
      tpu.wait_dma2 semaphore(%run_scoped3A : memref<!tpu.dma_semaphore, #tpu.memory_space<semaphore_mem>>) src(%arg12 : memref<1024xi32, #tpu.memory_space<vmem>>) dst(%dma_wait3A_320 : memref<1024xi32, #tpu.memory_space<vmem_shared>>)
      tpu.yield
    }) : () -> ()
    %barrier3A_141 = arith.constant 0 : index
    tpu.barrier barrier_id(%barrier3A_141)
    "tpu.region"() ({
      %run_scoped3A = tpu.sem_alloc : memref<!tpu.dma_semaphore, #tpu.memory_space<semaphore_mem>>
      tpu.enqueue_dma source(%arg28 : memref<16384xi32, #tpu.memory_space<vmem_shared>>) target(%arg11 : memref<16384xi32, #tpu.memory_space<vmem>>) target_semaphore(%run_scoped3A : memref<!tpu.dma_semaphore, #tpu.memory_space<semaphore_mem>>)
      tpu.wait_dma2 semaphore(%run_scoped3A : memref<!tpu.dma_semaphore, #tpu.memory_space<semaphore_mem>>) src(%arg28 : memref<16384xi32, #tpu.memory_space<vmem_shared>>) dst(%arg11 : memref<16384xi32, #tpu.memory_space<vmem>>)
      tpu.yield
    }) : () -> ()
    %barrier3A_142 = arith.constant 0 : index
    tpu.barrier barrier_id(%barrier3A_142)
    %scan3A_143 = arith.constant 0 : i32
    %scan3A_144 = arith.constant 0 : i32
    %scan3A_145 = arith.constant 64 : i32
    %scan3A_146 = arith.addi %scan3A_144, %scan3A_145 : i32
    %scan3A_147 = arith.constant 1 : i32
    %scan3A_148 = scf.for %scan3A_319 = %scan3A_144 to %scan3A_146 step %scan3A_147 iter_args(%scan3A_320 = %scan3A_143) -> (i32)  : i32 {
      %scan3A_321 = arith.constant 0 : i32
      %scan3A_322 = arith.constant 16 : i32
      %scan3A_323 = arith.addi %scan3A_321, %scan3A_322 : i32
      %scan3A_324 = arith.constant 1 : i32
      %scan3A_325 = scf.for %scan3A_332 = %scan3A_321 to %scan3A_323 step %scan3A_324 iter_args(%scan3A_333 = %broadcast_in_dim3A_0) -> (vector<16xi32>)  : i32 {
        %mul3A_334 = arith.constant 1024 : i32
        %mul3A_335 = arith.muli %scan3A_332, %mul3A_334 : i32
        %mul3A_336 = arith.constant 16 : i32
        %mul3A_337 = arith.muli %scan3A_319, %mul3A_336 : i32
        %add3A_338 = arith.addi %mul3A_335, %mul3A_337 : i32
        %get3A = arith.index_cast %add3A_338 : i32 to index
        %get3A_339 = tpu.vector_load %arg11[%get3A] {strides = array<i32>} : memref<16384xi32, #tpu.memory_space<vmem>>, vector<16xi32>,
        %add3A_340 = arith.addi %scan3A_333, %get3A_339 : vector<16xi32>
        scf.yield %add3A_340 : vector<16xi32>
      }
      %scan3A_326 = arith.constant 16 : i32
      %mul3A_327 = arith.constant 16 : i32
      %mul3A_328 = arith.muli %scan3A_319, %mul3A_327 : i32
      %swap3A_329 = arith.index_cast %mul3A_328 : i32 to index
      %swap3A_330 = tpu.vector_load %arg13[%swap3A_329] {strides = array<i32>} : memref<1024xi32, #tpu.memory_space<vmem>>, vector<16xi32>,
      tpu.vector_store %arg13[%swap3A_329], %scan3A_325 {strides = array<i32>} : memref<1024xi32, #tpu.memory_space<vmem>>, vector<16xi32>,
      %scan3A_331 = arith.constant 0 : i32
      scf.yield %scan3A_331 : i32
    }
    %scan3A_149 = arith.constant 64 : i32
    %scan3A_150 = arith.constant 0 : i32
    %scan3A_151 = arith.constant 0 : i32
    %scan3A_152 = arith.constant 0 : i32
    %scan3A_153 = arith.constant 0 : i32
    %scan3A_154 = arith.constant 0 : i32
    %scan3A_155 = arith.constant 64 : i32
    %scan3A_156 = arith.addi %scan3A_154, %scan3A_155 : i32
    %scan3A_157 = arith.constant 1 : i32
    %scan3A_158:4 = scf.for %scan3A_319 = %scan3A_154 to %scan3A_156 step %scan3A_157 iter_args(%scan3A_320 = %scan3A_150, %scan3A_321 = %scan3A_151, %scan3A_322 = %scan3A_152, %scan3A_323 = %scan3A_153) -> (i32, i32, i32, i32)  : i32 {
      %sub3A_324 = arith.constant 63 : i32
      %sub3A_325 = arith.subi %sub3A_324, %scan3A_319 : i32
      %mul3A_326 = arith.constant 16 : i32
      %mul3A_327 = arith.muli %sub3A_325, %mul3A_326 : i32
      %get3A = arith.index_cast %mul3A_327 : i32 to index
      %get3A_328 = tpu.vector_load %arg13[%get3A] {strides = array<i32>} : memref<1024xi32, #tpu.memory_space<vmem>>, vector<16xi32>,
      %reduce_sum3A = arith.constant true
      %reduce_sum3A_329 = vector.broadcast %reduce_sum3A : i1 to vector<16xi1>
      %reduce_sum3A_330 = tpu.scan <sum>, %get3A_328 masked %reduce_sum3A_329 : vector<16xi32>, vector<16xi1> -> vector<16xi32>
      %reduce_sum3A_331 = vector.extract %reduce_sum3A_330[15] : i32 from vector<16xi32>
      %eq3A_332 = arith.constant 0 : i32
      %eq3A_333 = arith.cmpi eq, %scan3A_321, %eq3A_332 : i32
      %add3A_334 = arith.addi %scan3A_320, %reduce_sum3A_331 : i32
      %ge3A = arith.cmpi sge, %add3A_334, %scan3A_115#3 : i32
      %and3A_335 = arith.andi %eq3A_333, %ge3A : i1
      %rev3A = arith.constant 15 : i32
      %rev3A_336 = vector.broadcast %rev3A : i32 to vector<16xi32>
      %rev3A_337 = tpu.iota {dimensions = array<i32: 0>} : vector<16xi32>
      %rev3A_338 = arith.subi %rev3A_336, %rev3A_337 : vector<16xi32>
      %rev3A_339 = tpu.dynamic_gather %get3A_328[%rev3A_338] in [0] : vector<16xi32>, vector<16xi32> -> vector<16xi32>
      %broadcast_in_dim3A_340 = arith.constant true
      %broadcast_in_dim3A_341 = vector.broadcast %broadcast_in_dim3A_340 : i1 to vector<16xi1>
      %masked_cumsum3A = tpu.scan <sum>, %rev3A_339 masked %broadcast_in_dim3A_341 : vector<16xi32>, vector<16xi1> -> vector<16xi32>
      %sub3A_342 = arith.subi %scan3A_115#3, %scan3A_320 : i32
      %lt3A = vector.broadcast %sub3A_342 : i32 to vector<16xi32>
      %lt3A_343 = arith.cmpi slt, %masked_cumsum3A, %lt3A : vector<16xi32>
      %jit3A_344 = arith.constant 1 : i32
      %jit3A_345 = arith.constant 0 : i32
      %broadcast_in_dim3A_346 = vector.broadcast %jit3A_344 : i32 to vector<16xi32>
      %broadcast_in_dim3A_347 = vector.broadcast %jit3A_345 : i32 to vector<16xi32>
      %select_n3A_348 = arith.select %lt3A_343, %broadcast_in_dim3A_346, %broadcast_in_dim3A_347 : vector<16xi1>, vector<16xi32>
      %reduce_sum3A_349 = arith.constant true
      %reduce_sum3A_350 = vector.broadcast %reduce_sum3A_349 : i1 to vector<16xi1>
      %reduce_sum3A_351 = tpu.scan <sum>, %select_n3A_348 masked %reduce_sum3A_350 : vector<16xi32>, vector<16xi1> -> vector<16xi32>
      %reduce_sum3A_352 = vector.extract %reduce_sum3A_351[15] : i32 from vector<16xi32>
      %eq3A_353 = vector.broadcast %reduce_sum3A_352 : i32 to vector<16xi32>
      %eq3A_354 = arith.cmpi eq, %iota3A, %eq3A_353 : vector<16xi32>
      %jit3A_355 = arith.constant 0 : i32
      %broadcast_in_dim3A_356 = vector.broadcast %jit3A_355 : i32 to vector<16xi32>
      %select_n3A_357 = arith.select %eq3A_354, %rev3A_339, %broadcast_in_dim3A_356 : vector<16xi1>, vector<16xi32>
      %reduce_sum3A_358 = arith.constant true
      %reduce_sum3A_359 = vector.broadcast %reduce_sum3A_358 : i1 to vector<16xi1>
      %reduce_sum3A_360 = tpu.scan <sum>, %select_n3A_357 masked %reduce_sum3A_359 : vector<16xi32>, vector<16xi1> -> vector<16xi32>
      %reduce_sum3A_361 = vector.extract %reduce_sum3A_360[15] : i32 from vector<16xi32>
      %eq3A_362 = vector.broadcast %reduce_sum3A_352 : i32 to vector<16xi32>
      %eq3A_363 = arith.cmpi eq, %iota3A, %eq3A_362 : vector<16xi32>
      %jit3A_364 = arith.constant 0 : i32
      %broadcast_in_dim3A_365 = vector.broadcast %jit3A_364 : i32 to vector<16xi32>
      %select_n3A_366 = arith.select %eq3A_363, %masked_cumsum3A, %broadcast_in_dim3A_365 : vector<16xi1>, vector<16xi32>
      %reduce_sum3A_367 = arith.constant true
      %reduce_sum3A_368 = vector.broadcast %reduce_sum3A_367 : i1 to vector<16xi1>
      %reduce_sum3A_369 = tpu.scan <sum>, %select_n3A_366 masked %reduce_sum3A_368 : vector<16xi32>, vector<16xi1> -> vector<16xi32>
      %reduce_sum3A_370 = vector.extract %reduce_sum3A_369[15] : i32 from vector<16xi32>
      %mul3A_371 = arith.constant 16 : i32
      %mul3A_372 = arith.muli %sub3A_325, %mul3A_371 : i32
      %add3A_373 = arith.constant 15 : i32
      %add3A_374 = arith.addi %mul3A_372, %add3A_373 : i32
      %sub3A_375 = arith.subi %add3A_374, %reduce_sum3A_352 : i32
      %sub3A_376 = arith.subi %reduce_sum3A_370, %reduce_sum3A_361 : i32
      %sub3A_377 = arith.subi %sub3A_342, %sub3A_376 : i32
      %jit3A_378 = arith.constant 0 : i32
      %select_n3A_379 = arith.select %and3A_335, %jit3A_378, %reduce_sum3A_331 : i32
      %add3A_380 = arith.addi %scan3A_320, %select_n3A_379 : i32
      %jit3A_381 = arith.constant 1 : i32
      %select_n3A_382 = arith.select %and3A_335, %jit3A_381, %scan3A_321 : i32
      %select_n3A_383 = arith.select %and3A_335, %sub3A_375, %scan3A_322 : i32
      %select_n3A_384 = arith.select %and3A_335, %sub3A_377, %scan3A_323 : i32
      scf.yield %add3A_380, %select_n3A_382, %select_n3A_383, %select_n3A_384 : i32, i32, i32, i32
    }
    %scan3A_159 = arith.constant 64 : i32
    %shift_left3A_160 = arith.constant 20 : i32
    %shift_left3A_161 = arith.shli %scan3A_73#2, %shift_left3A_160 : i32
    %shift_left3A_162 = arith.constant 10 : i32
    %shift_left3A_163 = arith.shli %scan3A_115#2, %shift_left3A_162 : i32
    %or3A_164 = arith.ori %shift_left3A_161, %shift_left3A_163 : i32
    %or3A_165 = arith.ori %or3A_164, %scan3A_158#2 : i32
    %broadcast_in_dim3A_166 = arith.constant 0 : i32
    %broadcast_in_dim3A_167 = vector.broadcast %broadcast_in_dim3A_166 : i32 to vector<16xi32>
    %add3A_168 = vector.broadcast %or3A_165 : i32 to vector<16xi32>
    %add3A_169 = arith.addi %broadcast_in_dim3A_167, %add3A_168 : vector<16xi32>
    %bitcast3A = vector.bitcast %add3A_169 : vector<16xi32> to vector<16xf32>
    %scan3A_170 = arith.constant 0 : i32
    %scan3A_171 = arith.constant 0 : i32
    %scan3A_172 = arith.constant 8 : i32
    %scan3A_173 = arith.addi %scan3A_171, %scan3A_172 : i32
    %scan3A_174 = arith.constant 1 : i32
    %scan3A_175 = scf.for %scan3A_319 = %scan3A_171 to %scan3A_173 step %scan3A_174 iter_args(%scan3A_320 = %scan3A_170) -> (i32)  : i32 {
      %mul3A_321 = arith.constant 16 : i32
      %mul3A_322 = arith.muli %scan3A_319, %mul3A_321 : i32
      %swap3A_323 = arith.index_cast %mul3A_322 : i32 to index
      %swap3A_324 = tpu.vector_load %arg17[%swap3A_323] {strides = array<i32>} : memref<128xf32, #tpu.memory_space<vmem>>, vector<16xf32>,
      tpu.vector_store %arg17[%swap3A_323], %bitcast3A {strides = array<i32>} : memref<128xf32, #tpu.memory_space<vmem>>, vector<16xf32>,
      %scan3A_325 = arith.constant 0 : i32
      scf.yield %scan3A_325 : i32
    }
    %scan3A_176 = arith.constant 8 : i32
    %mul3A_177 = arith.constant 16368 : i32
    %mul3A_178 = arith.muli %arg1, %mul3A_177 : i32
    %scan3A_179 = arith.constant 0 : i32
    %scan3A_180 = arith.constant 0 : i32
    %scan3A_181 = arith.constant 0 : i32
    %scan3A_182 = arith.constant 1023 : i32
    %scan3A_183 = arith.addi %scan3A_181, %scan3A_182 : i32
    %scan3A_184 = arith.constant 1 : i32
    %scan3A_185:2 = scf.for %scan3A_319 = %scan3A_181 to %scan3A_183 step %scan3A_184 iter_args(%scan3A_320 = %scan3A_179, %scan3A_321 = %scan3A_180) -> (i32, i32)  : i32 {
      %mul3A_322 = arith.constant 16 : i32
      %mul3A_323 = arith.muli %scan3A_319, %mul3A_322 : i32
      %get3A = arith.index_cast %mul3A_323 : i32 to index
      %get3A_324 = tpu.vector_load %arg10[%get3A] {strides = array<i32>} : memref<16368xi32, #tpu.memory_space<vmem>>, vector<16xi32>,
      %mul3A_325 = arith.constant 16 : i32
      %mul3A_326 = arith.muli %scan3A_319, %mul3A_325 : i32
      %add3A_327 = arith.addi %mul3A_178, %mul3A_326 : i32
      %add3A_328 = vector.broadcast %add3A_327 : i32 to vector<16xi32>
      %add3A_329 = arith.addi %add3A_328, %iota3A : vector<16xi32>
      %gt3A = vector.broadcast %or3A_165 : i32 to vector<16xi32>
      %gt3A_330 = arith.cmpi ugt, %get3A_324, %gt3A : vector<16xi32>
      %eq3A_331 = vector.broadcast %or3A_165 : i32 to vector<16xi32>
      %eq3A_332 = arith.cmpi eq, %get3A_324, %eq3A_331 : vector<16xi32>
      %convert_element_type3A = arith.extui %gt3A_330 : vector<16xi1> to vector<16xi32>
      %convert_element_type3A_333 = arith.extui %eq3A_332 : vector<16xi1> to vector<16xi32>
      %broadcast_in_dim3A_334 = arith.constant true
      %broadcast_in_dim3A_335 = vector.broadcast %broadcast_in_dim3A_334 : i1 to vector<16xi1>
      %masked_cumsum3A = tpu.scan <sum>, %convert_element_type3A masked %broadcast_in_dim3A_335 : vector<16xi32>, vector<16xi1> -> vector<16xi32>
      %add3A_336 = vector.broadcast %scan3A_320 : i32 to vector<16xi32>
      %add3A_337 = arith.addi %add3A_336, %masked_cumsum3A : vector<16xi32>
      %sub3A_338 = arith.constant 1 : i32
      %sub3A_339 = vector.broadcast %sub3A_338 : i32 to vector<16xi32>
      %sub3A_340 = arith.subi %add3A_337, %sub3A_339 : vector<16xi32>
      %broadcast_in_dim3A_341 = arith.constant true
      %broadcast_in_dim3A_342 = vector.broadcast %broadcast_in_dim3A_341 : i1 to vector<16xi1>
      %masked_cumsum3A_343 = tpu.scan <sum>, %convert_element_type3A_333 masked %broadcast_in_dim3A_342 : vector<16xi32>, vector<16xi1> -> vector<16xi32>
      %add3A_344 = vector.broadcast %scan3A_321 : i32 to vector<16xi32>
      %add3A_345 = arith.addi %add3A_344, %masked_cumsum3A_343 : vector<16xi32>
      %sub3A_346 = arith.constant 1 : i32
      %sub3A_347 = vector.broadcast %sub3A_346 : i32 to vector<16xi32>
      %sub3A_348 = arith.subi %add3A_345, %sub3A_347 : vector<16xi32>
      %lt3A = arith.constant 6016 : i32
      %lt3A_349 = vector.broadcast %lt3A : i32 to vector<16xi32>
      %lt3A_350 = arith.cmpi slt, %sub3A_340, %lt3A_349 : vector<16xi32>
      %and3A_351 = arith.andi %gt3A_330, %lt3A_350 : vector<16xi1>
      %lt3A_352 = arith.constant 6016 : i32
      %lt3A_353 = vector.broadcast %lt3A_352 : i32 to vector<16xi32>
      %lt3A_354 = arith.cmpi slt, %sub3A_348, %lt3A_353 : vector<16xi32>
      %and3A_355 = arith.andi %eq3A_332, %lt3A_354 : vector<16xi1>
      tpu.vector_store_idx %arg14[%sub3A_340], %add3A_329 masked %and3A_351 : memref<6016xi32, #tpu.memory_space<vmem>>[vector<16xi32>], vector<16xi32>, vector<16xi1>
      %bitcast3A_356 = vector.bitcast %get3A_324 : vector<16xi32> to vector<16xf32>
      tpu.vector_store_idx %arg15[%sub3A_340], %bitcast3A_356 masked %and3A_351 : memref<6016xf32, #tpu.memory_space<vmem>>[vector<16xi32>], vector<16xf32>, vector<16xi1>
      tpu.vector_store_idx %arg16[%sub3A_348], %add3A_329 masked %and3A_355 : memref<6016xi32, #tpu.memory_space<vmem>>[vector<16xi32>], vector<16xi32>, vector<16xi1>
      %reduce_sum3A = arith.constant true
      %reduce_sum3A_357 = vector.broadcast %reduce_sum3A : i1 to vector<16xi1>
      %reduce_sum3A_358 = tpu.scan <sum>, %convert_element_type3A masked %reduce_sum3A_357 : vector<16xi32>, vector<16xi1> -> vector<16xi32>
      %reduce_sum3A_359 = vector.extract %reduce_sum3A_358[15] : i32 from vector<16xi32>
      %add3A_360 = arith.addi %scan3A_320, %reduce_sum3A_359 : i32
      %reduce_sum3A_361 = arith.constant true
      %reduce_sum3A_362 = vector.broadcast %reduce_sum3A_361 : i1 to vector<16xi1>
      %reduce_sum3A_363 = tpu.scan <sum>, %convert_element_type3A_333 masked %reduce_sum3A_362 : vector<16xi32>, vector<16xi1> -> vector<16xi32>
      %reduce_sum3A_364 = vector.extract %reduce_sum3A_363[15] : i32 from vector<16xi32>
      %add3A_365 = arith.addi %scan3A_321, %reduce_sum3A_364 : i32
      scf.yield %add3A_360, %add3A_365 : i32, i32
    }
    %scan3A_186 = arith.constant 1023 : i32
    %eq3A = arith.constant 0 : i32
    %eq3A_187 = vector.broadcast %eq3A : i32 to vector<16xi32>
    %eq3A_188 = arith.cmpi eq, %iota3A, %eq3A_187 : vector<16xi32>
    %eq3A_189 = arith.constant 1 : i32
    %eq3A_190 = vector.broadcast %eq3A_189 : i32 to vector<16xi32>
    %eq3A_191 = arith.cmpi eq, %iota3A, %eq3A_190 : vector<16xi32>
    %jit3A = arith.constant 0 : i32
    %broadcast_in_dim3A_192 = vector.broadcast %scan3A_185#1 : i32 to vector<16xi32>
    %broadcast_in_dim3A_193 = vector.broadcast %jit3A : i32 to vector<16xi32>
    %select_n3A = arith.select %eq3A_191, %broadcast_in_dim3A_192, %broadcast_in_dim3A_193 : vector<16xi1>, vector<16xi32>
    %broadcast_in_dim3A_194 = vector.broadcast %scan3A_185#0 : i32 to vector<16xi32>
    %select_n3A_195 = arith.select %eq3A_188, %broadcast_in_dim3A_194, %select_n3A : vector<16xi1>, vector<16xi32>
    %swap3A = arith.constant 0 : index
    %swap3A_196 = tpu.vector_load %arg21[%swap3A] {strides = array<i32>} : memref<16xi32, #tpu.memory_space<vmem>>, vector<16xi32>,
    tpu.vector_store %arg21[%swap3A], %select_n3A_195 {strides = array<i32>} : memref<16xi32, #tpu.memory_space<vmem>>, vector<16xi32>,
    %mul3A_197 = arith.constant 16 : i32
    %mul3A_198 = arith.muli %arg1, %mul3A_197 : i32
    "tpu.region"() ({
      %run_scoped3A = tpu.sem_alloc : memref<!tpu.dma_semaphore, #tpu.memory_space<semaphore_mem>>
      %dma_start3A = tpu.memref_slice %arg29[%mul3A_198] : memref<256xi32, #tpu.memory_space<vmem_shared>> -> memref<16xi32, #tpu.memory_space<vmem_shared>>
      %dma_start3A_319 = tpu.memref_slice %arg29[%mul3A_198] : memref<256xi32, #tpu.memory_space<vmem_shared>> -> memref<16xi32, #tpu.memory_space<vmem_shared>>
      tpu.enqueue_dma source(%arg21 : memref<16xi32, #tpu.memory_space<vmem>>) target(%dma_start3A_319 : memref<16xi32, #tpu.memory_space<vmem_shared>>) target_semaphore(%run_scoped3A : memref<!tpu.dma_semaphore, #tpu.memory_space<semaphore_mem>>)
      %dma_wait3A = tpu.memref_slice %arg29[%mul3A_198] : memref<256xi32, #tpu.memory_space<vmem_shared>> -> memref<16xi32, #tpu.memory_space<vmem_shared>>
      %dma_wait3A_320 = tpu.memref_slice %arg29[%mul3A_198] : memref<256xi32, #tpu.memory_space<vmem_shared>> -> memref<16xi32, #tpu.memory_space<vmem_shared>>
      tpu.wait_dma2 semaphore(%run_scoped3A : memref<!tpu.dma_semaphore, #tpu.memory_space<semaphore_mem>>) src(%arg21 : memref<16xi32, #tpu.memory_space<vmem>>) dst(%dma_wait3A_320 : memref<16xi32, #tpu.memory_space<vmem_shared>>)
      tpu.yield
    }) : () -> ()
    %barrier3A_199 = arith.constant 0 : index
    tpu.barrier barrier_id(%barrier3A_199)
    "tpu.region"() ({
      %run_scoped3A = tpu.sem_alloc : memref<!tpu.dma_semaphore, #tpu.memory_space<semaphore_mem>>
      tpu.enqueue_dma source(%arg29 : memref<256xi32, #tpu.memory_space<vmem_shared>>) target(%arg22 : memref<256xi32, #tpu.memory_space<vmem>>) target_semaphore(%run_scoped3A : memref<!tpu.dma_semaphore, #tpu.memory_space<semaphore_mem>>)
      tpu.wait_dma2 semaphore(%run_scoped3A : memref<!tpu.dma_semaphore, #tpu.memory_space<semaphore_mem>>) src(%arg29 : memref<256xi32, #tpu.memory_space<vmem_shared>>) dst(%arg22 : memref<256xi32, #tpu.memory_space<vmem>>)
      tpu.yield
    }) : () -> ()
    %barrier3A_200 = arith.constant 0 : index
    tpu.barrier barrier_id(%barrier3A_200)
    %scan3A_201 = arith.constant 0 : i32
    %scan3A_202 = arith.constant 0 : i32
    %scan3A_203 = arith.constant 0 : i32
    %scan3A_204 = arith.constant 0 : i32
    %scan3A_205 = arith.constant 16 : i32
    %scan3A_206 = arith.addi %scan3A_204, %scan3A_205 : i32
    %scan3A_207 = arith.constant 1 : i32
    %scan3A_208:3 = scf.for %scan3A_319 = %scan3A_204 to %scan3A_206 step %scan3A_207 iter_args(%scan3A_320 = %scan3A_201, %scan3A_321 = %scan3A_202, %scan3A_322 = %scan3A_203) -> (i32, i32, i32)  : i32 {
      %mul3A_323 = arith.constant 16 : i32
      %mul3A_324 = arith.muli %scan3A_319, %mul3A_323 : i32
      %get3A = arith.index_cast %mul3A_324 : i32 to index
      %get3A_325 = tpu.vector_load %arg22[%get3A] {strides = array<i32>} : memref<256xi32, #tpu.memory_space<vmem>>, vector<16xi32>,
      %eq3A_326 = arith.constant 0 : i32
      %eq3A_327 = vector.broadcast %eq3A_326 : i32 to vector<16xi32>
      %eq3A_328 = arith.cmpi eq, %iota3A, %eq3A_327 : vector<16xi32>
      %jit3A_329 = arith.constant 0 : i32
      %broadcast_in_dim3A_330 = vector.broadcast %jit3A_329 : i32 to vector<16xi32>
      %select_n3A_331 = arith.select %eq3A_328, %get3A_325, %broadcast_in_dim3A_330 : vector<16xi1>, vector<16xi32>
      %reduce_sum3A = arith.constant true
      %reduce_sum3A_332 = vector.broadcast %reduce_sum3A : i1 to vector<16xi1>
      %reduce_sum3A_333 = tpu.scan <sum>, %select_n3A_331 masked %reduce_sum3A_332 : vector<16xi32>, vector<16xi1> -> vector<16xi32>
      %reduce_sum3A_334 = vector.extract %reduce_sum3A_333[15] : i32 from vector<16xi32>
      %eq3A_335 = arith.constant 1 : i32
      %eq3A_336 = vector.broadcast %eq3A_335 : i32 to vector<16xi32>
      %eq3A_337 = arith.cmpi eq, %iota3A, %eq3A_336 : vector<16xi32>
      %jit3A_338 = arith.constant 0 : i32
      %broadcast_in_dim3A_339 = vector.broadcast %jit3A_338 : i32 to vector<16xi32>
      %select_n3A_340 = arith.select %eq3A_337, %get3A_325, %broadcast_in_dim3A_339 : vector<16xi1>, vector<16xi32>
      %reduce_sum3A_341 = arith.constant true
      %reduce_sum3A_342 = vector.broadcast %reduce_sum3A_341 : i1 to vector<16xi1>
      %reduce_sum3A_343 = tpu.scan <sum>, %select_n3A_340 masked %reduce_sum3A_342 : vector<16xi32>, vector<16xi1> -> vector<16xi32>
      %reduce_sum3A_344 = vector.extract %reduce_sum3A_343[15] : i32 from vector<16xi32>
      %lt3A = arith.cmpi slt, %scan3A_319, %arg1 : i32
      %convert_element_type3A = arith.extui %lt3A : i1 to i32
      %mul3A_345 = arith.muli %reduce_sum3A_334, %convert_element_type3A : i32
      %add3A_346 = arith.addi %scan3A_320, %mul3A_345 : i32
      %mul3A_347 = arith.muli %reduce_sum3A_344, %convert_element_type3A : i32
      %add3A_348 = arith.addi %scan3A_321, %mul3A_347 : i32
      %add3A_349 = arith.addi %scan3A_322, %reduce_sum3A_334 : i32
      scf.yield %add3A_346, %add3A_348, %add3A_349 : i32, i32, i32
    }
    %scan3A_209 = arith.constant 16 : i32
    %sub3A = arith.subi %scan3A_158#3, %scan3A_208#1 : i32
    %jit3A_210 = arith.constant 0 : i32
    %max3A = arith.maxsi %jit3A_210, %sub3A : i32
    %min3A = arith.minsi %scan3A_185#1, %max3A : i32
    %mul3A_211 = arith.constant 6400 : i32
    %mul3A_212 = arith.muli %arg0, %mul3A_211 : i32
    %add3A_213 = arith.addi %mul3A_212, %scan3A_208#0 : i32
    %mul3A_214 = arith.constant 6400 : i32
    %mul3A_215 = arith.muli %arg0, %mul3A_214 : i32
    %add3A_216 = arith.addi %mul3A_215, %scan3A_208#2 : i32
    %min3A_217 = arith.minsi %scan3A_208#1, %scan3A_158#3 : i32
    %add3A_218 = arith.addi %add3A_216, %min3A_217 : i32
    %mul3A_219 = arith.constant 6400 : i32
    %mul3A_220 = arith.muli %arg0, %mul3A_219 : i32
    %add3A_221 = arith.constant 6144 : i32
    %add3A_222 = arith.addi %mul3A_220, %add3A_221 : i32
    %mul3A_223 = arith.constant 16 : i32
    %mul3A_224 = arith.muli %arg1, %mul3A_223 : i32
    %add3A_225 = arith.addi %add3A_222, %mul3A_224 : i32
    %scan3A_226 = arith.constant 0 : i32
    %scan3A_227 = arith.constant 0 : i32
    %scan3A_228 = arith.constant 25 : i32
    %scan3A_229 = arith.addi %scan3A_227, %scan3A_228 : i32
    %scan3A_230 = arith.constant 1 : i32
    %scan3A_231 = scf.for %scan3A_319 = %scan3A_227 to %scan3A_229 step %scan3A_230 iter_args(%scan3A_320 = %scan3A_226) -> (i32)  : i32 {
      %broadcast_in_dim3A_321 = arith.constant 0.000000e+00 : f32
      %broadcast_in_dim3A_322 = vector.broadcast %broadcast_in_dim3A_321 : f32 to vector<16xf32>
      %mul3A_323 = arith.constant 16 : i32
      %mul3A_324 = arith.muli %scan3A_319, %mul3A_323 : i32
      %swap3A_325 = arith.index_cast %mul3A_324 : i32 to index
      %swap3A_326 = tpu.vector_load %arg23[%swap3A_325] {strides = array<i32>} : memref<400xf32, #tpu.memory_space<vmem>>, vector<16xf32>,
      tpu.vector_store %arg23[%swap3A_325], %broadcast_in_dim3A_322 {strides = array<i32>} : memref<400xf32, #tpu.memory_space<vmem>>, vector<16xf32>,
      %scan3A_327 = arith.constant 0 : i32
      scf.yield %scan3A_327 : i32
    }
    %scan3A_232 = arith.constant 25 : i32
    %add3A_233 = arith.constant 0 : i32
    %add3A_234 = arith.addi %add3A_233, %add3A : i32
    "tpu.region"() ({
      %run_scoped3A = tpu.sem_alloc : memref<!tpu.dma_semaphore, #tpu.memory_space<semaphore_mem>>
      %dma_start3A = tpu.memref_slice %arg7[%add3A_234] : memref<51200xf32, #tpu.memory_space<hbm>> -> memref<400xf32, #tpu.memory_space<hbm>>
      %dma_start3A_319 = tpu.memref_slice %arg7[%add3A_234] : memref<51200xf32, #tpu.memory_space<hbm>> -> memref<400xf32, #tpu.memory_space<hbm>>
      tpu.enqueue_dma source(%arg23 : memref<400xf32, #tpu.memory_space<vmem>>) target(%dma_start3A_319 : memref<400xf32, #tpu.memory_space<hbm>>) target_semaphore(%run_scoped3A : memref<!tpu.dma_semaphore, #tpu.memory_space<semaphore_mem>>)
      %dma_wait3A = tpu.memref_slice %arg7[%add3A_234] : memref<51200xf32, #tpu.memory_space<hbm>> -> memref<400xf32, #tpu.memory_space<hbm>>
      %dma_wait3A_320 = tpu.memref_slice %arg7[%add3A_234] : memref<51200xf32, #tpu.memory_space<hbm>> -> memref<400xf32, #tpu.memory_space<hbm>>
      tpu.wait_dma2 semaphore(%run_scoped3A : memref<!tpu.dma_semaphore, #tpu.memory_space<semaphore_mem>>) src(%arg23 : memref<400xf32, #tpu.memory_space<vmem>>) dst(%dma_wait3A_320 : memref<400xf32, #tpu.memory_space<hbm>>)
      tpu.yield
    }) : () -> ()
    %add3A_235 = arith.constant 0 : i32
    %add3A_236 = arith.addi %add3A_235, %add3A : i32
    "tpu.region"() ({
      %run_scoped3A = tpu.sem_alloc : memref<!tpu.dma_semaphore, #tpu.memory_space<semaphore_mem>>
      %dma_start3A = tpu.memref_slice %arg8[%add3A_236] : memref<51200xf32, #tpu.memory_space<hbm>> -> memref<400xf32, #tpu.memory_space<hbm>>
      %dma_start3A_319 = tpu.memref_slice %arg8[%add3A_236] : memref<51200xf32, #tpu.memory_space<hbm>> -> memref<400xf32, #tpu.memory_space<hbm>>
      tpu.enqueue_dma source(%arg23 : memref<400xf32, #tpu.memory_space<vmem>>) target(%dma_start3A_319 : memref<400xf32, #tpu.memory_space<hbm>>) target_semaphore(%run_scoped3A : memref<!tpu.dma_semaphore, #tpu.memory_space<semaphore_mem>>)
      %dma_wait3A = tpu.memref_slice %arg8[%add3A_236] : memref<51200xf32, #tpu.memory_space<hbm>> -> memref<400xf32, #tpu.memory_space<hbm>>
      %dma_wait3A_320 = tpu.memref_slice %arg8[%add3A_236] : memref<51200xf32, #tpu.memory_space<hbm>> -> memref<400xf32, #tpu.memory_space<hbm>>
      tpu.wait_dma2 semaphore(%run_scoped3A : memref<!tpu.dma_semaphore, #tpu.memory_space<semaphore_mem>>) src(%arg23 : memref<400xf32, #tpu.memory_space<vmem>>) dst(%dma_wait3A_320 : memref<400xf32, #tpu.memory_space<hbm>>)
      tpu.yield
    }) : () -> ()
    %add3A_237 = arith.constant 12800 : i32
    %add3A_238 = arith.addi %add3A_237, %add3A : i32
    "tpu.region"() ({
      %run_scoped3A = tpu.sem_alloc : memref<!tpu.dma_semaphore, #tpu.memory_space<semaphore_mem>>
      %dma_start3A = tpu.memref_slice %arg7[%add3A_238] : memref<51200xf32, #tpu.memory_space<hbm>> -> memref<400xf32, #tpu.memory_space<hbm>>
      %dma_start3A_319 = tpu.memref_slice %arg7[%add3A_238] : memref<51200xf32, #tpu.memory_space<hbm>> -> memref<400xf32, #tpu.memory_space<hbm>>
      tpu.enqueue_dma source(%arg23 : memref<400xf32, #tpu.memory_space<vmem>>) target(%dma_start3A_319 : memref<400xf32, #tpu.memory_space<hbm>>) target_semaphore(%run_scoped3A : memref<!tpu.dma_semaphore, #tpu.memory_space<semaphore_mem>>)
      %dma_wait3A = tpu.memref_slice %arg7[%add3A_238] : memref<51200xf32, #tpu.memory_space<hbm>> -> memref<400xf32, #tpu.memory_space<hbm>>
      %dma_wait3A_320 = tpu.memref_slice %arg7[%add3A_238] : memref<51200xf32, #tpu.memory_space<hbm>> -> memref<400xf32, #tpu.memory_space<hbm>>
      tpu.wait_dma2 semaphore(%run_scoped3A : memref<!tpu.dma_semaphore, #tpu.memory_space<semaphore_mem>>) src(%arg23 : memref<400xf32, #tpu.memory_space<vmem>>) dst(%dma_wait3A_320 : memref<400xf32, #tpu.memory_space<hbm>>)
      tpu.yield
    }) : () -> ()
    %add3A_239 = arith.constant 12800 : i32
    %add3A_240 = arith.addi %add3A_239, %add3A : i32
    "tpu.region"() ({
      %run_scoped3A = tpu.sem_alloc : memref<!tpu.dma_semaphore, #tpu.memory_space<semaphore_mem>>
      %dma_start3A = tpu.memref_slice %arg8[%add3A_240] : memref<51200xf32, #tpu.memory_space<hbm>> -> memref<400xf32, #tpu.memory_space<hbm>>
      %dma_start3A_319 = tpu.memref_slice %arg8[%add3A_240] : memref<51200xf32, #tpu.memory_space<hbm>> -> memref<400xf32, #tpu.memory_space<hbm>>
      tpu.enqueue_dma source(%arg23 : memref<400xf32, #tpu.memory_space<vmem>>) target(%dma_start3A_319 : memref<400xf32, #tpu.memory_space<hbm>>) target_semaphore(%run_scoped3A : memref<!tpu.dma_semaphore, #tpu.memory_space<semaphore_mem>>)
      %dma_wait3A = tpu.memref_slice %arg8[%add3A_240] : memref<51200xf32, #tpu.memory_space<hbm>> -> memref<400xf32, #tpu.memory_space<hbm>>
      %dma_wait3A_320 = tpu.memref_slice %arg8[%add3A_240] : memref<51200xf32, #tpu.memory_space<hbm>> -> memref<400xf32, #tpu.memory_space<hbm>>
      tpu.wait_dma2 semaphore(%run_scoped3A : memref<!tpu.dma_semaphore, #tpu.memory_space<semaphore_mem>>) src(%arg23 : memref<400xf32, #tpu.memory_space<vmem>>) dst(%dma_wait3A_320 : memref<400xf32, #tpu.memory_space<hbm>>)
      tpu.yield
    }) : () -> ()
    %add3A_241 = arith.constant 25600 : i32
    %add3A_242 = arith.addi %add3A_241, %add3A : i32
    "tpu.region"() ({
      %run_scoped3A = tpu.sem_alloc : memref<!tpu.dma_semaphore, #tpu.memory_space<semaphore_mem>>
      %dma_start3A = tpu.memref_slice %arg7[%add3A_242] : memref<51200xf32, #tpu.memory_space<hbm>> -> memref<400xf32, #tpu.memory_space<hbm>>
      %dma_start3A_319 = tpu.memref_slice %arg7[%add3A_242] : memref<51200xf32, #tpu.memory_space<hbm>> -> memref<400xf32, #tpu.memory_space<hbm>>
      tpu.enqueue_dma source(%arg23 : memref<400xf32, #tpu.memory_space<vmem>>) target(%dma_start3A_319 : memref<400xf32, #tpu.memory_space<hbm>>) target_semaphore(%run_scoped3A : memref<!tpu.dma_semaphore, #tpu.memory_space<semaphore_mem>>)
      %dma_wait3A = tpu.memref_slice %arg7[%add3A_242] : memref<51200xf32, #tpu.memory_space<hbm>> -> memref<400xf32, #tpu.memory_space<hbm>>
      %dma_wait3A_320 = tpu.memref_slice %arg7[%add3A_242] : memref<51200xf32, #tpu.memory_space<hbm>> -> memref<400xf32, #tpu.memory_space<hbm>>
      tpu.wait_dma2 semaphore(%run_scoped3A : memref<!tpu.dma_semaphore, #tpu.memory_space<semaphore_mem>>) src(%arg23 : memref<400xf32, #tpu.memory_space<vmem>>) dst(%dma_wait3A_320 : memref<400xf32, #tpu.memory_space<hbm>>)
      tpu.yield
    }) : () -> ()
    %add3A_243 = arith.constant 25600 : i32
    %add3A_244 = arith.addi %add3A_243, %add3A : i32
    "tpu.region"() ({
      %run_scoped3A = tpu.sem_alloc : memref<!tpu.dma_semaphore, #tpu.memory_space<semaphore_mem>>
      %dma_start3A = tpu.memref_slice %arg8[%add3A_244] : memref<51200xf32, #tpu.memory_space<hbm>> -> memref<400xf32, #tpu.memory_space<hbm>>
      %dma_start3A_319 = tpu.memref_slice %arg8[%add3A_244] : memref<51200xf32, #tpu.memory_space<hbm>> -> memref<400xf32, #tpu.memory_space<hbm>>
      tpu.enqueue_dma source(%arg23 : memref<400xf32, #tpu.memory_space<vmem>>) target(%dma_start3A_319 : memref<400xf32, #tpu.memory_space<hbm>>) target_semaphore(%run_scoped3A : memref<!tpu.dma_semaphore, #tpu.memory_space<semaphore_mem>>)
      %dma_wait3A = tpu.memref_slice %arg8[%add3A_244] : memref<51200xf32, #tpu.memory_space<hbm>> -> memref<400xf32, #tpu.memory_space<hbm>>
      %dma_wait3A_320 = tpu.memref_slice %arg8[%add3A_244] : memref<51200xf32, #tpu.memory_space<hbm>> -> memref<400xf32, #tpu.memory_space<hbm>>
      tpu.wait_dma2 semaphore(%run_scoped3A : memref<!tpu.dma_semaphore, #tpu.memory_space<semaphore_mem>>) src(%arg23 : memref<400xf32, #tpu.memory_space<vmem>>) dst(%dma_wait3A_320 : memref<400xf32, #tpu.memory_space<hbm>>)
      tpu.yield
    }) : () -> ()
    %add3A_245 = arith.constant 38400 : i32
    %add3A_246 = arith.addi %add3A_245, %add3A : i32
    "tpu.region"() ({
      %run_scoped3A = tpu.sem_alloc : memref<!tpu.dma_semaphore, #tpu.memory_space<semaphore_mem>>
      %dma_start3A = tpu.memref_slice %arg7[%add3A_246] : memref<51200xf32, #tpu.memory_space<hbm>> -> memref<400xf32, #tpu.memory_space<hbm>>
      %dma_start3A_319 = tpu.memref_slice %arg7[%add3A_246] : memref<51200xf32, #tpu.memory_space<hbm>> -> memref<400xf32, #tpu.memory_space<hbm>>
      tpu.enqueue_dma source(%arg23 : memref<400xf32, #tpu.memory_space<vmem>>) target(%dma_start3A_319 : memref<400xf32, #tpu.memory_space<hbm>>) target_semaphore(%run_scoped3A : memref<!tpu.dma_semaphore, #tpu.memory_space<semaphore_mem>>)
      %dma_wait3A = tpu.memref_slice %arg7[%add3A_246] : memref<51200xf32, #tpu.memory_space<hbm>> -> memref<400xf32, #tpu.memory_space<hbm>>
      %dma_wait3A_320 = tpu.memref_slice %arg7[%add3A_246] : memref<51200xf32, #tpu.memory_space<hbm>> -> memref<400xf32, #tpu.memory_space<hbm>>
      tpu.wait_dma2 semaphore(%run_scoped3A : memref<!tpu.dma_semaphore, #tpu.memory_space<semaphore_mem>>) src(%arg23 : memref<400xf32, #tpu.memory_space<vmem>>) dst(%dma_wait3A_320 : memref<400xf32, #tpu.memory_space<hbm>>)
      tpu.yield
    }) : () -> ()
    %add3A_247 = arith.constant 38400 : i32
    %add3A_248 = arith.addi %add3A_247, %add3A : i32
    "tpu.region"() ({
      %run_scoped3A = tpu.sem_alloc : memref<!tpu.dma_semaphore, #tpu.memory_space<semaphore_mem>>
      %dma_start3A = tpu.memref_slice %arg8[%add3A_248] : memref<51200xf32, #tpu.memory_space<hbm>> -> memref<400xf32, #tpu.memory_space<hbm>>
      %dma_start3A_319 = tpu.memref_slice %arg8[%add3A_248] : memref<51200xf32, #tpu.memory_space<hbm>> -> memref<400xf32, #tpu.memory_space<hbm>>
      tpu.enqueue_dma source(%arg23 : memref<400xf32, #tpu.memory_space<vmem>>) target(%dma_start3A_319 : memref<400xf32, #tpu.memory_space<hbm>>) target_semaphore(%run_scoped3A : memref<!tpu.dma_semaphore, #tpu.memory_space<semaphore_mem>>)
      %dma_wait3A = tpu.memref_slice %arg8[%add3A_248] : memref<51200xf32, #tpu.memory_space<hbm>> -> memref<400xf32, #tpu.memory_space<hbm>>
      %dma_wait3A_320 = tpu.memref_slice %arg8[%add3A_248] : memref<51200xf32, #tpu.memory_space<hbm>> -> memref<400xf32, #tpu.memory_space<hbm>>
      tpu.wait_dma2 semaphore(%run_scoped3A : memref<!tpu.dma_semaphore, #tpu.memory_space<semaphore_mem>>) src(%arg23 : memref<400xf32, #tpu.memory_space<vmem>>) dst(%dma_wait3A_320 : memref<400xf32, #tpu.memory_space<hbm>>)
      tpu.yield
    }) : () -> ()
    %add3A_249 = arith.constant 127 : i32
    %add3A_250 = arith.addi %scan3A_185#0, %add3A_249 : i32
    %jit3A_251 = arith.constant 128 : i32
    %div3A = arith.divsi %add3A_250, %jit3A_251 : i32
    %sign3A = arith.constant 0 : i32
    %sign3A_252 = arith.cmpi sgt, %add3A_250, %sign3A : i32
    %sign3A_253 = arith.extui %sign3A_252 : i1 to i32
    %sign3A_254 = arith.constant 0 : i32
    %sign3A_255 = arith.cmpi slt, %add3A_250, %sign3A_254 : i32
    %sign3A_256 = arith.extui %sign3A_255 : i1 to i32
    %sign3A_257 = arith.subi %sign3A_253, %sign3A_256 : i32
    %sign3A_258 = arith.constant 0 : i32
    %sign3A_259 = arith.cmpi sgt, %jit3A_251, %sign3A_258 : i32
    %sign3A_260 = arith.extui %sign3A_259 : i1 to i32
    %sign3A_261 = arith.constant 0 : i32
    %sign3A_262 = arith.cmpi slt, %jit3A_251, %sign3A_261 : i32
    %sign3A_263 = arith.extui %sign3A_262 : i1 to i32
    %sign3A_264 = arith.subi %sign3A_260, %sign3A_263 : i32
    %ne3A = arith.cmpi ne, %sign3A_257, %sign3A_264 : i32
    %rem3A = arith.remsi %add3A_250, %jit3A_251 : i32
    %ne3A_265 = arith.constant 0 : i32
    %ne3A_266 = arith.cmpi ne, %rem3A, %ne3A_265 : i32
    %and3A = arith.andi %ne3A, %ne3A_266 : i1
    %sub3A_267 = arith.constant 1 : i32
    %sub3A_268 = arith.subi %div3A, %sub3A_267 : i32
    %select_n3A_269 = arith.select %and3A, %sub3A_268, %div3A : i32
    %while3A = arith.constant 0 : i32
    %while3A_270 = arith.constant 0 : i32
    %while3A_271 = arith.subi %select_n3A_269, %while3A : i32
    %while3A_272 = arith.addi %while3A, %while3A_271 : i32
    %while3A_273 = arith.constant 1 : i32
    %while3A_274 = arith.divsi %while3A_271, %while3A_273 : i32
    %while3A_275 = arith.muli %while3A_274, %while3A_273 : i32
    %while3A_276 = arith.addi %while3A, %while3A_275 : i32
    %while3A_277 = arith.constant 1 : i32
    %while3A_278 = scf.for %while3A_319 = %while3A to %while3A_276 step %while3A_277 iter_args(%while3A_320 = %while3A_270) -> (i32)  : i32 {
      %scan3A_321 = arith.constant 0 : i32
      %scan3A_322 = arith.constant 0 : i32
      %scan3A_323 = arith.constant 8 : i32
      %scan3A_324 = arith.addi %scan3A_322, %scan3A_323 : i32
      %scan3A_325 = arith.constant 1 : i32
      %scan3A_326 = scf.for %scan3A_435 = %scan3A_322 to %scan3A_324 step %scan3A_325 iter_args(%scan3A_436 = %scan3A_321) -> (i32)  : i32 {
        %mul3A_437 = arith.constant 128 : i32
        %mul3A_438 = arith.muli %while3A_319, %mul3A_437 : i32
        %mul3A_439 = arith.constant 16 : i32
        %mul3A_440 = arith.muli %scan3A_435, %mul3A_439 : i32
        %add3A_441 = arith.addi %mul3A_438, %mul3A_440 : i32
        %add3A_442 = vector.broadcast %add3A_441 : i32 to vector<16xi32>
        %add3A_443 = arith.addi %add3A_442, %iota3A : vector<16xi32>
        %lt3A = vector.broadcast %scan3A_185#0 : i32 to vector<16xi32>
        %lt3A_444 = arith.cmpi slt, %add3A_443, %lt3A : vector<16xi32>
        %add3A_445 = vector.broadcast %add3A_213 : i32 to vector<16xi32>
        %add3A_446 = arith.addi %add3A_445, %add3A_443 : vector<16xi32>
        %broadcast_in_dim3A_447 = vector.broadcast %add3A_225 : i32 to vector<16xi32>
        %select_n3A_448 = arith.select %lt3A_444, %add3A_446, %broadcast_in_dim3A_447 : vector<16xi1>, vector<16xi32>
        %mul3A_449 = arith.constant 16 : i32
        %mul3A_450 = arith.muli %scan3A_435, %mul3A_449 : i32
        %swap3A_451 = arith.index_cast %mul3A_450 : i32 to index
        %swap3A_452 = tpu.vector_load %arg18[%swap3A_451] {strides = array<i32>} : memref<128xi32, #tpu.memory_space<vmem>>, vector<16xi32>,
        tpu.vector_store %arg18[%swap3A_451], %select_n3A_448 {strides = array<i32>} : memref<128xi32, #tpu.memory_space<vmem>>, vector<16xi32>,
        %mul3A_453 = arith.constant 128 : i32
        %mul3A_454 = arith.muli %while3A_319, %mul3A_453 : i32
        %mul3A_455 = arith.constant 16 : i32
        %mul3A_456 = arith.muli %scan3A_435, %mul3A_455 : i32
        %add3A_457 = arith.addi %mul3A_454, %mul3A_456 : i32
        %get3A = arith.index_cast %add3A_457 : i32 to index
        %get3A_458 = tpu.vector_load %arg14[%get3A] {strides = array<i32>} : memref<6016xi32, #tpu.memory_space<vmem>>, vector<16xi32>,
        %max3A_459 = arith.constant 0 : i32
        %max3A_460 = vector.broadcast %max3A_459 : i32 to vector<16xi32>
        %max3A_461 = arith.maxsi %get3A_458, %max3A_460 : vector<16xi32>
        %min3A_462 = arith.constant 261887 : i32
        %min3A_463 = vector.broadcast %min3A_462 : i32 to vector<16xi32>
        %min3A_464 = arith.minsi %max3A_461, %min3A_463 : vector<16xi32>
        %mul3A_465 = arith.constant 261888 : i32
        %mul3A_466 = arith.muli %arg0, %mul3A_465 : i32
        %add3A_467 = vector.broadcast %mul3A_466 : i32 to vector<16xi32>
        %add3A_468 = arith.addi %min3A_464, %add3A_467 : vector<16xi32>
        %mul3A_469 = arith.constant 4 : i32
        %mul3A_470 = vector.broadcast %mul3A_469 : i32 to vector<16xi32>
        %mul3A_471 = arith.muli %add3A_468, %mul3A_470 : vector<16xi32>
        %mul3A_472 = arith.constant 16 : i32
        %mul3A_473 = arith.muli %scan3A_435, %mul3A_472 : i32
        %swap3A_474 = arith.index_cast %mul3A_473 : i32 to index
        %swap3A_475 = tpu.vector_load %arg20[%swap3A_474] {strides = array<i32>} : memref<128xi32, #tpu.memory_space<vmem>>, vector<16xi32>,
        tpu.vector_store %arg20[%swap3A_474], %mul3A_471 {strides = array<i32>} : memref<128xi32, #tpu.memory_space<vmem>>, vector<16xi32>,
        %scan3A_476 = arith.constant 0 : i32
        scf.yield %scan3A_476 : i32
      }
      %scan3A_327 = arith.constant 8 : i32
      %mul3A_328 = arith.constant 128 : i32
      %mul3A_329 = arith.muli %while3A_319, %mul3A_328 : i32
      %dma_start3A = tpu.memref_slice %arg14[%mul3A_329] : memref<6016xi32, #tpu.memory_space<vmem>> -> memref<128xi32, #tpu.memory_space<vmem>>
      %dma_start3A_330 = arith.constant 0 : i32
      %dma_start3A_331 = tpu.memref_slice %arg6[%dma_start3A_330] : memref<12800xi32, #tpu.memory_space<hbm>> -> memref<12800xi32, #tpu.memory_space<hbm>>
      tpu.enqueue_indirect_dma source(%dma_start3A : memref<128xi32, #tpu.memory_space<vmem>>) target(%dma_start3A_331 : memref<12800xi32, #tpu.memory_space<hbm>>) offsets(%arg18 : memref<128xi32, #tpu.memory_space<vmem>>) semaphore(%arg30 : memref<!tpu.dma_semaphore, #tpu.memory_space<semaphore_mem>>)
      %mul3A_332 = arith.constant 128 : i32
      %mul3A_333 = arith.muli %while3A_319, %mul3A_332 : i32
      %dma_start3A_334 = tpu.memref_slice %arg15[%mul3A_333] : memref<6016xf32, #tpu.memory_space<vmem>> -> memref<128xf32, #tpu.memory_space<vmem>>
      %dma_start3A_335 = arith.constant 0 : i32
      %dma_start3A_336 = tpu.memref_slice %arg5[%dma_start3A_335] : memref<12800xf32, #tpu.memory_space<hbm>> -> memref<12800xf32, #tpu.memory_space<hbm>>
      tpu.enqueue_indirect_dma source(%dma_start3A_334 : memref<128xf32, #tpu.memory_space<vmem>>) target(%dma_start3A_336 : memref<12800xf32, #tpu.memory_space<hbm>>) offsets(%arg18 : memref<128xi32, #tpu.memory_space<vmem>>) semaphore(%arg31 : memref<!tpu.dma_semaphore, #tpu.memory_space<semaphore_mem>>)
      %dma_wait3A = tpu.memref_slice %arg14[%mul3A_329] : memref<6016xi32, #tpu.memory_space<vmem>> -> memref<128xi32, #tpu.memory_space<vmem>>
      %dma_wait3A_337 = arith.constant 0 : i32
      %dma_wait3A_338 = tpu.memref_slice %arg6[%dma_wait3A_337] : memref<12800xi32, #tpu.memory_space<hbm>> -> memref<12800xi32, #tpu.memory_space<hbm>>
      tpu.wait_indirect_dma semaphore(%arg30 : memref<!tpu.dma_semaphore, #tpu.memory_space<semaphore_mem>>) src(%dma_wait3A : memref<128xi32, #tpu.memory_space<vmem>>) dst(%dma_wait3A_338 : memref<12800xi32, #tpu.memory_space<hbm>>)
      %dma_wait3A_339 = tpu.memref_slice %arg15[%mul3A_333] : memref<6016xf32, #tpu.memory_space<vmem>> -> memref<128xf32, #tpu.memory_space<vmem>>
      %dma_wait3A_340 = arith.constant 0 : i32
      %dma_wait3A_341 = tpu.memref_slice %arg5[%dma_wait3A_340] : memref<12800xf32, #tpu.memory_space<hbm>> -> memref<12800xf32, #tpu.memory_space<hbm>>
      tpu.wait_indirect_dma semaphore(%arg31 : memref<!tpu.dma_semaphore, #tpu.memory_space<semaphore_mem>>) src(%dma_wait3A_339 : memref<128xf32, #tpu.memory_space<vmem>>) dst(%dma_wait3A_341 : memref<12800xf32, #tpu.memory_space<hbm>>)
      %scan3A_342 = arith.constant 0 : i32
      %scan3A_343 = arith.constant 0 : i32
      %scan3A_344 = arith.constant 8 : i32
      %scan3A_345 = arith.addi %scan3A_343, %scan3A_344 : i32
      %scan3A_346 = arith.constant 1 : i32
      %scan3A_347 = scf.for %scan3A_435 = %scan3A_343 to %scan3A_345 step %scan3A_346 iter_args(%scan3A_436 = %scan3A_342) -> (i32)  : i32 {
        %mul3A_437 = arith.constant 16 : i32
        %mul3A_438 = arith.muli %scan3A_435, %mul3A_437 : i32
        %get3A = arith.index_cast %mul3A_438 : i32 to index
        %get3A_439 = tpu.vector_load %arg20[%get3A] {strides = array<i32>} : memref<128xi32, #tpu.memory_space<vmem>>, vector<16xi32>,
        %add3A_440 = arith.constant 0 : i32
        %add3A_441 = vector.broadcast %add3A_440 : i32 to vector<16xi32>
        %add3A_442 = arith.addi %get3A_439, %add3A_441 : vector<16xi32>
        %mul3A_443 = arith.constant 16 : i32
        %mul3A_444 = arith.muli %scan3A_435, %mul3A_443 : i32
        %swap3A_445 = arith.index_cast %mul3A_444 : i32 to index
        %swap3A_446 = tpu.vector_load %arg25[%swap3A_445] {strides = array<i32>} : memref<128xi32, #tpu.memory_space<vmem>>, vector<16xi32>,
        tpu.vector_store %arg25[%swap3A_445], %add3A_442 {strides = array<i32>} : memref<128xi32, #tpu.memory_space<vmem>>, vector<16xi32>,
        %mul3A_447 = arith.constant 16 : i32
        %mul3A_448 = arith.muli %scan3A_435, %mul3A_447 : i32
        %get3A_449 = arith.index_cast %mul3A_448 : i32 to index
        %get3A_450 = tpu.vector_load %arg18[%get3A_449] {strides = array<i32>} : memref<128xi32, #tpu.memory_space<vmem>>, vector<16xi32>,
        %add3A_451 = arith.constant 0 : i32
        %add3A_452 = vector.broadcast %add3A_451 : i32 to vector<16xi32>
        %add3A_453 = arith.addi %get3A_450, %add3A_452 : vector<16xi32>
        %mul3A_454 = arith.constant 16 : i32
        %mul3A_455 = arith.muli %scan3A_435, %mul3A_454 : i32
        %swap3A_456 = arith.index_cast %mul3A_455 : i32 to index
        %swap3A_457 = tpu.vector_load %arg19[%swap3A_456] {strides = array<i32>} : memref<128xi32, #tpu.memory_space<vmem>>, vector<16xi32>,
        tpu.vector_store %arg19[%swap3A_456], %add3A_453 {strides = array<i32>} : memref<128xi32, #tpu.memory_space<vmem>>, vector<16xi32>,
        %scan3A_458 = arith.constant 0 : i32
        scf.yield %scan3A_458 : i32
      }
      %scan3A_348 = arith.constant 8 : i32
      %dma_start3A_349 = arith.constant 0 : i32
      %dma_start3A_350 = tpu.memref_slice %arg3[%dma_start3A_349] : memref<2095104xf32, #tpu.memory_space<hbm>> -> memref<2095104xf32, #tpu.memory_space<hbm>>
      tpu.enqueue_indirect_dma source(%dma_start3A_350 : memref<2095104xf32, #tpu.memory_space<hbm>>) target(%arg26 : memref<128xf32, #tpu.memory_space<vmem>>) offsets(%arg25 : memref<128xi32, #tpu.memory_space<vmem>>) semaphore(%arg30 : memref<!tpu.dma_semaphore, #tpu.memory_space<semaphore_mem>>)
      %dma_start3A_351 = arith.constant 0 : i32
      %dma_start3A_352 = tpu.memref_slice %arg4[%dma_start3A_351] : memref<2095104xf32, #tpu.memory_space<hbm>> -> memref<2095104xf32, #tpu.memory_space<hbm>>
      tpu.enqueue_indirect_dma source(%dma_start3A_352 : memref<2095104xf32, #tpu.memory_space<hbm>>) target(%arg27 : memref<128xf32, #tpu.memory_space<vmem>>) offsets(%arg25 : memref<128xi32, #tpu.memory_space<vmem>>) semaphore(%arg31 : memref<!tpu.dma_semaphore, #tpu.memory_space<semaphore_mem>>)
      %dma_wait3A_353 = arith.constant 0 : i32
      %dma_wait3A_354 = tpu.memref_slice %arg3[%dma_wait3A_353] : memref<2095104xf32, #tpu.memory_space<hbm>> -> memref<2095104xf32, #tpu.memory_space<hbm>>
      tpu.wait_indirect_dma semaphore(%arg30 : memref<!tpu.dma_semaphore, #tpu.memory_space<semaphore_mem>>) src(%dma_wait3A_354 : memref<2095104xf32, #tpu.memory_space<hbm>>) dst(%arg26 : memref<128xf32, #tpu.memory_space<vmem>>)
      %dma_wait3A_355 = arith.constant 0 : i32
      %dma_wait3A_356 = tpu.memref_slice %arg4[%dma_wait3A_355] : memref<2095104xf32, #tpu.memory_space<hbm>> -> memref<2095104xf32, #tpu.memory_space<hbm>>
      tpu.wait_indirect_dma semaphore(%arg31 : memref<!tpu.dma_semaphore, #tpu.memory_space<semaphore_mem>>) src(%dma_wait3A_356 : memref<2095104xf32, #tpu.memory_space<hbm>>) dst(%arg27 : memref<128xf32, #tpu.memory_space<vmem>>)
      %dma_start3A_357 = arith.constant 0 : i32
      %dma_start3A_358 = tpu.memref_slice %arg7[%dma_start3A_357] : memref<51200xf32, #tpu.memory_space<hbm>> -> memref<51200xf32, #tpu.memory_space<hbm>>
      tpu.enqueue_indirect_dma source(%arg26 : memref<128xf32, #tpu.memory_space<vmem>>) target(%dma_start3A_358 : memref<51200xf32, #tpu.memory_space<hbm>>) offsets(%arg19 : memref<128xi32, #tpu.memory_space<vmem>>) semaphore(%arg30 : memref<!tpu.dma_semaphore, #tpu.memory_space<semaphore_mem>>)
      %dma_start3A_359 = arith.constant 0 : i32
      %dma_start3A_360 = tpu.memref_slice %arg8[%dma_start3A_359] : memref<51200xf32, #tpu.memory_space<hbm>> -> memref<51200xf32, #tpu.memory_space<hbm>>
      tpu.enqueue_indirect_dma source(%arg27 : memref<128xf32, #tpu.memory_space<vmem>>) target(%dma_start3A_360 : memref<51200xf32, #tpu.memory_space<hbm>>) offsets(%arg19 : memref<128xi32, #tpu.memory_space<vmem>>) semaphore(%arg31 : memref<!tpu.dma_semaphore, #tpu.memory_space<semaphore_mem>>)
      %dma_wait3A_361 = arith.constant 0 : i32
      %dma_wait3A_362 = tpu.memref_slice %arg7[%dma_wait3A_361] : memref<51200xf32, #tpu.memory_space<hbm>> -> memref<51200xf32, #tpu.memory_space<hbm>>
      tpu.wait_indirect_dma semaphore(%arg30 : memref<!tpu.dma_semaphore, #tpu.memory_space<semaphore_mem>>) src(%arg26 : memref<128xf32, #tpu.memory_space<vmem>>) dst(%dma_wait3A_362 : memref<51200xf32, #tpu.memory_space<hbm>>)
      %dma_wait3A_363 = arith.constant 0 : i32
      %dma_wait3A_364 = tpu.memref_slice %arg8[%dma_wait3A_363] : memref<51200xf32, #tpu.memory_space<hbm>> -> memref<51200xf32, #tpu.memory_space<hbm>>
      tpu.wait_indirect_dma semaphore(%arg31 : memref<!tpu.dma_semaphore, #tpu.memory_space<semaphore_mem>>) src(%arg27 : memref<128xf32, #tpu.memory_space<vmem>>) dst(%dma_wait3A_364 : memref<51200xf32, #tpu.memory_space<hbm>>)
      %scan3A_365 = arith.constant 0 : i32
      %scan3A_366 = arith.constant 0 : i32
      %scan3A_367 = arith.constant 8 : i32
      %scan3A_368 = arith.addi %scan3A_366, %scan3A_367 : i32
      %scan3A_369 = arith.constant 1 : i32
      %scan3A_370 = scf.for %scan3A_435 = %scan3A_366 to %scan3A_368 step %scan3A_369 iter_args(%scan3A_436 = %scan3A_365) -> (i32)  : i32 {
        %mul3A_437 = arith.constant 16 : i32
        %mul3A_438 = arith.muli %scan3A_435, %mul3A_437 : i32
        %get3A = arith.index_cast %mul3A_438 : i32 to index
        %get3A_439 = tpu.vector_load %arg20[%get3A] {strides = array<i32>} : memref<128xi32, #tpu.memory_space<vmem>>, vector<16xi32>,
        %add3A_440 = arith.constant 1 : i32
        %add3A_441 = vector.broadcast %add3A_440 : i32 to vector<16xi32>
        %add3A_442 = arith.addi %get3A_439, %add3A_441 : vector<16xi32>
        %mul3A_443 = arith.constant 16 : i32
        %mul3A_444 = arith.muli %scan3A_435, %mul3A_443 : i32
        %swap3A_445 = arith.index_cast %mul3A_444 : i32 to index
        %swap3A_446 = tpu.vector_load %arg25[%swap3A_445] {strides = array<i32>} : memref<128xi32, #tpu.memory_space<vmem>>, vector<16xi32>,
        tpu.vector_store %arg25[%swap3A_445], %add3A_442 {strides = array<i32>} : memref<128xi32, #tpu.memory_space<vmem>>, vector<16xi32>,
        %mul3A_447 = arith.constant 16 : i32
        %mul3A_448 = arith.muli %scan3A_435, %mul3A_447 : i32
        %get3A_449 = arith.index_cast %mul3A_448 : i32 to index
        %get3A_450 = tpu.vector_load %arg18[%get3A_449] {strides = array<i32>} : memref<128xi32, #tpu.memory_space<vmem>>, vector<16xi32>,
        %add3A_451 = arith.constant 12800 : i32
        %add3A_452 = vector.broadcast %add3A_451 : i32 to vector<16xi32>
        %add3A_453 = arith.addi %get3A_450, %add3A_452 : vector<16xi32>
        %mul3A_454 = arith.constant 16 : i32
        %mul3A_455 = arith.muli %scan3A_435, %mul3A_454 : i32
        %swap3A_456 = arith.index_cast %mul3A_455 : i32 to index
        %swap3A_457 = tpu.vector_load %arg19[%swap3A_456] {strides = array<i32>} : memref<128xi32, #tpu.memory_space<vmem>>, vector<16xi32>,
        tpu.vector_store %arg19[%swap3A_456], %add3A_453 {strides = array<i32>} : memref<128xi32, #tpu.memory_space<vmem>>, vector<16xi32>,
        %scan3A_458 = arith.constant 0 : i32
        scf.yield %scan3A_458 : i32
      }
      %scan3A_371 = arith.constant 8 : i32
      %dma_start3A_372 = arith.constant 0 : i32
      %dma_start3A_373 = tpu.memref_slice %arg3[%dma_start3A_372] : memref<2095104xf32, #tpu.memory_space<hbm>> -> memref<2095104xf32, #tpu.memory_space<hbm>>
      tpu.enqueue_indirect_dma source(%dma_start3A_373 : memref<2095104xf32, #tpu.memory_space<hbm>>) target(%arg26 : memref<128xf32, #tpu.memory_space<vmem>>) offsets(%arg25 : memref<128xi32, #tpu.memory_space<vmem>>) semaphore(%arg30 : memref<!tpu.dma_semaphore, #tpu.memory_space<semaphore_mem>>)
      %dma_start3A_374 = arith.constant 0 : i32
      %dma_start3A_375 = tpu.memref_slice %arg4[%dma_start3A_374] : memref<2095104xf32, #tpu.memory_space<hbm>> -> memref<2095104xf32, #tpu.memory_space<hbm>>
      tpu.enqueue_indirect_dma source(%dma_start3A_375 : memref<2095104xf32, #tpu.memory_space<hbm>>) target(%arg27 : memref<128xf32, #tpu.memory_space<vmem>>) offsets(%arg25 : memref<128xi32, #tpu.memory_space<vmem>>) semaphore(%arg31 : memref<!tpu.dma_semaphore, #tpu.memory_space<semaphore_mem>>)
      %dma_wait3A_376 = arith.constant 0 : i32
      %dma_wait3A_377 = tpu.memref_slice %arg3[%dma_wait3A_376] : memref<2095104xf32, #tpu.memory_space<hbm>> -> memref<2095104xf32, #tpu.memory_space<hbm>>
      tpu.wait_indirect_dma semaphore(%arg30 : memref<!tpu.dma_semaphore, #tpu.memory_space<semaphore_mem>>) src(%dma_wait3A_377 : memref<2095104xf32, #tpu.memory_space<hbm>>) dst(%arg26 : memref<128xf32, #tpu.memory_space<vmem>>)
      %dma_wait3A_378 = arith.constant 0 : i32
      %dma_wait3A_379 = tpu.memref_slice %arg4[%dma_wait3A_378] : memref<2095104xf32, #tpu.memory_space<hbm>> -> memref<2095104xf32, #tpu.memory_space<hbm>>
      tpu.wait_indirect_dma semaphore(%arg31 : memref<!tpu.dma_semaphore, #tpu.memory_space<semaphore_mem>>) src(%dma_wait3A_379 : memref<2095104xf32, #tpu.memory_space<hbm>>) dst(%arg27 : memref<128xf32, #tpu.memory_space<vmem>>)
      %dma_start3A_380 = arith.constant 0 : i32
      %dma_start3A_381 = tpu.memref_slice %arg7[%dma_start3A_380] : memref<51200xf32, #tpu.memory_space<hbm>> -> memref<51200xf32, #tpu.memory_space<hbm>>
      tpu.enqueue_indirect_dma source(%arg26 : memref<128xf32, #tpu.memory_space<vmem>>) target(%dma_start3A_381 : memref<51200xf32, #tpu.memory_space<hbm>>) offsets(%arg19 : memref<128xi32, #tpu.memory_space<vmem>>) semaphore(%arg30 : memref<!tpu.dma_semaphore, #tpu.memory_space<semaphore_mem>>)
      %dma_start3A_382 = arith.constant 0 : i32
      %dma_start3A_383 = tpu.memref_slice %arg8[%dma_start3A_382] : memref<51200xf32, #tpu.memory_space<hbm>> -> memref<51200xf32, #tpu.memory_space<hbm>>
      tpu.enqueue_indirect_dma source(%arg27 : memref<128xf32, #tpu.memory_space<vmem>>) target(%dma_start3A_383 : memref<51200xf32, #tpu.memory_space<hbm>>) offsets(%arg19 : memref<128xi32, #tpu.memory_space<vmem>>) semaphore(%arg31 : memref<!tpu.dma_semaphore, #tpu.memory_space<semaphore_mem>>)
      %dma_wait3A_384 = arith.constant 0 : i32
      %dma_wait3A_385 = tpu.memref_slice %arg7[%dma_wait3A_384] : memref<51200xf32, #tpu.memory_space<hbm>> -> memref<51200xf32, #tpu.memory_space<hbm>>
      tpu.wait_indirect_dma semaphore(%arg30 : memref<!tpu.dma_semaphore, #tpu.memory_space<semaphore_mem>>) src(%arg26 : memref<128xf32, #tpu.memory_space<vmem>>) dst(%dma_wait3A_385 : memref<51200xf32, #tpu.memory_space<hbm>>)
      %dma_wait3A_386 = arith.constant 0 : i32
      %dma_wait3A_387 = tpu.memref_slice %arg8[%dma_wait3A_386] : memref<51200xf32, #tpu.memory_space<hbm>> -> memref<51200xf32, #tpu.memory_space<hbm>>
      tpu.wait_indirect_dma semaphore(%arg31 : memref<!tpu.dma_semaphore, #tpu.memory_space<semaphore_mem>>) src(%arg27 : memref<128xf32, #tpu.memory_space<vmem>>) dst(%dma_wait3A_387 : memref<51200xf32, #tpu.memory_space<hbm>>)
      %scan3A_388 = arith.constant 0 : i32
      %scan3A_389 = arith.constant 0 : i32
      %scan3A_390 = arith.constant 8 : i32
      %scan3A_391 = arith.addi %scan3A_389, %scan3A_390 : i32
      %scan3A_392 = arith.constant 1 : i32
      %scan3A_393 = scf.for %scan3A_435 = %scan3A_389 to %scan3A_391 step %scan3A_392 iter_args(%scan3A_436 = %scan3A_388) -> (i32)  : i32 {
        %mul3A_437 = arith.constant 16 : i32
        %mul3A_438 = arith.muli %scan3A_435, %mul3A_437 : i32
        %get3A = arith.index_cast %mul3A_438 : i32 to index
        %get3A_439 = tpu.vector_load %arg20[%get3A] {strides = array<i32>} : memref<128xi32, #tpu.memory_space<vmem>>, vector<16xi32>,
        %add3A_440 = arith.constant 2 : i32
        %add3A_441 = vector.broadcast %add3A_440 : i32 to vector<16xi32>
        %add3A_442 = arith.addi %get3A_439, %add3A_441 : vector<16xi32>
        %mul3A_443 = arith.constant 16 : i32
        %mul3A_444 = arith.muli %scan3A_435, %mul3A_443 : i32
        %swap3A_445 = arith.index_cast %mul3A_444 : i32 to index
        %swap3A_446 = tpu.vector_load %arg25[%swap3A_445] {strides = array<i32>} : memref<128xi32, #tpu.memory_space<vmem>>, vector<16xi32>,
        tpu.vector_store %arg25[%swap3A_445], %add3A_442 {strides = array<i32>} : memref<128xi32, #tpu.memory_space<vmem>>, vector<16xi32>,
        %mul3A_447 = arith.constant 16 : i32
        %mul3A_448 = arith.muli %scan3A_435, %mul3A_447 : i32
        %get3A_449 = arith.index_cast %mul3A_448 : i32 to index
        %get3A_450 = tpu.vector_load %arg18[%get3A_449] {strides = array<i32>} : memref<128xi32, #tpu.memory_space<vmem>>, vector<16xi32>,
        %add3A_451 = arith.constant 25600 : i32
        %add3A_452 = vector.broadcast %add3A_451 : i32 to vector<16xi32>
        %add3A_453 = arith.addi %get3A_450, %add3A_452 : vector<16xi32>
        %mul3A_454 = arith.constant 16 : i32
        %mul3A_455 = arith.muli %scan3A_435, %mul3A_454 : i32
        %swap3A_456 = arith.index_cast %mul3A_455 : i32 to index
        %swap3A_457 = tpu.vector_load %arg19[%swap3A_456] {strides = array<i32>} : memref<128xi32, #tpu.memory_space<vmem>>, vector<16xi32>,
        tpu.vector_store %arg19[%swap3A_456], %add3A_453 {strides = array<i32>} : memref<128xi32, #tpu.memory_space<vmem>>, vector<16xi32>,
        %scan3A_458 = arith.constant 0 : i32
        scf.yield %scan3A_458 : i32
      }
      %scan3A_394 = arith.constant 8 : i32
      %dma_start3A_395 = arith.constant 0 : i32
      %dma_start3A_396 = tpu.memref_slice %arg3[%dma_start3A_395] : memref<2095104xf32, #tpu.memory_space<hbm>> -> memref<2095104xf32, #tpu.memory_space<hbm>>
      tpu.enqueue_indirect_dma source(%dma_start3A_396 : memref<2095104xf32, #tpu.memory_space<hbm>>) target(%arg26 : memref<128xf32, #tpu.memory_space<vmem>>) offsets(%arg25 : memref<128xi32, #tpu.memory_space<vmem>>) semaphore(%arg30 : memref<!tpu.dma_semaphore, #tpu.memory_space<semaphore_mem>>)
      %dma_start3A_397 = arith.constant 0 : i32
      %dma_start3A_398 = tpu.memref_slice %arg4[%dma_start3A_397] : memref<2095104xf32, #tpu.memory_space<hbm>> -> memref<2095104xf32, #tpu.memory_space<hbm>>
      tpu.enqueue_indirect_dma source(%dma_start3A_398 : memref<2095104xf32, #tpu.memory_space<hbm>>) target(%arg27 : memref<128xf32, #tpu.memory_space<vmem>>) offsets(%arg25 : memref<128xi32, #tpu.memory_space<vmem>>) semaphore(%arg31 : memref<!tpu.dma_semaphore, #tpu.memory_space<semaphore_mem>>)
      %dma_wait3A_399 = arith.constant 0 : i32
      %dma_wait3A_400 = tpu.memref_slice %arg3[%dma_wait3A_399] : memref<2095104xf32, #tpu.memory_space<hbm>> -> memref<2095104xf32, #tpu.memory_space<hbm>>
      tpu.wait_indirect_dma semaphore(%arg30 : memref<!tpu.dma_semaphore, #tpu.memory_space<semaphore_mem>>) src(%dma_wait3A_400 : memref<2095104xf32, #tpu.memory_space<hbm>>) dst(%arg26 : memref<128xf32, #tpu.memory_space<vmem>>)
      %dma_wait3A_401 = arith.constant 0 : i32
      %dma_wait3A_402 = tpu.memref_slice %arg4[%dma_wait3A_401] : memref<2095104xf32, #tpu.memory_space<hbm>> -> memref<2095104xf32, #tpu.memory_space<hbm>>
      tpu.wait_indirect_dma semaphore(%arg31 : memref<!tpu.dma_semaphore, #tpu.memory_space<semaphore_mem>>) src(%dma_wait3A_402 : memref<2095104xf32, #tpu.memory_space<hbm>>) dst(%arg27 : memref<128xf32, #tpu.memory_space<vmem>>)
      %dma_start3A_403 = arith.constant 0 : i32
      %dma_start3A_404 = tpu.memref_slice %arg7[%dma_start3A_403] : memref<51200xf32, #tpu.memory_space<hbm>> -> memref<51200xf32, #tpu.memory_space<hbm>>
      tpu.enqueue_indirect_dma source(%arg26 : memref<128xf32, #tpu.memory_space<vmem>>) target(%dma_start3A_404 : memref<51200xf32, #tpu.memory_space<hbm>>) offsets(%arg19 : memref<128xi32, #tpu.memory_space<vmem>>) semaphore(%arg30 : memref<!tpu.dma_semaphore, #tpu.memory_space<semaphore_mem>>)
      %dma_start3A_405 = arith.constant 0 : i32
      %dma_start3A_406 = tpu.memref_slice %arg8[%dma_start3A_405] : memref<51200xf32, #tpu.memory_space<hbm>> -> memref<51200xf32, #tpu.memory_space<hbm>>
      tpu.enqueue_indirect_dma source(%arg27 : memref<128xf32, #tpu.memory_space<vmem>>) target(%dma_start3A_406 : memref<51200xf32, #tpu.memory_space<hbm>>) offsets(%arg19 : memref<128xi32, #tpu.memory_space<vmem>>) semaphore(%arg31 : memref<!tpu.dma_semaphore, #tpu.memory_space<semaphore_mem>>)
      %dma_wait3A_407 = arith.constant 0 : i32
      %dma_wait3A_408 = tpu.memref_slice %arg7[%dma_wait3A_407] : memref<51200xf32, #tpu.memory_space<hbm>> -> memref<51200xf32, #tpu.memory_space<hbm>>
      tpu.wait_indirect_dma semaphore(%arg30 : memref<!tpu.dma_semaphore, #tpu.memory_space<semaphore_mem>>) src(%arg26 : memref<128xf32, #tpu.memory_space<vmem>>) dst(%dma_wait3A_408 : memref<51200xf32, #tpu.memory_space<hbm>>)
      %dma_wait3A_409 = arith.constant 0 : i32
      %dma_wait3A_410 = tpu.memref_slice %arg8[%dma_wait3A_409] : memref<51200xf32, #tpu.memory_space<hbm>> -> memref<51200xf32, #tpu.memory_space<hbm>>
      tpu.wait_indirect_dma semaphore(%arg31 : memref<!tpu.dma_semaphore, #tpu.memory_space<semaphore_mem>>) src(%arg27 : memref<128xf32, #tpu.memory_space<vmem>>) dst(%dma_wait3A_410 : memref<51200xf32, #tpu.memory_space<hbm>>)
      %scan3A_411 = arith.constant 0 : i32
      %scan3A_412 = arith.constant 0 : i32
      %scan3A_413 = arith.constant 8 : i32
      %scan3A_414 = arith.addi %scan3A_412, %scan3A_413 : i32
      %scan3A_415 = arith.constant 1 : i32
      %scan3A_416 = scf.for %scan3A_435 = %scan3A_412 to %scan3A_414 step %scan3A_415 iter_args(%scan3A_436 = %scan3A_411) -> (i32)  : i32 {
        %mul3A_437 = arith.constant 16 : i32
        %mul3A_438 = arith.muli %scan3A_435, %mul3A_437 : i32
        %get3A = arith.index_cast %mul3A_438 : i32 to index
        %get3A_439 = tpu.vector_load %arg20[%get3A] {strides = array<i32>} : memref<128xi32, #tpu.memory_space<vmem>>, vector<16xi32>,
        %add3A_440 = arith.constant 3 : i32
        %add3A_441 = vector.broadcast %add3A_440 : i32 to vector<16xi32>
        %add3A_442 = arith.addi %get3A_439, %add3A_441 : vector<16xi32>
        %mul3A_443 = arith.constant 16 : i32
        %mul3A_444 = arith.muli %scan3A_435, %mul3A_443 : i32
        %swap3A_445 = arith.index_cast %mul3A_444 : i32 to index
        %swap3A_446 = tpu.vector_load %arg25[%swap3A_445] {strides = array<i32>} : memref<128xi32, #tpu.memory_space<vmem>>, vector<16xi32>,
        tpu.vector_store %arg25[%swap3A_445], %add3A_442 {strides = array<i32>} : memref<128xi32, #tpu.memory_space<vmem>>, vector<16xi32>,
        %mul3A_447 = arith.constant 16 : i32
        %mul3A_448 = arith.muli %scan3A_435, %mul3A_447 : i32
        %get3A_449 = arith.index_cast %mul3A_448 : i32 to index
        %get3A_450 = tpu.vector_load %arg18[%get3A_449] {strides = array<i32>} : memref<128xi32, #tpu.memory_space<vmem>>, vector<16xi32>,
        %add3A_451 = arith.constant 38400 : i32
        %add3A_452 = vector.broadcast %add3A_451 : i32 to vector<16xi32>
        %add3A_453 = arith.addi %get3A_450, %add3A_452 : vector<16xi32>
        %mul3A_454 = arith.constant 16 : i32
        %mul3A_455 = arith.muli %scan3A_435, %mul3A_454 : i32
        %swap3A_456 = arith.index_cast %mul3A_455 : i32 to index
        %swap3A_457 = tpu.vector_load %arg19[%swap3A_456] {strides = array<i32>} : memref<128xi32, #tpu.memory_space<vmem>>, vector<16xi32>,
        tpu.vector_store %arg19[%swap3A_456], %add3A_453 {strides = array<i32>} : memref<128xi32, #tpu.memory_space<vmem>>, vector<16xi32>,
        %scan3A_458 = arith.constant 0 : i32
        scf.yield %scan3A_458 : i32
      }
      %scan3A_417 = arith.constant 8 : i32
      %dma_start3A_418 = arith.constant 0 : i32
      %dma_start3A_419 = tpu.memref_slice %arg3[%dma_start3A_418] : memref<2095104xf32, #tpu.memory_space<hbm>> -> memref<2095104xf32, #tpu.memory_space<hbm>>
      tpu.enqueue_indirect_dma source(%dma_start3A_419 : memref<2095104xf32, #tpu.memory_space<hbm>>) target(%arg26 : memref<128xf32, #tpu.memory_space<vmem>>) offsets(%arg25 : memref<128xi32, #tpu.memory_space<vmem>>) semaphore(%arg30 : memref<!tpu.dma_semaphore, #tpu.memory_space<semaphore_mem>>)
      %dma_start3A_420 = arith.constant 0 : i32
      %dma_start3A_421 = tpu.memref_slice %arg4[%dma_start3A_420] : memref<2095104xf32, #tpu.memory_space<hbm>> -> memref<2095104xf32, #tpu.memory_space<hbm>>
      tpu.enqueue_indirect_dma source(%dma_start3A_421 : memref<2095104xf32, #tpu.memory_space<hbm>>) target(%arg27 : memref<128xf32, #tpu.memory_space<vmem>>) offsets(%arg25 : memref<128xi32, #tpu.memory_space<vmem>>) semaphore(%arg31 : memref<!tpu.dma_semaphore, #tpu.memory_space<semaphore_mem>>)
      %dma_wait3A_422 = arith.constant 0 : i32
      %dma_wait3A_423 = tpu.memref_slice %arg3[%dma_wait3A_422] : memref<2095104xf32, #tpu.memory_space<hbm>> -> memref<2095104xf32, #tpu.memory_space<hbm>>
      tpu.wait_indirect_dma semaphore(%arg30 : memref<!tpu.dma_semaphore, #tpu.memory_space<semaphore_mem>>) src(%dma_wait3A_423 : memref<2095104xf32, #tpu.memory_space<hbm>>) dst(%arg26 : memref<128xf32, #tpu.memory_space<vmem>>)
      %dma_wait3A_424 = arith.constant 0 : i32
      %dma_wait3A_425 = tpu.memref_slice %arg4[%dma_wait3A_424] : memref<2095104xf32, #tpu.memory_space<hbm>> -> memref<2095104xf32, #tpu.memory_space<hbm>>
      tpu.wait_indirect_dma semaphore(%arg31 : memref<!tpu.dma_semaphore, #tpu.memory_space<semaphore_mem>>) src(%dma_wait3A_425 : memref<2095104xf32, #tpu.memory_space<hbm>>) dst(%arg27 : memref<128xf32, #tpu.memory_space<vmem>>)
      %dma_start3A_426 = arith.constant 0 : i32
      %dma_start3A_427 = tpu.memref_slice %arg7[%dma_start3A_426] : memref<51200xf32, #tpu.memory_space<hbm>> -> memref<51200xf32, #tpu.memory_space<hbm>>
      tpu.enqueue_indirect_dma source(%arg26 : memref<128xf32, #tpu.memory_space<vmem>>) target(%dma_start3A_427 : memref<51200xf32, #tpu.memory_space<hbm>>) offsets(%arg19 : memref<128xi32, #tpu.memory_space<vmem>>) semaphore(%arg30 : memref<!tpu.dma_semaphore, #tpu.memory_space<semaphore_mem>>)
      %dma_start3A_428 = arith.constant 0 : i32
      %dma_start3A_429 = tpu.memref_slice %arg8[%dma_start3A_428] : memref<51200xf32, #tpu.memory_space<hbm>> -> memref<51200xf32, #tpu.memory_space<hbm>>
      tpu.enqueue_indirect_dma source(%arg27 : memref<128xf32, #tpu.memory_space<vmem>>) target(%dma_start3A_429 : memref<51200xf32, #tpu.memory_space<hbm>>) offsets(%arg19 : memref<128xi32, #tpu.memory_space<vmem>>) semaphore(%arg31 : memref<!tpu.dma_semaphore, #tpu.memory_space<semaphore_mem>>)
      %dma_wait3A_430 = arith.constant 0 : i32
      %dma_wait3A_431 = tpu.memref_slice %arg7[%dma_wait3A_430] : memref<51200xf32, #tpu.memory_space<hbm>> -> memref<51200xf32, #tpu.memory_space<hbm>>
      tpu.wait_indirect_dma semaphore(%arg30 : memref<!tpu.dma_semaphore, #tpu.memory_space<semaphore_mem>>) src(%arg26 : memref<128xf32, #tpu.memory_space<vmem>>) dst(%dma_wait3A_431 : memref<51200xf32, #tpu.memory_space<hbm>>)
      %dma_wait3A_432 = arith.constant 0 : i32
      %dma_wait3A_433 = tpu.memref_slice %arg8[%dma_wait3A_432] : memref<51200xf32, #tpu.memory_space<hbm>> -> memref<51200xf32, #tpu.memory_space<hbm>>
      tpu.wait_indirect_dma semaphore(%arg31 : memref<!tpu.dma_semaphore, #tpu.memory_space<semaphore_mem>>) src(%arg27 : memref<128xf32, #tpu.memory_space<vmem>>) dst(%dma_wait3A_433 : memref<51200xf32, #tpu.memory_space<hbm>>)
      %while3A_434 = arith.constant 0 : i32
      scf.yield %while3A_434 : i32
    }
    %while3A_279 = arith.constant 1 : i32
    %while3A_280 = scf.for %while3A_319 = %while3A_276 to %while3A_272 step %while3A_279 iter_args(%while3A_320 = %while3A_278) -> (i32)  : i32 {
      %scan3A_321 = arith.constant 0 : i32
      %scan3A_322 = arith.constant 0 : i32
      %scan3A_323 = arith.constant 8 : i32
      %scan3A_324 = arith.addi %scan3A_322, %scan3A_323 : i32
      %scan3A_325 = arith.constant 1 : i32
      %scan3A_326 = scf.for %scan3A_435 = %scan3A_322 to %scan3A_324 step %scan3A_325 iter_args(%scan3A_436 = %scan3A_321) -> (i32)  : i32 {
        %mul3A_437 = arith.constant 128 : i32
        %mul3A_438 = arith.muli %while3A_319, %mul3A_437 : i32
        %mul3A_439 = arith.constant 16 : i32
        %mul3A_440 = arith.muli %scan3A_435, %mul3A_439 : i32
        %add3A_441 = arith.addi %mul3A_438, %mul3A_440 : i32
        %add3A_442 = vector.broadcast %add3A_441 : i32 to vector<16xi32>
        %add3A_443 = arith.addi %add3A_442, %iota3A : vector<16xi32>
        %lt3A = vector.broadcast %scan3A_185#0 : i32 to vector<16xi32>
        %lt3A_444 = arith.cmpi slt, %add3A_443, %lt3A : vector<16xi32>
        %add3A_445 = vector.broadcast %add3A_213 : i32 to vector<16xi32>
        %add3A_446 = arith.addi %add3A_445, %add3A_443 : vector<16xi32>
        %broadcast_in_dim3A_447 = vector.broadcast %add3A_225 : i32 to vector<16xi32>
        %select_n3A_448 = arith.select %lt3A_444, %add3A_446, %broadcast_in_dim3A_447 : vector<16xi1>, vector<16xi32>
        %mul3A_449 = arith.constant 16 : i32
        %mul3A_450 = arith.muli %scan3A_435, %mul3A_449 : i32
        %swap3A_451 = arith.index_cast %mul3A_450 : i32 to index
        %swap3A_452 = tpu.vector_load %arg18[%swap3A_451] {strides = array<i32>} : memref<128xi32, #tpu.memory_space<vmem>>, vector<16xi32>,
        tpu.vector_store %arg18[%swap3A_451], %select_n3A_448 {strides = array<i32>} : memref<128xi32, #tpu.memory_space<vmem>>, vector<16xi32>,
        %mul3A_453 = arith.constant 128 : i32
        %mul3A_454 = arith.muli %while3A_319, %mul3A_453 : i32
        %mul3A_455 = arith.constant 16 : i32
        %mul3A_456 = arith.muli %scan3A_435, %mul3A_455 : i32
        %add3A_457 = arith.addi %mul3A_454, %mul3A_456 : i32
        %get3A = arith.index_cast %add3A_457 : i32 to index
        %get3A_458 = tpu.vector_load %arg14[%get3A] {strides = array<i32>} : memref<6016xi32, #tpu.memory_space<vmem>>, vector<16xi32>,
        %max3A_459 = arith.constant 0 : i32
        %max3A_460 = vector.broadcast %max3A_459 : i32 to vector<16xi32>
        %max3A_461 = arith.maxsi %get3A_458, %max3A_460 : vector<16xi32>
        %min3A_462 = arith.constant 261887 : i32
        %min3A_463 = vector.broadcast %min3A_462 : i32 to vector<16xi32>
        %min3A_464 = arith.minsi %max3A_461, %min3A_463 : vector<16xi32>
        %mul3A_465 = arith.constant 261888 : i32
        %mul3A_466 = arith.muli %arg0, %mul3A_465 : i32
        %add3A_467 = vector.broadcast %mul3A_466 : i32 to vector<16xi32>
        %add3A_468 = arith.addi %min3A_464, %add3A_467 : vector<16xi32>
        %mul3A_469 = arith.constant 4 : i32
        %mul3A_470 = vector.broadcast %mul3A_469 : i32 to vector<16xi32>
        %mul3A_471 = arith.muli %add3A_468, %mul3A_470 : vector<16xi32>
        %mul3A_472 = arith.constant 16 : i32
        %mul3A_473 = arith.muli %scan3A_435, %mul3A_472 : i32
        %swap3A_474 = arith.index_cast %mul3A_473 : i32 to index
        %swap3A_475 = tpu.vector_load %arg20[%swap3A_474] {strides = array<i32>} : memref<128xi32, #tpu.memory_space<vmem>>, vector<16xi32>,
        tpu.vector_store %arg20[%swap3A_474], %mul3A_471 {strides = array<i32>} : memref<128xi32, #tpu.memory_space<vmem>>, vector<16xi32>,
        %scan3A_476 = arith.constant 0 : i32
        scf.yield %scan3A_476 : i32
      }
      %scan3A_327 = arith.constant 8 : i32
      %mul3A_328 = arith.constant 128 : i32
      %mul3A_329 = arith.muli %while3A_319, %mul3A_328 : i32
      %dma_start3A = tpu.memref_slice %arg14[%mul3A_329] : memref<6016xi32, #tpu.memory_space<vmem>> -> memref<128xi32, #tpu.memory_space<vmem>>
      %dma_start3A_330 = arith.constant 0 : i32
      %dma_start3A_331 = tpu.memref_slice %arg6[%dma_start3A_330] : memref<12800xi32, #tpu.memory_space<hbm>> -> memref<12800xi32, #tpu.memory_space<hbm>>
      tpu.enqueue_indirect_dma source(%dma_start3A : memref<128xi32, #tpu.memory_space<vmem>>) target(%dma_start3A_331 : memref<12800xi32, #tpu.memory_space<hbm>>) offsets(%arg18 : memref<128xi32, #tpu.memory_space<vmem>>) semaphore(%arg30 : memref<!tpu.dma_semaphore, #tpu.memory_space<semaphore_mem>>)
      %mul3A_332 = arith.constant 128 : i32
      %mul3A_333 = arith.muli %while3A_319, %mul3A_332 : i32
      %dma_start3A_334 = tpu.memref_slice %arg15[%mul3A_333] : memref<6016xf32, #tpu.memory_space<vmem>> -> memref<128xf32, #tpu.memory_space<vmem>>
      %dma_start3A_335 = arith.constant 0 : i32
      %dma_start3A_336 = tpu.memref_slice %arg5[%dma_start3A_335] : memref<12800xf32, #tpu.memory_space<hbm>> -> memref<12800xf32, #tpu.memory_space<hbm>>
      tpu.enqueue_indirect_dma source(%dma_start3A_334 : memref<128xf32, #tpu.memory_space<vmem>>) target(%dma_start3A_336 : memref<12800xf32, #tpu.memory_space<hbm>>) offsets(%arg18 : memref<128xi32, #tpu.memory_space<vmem>>) semaphore(%arg31 : memref<!tpu.dma_semaphore, #tpu.memory_space<semaphore_mem>>)
      %dma_wait3A = tpu.memref_slice %arg14[%mul3A_329] : memref<6016xi32, #tpu.memory_space<vmem>> -> memref<128xi32, #tpu.memory_space<vmem>>
      %dma_wait3A_337 = arith.constant 0 : i32
      %dma_wait3A_338 = tpu.memref_slice %arg6[%dma_wait3A_337] : memref<12800xi32, #tpu.memory_space<hbm>> -> memref<12800xi32, #tpu.memory_space<hbm>>
      tpu.wait_indirect_dma semaphore(%arg30 : memref<!tpu.dma_semaphore, #tpu.memory_space<semaphore_mem>>) src(%dma_wait3A : memref<128xi32, #tpu.memory_space<vmem>>) dst(%dma_wait3A_338 : memref<12800xi32, #tpu.memory_space<hbm>>)
      %dma_wait3A_339 = tpu.memref_slice %arg15[%mul3A_333] : memref<6016xf32, #tpu.memory_space<vmem>> -> memref<128xf32, #tpu.memory_space<vmem>>
      %dma_wait3A_340 = arith.constant 0 : i32
      %dma_wait3A_341 = tpu.memref_slice %arg5[%dma_wait3A_340] : memref<12800xf32, #tpu.memory_space<hbm>> -> memref<12800xf32, #tpu.memory_space<hbm>>
      tpu.wait_indirect_dma semaphore(%arg31 : memref<!tpu.dma_semaphore, #tpu.memory_space<semaphore_mem>>) src(%dma_wait3A_339 : memref<128xf32, #tpu.memory_space<vmem>>) dst(%dma_wait3A_341 : memref<12800xf32, #tpu.memory_space<hbm>>)
      %scan3A_342 = arith.constant 0 : i32
      %scan3A_343 = arith.constant 0 : i32
      %scan3A_344 = arith.constant 8 : i32
      %scan3A_345 = arith.addi %scan3A_343, %scan3A_344 : i32
      %scan3A_346 = arith.constant 1 : i32
      %scan3A_347 = scf.for %scan3A_435 = %scan3A_343 to %scan3A_345 step %scan3A_346 iter_args(%scan3A_436 = %scan3A_342) -> (i32)  : i32 {
        %mul3A_437 = arith.constant 16 : i32
        %mul3A_438 = arith.muli %scan3A_435, %mul3A_437 : i32
        %get3A = arith.index_cast %mul3A_438 : i32 to index
        %get3A_439 = tpu.vector_load %arg20[%get3A] {strides = array<i32>} : memref<128xi32, #tpu.memory_space<vmem>>, vector<16xi32>,
        %add3A_440 = arith.constant 0 : i32
        %add3A_441 = vector.broadcast %add3A_440 : i32 to vector<16xi32>
        %add3A_442 = arith.addi %get3A_439, %add3A_441 : vector<16xi32>
        %mul3A_443 = arith.constant 16 : i32
        %mul3A_444 = arith.muli %scan3A_435, %mul3A_443 : i32
        %swap3A_445 = arith.index_cast %mul3A_444 : i32 to index
        %swap3A_446 = tpu.vector_load %arg25[%swap3A_445] {strides = array<i32>} : memref<128xi32, #tpu.memory_space<vmem>>, vector<16xi32>,
        tpu.vector_store %arg25[%swap3A_445], %add3A_442 {strides = array<i32>} : memref<128xi32, #tpu.memory_space<vmem>>, vector<16xi32>,
        %mul3A_447 = arith.constant 16 : i32
        %mul3A_448 = arith.muli %scan3A_435, %mul3A_447 : i32
        %get3A_449 = arith.index_cast %mul3A_448 : i32 to index
        %get3A_450 = tpu.vector_load %arg18[%get3A_449] {strides = array<i32>} : memref<128xi32, #tpu.memory_space<vmem>>, vector<16xi32>,
        %add3A_451 = arith.constant 0 : i32
        %add3A_452 = vector.broadcast %add3A_451 : i32 to vector<16xi32>
        %add3A_453 = arith.addi %get3A_450, %add3A_452 : vector<16xi32>
        %mul3A_454 = arith.constant 16 : i32
        %mul3A_455 = arith.muli %scan3A_435, %mul3A_454 : i32
        %swap3A_456 = arith.index_cast %mul3A_455 : i32 to index
        %swap3A_457 = tpu.vector_load %arg19[%swap3A_456] {strides = array<i32>} : memref<128xi32, #tpu.memory_space<vmem>>, vector<16xi32>,
        tpu.vector_store %arg19[%swap3A_456], %add3A_453 {strides = array<i32>} : memref<128xi32, #tpu.memory_space<vmem>>, vector<16xi32>,
        %scan3A_458 = arith.constant 0 : i32
        scf.yield %scan3A_458 : i32
      }
      %scan3A_348 = arith.constant 8 : i32
      %dma_start3A_349 = arith.constant 0 : i32
      %dma_start3A_350 = tpu.memref_slice %arg3[%dma_start3A_349] : memref<2095104xf32, #tpu.memory_space<hbm>> -> memref<2095104xf32, #tpu.memory_space<hbm>>
      tpu.enqueue_indirect_dma source(%dma_start3A_350 : memref<2095104xf32, #tpu.memory_space<hbm>>) target(%arg26 : memref<128xf32, #tpu.memory_space<vmem>>) offsets(%arg25 : memref<128xi32, #tpu.memory_space<vmem>>) semaphore(%arg30 : memref<!tpu.dma_semaphore, #tpu.memory_space<semaphore_mem>>)
      %dma_start3A_351 = arith.constant 0 : i32
      %dma_start3A_352 = tpu.memref_slice %arg4[%dma_start3A_351] : memref<2095104xf32, #tpu.memory_space<hbm>> -> memref<2095104xf32, #tpu.memory_space<hbm>>
      tpu.enqueue_indirect_dma source(%dma_start3A_352 : memref<2095104xf32, #tpu.memory_space<hbm>>) target(%arg27 : memref<128xf32, #tpu.memory_space<vmem>>) offsets(%arg25 : memref<128xi32, #tpu.memory_space<vmem>>) semaphore(%arg31 : memref<!tpu.dma_semaphore, #tpu.memory_space<semaphore_mem>>)
      %dma_wait3A_353 = arith.constant 0 : i32
      %dma_wait3A_354 = tpu.memref_slice %arg3[%dma_wait3A_353] : memref<2095104xf32, #tpu.memory_space<hbm>> -> memref<2095104xf32, #tpu.memory_space<hbm>>
      tpu.wait_indirect_dma semaphore(%arg30 : memref<!tpu.dma_semaphore, #tpu.memory_space<semaphore_mem>>) src(%dma_wait3A_354 : memref<2095104xf32, #tpu.memory_space<hbm>>) dst(%arg26 : memref<128xf32, #tpu.memory_space<vmem>>)
      %dma_wait3A_355 = arith.constant 0 : i32
      %dma_wait3A_356 = tpu.memref_slice %arg4[%dma_wait3A_355] : memref<2095104xf32, #tpu.memory_space<hbm>> -> memref<2095104xf32, #tpu.memory_space<hbm>>
      tpu.wait_indirect_dma semaphore(%arg31 : memref<!tpu.dma_semaphore, #tpu.memory_space<semaphore_mem>>) src(%dma_wait3A_356 : memref<2095104xf32, #tpu.memory_space<hbm>>) dst(%arg27 : memref<128xf32, #tpu.memory_space<vmem>>)
      %dma_start3A_357 = arith.constant 0 : i32
      %dma_start3A_358 = tpu.memref_slice %arg7[%dma_start3A_357] : memref<51200xf32, #tpu.memory_space<hbm>> -> memref<51200xf32, #tpu.memory_space<hbm>>
      tpu.enqueue_indirect_dma source(%arg26 : memref<128xf32, #tpu.memory_space<vmem>>) target(%dma_start3A_358 : memref<51200xf32, #tpu.memory_space<hbm>>) offsets(%arg19 : memref<128xi32, #tpu.memory_space<vmem>>) semaphore(%arg30 : memref<!tpu.dma_semaphore, #tpu.memory_space<semaphore_mem>>)
      %dma_start3A_359 = arith.constant 0 : i32
      %dma_start3A_360 = tpu.memref_slice %arg8[%dma_start3A_359] : memref<51200xf32, #tpu.memory_space<hbm>> -> memref<51200xf32, #tpu.memory_space<hbm>>
      tpu.enqueue_indirect_dma source(%arg27 : memref<128xf32, #tpu.memory_space<vmem>>) target(%dma_start3A_360 : memref<51200xf32, #tpu.memory_space<hbm>>) offsets(%arg19 : memref<128xi32, #tpu.memory_space<vmem>>) semaphore(%arg31 : memref<!tpu.dma_semaphore, #tpu.memory_space<semaphore_mem>>)
      %dma_wait3A_361 = arith.constant 0 : i32
      %dma_wait3A_362 = tpu.memref_slice %arg7[%dma_wait3A_361] : memref<51200xf32, #tpu.memory_space<hbm>> -> memref<51200xf32, #tpu.memory_space<hbm>>
      tpu.wait_indirect_dma semaphore(%arg30 : memref<!tpu.dma_semaphore, #tpu.memory_space<semaphore_mem>>) src(%arg26 : memref<128xf32, #tpu.memory_space<vmem>>) dst(%dma_wait3A_362 : memref<51200xf32, #tpu.memory_space<hbm>>)
      %dma_wait3A_363 = arith.constant 0 : i32
      %dma_wait3A_364 = tpu.memref_slice %arg8[%dma_wait3A_363] : memref<51200xf32, #tpu.memory_space<hbm>> -> memref<51200xf32, #tpu.memory_space<hbm>>
      tpu.wait_indirect_dma semaphore(%arg31 : memref<!tpu.dma_semaphore, #tpu.memory_space<semaphore_mem>>) src(%arg27 : memref<128xf32, #tpu.memory_space<vmem>>) dst(%dma_wait3A_364 : memref<51200xf32, #tpu.memory_space<hbm>>)
      %scan3A_365 = arith.constant 0 : i32
      %scan3A_366 = arith.constant 0 : i32
      %scan3A_367 = arith.constant 8 : i32
      %scan3A_368 = arith.addi %scan3A_366, %scan3A_367 : i32
      %scan3A_369 = arith.constant 1 : i32
      %scan3A_370 = scf.for %scan3A_435 = %scan3A_366 to %scan3A_368 step %scan3A_369 iter_args(%scan3A_436 = %scan3A_365) -> (i32)  : i32 {
        %mul3A_437 = arith.constant 16 : i32
        %mul3A_438 = arith.muli %scan3A_435, %mul3A_437 : i32
        %get3A = arith.index_cast %mul3A_438 : i32 to index
        %get3A_439 = tpu.vector_load %arg20[%get3A] {strides = array<i32>} : memref<128xi32, #tpu.memory_space<vmem>>, vector<16xi32>,
        %add3A_440 = arith.constant 1 : i32
        %add3A_441 = vector.broadcast %add3A_440 : i32 to vector<16xi32>
        %add3A_442 = arith.addi %get3A_439, %add3A_441 : vector<16xi32>
        %mul3A_443 = arith.constant 16 : i32
        %mul3A_444 = arith.muli %scan3A_435, %mul3A_443 : i32
        %swap3A_445 = arith.index_cast %mul3A_444 : i32 to index
        %swap3A_446 = tpu.vector_load %arg25[%swap3A_445] {strides = array<i32>} : memref<128xi32, #tpu.memory_space<vmem>>, vector<16xi32>,
        tpu.vector_store %arg25[%swap3A_445], %add3A_442 {strides = array<i32>} : memref<128xi32, #tpu.memory_space<vmem>>, vector<16xi32>,
        %mul3A_447 = arith.constant 16 : i32
        %mul3A_448 = arith.muli %scan3A_435, %mul3A_447 : i32
        %get3A_449 = arith.index_cast %mul3A_448 : i32 to index
        %get3A_450 = tpu.vector_load %arg18[%get3A_449] {strides = array<i32>} : memref<128xi32, #tpu.memory_space<vmem>>, vector<16xi32>,
        %add3A_451 = arith.constant 12800 : i32
        %add3A_452 = vector.broadcast %add3A_451 : i32 to vector<16xi32>
        %add3A_453 = arith.addi %get3A_450, %add3A_452 : vector<16xi32>
        %mul3A_454 = arith.constant 16 : i32
        %mul3A_455 = arith.muli %scan3A_435, %mul3A_454 : i32
        %swap3A_456 = arith.index_cast %mul3A_455 : i32 to index
        %swap3A_457 = tpu.vector_load %arg19[%swap3A_456] {strides = array<i32>} : memref<128xi32, #tpu.memory_space<vmem>>, vector<16xi32>,
        tpu.vector_store %arg19[%swap3A_456], %add3A_453 {strides = array<i32>} : memref<128xi32, #tpu.memory_space<vmem>>, vector<16xi32>,
        %scan3A_458 = arith.constant 0 : i32
        scf.yield %scan3A_458 : i32
      }
      %scan3A_371 = arith.constant 8 : i32
      %dma_start3A_372 = arith.constant 0 : i32
      %dma_start3A_373 = tpu.memref_slice %arg3[%dma_start3A_372] : memref<2095104xf32, #tpu.memory_space<hbm>> -> memref<2095104xf32, #tpu.memory_space<hbm>>
      tpu.enqueue_indirect_dma source(%dma_start3A_373 : memref<2095104xf32, #tpu.memory_space<hbm>>) target(%arg26 : memref<128xf32, #tpu.memory_space<vmem>>) offsets(%arg25 : memref<128xi32, #tpu.memory_space<vmem>>) semaphore(%arg30 : memref<!tpu.dma_semaphore, #tpu.memory_space<semaphore_mem>>)
      %dma_start3A_374 = arith.constant 0 : i32
      %dma_start3A_375 = tpu.memref_slice %arg4[%dma_start3A_374] : memref<2095104xf32, #tpu.memory_space<hbm>> -> memref<2095104xf32, #tpu.memory_space<hbm>>
      tpu.enqueue_indirect_dma source(%dma_start3A_375 : memref<2095104xf32, #tpu.memory_space<hbm>>) target(%arg27 : memref<128xf32, #tpu.memory_space<vmem>>) offsets(%arg25 : memref<128xi32, #tpu.memory_space<vmem>>) semaphore(%arg31 : memref<!tpu.dma_semaphore, #tpu.memory_space<semaphore_mem>>)
      %dma_wait3A_376 = arith.constant 0 : i32
      %dma_wait3A_377 = tpu.memref_slice %arg3[%dma_wait3A_376] : memref<2095104xf32, #tpu.memory_space<hbm>> -> memref<2095104xf32, #tpu.memory_space<hbm>>
      tpu.wait_indirect_dma semaphore(%arg30 : memref<!tpu.dma_semaphore, #tpu.memory_space<semaphore_mem>>) src(%dma_wait3A_377 : memref<2095104xf32, #tpu.memory_space<hbm>>) dst(%arg26 : memref<128xf32, #tpu.memory_space<vmem>>)
      %dma_wait3A_378 = arith.constant 0 : i32
      %dma_wait3A_379 = tpu.memref_slice %arg4[%dma_wait3A_378] : memref<2095104xf32, #tpu.memory_space<hbm>> -> memref<2095104xf32, #tpu.memory_space<hbm>>
      tpu.wait_indirect_dma semaphore(%arg31 : memref<!tpu.dma_semaphore, #tpu.memory_space<semaphore_mem>>) src(%dma_wait3A_379 : memref<2095104xf32, #tpu.memory_space<hbm>>) dst(%arg27 : memref<128xf32, #tpu.memory_space<vmem>>)
      %dma_start3A_380 = arith.constant 0 : i32
      %dma_start3A_381 = tpu.memref_slice %arg7[%dma_start3A_380] : memref<51200xf32, #tpu.memory_space<hbm>> -> memref<51200xf32, #tpu.memory_space<hbm>>
      tpu.enqueue_indirect_dma source(%arg26 : memref<128xf32, #tpu.memory_space<vmem>>) target(%dma_start3A_381 : memref<51200xf32, #tpu.memory_space<hbm>>) offsets(%arg19 : memref<128xi32, #tpu.memory_space<vmem>>) semaphore(%arg30 : memref<!tpu.dma_semaphore, #tpu.memory_space<semaphore_mem>>)
      %dma_start3A_382 = arith.constant 0 : i32
      %dma_start3A_383 = tpu.memref_slice %arg8[%dma_start3A_382] : memref<51200xf32, #tpu.memory_space<hbm>> -> memref<51200xf32, #tpu.memory_space<hbm>>
      tpu.enqueue_indirect_dma source(%arg27 : memref<128xf32, #tpu.memory_space<vmem>>) target(%dma_start3A_383 : memref<51200xf32, #tpu.memory_space<hbm>>) offsets(%arg19 : memref<128xi32, #tpu.memory_space<vmem>>) semaphore(%arg31 : memref<!tpu.dma_semaphore, #tpu.memory_space<semaphore_mem>>)
      %dma_wait3A_384 = arith.constant 0 : i32
      %dma_wait3A_385 = tpu.memref_slice %arg7[%dma_wait3A_384] : memref<51200xf32, #tpu.memory_space<hbm>> -> memref<51200xf32, #tpu.memory_space<hbm>>
      tpu.wait_indirect_dma semaphore(%arg30 : memref<!tpu.dma_semaphore, #tpu.memory_space<semaphore_mem>>) src(%arg26 : memref<128xf32, #tpu.memory_space<vmem>>) dst(%dma_wait3A_385 : memref<51200xf32, #tpu.memory_space<hbm>>)
      %dma_wait3A_386 = arith.constant 0 : i32
      %dma_wait3A_387 = tpu.memref_slice %arg8[%dma_wait3A_386] : memref<51200xf32, #tpu.memory_space<hbm>> -> memref<51200xf32, #tpu.memory_space<hbm>>
      tpu.wait_indirect_dma semaphore(%arg31 : memref<!tpu.dma_semaphore, #tpu.memory_space<semaphore_mem>>) src(%arg27 : memref<128xf32, #tpu.memory_space<vmem>>) dst(%dma_wait3A_387 : memref<51200xf32, #tpu.memory_space<hbm>>)
      %scan3A_388 = arith.constant 0 : i32
      %scan3A_389 = arith.constant 0 : i32
      %scan3A_390 = arith.constant 8 : i32
      %scan3A_391 = arith.addi %scan3A_389, %scan3A_390 : i32
      %scan3A_392 = arith.constant 1 : i32
      %scan3A_393 = scf.for %scan3A_435 = %scan3A_389 to %scan3A_391 step %scan3A_392 iter_args(%scan3A_436 = %scan3A_388) -> (i32)  : i32 {
        %mul3A_437 = arith.constant 16 : i32
        %mul3A_438 = arith.muli %scan3A_435, %mul3A_437 : i32
        %get3A = arith.index_cast %mul3A_438 : i32 to index
        %get3A_439 = tpu.vector_load %arg20[%get3A] {strides = array<i32>} : memref<128xi32, #tpu.memory_space<vmem>>, vector<16xi32>,
        %add3A_440 = arith.constant 2 : i32
        %add3A_441 = vector.broadcast %add3A_440 : i32 to vector<16xi32>
        %add3A_442 = arith.addi %get3A_439, %add3A_441 : vector<16xi32>
        %mul3A_443 = arith.constant 16 : i32
        %mul3A_444 = arith.muli %scan3A_435, %mul3A_443 : i32
        %swap3A_445 = arith.index_cast %mul3A_444 : i32 to index
        %swap3A_446 = tpu.vector_load %arg25[%swap3A_445] {strides = array<i32>} : memref<128xi32, #tpu.memory_space<vmem>>, vector<16xi32>,
        tpu.vector_store %arg25[%swap3A_445], %add3A_442 {strides = array<i32>} : memref<128xi32, #tpu.memory_space<vmem>>, vector<16xi32>,
        %mul3A_447 = arith.constant 16 : i32
        %mul3A_448 = arith.muli %scan3A_435, %mul3A_447 : i32
        %get3A_449 = arith.index_cast %mul3A_448 : i32 to index
        %get3A_450 = tpu.vector_load %arg18[%get3A_449] {strides = array<i32>} : memref<128xi32, #tpu.memory_space<vmem>>, vector<16xi32>,
        %add3A_451 = arith.constant 25600 : i32
        %add3A_452 = vector.broadcast %add3A_451 : i32 to vector<16xi32>
        %add3A_453 = arith.addi %get3A_450, %add3A_452 : vector<16xi32>
        %mul3A_454 = arith.constant 16 : i32
        %mul3A_455 = arith.muli %scan3A_435, %mul3A_454 : i32
        %swap3A_456 = arith.index_cast %mul3A_455 : i32 to index
        %swap3A_457 = tpu.vector_load %arg19[%swap3A_456] {strides = array<i32>} : memref<128xi32, #tpu.memory_space<vmem>>, vector<16xi32>,
        tpu.vector_store %arg19[%swap3A_456], %add3A_453 {strides = array<i32>} : memref<128xi32, #tpu.memory_space<vmem>>, vector<16xi32>,
        %scan3A_458 = arith.constant 0 : i32
        scf.yield %scan3A_458 : i32
      }
      %scan3A_394 = arith.constant 8 : i32
      %dma_start3A_395 = arith.constant 0 : i32
      %dma_start3A_396 = tpu.memref_slice %arg3[%dma_start3A_395] : memref<2095104xf32, #tpu.memory_space<hbm>> -> memref<2095104xf32, #tpu.memory_space<hbm>>
      tpu.enqueue_indirect_dma source(%dma_start3A_396 : memref<2095104xf32, #tpu.memory_space<hbm>>) target(%arg26 : memref<128xf32, #tpu.memory_space<vmem>>) offsets(%arg25 : memref<128xi32, #tpu.memory_space<vmem>>) semaphore(%arg30 : memref<!tpu.dma_semaphore, #tpu.memory_space<semaphore_mem>>)
      %dma_start3A_397 = arith.constant 0 : i32
      %dma_start3A_398 = tpu.memref_slice %arg4[%dma_start3A_397] : memref<2095104xf32, #tpu.memory_space<hbm>> -> memref<2095104xf32, #tpu.memory_space<hbm>>
      tpu.enqueue_indirect_dma source(%dma_start3A_398 : memref<2095104xf32, #tpu.memory_space<hbm>>) target(%arg27 : memref<128xf32, #tpu.memory_space<vmem>>) offsets(%arg25 : memref<128xi32, #tpu.memory_space<vmem>>) semaphore(%arg31 : memref<!tpu.dma_semaphore, #tpu.memory_space<semaphore_mem>>)
      %dma_wait3A_399 = arith.constant 0 : i32
      %dma_wait3A_400 = tpu.memref_slice %arg3[%dma_wait3A_399] : memref<2095104xf32, #tpu.memory_space<hbm>> -> memref<2095104xf32, #tpu.memory_space<hbm>>
      tpu.wait_indirect_dma semaphore(%arg30 : memref<!tpu.dma_semaphore, #tpu.memory_space<semaphore_mem>>) src(%dma_wait3A_400 : memref<2095104xf32, #tpu.memory_space<hbm>>) dst(%arg26 : memref<128xf32, #tpu.memory_space<vmem>>)
      %dma_wait3A_401 = arith.constant 0 : i32
      %dma_wait3A_402 = tpu.memref_slice %arg4[%dma_wait3A_401] : memref<2095104xf32, #tpu.memory_space<hbm>> -> memref<2095104xf32, #tpu.memory_space<hbm>>
      tpu.wait_indirect_dma semaphore(%arg31 : memref<!tpu.dma_semaphore, #tpu.memory_space<semaphore_mem>>) src(%dma_wait3A_402 : memref<2095104xf32, #tpu.memory_space<hbm>>) dst(%arg27 : memref<128xf32, #tpu.memory_space<vmem>>)
      %dma_start3A_403 = arith.constant 0 : i32
      %dma_start3A_404 = tpu.memref_slice %arg7[%dma_start3A_403] : memref<51200xf32, #tpu.memory_space<hbm>> -> memref<51200xf32, #tpu.memory_space<hbm>>
      tpu.enqueue_indirect_dma source(%arg26 : memref<128xf32, #tpu.memory_space<vmem>>) target(%dma_start3A_404 : memref<51200xf32, #tpu.memory_space<hbm>>) offsets(%arg19 : memref<128xi32, #tpu.memory_space<vmem>>) semaphore(%arg30 : memref<!tpu.dma_semaphore, #tpu.memory_space<semaphore_mem>>)
      %dma_start3A_405 = arith.constant 0 : i32
      %dma_start3A_406 = tpu.memref_slice %arg8[%dma_start3A_405] : memref<51200xf32, #tpu.memory_space<hbm>> -> memref<51200xf32, #tpu.memory_space<hbm>>
      tpu.enqueue_indirect_dma source(%arg27 : memref<128xf32, #tpu.memory_space<vmem>>) target(%dma_start3A_406 : memref<51200xf32, #tpu.memory_space<hbm>>) offsets(%arg19 : memref<128xi32, #tpu.memory_space<vmem>>) semaphore(%arg31 : memref<!tpu.dma_semaphore, #tpu.memory_space<semaphore_mem>>)
      %dma_wait3A_407 = arith.constant 0 : i32
      %dma_wait3A_408 = tpu.memref_slice %arg7[%dma_wait3A_407] : memref<51200xf32, #tpu.memory_space<hbm>> -> memref<51200xf32, #tpu.memory_space<hbm>>
      tpu.wait_indirect_dma semaphore(%arg30 : memref<!tpu.dma_semaphore, #tpu.memory_space<semaphore_mem>>) src(%arg26 : memref<128xf32, #tpu.memory_space<vmem>>) dst(%dma_wait3A_408 : memref<51200xf32, #tpu.memory_space<hbm>>)
      %dma_wait3A_409 = arith.constant 0 : i32
      %dma_wait3A_410 = tpu.memref_slice %arg8[%dma_wait3A_409] : memref<51200xf32, #tpu.memory_space<hbm>> -> memref<51200xf32, #tpu.memory_space<hbm>>
      tpu.wait_indirect_dma semaphore(%arg31 : memref<!tpu.dma_semaphore, #tpu.memory_space<semaphore_mem>>) src(%arg27 : memref<128xf32, #tpu.memory_space<vmem>>) dst(%dma_wait3A_410 : memref<51200xf32, #tpu.memory_space<hbm>>)
      %scan3A_411 = arith.constant 0 : i32
      %scan3A_412 = arith.constant 0 : i32
      %scan3A_413 = arith.constant 8 : i32
      %scan3A_414 = arith.addi %scan3A_412, %scan3A_413 : i32
      %scan3A_415 = arith.constant 1 : i32
      %scan3A_416 = scf.for %scan3A_435 = %scan3A_412 to %scan3A_414 step %scan3A_415 iter_args(%scan3A_436 = %scan3A_411) -> (i32)  : i32 {
        %mul3A_437 = arith.constant 16 : i32
        %mul3A_438 = arith.muli %scan3A_435, %mul3A_437 : i32
        %get3A = arith.index_cast %mul3A_438 : i32 to index
        %get3A_439 = tpu.vector_load %arg20[%get3A] {strides = array<i32>} : memref<128xi32, #tpu.memory_space<vmem>>, vector<16xi32>,
        %add3A_440 = arith.constant 3 : i32
        %add3A_441 = vector.broadcast %add3A_440 : i32 to vector<16xi32>
        %add3A_442 = arith.addi %get3A_439, %add3A_441 : vector<16xi32>
        %mul3A_443 = arith.constant 16 : i32
        %mul3A_444 = arith.muli %scan3A_435, %mul3A_443 : i32
        %swap3A_445 = arith.index_cast %mul3A_444 : i32 to index
        %swap3A_446 = tpu.vector_load %arg25[%swap3A_445] {strides = array<i32>} : memref<128xi32, #tpu.memory_space<vmem>>, vector<16xi32>,
        tpu.vector_store %arg25[%swap3A_445], %add3A_442 {strides = array<i32>} : memref<128xi32, #tpu.memory_space<vmem>>, vector<16xi32>,
        %mul3A_447 = arith.constant 16 : i32
        %mul3A_448 = arith.muli %scan3A_435, %mul3A_447 : i32
        %get3A_449 = arith.index_cast %mul3A_448 : i32 to index
        %get3A_450 = tpu.vector_load %arg18[%get3A_449] {strides = array<i32>} : memref<128xi32, #tpu.memory_space<vmem>>, vector<16xi32>,
        %add3A_451 = arith.constant 38400 : i32
        %add3A_452 = vector.broadcast %add3A_451 : i32 to vector<16xi32>
        %add3A_453 = arith.addi %get3A_450, %add3A_452 : vector<16xi32>
        %mul3A_454 = arith.constant 16 : i32
        %mul3A_455 = arith.muli %scan3A_435, %mul3A_454 : i32
        %swap3A_456 = arith.index_cast %mul3A_455 : i32 to index
        %swap3A_457 = tpu.vector_load %arg19[%swap3A_456] {strides = array<i32>} : memref<128xi32, #tpu.memory_space<vmem>>, vector<16xi32>,
        tpu.vector_store %arg19[%swap3A_456], %add3A_453 {strides = array<i32>} : memref<128xi32, #tpu.memory_space<vmem>>, vector<16xi32>,
        %scan3A_458 = arith.constant 0 : i32
        scf.yield %scan3A_458 : i32
      }
      %scan3A_417 = arith.constant 8 : i32
      %dma_start3A_418 = arith.constant 0 : i32
      %dma_start3A_419 = tpu.memref_slice %arg3[%dma_start3A_418] : memref<2095104xf32, #tpu.memory_space<hbm>> -> memref<2095104xf32, #tpu.memory_space<hbm>>
      tpu.enqueue_indirect_dma source(%dma_start3A_419 : memref<2095104xf32, #tpu.memory_space<hbm>>) target(%arg26 : memref<128xf32, #tpu.memory_space<vmem>>) offsets(%arg25 : memref<128xi32, #tpu.memory_space<vmem>>) semaphore(%arg30 : memref<!tpu.dma_semaphore, #tpu.memory_space<semaphore_mem>>)
      %dma_start3A_420 = arith.constant 0 : i32
      %dma_start3A_421 = tpu.memref_slice %arg4[%dma_start3A_420] : memref<2095104xf32, #tpu.memory_space<hbm>> -> memref<2095104xf32, #tpu.memory_space<hbm>>
      tpu.enqueue_indirect_dma source(%dma_start3A_421 : memref<2095104xf32, #tpu.memory_space<hbm>>) target(%arg27 : memref<128xf32, #tpu.memory_space<vmem>>) offsets(%arg25 : memref<128xi32, #tpu.memory_space<vmem>>) semaphore(%arg31 : memref<!tpu.dma_semaphore, #tpu.memory_space<semaphore_mem>>)
      %dma_wait3A_422 = arith.constant 0 : i32
      %dma_wait3A_423 = tpu.memref_slice %arg3[%dma_wait3A_422] : memref<2095104xf32, #tpu.memory_space<hbm>> -> memref<2095104xf32, #tpu.memory_space<hbm>>
      tpu.wait_indirect_dma semaphore(%arg30 : memref<!tpu.dma_semaphore, #tpu.memory_space<semaphore_mem>>) src(%dma_wait3A_423 : memref<2095104xf32, #tpu.memory_space<hbm>>) dst(%arg26 : memref<128xf32, #tpu.memory_space<vmem>>)
      %dma_wait3A_424 = arith.constant 0 : i32
      %dma_wait3A_425 = tpu.memref_slice %arg4[%dma_wait3A_424] : memref<2095104xf32, #tpu.memory_space<hbm>> -> memref<2095104xf32, #tpu.memory_space<hbm>>
      tpu.wait_indirect_dma semaphore(%arg31 : memref<!tpu.dma_semaphore, #tpu.memory_space<semaphore_mem>>) src(%dma_wait3A_425 : memref<2095104xf32, #tpu.memory_space<hbm>>) dst(%arg27 : memref<128xf32, #tpu.memory_space<vmem>>)
      %dma_start3A_426 = arith.constant 0 : i32
      %dma_start3A_427 = tpu.memref_slice %arg7[%dma_start3A_426] : memref<51200xf32, #tpu.memory_space<hbm>> -> memref<51200xf32, #tpu.memory_space<hbm>>
      tpu.enqueue_indirect_dma source(%arg26 : memref<128xf32, #tpu.memory_space<vmem>>) target(%dma_start3A_427 : memref<51200xf32, #tpu.memory_space<hbm>>) offsets(%arg19 : memref<128xi32, #tpu.memory_space<vmem>>) semaphore(%arg30 : memref<!tpu.dma_semaphore, #tpu.memory_space<semaphore_mem>>)
      %dma_start3A_428 = arith.constant 0 : i32
      %dma_start3A_429 = tpu.memref_slice %arg8[%dma_start3A_428] : memref<51200xf32, #tpu.memory_space<hbm>> -> memref<51200xf32, #tpu.memory_space<hbm>>
      tpu.enqueue_indirect_dma source(%arg27 : memref<128xf32, #tpu.memory_space<vmem>>) target(%dma_start3A_429 : memref<51200xf32, #tpu.memory_space<hbm>>) offsets(%arg19 : memref<128xi32, #tpu.memory_space<vmem>>) semaphore(%arg31 : memref<!tpu.dma_semaphore, #tpu.memory_space<semaphore_mem>>)
      %dma_wait3A_430 = arith.constant 0 : i32
      %dma_wait3A_431 = tpu.memref_slice %arg7[%dma_wait3A_430] : memref<51200xf32, #tpu.memory_space<hbm>> -> memref<51200xf32, #tpu.memory_space<hbm>>
      tpu.wait_indirect_dma semaphore(%arg30 : memref<!tpu.dma_semaphore, #tpu.memory_space<semaphore_mem>>) src(%arg26 : memref<128xf32, #tpu.memory_space<vmem>>) dst(%dma_wait3A_431 : memref<51200xf32, #tpu.memory_space<hbm>>)
      %dma_wait3A_432 = arith.constant 0 : i32
      %dma_wait3A_433 = tpu.memref_slice %arg8[%dma_wait3A_432] : memref<51200xf32, #tpu.memory_space<hbm>> -> memref<51200xf32, #tpu.memory_space<hbm>>
      tpu.wait_indirect_dma semaphore(%arg31 : memref<!tpu.dma_semaphore, #tpu.memory_space<semaphore_mem>>) src(%arg27 : memref<128xf32, #tpu.memory_space<vmem>>) dst(%dma_wait3A_433 : memref<51200xf32, #tpu.memory_space<hbm>>)
      %while3A_434 = arith.constant 0 : i32
      scf.yield %while3A_434 : i32
    }
    %add3A_281 = arith.constant 127 : i32
    %add3A_282 = arith.addi %min3A, %add3A_281 : i32
    %jit3A_283 = arith.constant 128 : i32
    %div3A_284 = arith.divsi %add3A_282, %jit3A_283 : i32
    %sign3A_285 = arith.constant 0 : i32
    %sign3A_286 = arith.cmpi sgt, %add3A_282, %sign3A_285 : i32
    %sign3A_287 = arith.extui %sign3A_286 : i1 to i32
    %sign3A_288 = arith.constant 0 : i32
    %sign3A_289 = arith.cmpi slt, %add3A_282, %sign3A_288 : i32
    %sign3A_290 = arith.extui %sign3A_289 : i1 to i32
    %sign3A_291 = arith.subi %sign3A_287, %sign3A_290 : i32
    %sign3A_292 = arith.constant 0 : i32
    %sign3A_293 = arith.cmpi sgt, %jit3A_283, %sign3A_292 : i32
    %sign3A_294 = arith.extui %sign3A_293 : i1 to i32
    %sign3A_295 = arith.constant 0 : i32
    %sign3A_296 = arith.cmpi slt, %jit3A_283, %sign3A_295 : i32
    %sign3A_297 = arith.extui %sign3A_296 : i1 to i32
    %sign3A_298 = arith.subi %sign3A_294, %sign3A_297 : i32
    %ne3A_299 = arith.cmpi ne, %sign3A_291, %sign3A_298 : i32
    %rem3A_300 = arith.remsi %add3A_282, %jit3A_283 : i32
    %ne3A_301 = arith.constant 0 : i32
    %ne3A_302 = arith.cmpi ne, %rem3A_300, %ne3A_301 : i32
    %and3A_303 = arith.andi %ne3A_299, %ne3A_302 : i1
    %sub3A_304 = arith.constant 1 : i32
    %sub3A_305 = arith.subi %div3A_284, %sub3A_304 : i32
    %select_n3A_306 = arith.select %and3A_303, %sub3A_305, %div3A_284 : i32
    %while3A_307 = arith.constant 0 : i32
    %while3A_308 = arith.constant 0 : i32
    %while3A_309 = arith.subi %select_n3A_306, %while3A_307 : i32
    %while3A_310 = arith.addi %while3A_307, %while3A_309 : i32
    %while3A_311 = arith.constant 1 : i32
    %while3A_312 = arith.divsi %while3A_309, %while3A_311 : i32
    %while3A_313 = arith.muli %while3A_312, %while3A_311 : i32
    %while3A_314 = arith.addi %while3A_307, %while3A_313 : i32
    %while3A_315 = arith.constant 1 : i32
    %while3A_316 = scf.for %while3A_319 = %while3A_307 to %while3A_314 step %while3A_315 iter_args(%while3A_320 = %while3A_308) -> (i32)  : i32 {
      %scan3A_321 = arith.constant 0 : i32
      %scan3A_322 = arith.constant 0 : i32
      %scan3A_323 = arith.constant 8 : i32
      %scan3A_324 = arith.addi %scan3A_322, %scan3A_323 : i32
      %scan3A_325 = arith.constant 1 : i32
      %scan3A_326 = scf.for %scan3A_431 = %scan3A_322 to %scan3A_324 step %scan3A_325 iter_args(%scan3A_432 = %scan3A_321) -> (i32)  : i32 {
        %mul3A_433 = arith.constant 128 : i32
        %mul3A_434 = arith.muli %while3A_319, %mul3A_433 : i32
        %mul3A_435 = arith.constant 16 : i32
        %mul3A_436 = arith.muli %scan3A_431, %mul3A_435 : i32
        %add3A_437 = arith.addi %mul3A_434, %mul3A_436 : i32
        %add3A_438 = vector.broadcast %add3A_437 : i32 to vector<16xi32>
        %add3A_439 = arith.addi %add3A_438, %iota3A : vector<16xi32>
        %lt3A = vector.broadcast %min3A : i32 to vector<16xi32>
        %lt3A_440 = arith.cmpi slt, %add3A_439, %lt3A : vector<16xi32>
        %add3A_441 = vector.broadcast %add3A_218 : i32 to vector<16xi32>
        %add3A_442 = arith.addi %add3A_441, %add3A_439 : vector<16xi32>
        %broadcast_in_dim3A_443 = vector.broadcast %add3A_225 : i32 to vector<16xi32>
        %select_n3A_444 = arith.select %lt3A_440, %add3A_442, %broadcast_in_dim3A_443 : vector<16xi1>, vector<16xi32>
        %mul3A_445 = arith.constant 16 : i32
        %mul3A_446 = arith.muli %scan3A_431, %mul3A_445 : i32
        %swap3A_447 = arith.index_cast %mul3A_446 : i32 to index
        %swap3A_448 = tpu.vector_load %arg18[%swap3A_447] {strides = array<i32>} : memref<128xi32, #tpu.memory_space<vmem>>, vector<16xi32>,
        tpu.vector_store %arg18[%swap3A_447], %select_n3A_444 {strides = array<i32>} : memref<128xi32, #tpu.memory_space<vmem>>, vector<16xi32>,
        %mul3A_449 = arith.constant 128 : i32
        %mul3A_450 = arith.muli %while3A_319, %mul3A_449 : i32
        %mul3A_451 = arith.constant 16 : i32
        %mul3A_452 = arith.muli %scan3A_431, %mul3A_451 : i32
        %add3A_453 = arith.addi %mul3A_450, %mul3A_452 : i32
        %get3A = arith.index_cast %add3A_453 : i32 to index
        %get3A_454 = tpu.vector_load %arg16[%get3A] {strides = array<i32>} : memref<6016xi32, #tpu.memory_space<vmem>>, vector<16xi32>,
        %max3A_455 = arith.constant 0 : i32
        %max3A_456 = vector.broadcast %max3A_455 : i32 to vector<16xi32>
        %max3A_457 = arith.maxsi %get3A_454, %max3A_456 : vector<16xi32>
        %min3A_458 = arith.constant 261887 : i32
        %min3A_459 = vector.broadcast %min3A_458 : i32 to vector<16xi32>
        %min3A_460 = arith.minsi %max3A_457, %min3A_459 : vector<16xi32>
        %mul3A_461 = arith.constant 261888 : i32
        %mul3A_462 = arith.muli %arg0, %mul3A_461 : i32
        %add3A_463 = vector.broadcast %mul3A_462 : i32 to vector<16xi32>
        %add3A_464 = arith.addi %min3A_460, %add3A_463 : vector<16xi32>
        %mul3A_465 = arith.constant 4 : i32
        %mul3A_466 = vector.broadcast %mul3A_465 : i32 to vector<16xi32>
        %mul3A_467 = arith.muli %add3A_464, %mul3A_466 : vector<16xi32>
        %mul3A_468 = arith.constant 16 : i32
        %mul3A_469 = arith.muli %scan3A_431, %mul3A_468 : i32
        %swap3A_470 = arith.index_cast %mul3A_469 : i32 to index
        %swap3A_471 = tpu.vector_load %arg20[%swap3A_470] {strides = array<i32>} : memref<128xi32, #tpu.memory_space<vmem>>, vector<16xi32>,
        tpu.vector_store %arg20[%swap3A_470], %mul3A_467 {strides = array<i32>} : memref<128xi32, #tpu.memory_space<vmem>>, vector<16xi32>,
        %scan3A_472 = arith.constant 0 : i32
        scf.yield %scan3A_472 : i32
      }
      %scan3A_327 = arith.constant 8 : i32
      %mul3A_328 = arith.constant 128 : i32
      %mul3A_329 = arith.muli %while3A_319, %mul3A_328 : i32
      %dma_start3A = tpu.memref_slice %arg16[%mul3A_329] : memref<6016xi32, #tpu.memory_space<vmem>> -> memref<128xi32, #tpu.memory_space<vmem>>
      %dma_start3A_330 = arith.constant 0 : i32
      %dma_start3A_331 = tpu.memref_slice %arg6[%dma_start3A_330] : memref<12800xi32, #tpu.memory_space<hbm>> -> memref<12800xi32, #tpu.memory_space<hbm>>
      tpu.enqueue_indirect_dma source(%dma_start3A : memref<128xi32, #tpu.memory_space<vmem>>) target(%dma_start3A_331 : memref<12800xi32, #tpu.memory_space<hbm>>) offsets(%arg18 : memref<128xi32, #tpu.memory_space<vmem>>) semaphore(%arg30 : memref<!tpu.dma_semaphore, #tpu.memory_space<semaphore_mem>>)
      %dma_start3A_332 = arith.constant 0 : i32
      %dma_start3A_333 = tpu.memref_slice %arg5[%dma_start3A_332] : memref<12800xf32, #tpu.memory_space<hbm>> -> memref<12800xf32, #tpu.memory_space<hbm>>
      tpu.enqueue_indirect_dma source(%arg17 : memref<128xf32, #tpu.memory_space<vmem>>) target(%dma_start3A_333 : memref<12800xf32, #tpu.memory_space<hbm>>) offsets(%arg18 : memref<128xi32, #tpu.memory_space<vmem>>) semaphore(%arg31 : memref<!tpu.dma_semaphore, #tpu.memory_space<semaphore_mem>>)
      %dma_wait3A = tpu.memref_slice %arg16[%mul3A_329] : memref<6016xi32, #tpu.memory_space<vmem>> -> memref<128xi32, #tpu.memory_space<vmem>>
      %dma_wait3A_334 = arith.constant 0 : i32
      %dma_wait3A_335 = tpu.memref_slice %arg6[%dma_wait3A_334] : memref<12800xi32, #tpu.memory_space<hbm>> -> memref<12800xi32, #tpu.memory_space<hbm>>
      tpu.wait_indirect_dma semaphore(%arg30 : memref<!tpu.dma_semaphore, #tpu.memory_space<semaphore_mem>>) src(%dma_wait3A : memref<128xi32, #tpu.memory_space<vmem>>) dst(%dma_wait3A_335 : memref<12800xi32, #tpu.memory_space<hbm>>)
      %dma_wait3A_336 = arith.constant 0 : i32
      %dma_wait3A_337 = tpu.memref_slice %arg5[%dma_wait3A_336] : memref<12800xf32, #tpu.memory_space<hbm>> -> memref<12800xf32, #tpu.memory_space<hbm>>
      tpu.wait_indirect_dma semaphore(%arg31 : memref<!tpu.dma_semaphore, #tpu.memory_space<semaphore_mem>>) src(%arg17 : memref<128xf32, #tpu.memory_space<vmem>>) dst(%dma_wait3A_337 : memref<12800xf32, #tpu.memory_space<hbm>>)
      %scan3A_338 = arith.constant 0 : i32
      %scan3A_339 = arith.constant 0 : i32
      %scan3A_340 = arith.constant 8 : i32
      %scan3A_341 = arith.addi %scan3A_339, %scan3A_340 : i32
      %scan3A_342 = arith.constant 1 : i32
      %scan3A_343 = scf.for %scan3A_431 = %scan3A_339 to %scan3A_341 step %scan3A_342 iter_args(%scan3A_432 = %scan3A_338) -> (i32)  : i32 {
        %mul3A_433 = arith.constant 16 : i32
        %mul3A_434 = arith.muli %scan3A_431, %mul3A_433 : i32
        %get3A = arith.index_cast %mul3A_434 : i32 to index
        %get3A_435 = tpu.vector_load %arg20[%get3A] {strides = array<i32>} : memref<128xi32, #tpu.memory_space<vmem>>, vector<16xi32>,
        %add3A_436 = arith.constant 0 : i32
        %add3A_437 = vector.broadcast %add3A_436 : i32 to vector<16xi32>
        %add3A_438 = arith.addi %get3A_435, %add3A_437 : vector<16xi32>
        %mul3A_439 = arith.constant 16 : i32
        %mul3A_440 = arith.muli %scan3A_431, %mul3A_439 : i32
        %swap3A_441 = arith.index_cast %mul3A_440 : i32 to index
        %swap3A_442 = tpu.vector_load %arg25[%swap3A_441] {strides = array<i32>} : memref<128xi32, #tpu.memory_space<vmem>>, vector<16xi32>,
        tpu.vector_store %arg25[%swap3A_441], %add3A_438 {strides = array<i32>} : memref<128xi32, #tpu.memory_space<vmem>>, vector<16xi32>,
        %mul3A_443 = arith.constant 16 : i32
        %mul3A_444 = arith.muli %scan3A_431, %mul3A_443 : i32
        %get3A_445 = arith.index_cast %mul3A_444 : i32 to index
        %get3A_446 = tpu.vector_load %arg18[%get3A_445] {strides = array<i32>} : memref<128xi32, #tpu.memory_space<vmem>>, vector<16xi32>,
        %add3A_447 = arith.constant 0 : i32
        %add3A_448 = vector.broadcast %add3A_447 : i32 to vector<16xi32>
        %add3A_449 = arith.addi %get3A_446, %add3A_448 : vector<16xi32>
        %mul3A_450 = arith.constant 16 : i32
        %mul3A_451 = arith.muli %scan3A_431, %mul3A_450 : i32
        %swap3A_452 = arith.index_cast %mul3A_451 : i32 to index
        %swap3A_453 = tpu.vector_load %arg19[%swap3A_452] {strides = array<i32>} : memref<128xi32, #tpu.memory_space<vmem>>, vector<16xi32>,
        tpu.vector_store %arg19[%swap3A_452], %add3A_449 {strides = array<i32>} : memref<128xi32, #tpu.memory_space<vmem>>, vector<16xi32>,
        %scan3A_454 = arith.constant 0 : i32
        scf.yield %scan3A_454 : i32
      }
      %scan3A_344 = arith.constant 8 : i32
      %dma_start3A_345 = arith.constant 0 : i32
      %dma_start3A_346 = tpu.memref_slice %arg3[%dma_start3A_345] : memref<2095104xf32, #tpu.memory_space<hbm>> -> memref<2095104xf32, #tpu.memory_space<hbm>>
      tpu.enqueue_indirect_dma source(%dma_start3A_346 : memref<2095104xf32, #tpu.memory_space<hbm>>) target(%arg26 : memref<128xf32, #tpu.memory_space<vmem>>) offsets(%arg25 : memref<128xi32, #tpu.memory_space<vmem>>) semaphore(%arg30 : memref<!tpu.dma_semaphore, #tpu.memory_space<semaphore_mem>>)
      %dma_start3A_347 = arith.constant 0 : i32
      %dma_start3A_348 = tpu.memref_slice %arg4[%dma_start3A_347] : memref<2095104xf32, #tpu.memory_space<hbm>> -> memref<2095104xf32, #tpu.memory_space<hbm>>
      tpu.enqueue_indirect_dma source(%dma_start3A_348 : memref<2095104xf32, #tpu.memory_space<hbm>>) target(%arg27 : memref<128xf32, #tpu.memory_space<vmem>>) offsets(%arg25 : memref<128xi32, #tpu.memory_space<vmem>>) semaphore(%arg31 : memref<!tpu.dma_semaphore, #tpu.memory_space<semaphore_mem>>)
      %dma_wait3A_349 = arith.constant 0 : i32
      %dma_wait3A_350 = tpu.memref_slice %arg3[%dma_wait3A_349] : memref<2095104xf32, #tpu.memory_space<hbm>> -> memref<2095104xf32, #tpu.memory_space<hbm>>
      tpu.wait_indirect_dma semaphore(%arg30 : memref<!tpu.dma_semaphore, #tpu.memory_space<semaphore_mem>>) src(%dma_wait3A_350 : memref<2095104xf32, #tpu.memory_space<hbm>>) dst(%arg26 : memref<128xf32, #tpu.memory_space<vmem>>)
      %dma_wait3A_351 = arith.constant 0 : i32
      %dma_wait3A_352 = tpu.memref_slice %arg4[%dma_wait3A_351] : memref<2095104xf32, #tpu.memory_space<hbm>> -> memref<2095104xf32, #tpu.memory_space<hbm>>
      tpu.wait_indirect_dma semaphore(%arg31 : memref<!tpu.dma_semaphore, #tpu.memory_space<semaphore_mem>>) src(%dma_wait3A_352 : memref<2095104xf32, #tpu.memory_space<hbm>>) dst(%arg27 : memref<128xf32, #tpu.memory_space<vmem>>)
      %dma_start3A_353 = arith.constant 0 : i32
      %dma_start3A_354 = tpu.memref_slice %arg7[%dma_start3A_353] : memref<51200xf32, #tpu.memory_space<hbm>> -> memref<51200xf32, #tpu.memory_space<hbm>>
      tpu.enqueue_indirect_dma source(%arg26 : memref<128xf32, #tpu.memory_space<vmem>>) target(%dma_start3A_354 : memref<51200xf32, #tpu.memory_space<hbm>>) offsets(%arg19 : memref<128xi32, #tpu.memory_space<vmem>>) semaphore(%arg30 : memref<!tpu.dma_semaphore, #tpu.memory_space<semaphore_mem>>)
      %dma_start3A_355 = arith.constant 0 : i32
      %dma_start3A_356 = tpu.memref_slice %arg8[%dma_start3A_355] : memref<51200xf32, #tpu.memory_space<hbm>> -> memref<51200xf32, #tpu.memory_space<hbm>>
      tpu.enqueue_indirect_dma source(%arg27 : memref<128xf32, #tpu.memory_space<vmem>>) target(%dma_start3A_356 : memref<51200xf32, #tpu.memory_space<hbm>>) offsets(%arg19 : memref<128xi32, #tpu.memory_space<vmem>>) semaphore(%arg31 : memref<!tpu.dma_semaphore, #tpu.memory_space<semaphore_mem>>)
      %dma_wait3A_357 = arith.constant 0 : i32
      %dma_wait3A_358 = tpu.memref_slice %arg7[%dma_wait3A_357] : memref<51200xf32, #tpu.memory_space<hbm>> -> memref<51200xf32, #tpu.memory_space<hbm>>
      tpu.wait_indirect_dma semaphore(%arg30 : memref<!tpu.dma_semaphore, #tpu.memory_space<semaphore_mem>>) src(%arg26 : memref<128xf32, #tpu.memory_space<vmem>>) dst(%dma_wait3A_358 : memref<51200xf32, #tpu.memory_space<hbm>>)
      %dma_wait3A_359 = arith.constant 0 : i32
      %dma_wait3A_360 = tpu.memref_slice %arg8[%dma_wait3A_359] : memref<51200xf32, #tpu.memory_space<hbm>> -> memref<51200xf32, #tpu.memory_space<hbm>>
      tpu.wait_indirect_dma semaphore(%arg31 : memref<!tpu.dma_semaphore, #tpu.memory_space<semaphore_mem>>) src(%arg27 : memref<128xf32, #tpu.memory_space<vmem>>) dst(%dma_wait3A_360 : memref<51200xf32, #tpu.memory_space<hbm>>)
      %scan3A_361 = arith.constant 0 : i32
      %scan3A_362 = arith.constant 0 : i32
      %scan3A_363 = arith.constant 8 : i32
      %scan3A_364 = arith.addi %scan3A_362, %scan3A_363 : i32
      %scan3A_365 = arith.constant 1 : i32
      %scan3A_366 = scf.for %scan3A_431 = %scan3A_362 to %scan3A_364 step %scan3A_365 iter_args(%scan3A_432 = %scan3A_361) -> (i32)  : i32 {
        %mul3A_433 = arith.constant 16 : i32
        %mul3A_434 = arith.muli %scan3A_431, %mul3A_433 : i32
        %get3A = arith.index_cast %mul3A_434 : i32 to index
        %get3A_435 = tpu.vector_load %arg20[%get3A] {strides = array<i32>} : memref<128xi32, #tpu.memory_space<vmem>>, vector<16xi32>,
        %add3A_436 = arith.constant 1 : i32
        %add3A_437 = vector.broadcast %add3A_436 : i32 to vector<16xi32>
        %add3A_438 = arith.addi %get3A_435, %add3A_437 : vector<16xi32>
        %mul3A_439 = arith.constant 16 : i32
        %mul3A_440 = arith.muli %scan3A_431, %mul3A_439 : i32
        %swap3A_441 = arith.index_cast %mul3A_440 : i32 to index
        %swap3A_442 = tpu.vector_load %arg25[%swap3A_441] {strides = array<i32>} : memref<128xi32, #tpu.memory_space<vmem>>, vector<16xi32>,
        tpu.vector_store %arg25[%swap3A_441], %add3A_438 {strides = array<i32>} : memref<128xi32, #tpu.memory_space<vmem>>, vector<16xi32>,
        %mul3A_443 = arith.constant 16 : i32
        %mul3A_444 = arith.muli %scan3A_431, %mul3A_443 : i32
        %get3A_445 = arith.index_cast %mul3A_444 : i32 to index
        %get3A_446 = tpu.vector_load %arg18[%get3A_445] {strides = array<i32>} : memref<128xi32, #tpu.memory_space<vmem>>, vector<16xi32>,
        %add3A_447 = arith.constant 12800 : i32
        %add3A_448 = vector.broadcast %add3A_447 : i32 to vector<16xi32>
        %add3A_449 = arith.addi %get3A_446, %add3A_448 : vector<16xi32>
        %mul3A_450 = arith.constant 16 : i32
        %mul3A_451 = arith.muli %scan3A_431, %mul3A_450 : i32
        %swap3A_452 = arith.index_cast %mul3A_451 : i32 to index
        %swap3A_453 = tpu.vector_load %arg19[%swap3A_452] {strides = array<i32>} : memref<128xi32, #tpu.memory_space<vmem>>, vector<16xi32>,
        tpu.vector_store %arg19[%swap3A_452], %add3A_449 {strides = array<i32>} : memref<128xi32, #tpu.memory_space<vmem>>, vector<16xi32>,
        %scan3A_454 = arith.constant 0 : i32
        scf.yield %scan3A_454 : i32
      }
      %scan3A_367 = arith.constant 8 : i32
      %dma_start3A_368 = arith.constant 0 : i32
      %dma_start3A_369 = tpu.memref_slice %arg3[%dma_start3A_368] : memref<2095104xf32, #tpu.memory_space<hbm>> -> memref<2095104xf32, #tpu.memory_space<hbm>>
      tpu.enqueue_indirect_dma source(%dma_start3A_369 : memref<2095104xf32, #tpu.memory_space<hbm>>) target(%arg26 : memref<128xf32, #tpu.memory_space<vmem>>) offsets(%arg25 : memref<128xi32, #tpu.memory_space<vmem>>) semaphore(%arg30 : memref<!tpu.dma_semaphore, #tpu.memory_space<semaphore_mem>>)
      %dma_start3A_370 = arith.constant 0 : i32
      %dma_start3A_371 = tpu.memref_slice %arg4[%dma_start3A_370] : memref<2095104xf32, #tpu.memory_space<hbm>> -> memref<2095104xf32, #tpu.memory_space<hbm>>
      tpu.enqueue_indirect_dma source(%dma_start3A_371 : memref<2095104xf32, #tpu.memory_space<hbm>>) target(%arg27 : memref<128xf32, #tpu.memory_space<vmem>>) offsets(%arg25 : memref<128xi32, #tpu.memory_space<vmem>>) semaphore(%arg31 : memref<!tpu.dma_semaphore, #tpu.memory_space<semaphore_mem>>)
      %dma_wait3A_372 = arith.constant 0 : i32
      %dma_wait3A_373 = tpu.memref_slice %arg3[%dma_wait3A_372] : memref<2095104xf32, #tpu.memory_space<hbm>> -> memref<2095104xf32, #tpu.memory_space<hbm>>
      tpu.wait_indirect_dma semaphore(%arg30 : memref<!tpu.dma_semaphore, #tpu.memory_space<semaphore_mem>>) src(%dma_wait3A_373 : memref<2095104xf32, #tpu.memory_space<hbm>>) dst(%arg26 : memref<128xf32, #tpu.memory_space<vmem>>)
      %dma_wait3A_374 = arith.constant 0 : i32
      %dma_wait3A_375 = tpu.memref_slice %arg4[%dma_wait3A_374] : memref<2095104xf32, #tpu.memory_space<hbm>> -> memref<2095104xf32, #tpu.memory_space<hbm>>
      tpu.wait_indirect_dma semaphore(%arg31 : memref<!tpu.dma_semaphore, #tpu.memory_space<semaphore_mem>>) src(%dma_wait3A_375 : memref<2095104xf32, #tpu.memory_space<hbm>>) dst(%arg27 : memref<128xf32, #tpu.memory_space<vmem>>)
      %dma_start3A_376 = arith.constant 0 : i32
      %dma_start3A_377 = tpu.memref_slice %arg7[%dma_start3A_376] : memref<51200xf32, #tpu.memory_space<hbm>> -> memref<51200xf32, #tpu.memory_space<hbm>>
      tpu.enqueue_indirect_dma source(%arg26 : memref<128xf32, #tpu.memory_space<vmem>>) target(%dma_start3A_377 : memref<51200xf32, #tpu.memory_space<hbm>>) offsets(%arg19 : memref<128xi32, #tpu.memory_space<vmem>>) semaphore(%arg30 : memref<!tpu.dma_semaphore, #tpu.memory_space<semaphore_mem>>)
      %dma_start3A_378 = arith.constant 0 : i32
      %dma_start3A_379 = tpu.memref_slice %arg8[%dma_start3A_378] : memref<51200xf32, #tpu.memory_space<hbm>> -> memref<51200xf32, #tpu.memory_space<hbm>>
      tpu.enqueue_indirect_dma source(%arg27 : memref<128xf32, #tpu.memory_space<vmem>>) target(%dma_start3A_379 : memref<51200xf32, #tpu.memory_space<hbm>>) offsets(%arg19 : memref<128xi32, #tpu.memory_space<vmem>>) semaphore(%arg31 : memref<!tpu.dma_semaphore, #tpu.memory_space<semaphore_mem>>)
      %dma_wait3A_380 = arith.constant 0 : i32
      %dma_wait3A_381 = tpu.memref_slice %arg7[%dma_wait3A_380] : memref<51200xf32, #tpu.memory_space<hbm>> -> memref<51200xf32, #tpu.memory_space<hbm>>
      tpu.wait_indirect_dma semaphore(%arg30 : memref<!tpu.dma_semaphore, #tpu.memory_space<semaphore_mem>>) src(%arg26 : memref<128xf32, #tpu.memory_space<vmem>>) dst(%dma_wait3A_381 : memref<51200xf32, #tpu.memory_space<hbm>>)
      %dma_wait3A_382 = arith.constant 0 : i32
      %dma_wait3A_383 = tpu.memref_slice %arg8[%dma_wait3A_382] : memref<51200xf32, #tpu.memory_space<hbm>> -> memref<51200xf32, #tpu.memory_space<hbm>>
      tpu.wait_indirect_dma semaphore(%arg31 : memref<!tpu.dma_semaphore, #tpu.memory_space<semaphore_mem>>) src(%arg27 : memref<128xf32, #tpu.memory_space<vmem>>) dst(%dma_wait3A_383 : memref<51200xf32, #tpu.memory_space<hbm>>)
      %scan3A_384 = arith.constant 0 : i32
      %scan3A_385 = arith.constant 0 : i32
      %scan3A_386 = arith.constant 8 : i32
      %scan3A_387 = arith.addi %scan3A_385, %scan3A_386 : i32
      %scan3A_388 = arith.constant 1 : i32
      %scan3A_389 = scf.for %scan3A_431 = %scan3A_385 to %scan3A_387 step %scan3A_388 iter_args(%scan3A_432 = %scan3A_384) -> (i32)  : i32 {
        %mul3A_433 = arith.constant 16 : i32
        %mul3A_434 = arith.muli %scan3A_431, %mul3A_433 : i32
        %get3A = arith.index_cast %mul3A_434 : i32 to index
        %get3A_435 = tpu.vector_load %arg20[%get3A] {strides = array<i32>} : memref<128xi32, #tpu.memory_space<vmem>>, vector<16xi32>,
        %add3A_436 = arith.constant 2 : i32
        %add3A_437 = vector.broadcast %add3A_436 : i32 to vector<16xi32>
        %add3A_438 = arith.addi %get3A_435, %add3A_437 : vector<16xi32>
        %mul3A_439 = arith.constant 16 : i32
        %mul3A_440 = arith.muli %scan3A_431, %mul3A_439 : i32
        %swap3A_441 = arith.index_cast %mul3A_440 : i32 to index
        %swap3A_442 = tpu.vector_load %arg25[%swap3A_441] {strides = array<i32>} : memref<128xi32, #tpu.memory_space<vmem>>, vector<16xi32>,
        tpu.vector_store %arg25[%swap3A_441], %add3A_438 {strides = array<i32>} : memref<128xi32, #tpu.memory_space<vmem>>, vector<16xi32>,
        %mul3A_443 = arith.constant 16 : i32
        %mul3A_444 = arith.muli %scan3A_431, %mul3A_443 : i32
        %get3A_445 = arith.index_cast %mul3A_444 : i32 to index
        %get3A_446 = tpu.vector_load %arg18[%get3A_445] {strides = array<i32>} : memref<128xi32, #tpu.memory_space<vmem>>, vector<16xi32>,
        %add3A_447 = arith.constant 25600 : i32
        %add3A_448 = vector.broadcast %add3A_447 : i32 to vector<16xi32>
        %add3A_449 = arith.addi %get3A_446, %add3A_448 : vector<16xi32>
        %mul3A_450 = arith.constant 16 : i32
        %mul3A_451 = arith.muli %scan3A_431, %mul3A_450 : i32
        %swap3A_452 = arith.index_cast %mul3A_451 : i32 to index
        %swap3A_453 = tpu.vector_load %arg19[%swap3A_452] {strides = array<i32>} : memref<128xi32, #tpu.memory_space<vmem>>, vector<16xi32>,
        tpu.vector_store %arg19[%swap3A_452], %add3A_449 {strides = array<i32>} : memref<128xi32, #tpu.memory_space<vmem>>, vector<16xi32>,
        %scan3A_454 = arith.constant 0 : i32
        scf.yield %scan3A_454 : i32
      }
      %scan3A_390 = arith.constant 8 : i32
      %dma_start3A_391 = arith.constant 0 : i32
      %dma_start3A_392 = tpu.memref_slice %arg3[%dma_start3A_391] : memref<2095104xf32, #tpu.memory_space<hbm>> -> memref<2095104xf32, #tpu.memory_space<hbm>>
      tpu.enqueue_indirect_dma source(%dma_start3A_392 : memref<2095104xf32, #tpu.memory_space<hbm>>) target(%arg26 : memref<128xf32, #tpu.memory_space<vmem>>) offsets(%arg25 : memref<128xi32, #tpu.memory_space<vmem>>) semaphore(%arg30 : memref<!tpu.dma_semaphore, #tpu.memory_space<semaphore_mem>>)
      %dma_start3A_393 = arith.constant 0 : i32
      %dma_start3A_394 = tpu.memref_slice %arg4[%dma_start3A_393] : memref<2095104xf32, #tpu.memory_space<hbm>> -> memref<2095104xf32, #tpu.memory_space<hbm>>
      tpu.enqueue_indirect_dma source(%dma_start3A_394 : memref<2095104xf32, #tpu.memory_space<hbm>>) target(%arg27 : memref<128xf32, #tpu.memory_space<vmem>>) offsets(%arg25 : memref<128xi32, #tpu.memory_space<vmem>>) semaphore(%arg31 : memref<!tpu.dma_semaphore, #tpu.memory_space<semaphore_mem>>)
      %dma_wait3A_395 = arith.constant 0 : i32
      %dma_wait3A_396 = tpu.memref_slice %arg3[%dma_wait3A_395] : memref<2095104xf32, #tpu.memory_space<hbm>> -> memref<2095104xf32, #tpu.memory_space<hbm>>
      tpu.wait_indirect_dma semaphore(%arg30 : memref<!tpu.dma_semaphore, #tpu.memory_space<semaphore_mem>>) src(%dma_wait3A_396 : memref<2095104xf32, #tpu.memory_space<hbm>>) dst(%arg26 : memref<128xf32, #tpu.memory_space<vmem>>)
      %dma_wait3A_397 = arith.constant 0 : i32
      %dma_wait3A_398 = tpu.memref_slice %arg4[%dma_wait3A_397] : memref<2095104xf32, #tpu.memory_space<hbm>> -> memref<2095104xf32, #tpu.memory_space<hbm>>
      tpu.wait_indirect_dma semaphore(%arg31 : memref<!tpu.dma_semaphore, #tpu.memory_space<semaphore_mem>>) src(%dma_wait3A_398 : memref<2095104xf32, #tpu.memory_space<hbm>>) dst(%arg27 : memref<128xf32, #tpu.memory_space<vmem>>)
      %dma_start3A_399 = arith.constant 0 : i32
      %dma_start3A_400 = tpu.memref_slice %arg7[%dma_start3A_399] : memref<51200xf32, #tpu.memory_space<hbm>> -> memref<51200xf32, #tpu.memory_space<hbm>>
      tpu.enqueue_indirect_dma source(%arg26 : memref<128xf32, #tpu.memory_space<vmem>>) target(%dma_start3A_400 : memref<51200xf32, #tpu.memory_space<hbm>>) offsets(%arg19 : memref<128xi32, #tpu.memory_space<vmem>>) semaphore(%arg30 : memref<!tpu.dma_semaphore, #tpu.memory_space<semaphore_mem>>)
      %dma_start3A_401 = arith.constant 0 : i32
      %dma_start3A_402 = tpu.memref_slice %arg8[%dma_start3A_401] : memref<51200xf32, #tpu.memory_space<hbm>> -> memref<51200xf32, #tpu.memory_space<hbm>>
      tpu.enqueue_indirect_dma source(%arg27 : memref<128xf32, #tpu.memory_space<vmem>>) target(%dma_start3A_402 : memref<51200xf32, #tpu.memory_space<hbm>>) offsets(%arg19 : memref<128xi32, #tpu.memory_space<vmem>>) semaphore(%arg31 : memref<!tpu.dma_semaphore, #tpu.memory_space<semaphore_mem>>)
      %dma_wait3A_403 = arith.constant 0 : i32
      %dma_wait3A_404 = tpu.memref_slice %arg7[%dma_wait3A_403] : memref<51200xf32, #tpu.memory_space<hbm>> -> memref<51200xf32, #tpu.memory_space<hbm>>
      tpu.wait_indirect_dma semaphore(%arg30 : memref<!tpu.dma_semaphore, #tpu.memory_space<semaphore_mem>>) src(%arg26 : memref<128xf32, #tpu.memory_space<vmem>>) dst(%dma_wait3A_404 : memref<51200xf32, #tpu.memory_space<hbm>>)
      %dma_wait3A_405 = arith.constant 0 : i32
      %dma_wait3A_406 = tpu.memref_slice %arg8[%dma_wait3A_405] : memref<51200xf32, #tpu.memory_space<hbm>> -> memref<51200xf32, #tpu.memory_space<hbm>>
      tpu.wait_indirect_dma semaphore(%arg31 : memref<!tpu.dma_semaphore, #tpu.memory_space<semaphore_mem>>) src(%arg27 : memref<128xf32, #tpu.memory_space<vmem>>) dst(%dma_wait3A_406 : memref<51200xf32, #tpu.memory_space<hbm>>)
      %scan3A_407 = arith.constant 0 : i32
      %scan3A_408 = arith.constant 0 : i32
      %scan3A_409 = arith.constant 8 : i32
      %scan3A_410 = arith.addi %scan3A_408, %scan3A_409 : i32
      %scan3A_411 = arith.constant 1 : i32
      %scan3A_412 = scf.for %scan3A_431 = %scan3A_408 to %scan3A_410 step %scan3A_411 iter_args(%scan3A_432 = %scan3A_407) -> (i32)  : i32 {
        %mul3A_433 = arith.constant 16 : i32
        %mul3A_434 = arith.muli %scan3A_431, %mul3A_433 : i32
        %get3A = arith.index_cast %mul3A_434 : i32 to index
        %get3A_435 = tpu.vector_load %arg20[%get3A] {strides = array<i32>} : memref<128xi32, #tpu.memory_space<vmem>>, vector<16xi32>,
        %add3A_436 = arith.constant 3 : i32
        %add3A_437 = vector.broadcast %add3A_436 : i32 to vector<16xi32>
        %add3A_438 = arith.addi %get3A_435, %add3A_437 : vector<16xi32>
        %mul3A_439 = arith.constant 16 : i32
        %mul3A_440 = arith.muli %scan3A_431, %mul3A_439 : i32
        %swap3A_441 = arith.index_cast %mul3A_440 : i32 to index
        %swap3A_442 = tpu.vector_load %arg25[%swap3A_441] {strides = array<i32>} : memref<128xi32, #tpu.memory_space<vmem>>, vector<16xi32>,
        tpu.vector_store %arg25[%swap3A_441], %add3A_438 {strides = array<i32>} : memref<128xi32, #tpu.memory_space<vmem>>, vector<16xi32>,
        %mul3A_443 = arith.constant 16 : i32
        %mul3A_444 = arith.muli %scan3A_431, %mul3A_443 : i32
        %get3A_445 = arith.index_cast %mul3A_444 : i32 to index
        %get3A_446 = tpu.vector_load %arg18[%get3A_445] {strides = array<i32>} : memref<128xi32, #tpu.memory_space<vmem>>, vector<16xi32>,
        %add3A_447 = arith.constant 38400 : i32
        %add3A_448 = vector.broadcast %add3A_447 : i32 to vector<16xi32>
        %add3A_449 = arith.addi %get3A_446, %add3A_448 : vector<16xi32>
        %mul3A_450 = arith.constant 16 : i32
        %mul3A_451 = arith.muli %scan3A_431, %mul3A_450 : i32
        %swap3A_452 = arith.index_cast %mul3A_451 : i32 to index
        %swap3A_453 = tpu.vector_load %arg19[%swap3A_452] {strides = array<i32>} : memref<128xi32, #tpu.memory_space<vmem>>, vector<16xi32>,
        tpu.vector_store %arg19[%swap3A_452], %add3A_449 {strides = array<i32>} : memref<128xi32, #tpu.memory_space<vmem>>, vector<16xi32>,
        %scan3A_454 = arith.constant 0 : i32
        scf.yield %scan3A_454 : i32
      }
      %scan3A_413 = arith.constant 8 : i32
      %dma_start3A_414 = arith.constant 0 : i32
      %dma_start3A_415 = tpu.memref_slice %arg3[%dma_start3A_414] : memref<2095104xf32, #tpu.memory_space<hbm>> -> memref<2095104xf32, #tpu.memory_space<hbm>>
      tpu.enqueue_indirect_dma source(%dma_start3A_415 : memref<2095104xf32, #tpu.memory_space<hbm>>) target(%arg26 : memref<128xf32, #tpu.memory_space<vmem>>) offsets(%arg25 : memref<128xi32, #tpu.memory_space<vmem>>) semaphore(%arg30 : memref<!tpu.dma_semaphore, #tpu.memory_space<semaphore_mem>>)
      %dma_start3A_416 = arith.constant 0 : i32
      %dma_start3A_417 = tpu.memref_slice %arg4[%dma_start3A_416] : memref<2095104xf32, #tpu.memory_space<hbm>> -> memref<2095104xf32, #tpu.memory_space<hbm>>
      tpu.enqueue_indirect_dma source(%dma_start3A_417 : memref<2095104xf32, #tpu.memory_space<hbm>>) target(%arg27 : memref<128xf32, #tpu.memory_space<vmem>>) offsets(%arg25 : memref<128xi32, #tpu.memory_space<vmem>>) semaphore(%arg31 : memref<!tpu.dma_semaphore, #tpu.memory_space<semaphore_mem>>)
      %dma_wait3A_418 = arith.constant 0 : i32
      %dma_wait3A_419 = tpu.memref_slice %arg3[%dma_wait3A_418] : memref<2095104xf32, #tpu.memory_space<hbm>> -> memref<2095104xf32, #tpu.memory_space<hbm>>
      tpu.wait_indirect_dma semaphore(%arg30 : memref<!tpu.dma_semaphore, #tpu.memory_space<semaphore_mem>>) src(%dma_wait3A_419 : memref<2095104xf32, #tpu.memory_space<hbm>>) dst(%arg26 : memref<128xf32, #tpu.memory_space<vmem>>)
      %dma_wait3A_420 = arith.constant 0 : i32
      %dma_wait3A_421 = tpu.memref_slice %arg4[%dma_wait3A_420] : memref<2095104xf32, #tpu.memory_space<hbm>> -> memref<2095104xf32, #tpu.memory_space<hbm>>
      tpu.wait_indirect_dma semaphore(%arg31 : memref<!tpu.dma_semaphore, #tpu.memory_space<semaphore_mem>>) src(%dma_wait3A_421 : memref<2095104xf32, #tpu.memory_space<hbm>>) dst(%arg27 : memref<128xf32, #tpu.memory_space<vmem>>)
      %dma_start3A_422 = arith.constant 0 : i32
      %dma_start3A_423 = tpu.memref_slice %arg7[%dma_start3A_422] : memref<51200xf32, #tpu.memory_space<hbm>> -> memref<51200xf32, #tpu.memory_space<hbm>>
      tpu.enqueue_indirect_dma source(%arg26 : memref<128xf32, #tpu.memory_space<vmem>>) target(%dma_start3A_423 : memref<51200xf32, #tpu.memory_space<hbm>>) offsets(%arg19 : memref<128xi32, #tpu.memory_space<vmem>>) semaphore(%arg30 : memref<!tpu.dma_semaphore, #tpu.memory_space<semaphore_mem>>)
      %dma_start3A_424 = arith.constant 0 : i32
      %dma_start3A_425 = tpu.memref_slice %arg8[%dma_start3A_424] : memref<51200xf32, #tpu.memory_space<hbm>> -> memref<51200xf32, #tpu.memory_space<hbm>>
      tpu.enqueue_indirect_dma source(%arg27 : memref<128xf32, #tpu.memory_space<vmem>>) target(%dma_start3A_425 : memref<51200xf32, #tpu.memory_space<hbm>>) offsets(%arg19 : memref<128xi32, #tpu.memory_space<vmem>>) semaphore(%arg31 : memref<!tpu.dma_semaphore, #tpu.memory_space<semaphore_mem>>)
      %dma_wait3A_426 = arith.constant 0 : i32
      %dma_wait3A_427 = tpu.memref_slice %arg7[%dma_wait3A_426] : memref<51200xf32, #tpu.memory_space<hbm>> -> memref<51200xf32, #tpu.memory_space<hbm>>
      tpu.wait_indirect_dma semaphore(%arg30 : memref<!tpu.dma_semaphore, #tpu.memory_space<semaphore_mem>>) src(%arg26 : memref<128xf32, #tpu.memory_space<vmem>>) dst(%dma_wait3A_427 : memref<51200xf32, #tpu.memory_space<hbm>>)
      %dma_wait3A_428 = arith.constant 0 : i32
      %dma_wait3A_429 = tpu.memref_slice %arg8[%dma_wait3A_428] : memref<51200xf32, #tpu.memory_space<hbm>> -> memref<51200xf32, #tpu.memory_space<hbm>>
      tpu.wait_indirect_dma semaphore(%arg31 : memref<!tpu.dma_semaphore, #tpu.memory_space<semaphore_mem>>) src(%arg27 : memref<128xf32, #tpu.memory_space<vmem>>) dst(%dma_wait3A_429 : memref<51200xf32, #tpu.memory_space<hbm>>)
      %while3A_430 = arith.constant 0 : i32
      scf.yield %while3A_430 : i32
    }
    %while3A_317 = arith.constant 1 : i32
    %while3A_318 = scf.for %while3A_319 = %while3A_314 to %while3A_310 step %while3A_317 iter_args(%while3A_320 = %while3A_316) -> (i32)  : i32 {
      %scan3A_321 = arith.constant 0 : i32
      %scan3A_322 = arith.constant 0 : i32
      %scan3A_323 = arith.constant 8 : i32
      %scan3A_324 = arith.addi %scan3A_322, %scan3A_323 : i32
      %scan3A_325 = arith.constant 1 : i32
      %scan3A_326 = scf.for %scan3A_431 = %scan3A_322 to %scan3A_324 step %scan3A_325 iter_args(%scan3A_432 = %scan3A_321) -> (i32)  : i32 {
        %mul3A_433 = arith.constant 128 : i32
        %mul3A_434 = arith.muli %while3A_319, %mul3A_433 : i32
        %mul3A_435 = arith.constant 16 : i32
        %mul3A_436 = arith.muli %scan3A_431, %mul3A_435 : i32
        %add3A_437 = arith.addi %mul3A_434, %mul3A_436 : i32
        %add3A_438 = vector.broadcast %add3A_437 : i32 to vector<16xi32>
        %add3A_439 = arith.addi %add3A_438, %iota3A : vector<16xi32>
        %lt3A = vector.broadcast %min3A : i32 to vector<16xi32>
        %lt3A_440 = arith.cmpi slt, %add3A_439, %lt3A : vector<16xi32>
        %add3A_441 = vector.broadcast %add3A_218 : i32 to vector<16xi32>
        %add3A_442 = arith.addi %add3A_441, %add3A_439 : vector<16xi32>
        %broadcast_in_dim3A_443 = vector.broadcast %add3A_225 : i32 to vector<16xi32>
        %select_n3A_444 = arith.select %lt3A_440, %add3A_442, %broadcast_in_dim3A_443 : vector<16xi1>, vector<16xi32>
        %mul3A_445 = arith.constant 16 : i32
        %mul3A_446 = arith.muli %scan3A_431, %mul3A_445 : i32
        %swap3A_447 = arith.index_cast %mul3A_446 : i32 to index
        %swap3A_448 = tpu.vector_load %arg18[%swap3A_447] {strides = array<i32>} : memref<128xi32, #tpu.memory_space<vmem>>, vector<16xi32>,
        tpu.vector_store %arg18[%swap3A_447], %select_n3A_444 {strides = array<i32>} : memref<128xi32, #tpu.memory_space<vmem>>, vector<16xi32>,
        %mul3A_449 = arith.constant 128 : i32
        %mul3A_450 = arith.muli %while3A_319, %mul3A_449 : i32
        %mul3A_451 = arith.constant 16 : i32
        %mul3A_452 = arith.muli %scan3A_431, %mul3A_451 : i32
        %add3A_453 = arith.addi %mul3A_450, %mul3A_452 : i32
        %get3A = arith.index_cast %add3A_453 : i32 to index
        %get3A_454 = tpu.vector_load %arg16[%get3A] {strides = array<i32>} : memref<6016xi32, #tpu.memory_space<vmem>>, vector<16xi32>,
        %max3A_455 = arith.constant 0 : i32
        %max3A_456 = vector.broadcast %max3A_455 : i32 to vector<16xi32>
        %max3A_457 = arith.maxsi %get3A_454, %max3A_456 : vector<16xi32>
        %min3A_458 = arith.constant 261887 : i32
        %min3A_459 = vector.broadcast %min3A_458 : i32 to vector<16xi32>
        %min3A_460 = arith.minsi %max3A_457, %min3A_459 : vector<16xi32>
        %mul3A_461 = arith.constant 261888 : i32
        %mul3A_462 = arith.muli %arg0, %mul3A_461 : i32
        %add3A_463 = vector.broadcast %mul3A_462 : i32 to vector<16xi32>
        %add3A_464 = arith.addi %min3A_460, %add3A_463 : vector<16xi32>
        %mul3A_465 = arith.constant 4 : i32
        %mul3A_466 = vector.broadcast %mul3A_465 : i32 to vector<16xi32>
        %mul3A_467 = arith.muli %add3A_464, %mul3A_466 : vector<16xi32>
        %mul3A_468 = arith.constant 16 : i32
        %mul3A_469 = arith.muli %scan3A_431, %mul3A_468 : i32
        %swap3A_470 = arith.index_cast %mul3A_469 : i32 to index
        %swap3A_471 = tpu.vector_load %arg20[%swap3A_470] {strides = array<i32>} : memref<128xi32, #tpu.memory_space<vmem>>, vector<16xi32>,
        tpu.vector_store %arg20[%swap3A_470], %mul3A_467 {strides = array<i32>} : memref<128xi32, #tpu.memory_space<vmem>>, vector<16xi32>,
        %scan3A_472 = arith.constant 0 : i32
        scf.yield %scan3A_472 : i32
      }
      %scan3A_327 = arith.constant 8 : i32
      %mul3A_328 = arith.constant 128 : i32
      %mul3A_329 = arith.muli %while3A_319, %mul3A_328 : i32
      %dma_start3A = tpu.memref_slice %arg16[%mul3A_329] : memref<6016xi32, #tpu.memory_space<vmem>> -> memref<128xi32, #tpu.memory_space<vmem>>
      %dma_start3A_330 = arith.constant 0 : i32
      %dma_start3A_331 = tpu.memref_slice %arg6[%dma_start3A_330] : memref<12800xi32, #tpu.memory_space<hbm>> -> memref<12800xi32, #tpu.memory_space<hbm>>
      tpu.enqueue_indirect_dma source(%dma_start3A : memref<128xi32, #tpu.memory_space<vmem>>) target(%dma_start3A_331 : memref<12800xi32, #tpu.memory_space<hbm>>) offsets(%arg18 : memref<128xi32, #tpu.memory_space<vmem>>) semaphore(%arg30 : memref<!tpu.dma_semaphore, #tpu.memory_space<semaphore_mem>>)
      %dma_start3A_332 = arith.constant 0 : i32
      %dma_start3A_333 = tpu.memref_slice %arg5[%dma_start3A_332] : memref<12800xf32, #tpu.memory_space<hbm>> -> memref<12800xf32, #tpu.memory_space<hbm>>
      tpu.enqueue_indirect_dma source(%arg17 : memref<128xf32, #tpu.memory_space<vmem>>) target(%dma_start3A_333 : memref<12800xf32, #tpu.memory_space<hbm>>) offsets(%arg18 : memref<128xi32, #tpu.memory_space<vmem>>) semaphore(%arg31 : memref<!tpu.dma_semaphore, #tpu.memory_space<semaphore_mem>>)
      %dma_wait3A = tpu.memref_slice %arg16[%mul3A_329] : memref<6016xi32, #tpu.memory_space<vmem>> -> memref<128xi32, #tpu.memory_space<vmem>>
      %dma_wait3A_334 = arith.constant 0 : i32
      %dma_wait3A_335 = tpu.memref_slice %arg6[%dma_wait3A_334] : memref<12800xi32, #tpu.memory_space<hbm>> -> memref<12800xi32, #tpu.memory_space<hbm>>
      tpu.wait_indirect_dma semaphore(%arg30 : memref<!tpu.dma_semaphore, #tpu.memory_space<semaphore_mem>>) src(%dma_wait3A : memref<128xi32, #tpu.memory_space<vmem>>) dst(%dma_wait3A_335 : memref<12800xi32, #tpu.memory_space<hbm>>)
      %dma_wait3A_336 = arith.constant 0 : i32
      %dma_wait3A_337 = tpu.memref_slice %arg5[%dma_wait3A_336] : memref<12800xf32, #tpu.memory_space<hbm>> -> memref<12800xf32, #tpu.memory_space<hbm>>
      tpu.wait_indirect_dma semaphore(%arg31 : memref<!tpu.dma_semaphore, #tpu.memory_space<semaphore_mem>>) src(%arg17 : memref<128xf32, #tpu.memory_space<vmem>>) dst(%dma_wait3A_337 : memref<12800xf32, #tpu.memory_space<hbm>>)
      %scan3A_338 = arith.constant 0 : i32
      %scan3A_339 = arith.constant 0 : i32
      %scan3A_340 = arith.constant 8 : i32
      %scan3A_341 = arith.addi %scan3A_339, %scan3A_340 : i32
      %scan3A_342 = arith.constant 1 : i32
      %scan3A_343 = scf.for %scan3A_431 = %scan3A_339 to %scan3A_341 step %scan3A_342 iter_args(%scan3A_432 = %scan3A_338) -> (i32)  : i32 {
        %mul3A_433 = arith.constant 16 : i32
        %mul3A_434 = arith.muli %scan3A_431, %mul3A_433 : i32
        %get3A = arith.index_cast %mul3A_434 : i32 to index
        %get3A_435 = tpu.vector_load %arg20[%get3A] {strides = array<i32>} : memref<128xi32, #tpu.memory_space<vmem>>, vector<16xi32>,
        %add3A_436 = arith.constant 0 : i32
        %add3A_437 = vector.broadcast %add3A_436 : i32 to vector<16xi32>
        %add3A_438 = arith.addi %get3A_435, %add3A_437 : vector<16xi32>
        %mul3A_439 = arith.constant 16 : i32
        %mul3A_440 = arith.muli %scan3A_431, %mul3A_439 : i32
        %swap3A_441 = arith.index_cast %mul3A_440 : i32 to index
        %swap3A_442 = tpu.vector_load %arg25[%swap3A_441] {strides = array<i32>} : memref<128xi32, #tpu.memory_space<vmem>>, vector<16xi32>,
        tpu.vector_store %arg25[%swap3A_441], %add3A_438 {strides = array<i32>} : memref<128xi32, #tpu.memory_space<vmem>>, vector<16xi32>,
        %mul3A_443 = arith.constant 16 : i32
        %mul3A_444 = arith.muli %scan3A_431, %mul3A_443 : i32
        %get3A_445 = arith.index_cast %mul3A_444 : i32 to index
        %get3A_446 = tpu.vector_load %arg18[%get3A_445] {strides = array<i32>} : memref<128xi32, #tpu.memory_space<vmem>>, vector<16xi32>,
        %add3A_447 = arith.constant 0 : i32
        %add3A_448 = vector.broadcast %add3A_447 : i32 to vector<16xi32>
        %add3A_449 = arith.addi %get3A_446, %add3A_448 : vector<16xi32>
        %mul3A_450 = arith.constant 16 : i32
        %mul3A_451 = arith.muli %scan3A_431, %mul3A_450 : i32
        %swap3A_452 = arith.index_cast %mul3A_451 : i32 to index
        %swap3A_453 = tpu.vector_load %arg19[%swap3A_452] {strides = array<i32>} : memref<128xi32, #tpu.memory_space<vmem>>, vector<16xi32>,
        tpu.vector_store %arg19[%swap3A_452], %add3A_449 {strides = array<i32>} : memref<128xi32, #tpu.memory_space<vmem>>, vector<16xi32>,
        %scan3A_454 = arith.constant 0 : i32
        scf.yield %scan3A_454 : i32
      }
      %scan3A_344 = arith.constant 8 : i32
      %dma_start3A_345 = arith.constant 0 : i32
      %dma_start3A_346 = tpu.memref_slice %arg3[%dma_start3A_345] : memref<2095104xf32, #tpu.memory_space<hbm>> -> memref<2095104xf32, #tpu.memory_space<hbm>>
      tpu.enqueue_indirect_dma source(%dma_start3A_346 : memref<2095104xf32, #tpu.memory_space<hbm>>) target(%arg26 : memref<128xf32, #tpu.memory_space<vmem>>) offsets(%arg25 : memref<128xi32, #tpu.memory_space<vmem>>) semaphore(%arg30 : memref<!tpu.dma_semaphore, #tpu.memory_space<semaphore_mem>>)
      %dma_start3A_347 = arith.constant 0 : i32
      %dma_start3A_348 = tpu.memref_slice %arg4[%dma_start3A_347] : memref<2095104xf32, #tpu.memory_space<hbm>> -> memref<2095104xf32, #tpu.memory_space<hbm>>
      tpu.enqueue_indirect_dma source(%dma_start3A_348 : memref<2095104xf32, #tpu.memory_space<hbm>>) target(%arg27 : memref<128xf32, #tpu.memory_space<vmem>>) offsets(%arg25 : memref<128xi32, #tpu.memory_space<vmem>>) semaphore(%arg31 : memref<!tpu.dma_semaphore, #tpu.memory_space<semaphore_mem>>)
      %dma_wait3A_349 = arith.constant 0 : i32
      %dma_wait3A_350 = tpu.memref_slice %arg3[%dma_wait3A_349] : memref<2095104xf32, #tpu.memory_space<hbm>> -> memref<2095104xf32, #tpu.memory_space<hbm>>
      tpu.wait_indirect_dma semaphore(%arg30 : memref<!tpu.dma_semaphore, #tpu.memory_space<semaphore_mem>>) src(%dma_wait3A_350 : memref<2095104xf32, #tpu.memory_space<hbm>>) dst(%arg26 : memref<128xf32, #tpu.memory_space<vmem>>)
      %dma_wait3A_351 = arith.constant 0 : i32
      %dma_wait3A_352 = tpu.memref_slice %arg4[%dma_wait3A_351] : memref<2095104xf32, #tpu.memory_space<hbm>> -> memref<2095104xf32, #tpu.memory_space<hbm>>
      tpu.wait_indirect_dma semaphore(%arg31 : memref<!tpu.dma_semaphore, #tpu.memory_space<semaphore_mem>>) src(%dma_wait3A_352 : memref<2095104xf32, #tpu.memory_space<hbm>>) dst(%arg27 : memref<128xf32, #tpu.memory_space<vmem>>)
      %dma_start3A_353 = arith.constant 0 : i32
      %dma_start3A_354 = tpu.memref_slice %arg7[%dma_start3A_353] : memref<51200xf32, #tpu.memory_space<hbm>> -> memref<51200xf32, #tpu.memory_space<hbm>>
      tpu.enqueue_indirect_dma source(%arg26 : memref<128xf32, #tpu.memory_space<vmem>>) target(%dma_start3A_354 : memref<51200xf32, #tpu.memory_space<hbm>>) offsets(%arg19 : memref<128xi32, #tpu.memory_space<vmem>>) semaphore(%arg30 : memref<!tpu.dma_semaphore, #tpu.memory_space<semaphore_mem>>)
      %dma_start3A_355 = arith.constant 0 : i32
      %dma_start3A_356 = tpu.memref_slice %arg8[%dma_start3A_355] : memref<51200xf32, #tpu.memory_space<hbm>> -> memref<51200xf32, #tpu.memory_space<hbm>>
      tpu.enqueue_indirect_dma source(%arg27 : memref<128xf32, #tpu.memory_space<vmem>>) target(%dma_start3A_356 : memref<51200xf32, #tpu.memory_space<hbm>>) offsets(%arg19 : memref<128xi32, #tpu.memory_space<vmem>>) semaphore(%arg31 : memref<!tpu.dma_semaphore, #tpu.memory_space<semaphore_mem>>)
      %dma_wait3A_357 = arith.constant 0 : i32
      %dma_wait3A_358 = tpu.memref_slice %arg7[%dma_wait3A_357] : memref<51200xf32, #tpu.memory_space<hbm>> -> memref<51200xf32, #tpu.memory_space<hbm>>
      tpu.wait_indirect_dma semaphore(%arg30 : memref<!tpu.dma_semaphore, #tpu.memory_space<semaphore_mem>>) src(%arg26 : memref<128xf32, #tpu.memory_space<vmem>>) dst(%dma_wait3A_358 : memref<51200xf32, #tpu.memory_space<hbm>>)
      %dma_wait3A_359 = arith.constant 0 : i32
      %dma_wait3A_360 = tpu.memref_slice %arg8[%dma_wait3A_359] : memref<51200xf32, #tpu.memory_space<hbm>> -> memref<51200xf32, #tpu.memory_space<hbm>>
      tpu.wait_indirect_dma semaphore(%arg31 : memref<!tpu.dma_semaphore, #tpu.memory_space<semaphore_mem>>) src(%arg27 : memref<128xf32, #tpu.memory_space<vmem>>) dst(%dma_wait3A_360 : memref<51200xf32, #tpu.memory_space<hbm>>)
      %scan3A_361 = arith.constant 0 : i32
      %scan3A_362 = arith.constant 0 : i32
      %scan3A_363 = arith.constant 8 : i32
      %scan3A_364 = arith.addi %scan3A_362, %scan3A_363 : i32
      %scan3A_365 = arith.constant 1 : i32
      %scan3A_366 = scf.for %scan3A_431 = %scan3A_362 to %scan3A_364 step %scan3A_365 iter_args(%scan3A_432 = %scan3A_361) -> (i32)  : i32 {
        %mul3A_433 = arith.constant 16 : i32
        %mul3A_434 = arith.muli %scan3A_431, %mul3A_433 : i32
        %get3A = arith.index_cast %mul3A_434 : i32 to index
        %get3A_435 = tpu.vector_load %arg20[%get3A] {strides = array<i32>} : memref<128xi32, #tpu.memory_space<vmem>>, vector<16xi32>,
        %add3A_436 = arith.constant 1 : i32
        %add3A_437 = vector.broadcast %add3A_436 : i32 to vector<16xi32>
        %add3A_438 = arith.addi %get3A_435, %add3A_437 : vector<16xi32>
        %mul3A_439 = arith.constant 16 : i32
        %mul3A_440 = arith.muli %scan3A_431, %mul3A_439 : i32
        %swap3A_441 = arith.index_cast %mul3A_440 : i32 to index
        %swap3A_442 = tpu.vector_load %arg25[%swap3A_441] {strides = array<i32>} : memref<128xi32, #tpu.memory_space<vmem>>, vector<16xi32>,
        tpu.vector_store %arg25[%swap3A_441], %add3A_438 {strides = array<i32>} : memref<128xi32, #tpu.memory_space<vmem>>, vector<16xi32>,
        %mul3A_443 = arith.constant 16 : i32
        %mul3A_444 = arith.muli %scan3A_431, %mul3A_443 : i32
        %get3A_445 = arith.index_cast %mul3A_444 : i32 to index
        %get3A_446 = tpu.vector_load %arg18[%get3A_445] {strides = array<i32>} : memref<128xi32, #tpu.memory_space<vmem>>, vector<16xi32>,
        %add3A_447 = arith.constant 12800 : i32
        %add3A_448 = vector.broadcast %add3A_447 : i32 to vector<16xi32>
        %add3A_449 = arith.addi %get3A_446, %add3A_448 : vector<16xi32>
        %mul3A_450 = arith.constant 16 : i32
        %mul3A_451 = arith.muli %scan3A_431, %mul3A_450 : i32
        %swap3A_452 = arith.index_cast %mul3A_451 : i32 to index
        %swap3A_453 = tpu.vector_load %arg19[%swap3A_452] {strides = array<i32>} : memref<128xi32, #tpu.memory_space<vmem>>, vector<16xi32>,
        tpu.vector_store %arg19[%swap3A_452], %add3A_449 {strides = array<i32>} : memref<128xi32, #tpu.memory_space<vmem>>, vector<16xi32>,
        %scan3A_454 = arith.constant 0 : i32
        scf.yield %scan3A_454 : i32
      }
      %scan3A_367 = arith.constant 8 : i32
      %dma_start3A_368 = arith.constant 0 : i32
      %dma_start3A_369 = tpu.memref_slice %arg3[%dma_start3A_368] : memref<2095104xf32, #tpu.memory_space<hbm>> -> memref<2095104xf32, #tpu.memory_space<hbm>>
      tpu.enqueue_indirect_dma source(%dma_start3A_369 : memref<2095104xf32, #tpu.memory_space<hbm>>) target(%arg26 : memref<128xf32, #tpu.memory_space<vmem>>) offsets(%arg25 : memref<128xi32, #tpu.memory_space<vmem>>) semaphore(%arg30 : memref<!tpu.dma_semaphore, #tpu.memory_space<semaphore_mem>>)
      %dma_start3A_370 = arith.constant 0 : i32
      %dma_start3A_371 = tpu.memref_slice %arg4[%dma_start3A_370] : memref<2095104xf32, #tpu.memory_space<hbm>> -> memref<2095104xf32, #tpu.memory_space<hbm>>
      tpu.enqueue_indirect_dma source(%dma_start3A_371 : memref<2095104xf32, #tpu.memory_space<hbm>>) target(%arg27 : memref<128xf32, #tpu.memory_space<vmem>>) offsets(%arg25 : memref<128xi32, #tpu.memory_space<vmem>>) semaphore(%arg31 : memref<!tpu.dma_semaphore, #tpu.memory_space<semaphore_mem>>)
      %dma_wait3A_372 = arith.constant 0 : i32
      %dma_wait3A_373 = tpu.memref_slice %arg3[%dma_wait3A_372] : memref<2095104xf32, #tpu.memory_space<hbm>> -> memref<2095104xf32, #tpu.memory_space<hbm>>
      tpu.wait_indirect_dma semaphore(%arg30 : memref<!tpu.dma_semaphore, #tpu.memory_space<semaphore_mem>>) src(%dma_wait3A_373 : memref<2095104xf32, #tpu.memory_space<hbm>>) dst(%arg26 : memref<128xf32, #tpu.memory_space<vmem>>)
      %dma_wait3A_374 = arith.constant 0 : i32
      %dma_wait3A_375 = tpu.memref_slice %arg4[%dma_wait3A_374] : memref<2095104xf32, #tpu.memory_space<hbm>> -> memref<2095104xf32, #tpu.memory_space<hbm>>
      tpu.wait_indirect_dma semaphore(%arg31 : memref<!tpu.dma_semaphore, #tpu.memory_space<semaphore_mem>>) src(%dma_wait3A_375 : memref<2095104xf32, #tpu.memory_space<hbm>>) dst(%arg27 : memref<128xf32, #tpu.memory_space<vmem>>)
      %dma_start3A_376 = arith.constant 0 : i32
      %dma_start3A_377 = tpu.memref_slice %arg7[%dma_start3A_376] : memref<51200xf32, #tpu.memory_space<hbm>> -> memref<51200xf32, #tpu.memory_space<hbm>>
      tpu.enqueue_indirect_dma source(%arg26 : memref<128xf32, #tpu.memory_space<vmem>>) target(%dma_start3A_377 : memref<51200xf32, #tpu.memory_space<hbm>>) offsets(%arg19 : memref<128xi32, #tpu.memory_space<vmem>>) semaphore(%arg30 : memref<!tpu.dma_semaphore, #tpu.memory_space<semaphore_mem>>)
      %dma_start3A_378 = arith.constant 0 : i32
      %dma_start3A_379 = tpu.memref_slice %arg8[%dma_start3A_378] : memref<51200xf32, #tpu.memory_space<hbm>> -> memref<51200xf32, #tpu.memory_space<hbm>>
      tpu.enqueue_indirect_dma source(%arg27 : memref<128xf32, #tpu.memory_space<vmem>>) target(%dma_start3A_379 : memref<51200xf32, #tpu.memory_space<hbm>>) offsets(%arg19 : memref<128xi32, #tpu.memory_space<vmem>>) semaphore(%arg31 : memref<!tpu.dma_semaphore, #tpu.memory_space<semaphore_mem>>)
      %dma_wait3A_380 = arith.constant 0 : i32
      %dma_wait3A_381 = tpu.memref_slice %arg7[%dma_wait3A_380] : memref<51200xf32, #tpu.memory_space<hbm>> -> memref<51200xf32, #tpu.memory_space<hbm>>
      tpu.wait_indirect_dma semaphore(%arg30 : memref<!tpu.dma_semaphore, #tpu.memory_space<semaphore_mem>>) src(%arg26 : memref<128xf32, #tpu.memory_space<vmem>>) dst(%dma_wait3A_381 : memref<51200xf32, #tpu.memory_space<hbm>>)
      %dma_wait3A_382 = arith.constant 0 : i32
      %dma_wait3A_383 = tpu.memref_slice %arg8[%dma_wait3A_382] : memref<51200xf32, #tpu.memory_space<hbm>> -> memref<51200xf32, #tpu.memory_space<hbm>>
      tpu.wait_indirect_dma semaphore(%arg31 : memref<!tpu.dma_semaphore, #tpu.memory_space<semaphore_mem>>) src(%arg27 : memref<128xf32, #tpu.memory_space<vmem>>) dst(%dma_wait3A_383 : memref<51200xf32, #tpu.memory_space<hbm>>)
      %scan3A_384 = arith.constant 0 : i32
      %scan3A_385 = arith.constant 0 : i32
      %scan3A_386 = arith.constant 8 : i32
      %scan3A_387 = arith.addi %scan3A_385, %scan3A_386 : i32
      %scan3A_388 = arith.constant 1 : i32
      %scan3A_389 = scf.for %scan3A_431 = %scan3A_385 to %scan3A_387 step %scan3A_388 iter_args(%scan3A_432 = %scan3A_384) -> (i32)  : i32 {
        %mul3A_433 = arith.constant 16 : i32
        %mul3A_434 = arith.muli %scan3A_431, %mul3A_433 : i32
        %get3A = arith.index_cast %mul3A_434 : i32 to index
        %get3A_435 = tpu.vector_load %arg20[%get3A] {strides = array<i32>} : memref<128xi32, #tpu.memory_space<vmem>>, vector<16xi32>,
        %add3A_436 = arith.constant 2 : i32
        %add3A_437 = vector.broadcast %add3A_436 : i32 to vector<16xi32>
        %add3A_438 = arith.addi %get3A_435, %add3A_437 : vector<16xi32>
        %mul3A_439 = arith.constant 16 : i32
        %mul3A_440 = arith.muli %scan3A_431, %mul3A_439 : i32
        %swap3A_441 = arith.index_cast %mul3A_440 : i32 to index
        %swap3A_442 = tpu.vector_load %arg25[%swap3A_441] {strides = array<i32>} : memref<128xi32, #tpu.memory_space<vmem>>, vector<16xi32>,
        tpu.vector_store %arg25[%swap3A_441], %add3A_438 {strides = array<i32>} : memref<128xi32, #tpu.memory_space<vmem>>, vector<16xi32>,
        %mul3A_443 = arith.constant 16 : i32
        %mul3A_444 = arith.muli %scan3A_431, %mul3A_443 : i32
        %get3A_445 = arith.index_cast %mul3A_444 : i32 to index
        %get3A_446 = tpu.vector_load %arg18[%get3A_445] {strides = array<i32>} : memref<128xi32, #tpu.memory_space<vmem>>, vector<16xi32>,
        %add3A_447 = arith.constant 25600 : i32
        %add3A_448 = vector.broadcast %add3A_447 : i32 to vector<16xi32>
        %add3A_449 = arith.addi %get3A_446, %add3A_448 : vector<16xi32>
        %mul3A_450 = arith.constant 16 : i32
        %mul3A_451 = arith.muli %scan3A_431, %mul3A_450 : i32
        %swap3A_452 = arith.index_cast %mul3A_451 : i32 to index
        %swap3A_453 = tpu.vector_load %arg19[%swap3A_452] {strides = array<i32>} : memref<128xi32, #tpu.memory_space<vmem>>, vector<16xi32>,
        tpu.vector_store %arg19[%swap3A_452], %add3A_449 {strides = array<i32>} : memref<128xi32, #tpu.memory_space<vmem>>, vector<16xi32>,
        %scan3A_454 = arith.constant 0 : i32
        scf.yield %scan3A_454 : i32
      }
      %scan3A_390 = arith.constant 8 : i32
      %dma_start3A_391 = arith.constant 0 : i32
      %dma_start3A_392 = tpu.memref_slice %arg3[%dma_start3A_391] : memref<2095104xf32, #tpu.memory_space<hbm>> -> memref<2095104xf32, #tpu.memory_space<hbm>>
      tpu.enqueue_indirect_dma source(%dma_start3A_392 : memref<2095104xf32, #tpu.memory_space<hbm>>) target(%arg26 : memref<128xf32, #tpu.memory_space<vmem>>) offsets(%arg25 : memref<128xi32, #tpu.memory_space<vmem>>) semaphore(%arg30 : memref<!tpu.dma_semaphore, #tpu.memory_space<semaphore_mem>>)
      %dma_start3A_393 = arith.constant 0 : i32
      %dma_start3A_394 = tpu.memref_slice %arg4[%dma_start3A_393] : memref<2095104xf32, #tpu.memory_space<hbm>> -> memref<2095104xf32, #tpu.memory_space<hbm>>
      tpu.enqueue_indirect_dma source(%dma_start3A_394 : memref<2095104xf32, #tpu.memory_space<hbm>>) target(%arg27 : memref<128xf32, #tpu.memory_space<vmem>>) offsets(%arg25 : memref<128xi32, #tpu.memory_space<vmem>>) semaphore(%arg31 : memref<!tpu.dma_semaphore, #tpu.memory_space<semaphore_mem>>)
      %dma_wait3A_395 = arith.constant 0 : i32
      %dma_wait3A_396 = tpu.memref_slice %arg3[%dma_wait3A_395] : memref<2095104xf32, #tpu.memory_space<hbm>> -> memref<2095104xf32, #tpu.memory_space<hbm>>
      tpu.wait_indirect_dma semaphore(%arg30 : memref<!tpu.dma_semaphore, #tpu.memory_space<semaphore_mem>>) src(%dma_wait3A_396 : memref<2095104xf32, #tpu.memory_space<hbm>>) dst(%arg26 : memref<128xf32, #tpu.memory_space<vmem>>)
      %dma_wait3A_397 = arith.constant 0 : i32
      %dma_wait3A_398 = tpu.memref_slice %arg4[%dma_wait3A_397] : memref<2095104xf32, #tpu.memory_space<hbm>> -> memref<2095104xf32, #tpu.memory_space<hbm>>
      tpu.wait_indirect_dma semaphore(%arg31 : memref<!tpu.dma_semaphore, #tpu.memory_space<semaphore_mem>>) src(%dma_wait3A_398 : memref<2095104xf32, #tpu.memory_space<hbm>>) dst(%arg27 : memref<128xf32, #tpu.memory_space<vmem>>)
      %dma_start3A_399 = arith.constant 0 : i32
      %dma_start3A_400 = tpu.memref_slice %arg7[%dma_start3A_399] : memref<51200xf32, #tpu.memory_space<hbm>> -> memref<51200xf32, #tpu.memory_space<hbm>>
      tpu.enqueue_indirect_dma source(%arg26 : memref<128xf32, #tpu.memory_space<vmem>>) target(%dma_start3A_400 : memref<51200xf32, #tpu.memory_space<hbm>>) offsets(%arg19 : memref<128xi32, #tpu.memory_space<vmem>>) semaphore(%arg30 : memref<!tpu.dma_semaphore, #tpu.memory_space<semaphore_mem>>)
      %dma_start3A_401 = arith.constant 0 : i32
      %dma_start3A_402 = tpu.memref_slice %arg8[%dma_start3A_401] : memref<51200xf32, #tpu.memory_space<hbm>> -> memref<51200xf32, #tpu.memory_space<hbm>>
      tpu.enqueue_indirect_dma source(%arg27 : memref<128xf32, #tpu.memory_space<vmem>>) target(%dma_start3A_402 : memref<51200xf32, #tpu.memory_space<hbm>>) offsets(%arg19 : memref<128xi32, #tpu.memory_space<vmem>>) semaphore(%arg31 : memref<!tpu.dma_semaphore, #tpu.memory_space<semaphore_mem>>)
      %dma_wait3A_403 = arith.constant 0 : i32
      %dma_wait3A_404 = tpu.memref_slice %arg7[%dma_wait3A_403] : memref<51200xf32, #tpu.memory_space<hbm>> -> memref<51200xf32, #tpu.memory_space<hbm>>
      tpu.wait_indirect_dma semaphore(%arg30 : memref<!tpu.dma_semaphore, #tpu.memory_space<semaphore_mem>>) src(%arg26 : memref<128xf32, #tpu.memory_space<vmem>>) dst(%dma_wait3A_404 : memref<51200xf32, #tpu.memory_space<hbm>>)
      %dma_wait3A_405 = arith.constant 0 : i32
      %dma_wait3A_406 = tpu.memref_slice %arg8[%dma_wait3A_405] : memref<51200xf32, #tpu.memory_space<hbm>> -> memref<51200xf32, #tpu.memory_space<hbm>>
      tpu.wait_indirect_dma semaphore(%arg31 : memref<!tpu.dma_semaphore, #tpu.memory_space<semaphore_mem>>) src(%arg27 : memref<128xf32, #tpu.memory_space<vmem>>) dst(%dma_wait3A_406 : memref<51200xf32, #tpu.memory_space<hbm>>)
      %scan3A_407 = arith.constant 0 : i32
      %scan3A_408 = arith.constant 0 : i32
      %scan3A_409 = arith.constant 8 : i32
      %scan3A_410 = arith.addi %scan3A_408, %scan3A_409 : i32
      %scan3A_411 = arith.constant 1 : i32
      %scan3A_412 = scf.for %scan3A_431 = %scan3A_408 to %scan3A_410 step %scan3A_411 iter_args(%scan3A_432 = %scan3A_407) -> (i32)  : i32 {
        %mul3A_433 = arith.constant 16 : i32
        %mul3A_434 = arith.muli %scan3A_431, %mul3A_433 : i32
        %get3A = arith.index_cast %mul3A_434 : i32 to index
        %get3A_435 = tpu.vector_load %arg20[%get3A] {strides = array<i32>} : memref<128xi32, #tpu.memory_space<vmem>>, vector<16xi32>,
        %add3A_436 = arith.constant 3 : i32
        %add3A_437 = vector.broadcast %add3A_436 : i32 to vector<16xi32>
        %add3A_438 = arith.addi %get3A_435, %add3A_437 : vector<16xi32>
        %mul3A_439 = arith.constant 16 : i32
        %mul3A_440 = arith.muli %scan3A_431, %mul3A_439 : i32
        %swap3A_441 = arith.index_cast %mul3A_440 : i32 to index
        %swap3A_442 = tpu.vector_load %arg25[%swap3A_441] {strides = array<i32>} : memref<128xi32, #tpu.memory_space<vmem>>, vector<16xi32>,
        tpu.vector_store %arg25[%swap3A_441], %add3A_438 {strides = array<i32>} : memref<128xi32, #tpu.memory_space<vmem>>, vector<16xi32>,
        %mul3A_443 = arith.constant 16 : i32
        %mul3A_444 = arith.muli %scan3A_431, %mul3A_443 : i32
        %get3A_445 = arith.index_cast %mul3A_444 : i32 to index
        %get3A_446 = tpu.vector_load %arg18[%get3A_445] {strides = array<i32>} : memref<128xi32, #tpu.memory_space<vmem>>, vector<16xi32>,
        %add3A_447 = arith.constant 38400 : i32
        %add3A_448 = vector.broadcast %add3A_447 : i32 to vector<16xi32>
        %add3A_449 = arith.addi %get3A_446, %add3A_448 : vector<16xi32>
        %mul3A_450 = arith.constant 16 : i32
        %mul3A_451 = arith.muli %scan3A_431, %mul3A_450 : i32
        %swap3A_452 = arith.index_cast %mul3A_451 : i32 to index
        %swap3A_453 = tpu.vector_load %arg19[%swap3A_452] {strides = array<i32>} : memref<128xi32, #tpu.memory_space<vmem>>, vector<16xi32>,
        tpu.vector_store %arg19[%swap3A_452], %add3A_449 {strides = array<i32>} : memref<128xi32, #tpu.memory_space<vmem>>, vector<16xi32>,
        %scan3A_454 = arith.constant 0 : i32
        scf.yield %scan3A_454 : i32
      }
      %scan3A_413 = arith.constant 8 : i32
      %dma_start3A_414 = arith.constant 0 : i32
      %dma_start3A_415 = tpu.memref_slice %arg3[%dma_start3A_414] : memref<2095104xf32, #tpu.memory_space<hbm>> -> memref<2095104xf32, #tpu.memory_space<hbm>>
      tpu.enqueue_indirect_dma source(%dma_start3A_415 : memref<2095104xf32, #tpu.memory_space<hbm>>) target(%arg26 : memref<128xf32, #tpu.memory_space<vmem>>) offsets(%arg25 : memref<128xi32, #tpu.memory_space<vmem>>) semaphore(%arg30 : memref<!tpu.dma_semaphore, #tpu.memory_space<semaphore_mem>>)
      %dma_start3A_416 = arith.constant 0 : i32
      %dma_start3A_417 = tpu.memref_slice %arg4[%dma_start3A_416] : memref<2095104xf32, #tpu.memory_space<hbm>> -> memref<2095104xf32, #tpu.memory_space<hbm>>
      tpu.enqueue_indirect_dma source(%dma_start3A_417 : memref<2095104xf32, #tpu.memory_space<hbm>>) target(%arg27 : memref<128xf32, #tpu.memory_space<vmem>>) offsets(%arg25 : memref<128xi32, #tpu.memory_space<vmem>>) semaphore(%arg31 : memref<!tpu.dma_semaphore, #tpu.memory_space<semaphore_mem>>)
      %dma_wait3A_418 = arith.constant 0 : i32
      %dma_wait3A_419 = tpu.memref_slice %arg3[%dma_wait3A_418] : memref<2095104xf32, #tpu.memory_space<hbm>> -> memref<2095104xf32, #tpu.memory_space<hbm>>
      tpu.wait_indirect_dma semaphore(%arg30 : memref<!tpu.dma_semaphore, #tpu.memory_space<semaphore_mem>>) src(%dma_wait3A_419 : memref<2095104xf32, #tpu.memory_space<hbm>>) dst(%arg26 : memref<128xf32, #tpu.memory_space<vmem>>)
      %dma_wait3A_420 = arith.constant 0 : i32
      %dma_wait3A_421 = tpu.memref_slice %arg4[%dma_wait3A_420] : memref<2095104xf32, #tpu.memory_space<hbm>> -> memref<2095104xf32, #tpu.memory_space<hbm>>
      tpu.wait_indirect_dma semaphore(%arg31 : memref<!tpu.dma_semaphore, #tpu.memory_space<semaphore_mem>>) src(%dma_wait3A_421 : memref<2095104xf32, #tpu.memory_space<hbm>>) dst(%arg27 : memref<128xf32, #tpu.memory_space<vmem>>)
      %dma_start3A_422 = arith.constant 0 : i32
      %dma_start3A_423 = tpu.memref_slice %arg7[%dma_start3A_422] : memref<51200xf32, #tpu.memory_space<hbm>> -> memref<51200xf32, #tpu.memory_space<hbm>>
      tpu.enqueue_indirect_dma source(%arg26 : memref<128xf32, #tpu.memory_space<vmem>>) target(%dma_start3A_423 : memref<51200xf32, #tpu.memory_space<hbm>>) offsets(%arg19 : memref<128xi32, #tpu.memory_space<vmem>>) semaphore(%arg30 : memref<!tpu.dma_semaphore, #tpu.memory_space<semaphore_mem>>)
      %dma_start3A_424 = arith.constant 0 : i32
      %dma_start3A_425 = tpu.memref_slice %arg8[%dma_start3A_424] : memref<51200xf32, #tpu.memory_space<hbm>> -> memref<51200xf32, #tpu.memory_space<hbm>>
      tpu.enqueue_indirect_dma source(%arg27 : memref<128xf32, #tpu.memory_space<vmem>>) target(%dma_start3A_425 : memref<51200xf32, #tpu.memory_space<hbm>>) offsets(%arg19 : memref<128xi32, #tpu.memory_space<vmem>>) semaphore(%arg31 : memref<!tpu.dma_semaphore, #tpu.memory_space<semaphore_mem>>)
      %dma_wait3A_426 = arith.constant 0 : i32
      %dma_wait3A_427 = tpu.memref_slice %arg7[%dma_wait3A_426] : memref<51200xf32, #tpu.memory_space<hbm>> -> memref<51200xf32, #tpu.memory_space<hbm>>
      tpu.wait_indirect_dma semaphore(%arg30 : memref<!tpu.dma_semaphore, #tpu.memory_space<semaphore_mem>>) src(%arg26 : memref<128xf32, #tpu.memory_space<vmem>>) dst(%dma_wait3A_427 : memref<51200xf32, #tpu.memory_space<hbm>>)
      %dma_wait3A_428 = arith.constant 0 : i32
      %dma_wait3A_429 = tpu.memref_slice %arg8[%dma_wait3A_428] : memref<51200xf32, #tpu.memory_space<hbm>> -> memref<51200xf32, #tpu.memory_space<hbm>>
      tpu.wait_indirect_dma semaphore(%arg31 : memref<!tpu.dma_semaphore, #tpu.memory_space<semaphore_mem>>) src(%arg27 : memref<128xf32, #tpu.memory_space<vmem>>) dst(%dma_wait3A_429 : memref<51200xf32, #tpu.memory_space<hbm>>)
      %while3A_430 = arith.constant 0 : i32
      scf.yield %while3A_430 : i32
    }
    return
  }
}

module attributes {stable_mosaic.version = 14 : i64} {
  func.func @_nms_kernel(%arg0: i32, %arg1: memref<1x8x768xf32, #tpu.memory_space<vmem>>, %arg2: memref<1x8x768xi32, #tpu.memory_space<vmem>>, %arg3: memref<1x4x8x768xf32, #tpu.memory_space<vmem>>, %arg4: memref<1x4x8x768xf32, #tpu.memory_space<vmem>>, %arg5: memref<1x1024x128xf32, #tpu.memory_space<vmem>>) attributes {dimension_semantics = [#tpu.dimension_semantics<arbitrary>], iteration_bounds = array<i64: 2>, scalar_prefetch = 0 : i64, scratch_operands = 0 : i64, tpu.core_type = #tpu.core_type<tc>, window_params = [{transform_indices = @transform_0, window_bounds = array<i64: 1, 8, 768>}, {transform_indices = @transform_1, window_bounds = array<i64: 1, 8, 768>}, {transform_indices = @transform_2, window_bounds = array<i64: 1, 4, 8, 768>}, {transform_indices = @transform_3, window_bounds = array<i64: 1, 4, 8, 768>}, {transform_indices = @transform_4, window_bounds = array<i64: 1, 1024, 128>}]} {
    %get3A = arith.constant 0 : index
    %get3A_0 = arith.constant 0 : index
    %get3A_1 = arith.constant 0 : index
    %get3A_2 = vector.load %arg1[%get3A, %get3A_0, %get3A_1] : memref<1x8x768xf32, #tpu.memory_space<vmem>>, vector<1x8x768xf32>
    %get3A_3 = vector.shape_cast %get3A_2 : vector<1x8x768xf32> to vector<8x768xf32>
    %get3A_4 = arith.constant 0 : index
    %get3A_5 = arith.constant 0 : index
    %get3A_6 = arith.constant 0 : index
    %get3A_7 = vector.load %arg2[%get3A_4, %get3A_5, %get3A_6] : memref<1x8x768xi32, #tpu.memory_space<vmem>>, vector<1x8x768xi32>
    %get3A_8 = vector.shape_cast %get3A_7 : vector<1x8x768xi32> to vector<8x768xi32>
    %get3A_9 = arith.constant 0 : index
    %get3A_10 = arith.constant 0 : index
    %get3A_11 = arith.constant 0 : index
    %get3A_12 = arith.constant 0 : index
    %get3A_13 = vector.load %arg3[%get3A_9, %get3A_10, %get3A_11, %get3A_12] : memref<1x4x8x768xf32, #tpu.memory_space<vmem>>, vector<1x1x8x768xf32>
    %get3A_14 = vector.shape_cast %get3A_13 : vector<1x1x8x768xf32> to vector<8x768xf32>
    %get3A_15 = arith.constant 0 : index
    %get3A_16 = arith.constant 1 : index
    %get3A_17 = arith.constant 0 : index
    %get3A_18 = arith.constant 0 : index
    %get3A_19 = vector.load %arg3[%get3A_15, %get3A_16, %get3A_17, %get3A_18] : memref<1x4x8x768xf32, #tpu.memory_space<vmem>>, vector<1x1x8x768xf32>
    %get3A_20 = vector.shape_cast %get3A_19 : vector<1x1x8x768xf32> to vector<8x768xf32>
    %get3A_21 = arith.constant 0 : index
    %get3A_22 = arith.constant 2 : index
    %get3A_23 = arith.constant 0 : index
    %get3A_24 = arith.constant 0 : index
    %get3A_25 = vector.load %arg3[%get3A_21, %get3A_22, %get3A_23, %get3A_24] : memref<1x4x8x768xf32, #tpu.memory_space<vmem>>, vector<1x1x8x768xf32>
    %get3A_26 = vector.shape_cast %get3A_25 : vector<1x1x8x768xf32> to vector<8x768xf32>
    %get3A_27 = arith.constant 0 : index
    %get3A_28 = arith.constant 3 : index
    %get3A_29 = arith.constant 0 : index
    %get3A_30 = arith.constant 0 : index
    %get3A_31 = vector.load %arg3[%get3A_27, %get3A_28, %get3A_29, %get3A_30] : memref<1x4x8x768xf32, #tpu.memory_space<vmem>>, vector<1x1x8x768xf32>
    %get3A_32 = vector.shape_cast %get3A_31 : vector<1x1x8x768xf32> to vector<8x768xf32>
    %get3A_33 = arith.constant 0 : index
    %get3A_34 = arith.constant 0 : index
    %get3A_35 = arith.constant 0 : index
    %get3A_36 = arith.constant 0 : index
    %get3A_37 = vector.load %arg4[%get3A_33, %get3A_34, %get3A_35, %get3A_36] : memref<1x4x8x768xf32, #tpu.memory_space<vmem>>, vector<1x1x8x768xf32>
    %get3A_38 = vector.shape_cast %get3A_37 : vector<1x1x8x768xf32> to vector<8x768xf32>
    %mul3A = arith.constant 1.000000e-01 : f32
    %mul3A_39 = vector.broadcast %mul3A : f32 to vector<8x768xf32>
    %mul3A_40 = arith.mulf %get3A_38, %mul3A_39 : vector<8x768xf32>
    %get3A_41 = arith.constant 0 : index
    %get3A_42 = arith.constant 1 : index
    %get3A_43 = arith.constant 0 : index
    %get3A_44 = arith.constant 0 : index
    %get3A_45 = vector.load %arg4[%get3A_41, %get3A_42, %get3A_43, %get3A_44] : memref<1x4x8x768xf32, #tpu.memory_space<vmem>>, vector<1x1x8x768xf32>
    %get3A_46 = vector.shape_cast %get3A_45 : vector<1x1x8x768xf32> to vector<8x768xf32>
    %mul3A_47 = arith.constant 1.000000e-01 : f32
    %mul3A_48 = vector.broadcast %mul3A_47 : f32 to vector<8x768xf32>
    %mul3A_49 = arith.mulf %get3A_46, %mul3A_48 : vector<8x768xf32>
    %get3A_50 = arith.constant 0 : index
    %get3A_51 = arith.constant 2 : index
    %get3A_52 = arith.constant 0 : index
    %get3A_53 = arith.constant 0 : index
    %get3A_54 = vector.load %arg4[%get3A_50, %get3A_51, %get3A_52, %get3A_53] : memref<1x4x8x768xf32, #tpu.memory_space<vmem>>, vector<1x1x8x768xf32>
    %get3A_55 = vector.shape_cast %get3A_54 : vector<1x1x8x768xf32> to vector<8x768xf32>
    %mul3A_56 = arith.constant 2.000000e-01 : f32
    %mul3A_57 = vector.broadcast %mul3A_56 : f32 to vector<8x768xf32>
    %mul3A_58 = arith.mulf %get3A_55, %mul3A_57 : vector<8x768xf32>
    %get3A_59 = arith.constant 0 : index
    %get3A_60 = arith.constant 3 : index
    %get3A_61 = arith.constant 0 : index
    %get3A_62 = arith.constant 0 : index
    %get3A_63 = vector.load %arg4[%get3A_59, %get3A_60, %get3A_61, %get3A_62] : memref<1x4x8x768xf32, #tpu.memory_space<vmem>>, vector<1x1x8x768xf32>
    %get3A_64 = vector.shape_cast %get3A_63 : vector<1x1x8x768xf32> to vector<8x768xf32>
    %mul3A_65 = arith.constant 2.000000e-01 : f32
    %mul3A_66 = vector.broadcast %mul3A_65 : f32 to vector<8x768xf32>
    %mul3A_67 = arith.mulf %get3A_64, %mul3A_66 : vector<8x768xf32>
    %sub3A = arith.subf %get3A_26, %get3A_14 : vector<8x768xf32>
    %sub3A_68 = arith.subf %get3A_32, %get3A_20 : vector<8x768xf32>
    %mul3A_69 = arith.constant 5.000000e-01 : f32
    %mul3A_70 = vector.broadcast %mul3A_69 : f32 to vector<8x768xf32>
    %mul3A_71 = arith.mulf %mul3A_70, %sub3A : vector<8x768xf32>
    %add3A = arith.addf %get3A_14, %mul3A_71 : vector<8x768xf32>
    %mul3A_72 = arith.mulf %mul3A_40, %sub3A : vector<8x768xf32>
    %add3A_73 = arith.addf %add3A, %mul3A_72 : vector<8x768xf32>
    %mul3A_74 = arith.constant 5.000000e-01 : f32
    %mul3A_75 = vector.broadcast %mul3A_74 : f32 to vector<8x768xf32>
    %mul3A_76 = arith.mulf %mul3A_75, %sub3A_68 : vector<8x768xf32>
    %add3A_77 = arith.addf %get3A_20, %mul3A_76 : vector<8x768xf32>
    %mul3A_78 = arith.mulf %mul3A_49, %sub3A_68 : vector<8x768xf32>
    %add3A_79 = arith.addf %add3A_77, %mul3A_78 : vector<8x768xf32>
    %exp3A = math.exp %mul3A_58 : vector<8x768xf32>
    %mul3A_80 = arith.mulf %sub3A, %exp3A : vector<8x768xf32>
    %exp3A_81 = math.exp %mul3A_67 : vector<8x768xf32>
    %mul3A_82 = arith.mulf %sub3A_68, %exp3A_81 : vector<8x768xf32>
    %mul3A_83 = arith.constant 5.000000e-01 : f32
    %mul3A_84 = vector.broadcast %mul3A_83 : f32 to vector<8x768xf32>
    %mul3A_85 = arith.mulf %mul3A_84, %mul3A_80 : vector<8x768xf32>
    %sub3A_86 = arith.subf %add3A_73, %mul3A_85 : vector<8x768xf32>
    %mul3A_87 = arith.constant 5.000000e-01 : f32
    %mul3A_88 = vector.broadcast %mul3A_87 : f32 to vector<8x768xf32>
    %mul3A_89 = arith.mulf %mul3A_88, %mul3A_82 : vector<8x768xf32>
    %sub3A_90 = arith.subf %add3A_79, %mul3A_89 : vector<8x768xf32>
    %add3A_91 = arith.addf %sub3A_86, %mul3A_80 : vector<8x768xf32>
    %add3A_92 = arith.addf %sub3A_90, %mul3A_82 : vector<8x768xf32>
    %min3A = arith.constant 1.000000e+00 : f32
    %min3A_93 = vector.broadcast %min3A : f32 to vector<8x768xf32>
    %min3A_94 = arith.minimumf %sub3A_86, %min3A_93 : vector<8x768xf32>
    %max3A = arith.constant 0.000000e+00 : f32
    %max3A_95 = vector.broadcast %max3A : f32 to vector<8x768xf32>
    %max3A_96 = arith.maximumf %min3A_94, %max3A_95 : vector<8x768xf32>
    %min3A_97 = arith.constant 1.000000e+00 : f32
    %min3A_98 = vector.broadcast %min3A_97 : f32 to vector<8x768xf32>
    %min3A_99 = arith.minimumf %sub3A_90, %min3A_98 : vector<8x768xf32>
    %max3A_100 = arith.constant 0.000000e+00 : f32
    %max3A_101 = vector.broadcast %max3A_100 : f32 to vector<8x768xf32>
    %max3A_102 = arith.maximumf %min3A_99, %max3A_101 : vector<8x768xf32>
    %min3A_103 = arith.constant 1.000000e+00 : f32
    %min3A_104 = vector.broadcast %min3A_103 : f32 to vector<8x768xf32>
    %min3A_105 = arith.minimumf %add3A_91, %min3A_104 : vector<8x768xf32>
    %max3A_106 = arith.constant 0.000000e+00 : f32
    %max3A_107 = vector.broadcast %max3A_106 : f32 to vector<8x768xf32>
    %max3A_108 = arith.maximumf %min3A_105, %max3A_107 : vector<8x768xf32>
    %min3A_109 = arith.constant 1.000000e+00 : f32
    %min3A_110 = vector.broadcast %min3A_109 : f32 to vector<8x768xf32>
    %min3A_111 = arith.minimumf %add3A_92, %min3A_110 : vector<8x768xf32>
    %max3A_112 = arith.constant 0.000000e+00 : f32
    %max3A_113 = vector.broadcast %max3A_112 : f32 to vector<8x768xf32>
    %max3A_114 = arith.maximumf %min3A_111, %max3A_113 : vector<8x768xf32>
    %sub3A_115 = arith.subf %max3A_108, %max3A_96 : vector<8x768xf32>
    %sub3A_116 = arith.subf %max3A_114, %max3A_102 : vector<8x768xf32>
    %mul3A_117 = arith.mulf %sub3A_115, %sub3A_116 : vector<8x768xf32>
    %iota3A = tpu.iota {dimensions = array<i32: 1>} : vector<1x128xi32>
    %eq3A = arith.constant 0 : i32
    %eq3A_118 = vector.broadcast %eq3A : i32 to vector<1x128xi32>
    %eq3A_119 = arith.cmpi eq, %iota3A, %eq3A_118 : vector<1x128xi32>
    %convert_element_type3A = arith.extui %eq3A_119 : vector<1x128xi1> to vector<1x128xi32>
    %convert_element_type3A_120 = arith.sitofp %convert_element_type3A : vector<1x128xi32> to vector<1x128xf32>
    %eq3A_121 = arith.constant 1 : i32
    %eq3A_122 = vector.broadcast %eq3A_121 : i32 to vector<1x128xi32>
    %eq3A_123 = arith.cmpi eq, %iota3A, %eq3A_122 : vector<1x128xi32>
    %convert_element_type3A_124 = arith.extui %eq3A_123 : vector<1x128xi1> to vector<1x128xi32>
    %convert_element_type3A_125 = arith.sitofp %convert_element_type3A_124 : vector<1x128xi32> to vector<1x128xf32>
    %eq3A_126 = arith.constant 2 : i32
    %eq3A_127 = vector.broadcast %eq3A_126 : i32 to vector<1x128xi32>
    %eq3A_128 = arith.cmpi eq, %iota3A, %eq3A_127 : vector<1x128xi32>
    %convert_element_type3A_129 = arith.extui %eq3A_128 : vector<1x128xi1> to vector<1x128xi32>
    %convert_element_type3A_130 = arith.sitofp %convert_element_type3A_129 : vector<1x128xi32> to vector<1x128xf32>
    %eq3A_131 = arith.constant 3 : i32
    %eq3A_132 = vector.broadcast %eq3A_131 : i32 to vector<1x128xi32>
    %eq3A_133 = arith.cmpi eq, %iota3A, %eq3A_132 : vector<1x128xi32>
    %convert_element_type3A_134 = arith.extui %eq3A_133 : vector<1x128xi1> to vector<1x128xi32>
    %convert_element_type3A_135 = arith.sitofp %convert_element_type3A_134 : vector<1x128xi32> to vector<1x128xf32>
    %scan3A = arith.constant 0.000000e+00 : f32
    %scan3A_136 = arith.constant 0 : i32
    %scan3A_137 = arith.constant 1000 : i32
    %scan3A_138 = arith.addi %scan3A_136, %scan3A_137 : i32
    %scan3A_139 = arith.constant 1 : i32
    %scan3A_140 = scf.for %scan3A_142 = %scan3A_136 to %scan3A_138 step %scan3A_139 iter_args(%scan3A_143 = %get3A_3) -> (vector<8x768xf32>)  : i32 {
      %reduce_max3A = vector.shape_cast %scan3A_143 : vector<8x768xf32> to vector<1x8x768xf32>
      %reduce_max3A_144 = arith.constant dense<0xFF800000> : vector<1xf32>
      %reduce_max3A_145 = vector.multi_reduction <maximumf>, %reduce_max3A, %reduce_max3A_144 [1, 2] : vector<1x8x768xf32> to vector<1xf32>
      %reduce_max3A_146 = vector.shape_cast %reduce_max3A_145 : vector<1xf32> to vector<1x1x1xf32>
      %reduce_max3A_147 = vector.extract %reduce_max3A_146[0, 0, 0] : f32 from vector<1x1x1xf32>
      %eq3A_148 = vector.broadcast %reduce_max3A_147 : f32 to vector<8x768xf32>
      %eq3A_149 = arith.cmpf oeq, %scan3A_143, %eq3A_148 : vector<8x768xf32>
      %jit3A = arith.constant 2147483647 : i32
      %broadcast_in_dim3A = vector.broadcast %jit3A : i32 to vector<8x768xi32>
      %select_n3A = arith.select %eq3A_149, %get3A_8, %broadcast_in_dim3A : vector<8x768xi1>, vector<8x768xi32>
      %reduce_min3A = vector.shape_cast %select_n3A : vector<8x768xi32> to vector<1x8x768xi32>
      %reduce_min3A_150 = arith.constant dense<2147483647> : vector<1xi32>
      %reduce_min3A_151 = vector.multi_reduction <minsi>, %reduce_min3A, %reduce_min3A_150 [1, 2] : vector<1x8x768xi32> to vector<1xi32>
      %reduce_min3A_152 = vector.shape_cast %reduce_min3A_151 : vector<1xi32> to vector<1x1x1xi32>
      %reduce_min3A_153 = vector.extract %reduce_min3A_152[0, 0, 0] : i32 from vector<1x1x1xi32>
      %eq3A_154 = vector.broadcast %reduce_max3A_147 : f32 to vector<8x768xf32>
      %eq3A_155 = arith.cmpf oeq, %scan3A_143, %eq3A_154 : vector<8x768xf32>
      %eq3A_156 = vector.broadcast %reduce_min3A_153 : i32 to vector<8x768xi32>
      %eq3A_157 = arith.cmpi eq, %get3A_8, %eq3A_156 : vector<8x768xi32>
      %and3A = arith.andi %eq3A_155, %eq3A_157 : vector<8x768xi1>
      %convert_element_type3A_158 = arith.extui %and3A : vector<8x768xi1> to vector<8x768xi32>
      %convert_element_type3A_159 = arith.sitofp %convert_element_type3A_158 : vector<8x768xi32> to vector<8x768xf32>
      %mul3A_160 = arith.mulf %convert_element_type3A_159, %max3A_96 : vector<8x768xf32>
      %reduce_sum3A = vector.shape_cast %mul3A_160 : vector<8x768xf32> to vector<1x8x768xf32>
      %reduce_sum3A_161 = arith.constant dense<0.000000e+00> : vector<1xf32>
      %reduce_sum3A_162 = vector.multi_reduction <add>, %reduce_sum3A, %reduce_sum3A_161 [1, 2] : vector<1x8x768xf32> to vector<1xf32>
      %reduce_sum3A_163 = vector.shape_cast %reduce_sum3A_162 : vector<1xf32> to vector<1x1x1xf32>
      %reduce_sum3A_164 = vector.extract %reduce_sum3A_163[0, 0, 0] : f32 from vector<1x1x1xf32>
      %mul3A_165 = arith.mulf %convert_element_type3A_159, %max3A_102 : vector<8x768xf32>
      %reduce_sum3A_166 = vector.shape_cast %mul3A_165 : vector<8x768xf32> to vector<1x8x768xf32>
      %reduce_sum3A_167 = arith.constant dense<0.000000e+00> : vector<1xf32>
      %reduce_sum3A_168 = vector.multi_reduction <add>, %reduce_sum3A_166, %reduce_sum3A_167 [1, 2] : vector<1x8x768xf32> to vector<1xf32>
      %reduce_sum3A_169 = vector.shape_cast %reduce_sum3A_168 : vector<1xf32> to vector<1x1x1xf32>
      %reduce_sum3A_170 = vector.extract %reduce_sum3A_169[0, 0, 0] : f32 from vector<1x1x1xf32>
      %mul3A_171 = arith.mulf %convert_element_type3A_159, %max3A_108 : vector<8x768xf32>
      %reduce_sum3A_172 = vector.shape_cast %mul3A_171 : vector<8x768xf32> to vector<1x8x768xf32>
      %reduce_sum3A_173 = arith.constant dense<0.000000e+00> : vector<1xf32>
      %reduce_sum3A_174 = vector.multi_reduction <add>, %reduce_sum3A_172, %reduce_sum3A_173 [1, 2] : vector<1x8x768xf32> to vector<1xf32>
      %reduce_sum3A_175 = vector.shape_cast %reduce_sum3A_174 : vector<1xf32> to vector<1x1x1xf32>
      %reduce_sum3A_176 = vector.extract %reduce_sum3A_175[0, 0, 0] : f32 from vector<1x1x1xf32>
      %mul3A_177 = arith.mulf %convert_element_type3A_159, %max3A_114 : vector<8x768xf32>
      %reduce_sum3A_178 = vector.shape_cast %mul3A_177 : vector<8x768xf32> to vector<1x8x768xf32>
      %reduce_sum3A_179 = arith.constant dense<0.000000e+00> : vector<1xf32>
      %reduce_sum3A_180 = vector.multi_reduction <add>, %reduce_sum3A_178, %reduce_sum3A_179 [1, 2] : vector<1x8x768xf32> to vector<1xf32>
      %reduce_sum3A_181 = vector.shape_cast %reduce_sum3A_180 : vector<1xf32> to vector<1x1x1xf32>
      %reduce_sum3A_182 = vector.extract %reduce_sum3A_181[0, 0, 0] : f32 from vector<1x1x1xf32>
      %mul3A_183 = arith.mulf %convert_element_type3A_159, %mul3A_117 : vector<8x768xf32>
      %reduce_sum3A_184 = vector.shape_cast %mul3A_183 : vector<8x768xf32> to vector<1x8x768xf32>
      %reduce_sum3A_185 = arith.constant dense<0.000000e+00> : vector<1xf32>
      %reduce_sum3A_186 = vector.multi_reduction <add>, %reduce_sum3A_184, %reduce_sum3A_185 [1, 2] : vector<1x8x768xf32> to vector<1xf32>
      %reduce_sum3A_187 = vector.shape_cast %reduce_sum3A_186 : vector<1xf32> to vector<1x1x1xf32>
      %reduce_sum3A_188 = vector.extract %reduce_sum3A_187[0, 0, 0] : f32 from vector<1x1x1xf32>
      %gt3A = arith.constant -1.000000e+08 : f32
      %gt3A_189 = arith.cmpf ogt, %reduce_max3A_147, %gt3A : f32
      %convert_element_type3A_190 = arith.extui %gt3A_189 : i1 to i32
      %convert_element_type3A_191 = arith.sitofp %convert_element_type3A_190 : i32 to f32
      %mul3A_192 = vector.broadcast %reduce_sum3A_164 : f32 to vector<1x128xf32>
      %mul3A_193 = arith.mulf %mul3A_192, %convert_element_type3A_120 : vector<1x128xf32>
      %mul3A_194 = vector.broadcast %reduce_sum3A_170 : f32 to vector<1x128xf32>
      %mul3A_195 = arith.mulf %mul3A_194, %convert_element_type3A_125 : vector<1x128xf32>
      %add3A_196 = arith.addf %mul3A_193, %mul3A_195 : vector<1x128xf32>
      %mul3A_197 = vector.broadcast %reduce_sum3A_176 : f32 to vector<1x128xf32>
      %mul3A_198 = arith.mulf %mul3A_197, %convert_element_type3A_130 : vector<1x128xf32>
      %add3A_199 = arith.addf %add3A_196, %mul3A_198 : vector<1x128xf32>
      %mul3A_200 = vector.broadcast %reduce_sum3A_182 : f32 to vector<1x128xf32>
      %mul3A_201 = arith.mulf %mul3A_200, %convert_element_type3A_135 : vector<1x128xf32>
      %add3A_202 = arith.addf %add3A_199, %mul3A_201 : vector<1x128xf32>
      %mul3A_203 = vector.broadcast %convert_element_type3A_191 : f32 to vector<1x128xf32>
      %mul3A_204 = arith.mulf %add3A_202, %mul3A_203 : vector<1x128xf32>
      %swap3A = arith.constant 0 : index
      %swap3A_205 = arith.index_cast %scan3A_142 : i32 to index
      %swap3A_206 = arith.constant 0 : index
      %swap3A_207 = vector.load %arg5[%swap3A, %swap3A_205, %swap3A_206] : memref<1x1024x128xf32, #tpu.memory_space<vmem>>, vector<1x1x128xf32>
      %swap3A_208 = vector.shape_cast %swap3A_207 : vector<1x1x128xf32> to vector<1x128xf32>
      %swap3A_209 = vector.shape_cast %mul3A_204 : vector<1x128xf32> to vector<1x1x128xf32>
      tpu.vector_store %arg5[%swap3A, %swap3A_205, %swap3A_206], %swap3A_209 {strides = array<i32>} : memref<1x1024x128xf32, #tpu.memory_space<vmem>>, vector<1x1x128xf32>,
      %max3A_210 = vector.broadcast %reduce_sum3A_164 : f32 to vector<8x768xf32>
      %max3A_211 = arith.maximumf %max3A_210, %max3A_96 : vector<8x768xf32>
      %max3A_212 = vector.broadcast %reduce_sum3A_170 : f32 to vector<8x768xf32>
      %max3A_213 = arith.maximumf %max3A_212, %max3A_102 : vector<8x768xf32>
      %min3A_214 = vector.broadcast %reduce_sum3A_176 : f32 to vector<8x768xf32>
      %min3A_215 = arith.minimumf %min3A_214, %max3A_108 : vector<8x768xf32>
      %min3A_216 = vector.broadcast %reduce_sum3A_182 : f32 to vector<8x768xf32>
      %min3A_217 = arith.minimumf %min3A_216, %max3A_114 : vector<8x768xf32>
      %sub3A_218 = arith.subf %min3A_215, %max3A_211 : vector<8x768xf32>
      %max3A_219 = vector.broadcast %scan3A : f32 to vector<8x768xf32>
      %max3A_220 = arith.maximumf %sub3A_218, %max3A_219 : vector<8x768xf32>
      %sub3A_221 = arith.subf %min3A_217, %max3A_213 : vector<8x768xf32>
      %max3A_222 = vector.broadcast %scan3A : f32 to vector<8x768xf32>
      %max3A_223 = arith.maximumf %sub3A_221, %max3A_222 : vector<8x768xf32>
      %mul3A_224 = arith.mulf %max3A_220, %max3A_223 : vector<8x768xf32>
      %add3A_225 = vector.broadcast %reduce_sum3A_188 : f32 to vector<8x768xf32>
      %add3A_226 = arith.addf %add3A_225, %mul3A_117 : vector<8x768xf32>
      %sub3A_227 = arith.subf %add3A_226, %mul3A_224 : vector<8x768xf32>
      %add3A_228 = arith.constant 9.99999993E-9 : f32
      %add3A_229 = vector.broadcast %add3A_228 : f32 to vector<8x768xf32>
      %add3A_230 = arith.addf %sub3A_227, %add3A_229 : vector<8x768xf32>
      %div3A = arith.divf %mul3A_224, %add3A_230 : vector<8x768xf32>
      %gt3A_231 = arith.constant 0.699999988 : f32
      %gt3A_232 = vector.broadcast %gt3A_231 : f32 to vector<8x768xf32>
      %gt3A_233 = arith.cmpf ogt, %div3A, %gt3A_232 : vector<8x768xf32>
      %or3A = arith.ori %gt3A_233, %and3A : vector<8x768xi1>
      %jit3A_234 = arith.constant -1.000000e+09 : f32
      %broadcast_in_dim3A_235 = vector.broadcast %jit3A_234 : f32 to vector<8x768xf32>
      %select_n3A_236 = arith.select %or3A, %broadcast_in_dim3A_235, %scan3A_143 : vector<8x768xi1>, vector<8x768xf32>
      scf.yield %select_n3A_236 : vector<8x768xf32>
    }
    %scan3A_141 = arith.constant 1000 : i32
    return
  }
  func.func @transform_0(%arg0: i32) -> (i32, i32, i32) {
    %c0_i32 = arith.constant 0 : i32
    %c0_i32_0 = arith.constant 0 : i32
    %c0_i32_1 = arith.constant 0 : i32
    return %arg0, %c0_i32, %c0_i32_0 : i32, i32, i32
  }
  func.func @transform_1(%arg0: i32) -> (i32, i32, i32) {
    %c0_i32 = arith.constant 0 : i32
    %c0_i32_0 = arith.constant 0 : i32
    %c0_i32_1 = arith.constant 0 : i32
    return %arg0, %c0_i32, %c0_i32_0 : i32, i32, i32
  }
  func.func @transform_2(%arg0: i32) -> (i32, i32, i32, i32) {
    %c0_i32 = arith.constant 0 : i32
    %c0_i32_0 = arith.constant 0 : i32
    %c0_i32_1 = arith.constant 0 : i32
    %c0_i32_2 = arith.constant 0 : i32
    return %arg0, %c0_i32, %c0_i32_0, %c0_i32_1 : i32, i32, i32, i32
  }
  func.func @transform_3(%arg0: i32) -> (i32, i32, i32, i32) {
    %c0_i32 = arith.constant 0 : i32
    %c0_i32_0 = arith.constant 0 : i32
    %c0_i32_1 = arith.constant 0 : i32
    %c0_i32_2 = arith.constant 0 : i32
    return %arg0, %c0_i32, %c0_i32_0, %c0_i32_1 : i32, i32, i32, i32
  }
  func.func @transform_4(%arg0: i32) -> (i32, i32, i32) {
    %c0_i32 = arith.constant 0 : i32
    %c0_i32_0 = arith.constant 0 : i32
    %c0_i32_1 = arith.constant 0 : i32
    return %arg0, %c0_i32, %c0_i32_0 : i32, i32, i32
  }
}

</mosaic_0001>

<sc_bundles>
// kernel: kernel.4.cloned.1.call-start
scs
__scs_entry_jumppad:
0x0: {  	(pc) =	sbr.rel $0x88, $3  }
0x1: {  	(tag) =	ssettag $0x0;
	lr =	simm.s32 $0x1  }
0x2: {  	[smem:$0x3F9E] =	sst lr;
	_ =	strace $0xD0000000  }
0x3: {  	_ = 	snop  }
0x4: {  	_ = 	snop  }
0x5: {  	_ = 	snop  }
0x6: {  	_ = 	snop  }
0x7: {  	_ = 	snop  }
__scs_overlays_trampoline_lowered:
0x8: {  	[smem:$0x3FAD] =	sst s0  }
0x9: {  	[smem:$0x3FAE] =	sst s1  }
0xa: {  	[smem:$0x3FAF] =	sst s2  }
0xb: {  	[smem:$0x3FB0] =	sst s3  }
0xc: {  	[smem:$0x3FB1] =	sst s4  }
0xd: {  	[smem:$0x3FB2] =	sst s5  }
0xe: {  	[smem:$0x3FB3] =	sst s6  }
0xf: {  	[smem:$0x3FB4] =	sst s7  }
0x10: {  	[smem:$0x3FB5] =	sst s8  }
0x11: {  	[smem:$0x3FB6] =	sst s9;
	s0 =	simm.s32 @!p0 $0x0  }
0x12: {  	s1 =	sld [smem:$0x3F9C];
	s0 =	simm.s32 @p0 $0x1  }
0x13: {  	[smem:$0x3FB7] =	sst s0;
	s0 =	simm.s32 @!p1 $0x0  }
0x14: {  	s2 =	sld [smem:$0x3F9B];
	s0 =	simm.s32 @p1 $0x1  }
0x15: {  	[smem:$0x3FB8] =	sst s0;
	s0 =	simm.s32 @!p2 $0x0  }
0x16: {  	s3 =	sld [smem:$0x3FDB];
	s0 =	simm.s32 @p2 $0x1  }
0x17: {  	s4 =	simm.s32 $0x1BF5;
	[smem:$0x3FBA] =	sst s0  }
0x18: {  	s0 =	sld [smem:$0x3F9D];
	_ =	swait.ge [sflag:s4], $0x0  }
0x19: {  	s7 =	sld [smem:$0x3F9E]  }
0x1a: {  	s8 =	sadd.s32 $0xFFFFE003, lr  }
0x1b: {  	s9 =	sadd.s32 $0xFFFFFEF7, lr;
	s5 =	simm.s32 $0xFFFFFFFF;
	p2 =	slt.u32 s8, $0xFFFFF086  }
0x1c: {  	p1 =	slt.u32 s9, $0xF7A;
	s5 =	simm.s32 @!p2 $0x0  }
0x1d: {  	s5 =	simm.s32 @p1 $0x1;
	p0 =	seq.s32 s7, s2  }
0x1e: {  	s7 =	smul.u32 @!p0 $0xF7A, s2;
	p2 =	seq.s32 @!p0 s5, $0x0  }
0x1f: {  	s9 =	smul.u32 $0xF7A, s1;
	s8 =	simm.s32 @!p0 $0x1BF5;
	p2 =	por !p2, p0  }
0x20: {  	[sflag:s8] =	ssyncset.s32 @!p0 $0xFFFFF086;
	s6 =	sadd.s32 @!p0 s3, s7;
	s7 =	simm.s32 @!p0 $0x108  }
0x21: {  	s3 =	sadd.s32 s3, s9;
	s6 =	sadd.s32 @!p0 $0x88, s6;
	s7 =	simm.s32 @p2 $0x1082  }
0x22: {  	[simem:s7], [sflag:s8] =	dma.local @!p0 [hbm:s6], $0xF7A  }
0x23: {  	s9 =	sor.u32 $0xD0000000, s2;
	s6 =	simm.s32 $0x108;
	_ =	swait.ge @!p0 [sflag:s8], $0x0  }
0x24: {  	s3 =	sadd.s32 $0x88, s3;
	s6 =	simm.s32 @!p1 $0x1082;
	[sflag:s4] =	ssyncset.s32 $0xFFFFF086  }
0x25: {  	[simem:s6], [sflag:s4] =	dma.local [hbm:s3], $0xF7A  }
0x26: {  	[smem:$0x3F9E] =	sst s1;
	(tag) =	ssettag s2;
	_ =	strace s9  }
0x27: {  	s1 =	sld [smem:$0x3FAE]  }
0x28: {  	s2 =	sld [smem:$0x3FAF]  }
0x29: {  	s4 =	sld [smem:$0x3FB1]  }
0x2a: {  	p0 =	seq.s32 s5, $0x0;
	s5 =	sld [smem:$0x3FB2]  }
0x2b: {  	s6 =	sld [smem:$0x3FB3]  }
0x2c: {  	s7 =	sld [smem:$0x3FB4]  }
0x2d: {  	s3 =	simm.s32 $0x108;
	s8 =	sld [smem:$0x3FB5]  }
0x2e: {  	s3 =	simm.s32 @!p0 $0x1082;
	s9 =	sld [smem:$0x3FB6]  }
0x2f: {  	lr =	sadd.s32 s0, s3;
	s0 =	sld [smem:$0x3FAD]  }
0x30: {  	s3 =	sld [smem:$0x3FB0]  }
0x31: {  	[smem:$0x3FB9] =	sst s10  }
0x32: {  	s10 =	sld [smem:$0x3FB7];
	_ =	sdelay $0x3  }
0x33: {  	p0 =	seq.s32 s10, $0x1;
	s10 =	sld [smem:$0x3FB9];
	_ =	sdelay $0x3  }
0x34: {  	[smem:$0x3FB9] =	sst s10  }
0x35: {  	s10 =	sld [smem:$0x3FB8];
	_ =	sdelay $0x3  }
0x36: {  	p1 =	seq.s32 s10, $0x1;
	s10 =	sld [smem:$0x3FB9];
	_ =	sdelay $0x3  }
0x37: {  	[smem:$0x3FB9] =	sst s10  }
0x38: {  	s10 =	sld [smem:$0x3FBA]  }
0x39: {  	_ = 	snop;
	(pc) =	sbr.ind lr, $3  }
0x3a: {  	_ = 	snop  }
0x3b: {  	_ = 	snop  }
0x3c: {  	p2 =	seq.s32 s10, $0x1;
	s10 =	sld [smem:$0x3FB9]  }
0x3d: {  	_ =	shalt  }
0x3e: {  	_ =	shalt  }
0x3f: {  	_ =	shalt  }
0x40: {  	_ =	shalt  }
0x41: {  	_ =	shalt  }
0x42: {  	_ =	shalt  }
0x43: {  	_ =	shalt  }
0x44: {  	_ =	shalt  }
0x45: {  	_ =	shalt  }
0x46: {  	_ =	shalt  }
0x47: {  	_ =	shalt  }
0x48: {  	_ =	shalt  }
0x49: {  	_ =	shalt  }
0x4a: {  	_ =	shalt  }
0x4b: {  	_ =	shalt  }
0x4c: {  	_ =	shalt  }
0x4d: {  	_ =	shalt  }
0x4e: {  	_ =	shalt  }
0x4f: {  	_ =	shalt  }
0x50: {  	_ =	shalt  }
0x51: {  	_ =	shalt  }
0x52: {  	_ =	shalt  }
0x53: {  	_ =	shalt  }
0x54: {  	_ =	shalt  }
0x55: {  	_ =	shalt  }
0x56: {  	_ =	shalt  }
0x57: {  	_ =	shalt  }
0x58: {  	_ =	shalt  }
0x59: {  	_ =	shalt  }
0x5a: {  	_ =	shalt  }
0x5b: {  	_ =	shalt  }
0x5c: {  	_ =	shalt  }
0x5d: {  	_ =	shalt  }
0x5e: {  	_ =	shalt  }
0x5f: {  	_ =	shalt  }
0x60: {  	_ =	shalt  }
0x61: {  	_ =	shalt  }
0x62: {  	_ =	shalt  }
0x63: {  	_ =	shalt  }
0x64: {  	_ =	shalt  }
0x65: {  	_ =	shalt  }
0x66: {  	_ =	shalt  }
0x67: {  	_ =	shalt  }
0x68: {  	_ =	shalt  }
0x69: {  	_ =	shalt  }
0x6a: {  	_ =	shalt  }
0x6b: {  	_ =	shalt  }
0x6c: {  	_ =	shalt  }
0x6d: {  	_ =	shalt  }
0x6e: {  	_ =	shalt  }
0x6f: {  	_ =	shalt  }
0x70: {  	_ =	shalt  }
0x71: {  	_ =	shalt  }
0x72: {  	_ =	shalt  }
0x73: {  	_ =	shalt  }
0x74: {  	_ =	shalt  }
0x75: {  	_ =	shalt  }
0x76: {  	_ =	shalt  }
0x77: {  	_ =	shalt  }
0x78: {  	_ =	shalt  }
0x79: {  	_ =	shalt  }
0x7a: {  	_ =	shalt  }
0x7b: {  	_ =	shalt  }
0x7c: {  	_ =	shalt  }
0x7d: {  	_ =	shalt  }
0x7e: {  	_ =	shalt  }
0x7f: {  	_ =	shalt  }
0x80: {  	_ =	shalt  }
0x81: {  	_ =	shalt  }
0x82: {  	_ =	shalt  }
0x83: {  	_ =	shalt  }
0x84: {  	_ =	shalt  }
0x85: {  	_ =	shalt  }
0x86: {  	_ =	shalt  }
0x87: {  	_ =	shalt  }
.Lfunc_end0:
.L_simem_size_0:
called_computation_lowered:
.L_overlay_start_0:
0x88: {  	s2 =	sld [smem:$0x3FD9]  }
0x89: {  	s3 =	sld [smem:$0x3FFE];
	_ =	sdelay $0x1  }
0x8a: {  	s1 =	srdreg.scid  }
0x8b: {  	s0 =	sand.u32 $0x1, s1  }
0x8c: {  	s16 =	sshll.u32 s0, $0xA;
	s2 =	sadd.s32 s3, s2  }
0x8d: {  	s2 =	sadd.s32 s2, s16  }
0x8e: {  	[smem:$0x3FC5] =	sst s2  }
0x8f: {  	_ = 	snop  }
0x90: {  	(tm) =	ssettm $0x1  }
0x91: {  	s17 =	sld [smem:$0x3FFB];
	_ =	sdelay $0x3  }
0x92: {  	_ =	strace s17  }
0x93: {  	s2 =	sld [smem:$0x3FFC];
	_ =	sdelay $0x3  }
0x94: {  	_ =	strace s2  }
0x95: {  	s2 =	sld [smem:$0x3FFD];
	_ =	sdelay $0x3  }
0x96: {  	_ =	strace s2  }
0x97: {  	_ =	strace $0x8FFFFFFF  }
0x98: {  	s18 =	sld [smem:$0x3FDB];
	_ =	sdelay $0x1  }
0x99: {  	s19 =	simm.s32 $_scs_section_size  }
0x9a: {  	s4 =	simm.s32 $_size__tile_overlayer_lowered;
	s5 =	simm.s32 $_tile_overlayer_lowered  }
0x9b: {  	s22 =	simm.s32 $0x1BFF;
	s21 =	sshll.u32 s5, $0x1;
	s2 =	sadd.s32 s19, s18  }
0x9c: {  	s6 =	simm.s32 $0x0;
	s20 =	sshll.u32 s4, $0x1;
	s4 =	sadd.s32 s21, s2  }
0x9d: {  	[timem:s6], [sflag:s22] =	dma.local [hbm:s4], s20  }
0x9e: {  	_ =	swait.ge [sflag:s22], s20  }
0x9f: {  	s3 =	ssub.s32 $0x0, s20;
	[sflag:s22] =	ssyncset.done $0x0  }
0xa0: {  	[sflag:s22] =	ssyncadd.s32 s3;
	_ =	sdelay $0x1  }
0xa1: {  	s23 =	simm.s32 $0x1B8B  }
0xa2: {  	_ =	swait.ge [sflag:s23], $0x1  }
0xa3: {  	[sflag:s23] =	ssyncset.done $0x0  }
0xa4: {  	s25 =	simm.s32 $0x1B8E;
	s24 =	sld [smem:$0x3FFE];
	[sflag:s23] =	ssyncadd.s32 $0xFFFFFFFF  }
0xa5: {  	s26 =	simm.s32 $execute0_lowered;
	[smem:$0x3FD2] =	sst s25  }
0xa6: {  	s4 =	sshll.u32 s26, $0x1;
	_ =	strace $0x80000046;
	[dreg:$0x1] =	wrdreg $0xFFFFFFFF  }
0xa7: {  	s28 =	simm.s32 $_size_execute0_lowered;
	s2 =	sadd.s32 s2, s4;
	[dreg:$0x0] =	wrdreg $0x0  }
0xa8: {  	s4 =	sshll.u32 s28, $0x1;
	[dreg:$0x2] =	wrdreg s2  }
0xa9: {  	[dreg:$0x3] =	wrdreg s4  }
0xaa: {  	[dreg:$0x4] =	wrdreg $0xC0  }
0xab: {  	_ =	task [dreg:s6], $0x5FFFF  }
0xac: {  	[dreg:$0x1] =	wrdreg $0xFFFFFFFF  }
0xad: {  	[dreg:$0x0] =	wrdreg $0x60  }
0xae: {  	[dreg:$0x2] =	wrdreg s24  }
0xaf: {  	[dreg:$0x3] =	wrdreg $0x157800  }
0xb0: {  	[dreg:$0x4] =	wrdreg $0x15B800  }
0xb1: {  	[dreg:$0x5] =	wrdreg $0x9  }
0xb2: {  	_ =	task.clear_ibuf [dreg:s6], $0x6FFFF;
	_ =	strace $0x90000046  }
0xb3: {  	s29 =	simm.s32 $0x9;
	_ =	strace $0x80000048  }
0xb4: {  	_ =	swait.ge [sflag:s29], $0x1  }
0xb5: {  	[sflag:s29] =	ssyncadd.s32 $0xFFFFFFFF  }
0xb6: {  	_ =	strace $0x90000048  }
0xb7: {  	_ =	sfence  }
0xb8: {  	s30 =	sld [smem:$0x0];
	_ =	sdelay $0x2  }
0xb9: {  	s31 =	sshll.u32 s1, $0xD;
	s1 =	sshrl.u32 s1, $0x2  }
0xba: {  	s3 =	sand.u32 $0x4000, s31;
	s1 =	sadd.s32 s1, s30  }
0xbb: {  	s0 =	sor.u32 s3, s0;
	s1 =	sshll.u32 s1, $0x11  }
0xbc: {  	s0 =	sor.u32 s1, s0  }
0xbd: {  	s0 =	sadd.s32 $0x8F2B, s0  }
0xbe: {  	[sflag:s0] =	ssyncadd.remote.s32 $0x1  }
0xbf: {  	_ =	sfence.sel $0xFFFF  }
0xc0: {  	[dreg:$0x0] =	wrdreg $0xFFFFFFFF;
	(pc) =	sbr.abs _section_cstart, $3  }
0xc1: {  	[dreg:$0x1] =	wrdreg $0xFFFFFFFF  }
0xc2: {  	_ =	task.clear_ibuf [dreg:s6], $0x2FFFF;
	_ =	strace $0x9FFFFFFF  }
0xc3: {  	(tm) =	ssettm $0x7FFFFFFF  }
tec
execute0_lowered:
.L_overlay_start_1:
0x0: {  	(tag) =	ssettag $0x1  }
0x1: {  	s0 =	rddreg [dreg:$0x0]  }
0x2: {  	s7 =	rddreg [dreg:$0x1]  }
0x3: {  	s1 =	srdreg.scid;
	s8 =	rddreg [dreg:$0x2];
	s5 =	simm.s32 $0x0  }
0x4: {  	s30 =	simm.s32 $0x10800;
	s2 =	sand.u32 $0x1, s1;
	[smem:$0x7FF] =	sst s5  }
0x5: {  	s1 =	stileid.u32;
	s25 =	sadd.s32 $0x81EC00, s0;
	s26 =	sadd.s32 $0x85EC00, s0  }
0x6: {  	s10 =	sadd.s32 $0xC00, s0;
	_ =	strace $0x80000047;
	[dreg:$0x4] =	wrdreg s25  }
0x7: {  	s11 =	sadd.s32 $0x1400, s0;
	s3 =	smul.u32 $0x7FE00, s2;
	[dreg:$0x6] =	wrdreg s26  }
0x8: {  	s12 =	sadd.s32 $0x3600, s0;
	s4 =	smul.u32 $0x7FE0, s1;
	[dreg:$0x7] =	wrdreg s10  }
0x9: {  	s13 =	sadd.s32 $0x1C00, s0;
	s9 =	smul.u32 $0x1900, s2;
	[dreg:$0x8] =	wrdreg s11  }
0xa: {  	s28 =	smul.u32 $0x190, s1;
	s29 =	ssub.s32 $0x2, s2;
	[dreg:$0x9] =	wrdreg s12  }
0xb: {  	[dreg:$0xa] =	wrdreg s13;
	s16 =	sshll.u32 s1, $0x4;
	s17 =	sshll.u32 s1, $0xA  }
0xc: {  	s2 =	smul.u32 $0x3FF00, s2;
	s6 =	sshrl.u32 s29, $0x1;
	s19 =	sadd.s32 s16, s8  }
0xd: {  	s3 =	sadd.s32 s4, s3;
	s4 =	sadd.s32 s28, s9;
	s31 =	ssub.s32 s29, s6  }
0xe: {  	[dreg:$0x5] =	wrdreg s9;
	s18 =	sor.u32 s16, s9;
	s4 =	sshrl.u32 s4, $0x3  }
0xf: {  	[dreg:$0xf] =	wrdreg s19;
	s19 =	simm.s32 $0xC000;
	s14 =	sadd.s32 s10, s4  }
0x10: {  	s6 =	simm.s32 $0x0;
	s15 =	sadd.s32 s11, s4;
	[dreg:$0xb] =	wrdreg s14  }
0x11: {  	s3 =	sshrl.u32 s3, $0x3;
	s21 =	sadd.s32 s12, s4;
	[dreg:$0xc] =	wrdreg s15  }
0x12: {  	s20 =	sadd.s32 $0x1800, s18;
	s28 =	sadd.s32 s13, s4;
	[dreg:$0x10] =	wrdreg s21  }
0x13: {  	s3 =	sadd.s32 s3, s0;
	s0 =	smax.u32 s31, $0x1;
	[dreg:$0x15] =	wrdreg s28  }
0x14: {  	s22 =	sadd.s32 $0x640, s4;
	s3 =	sadd.s32 $0x7FEC00, s3;
	[dreg:$0x18] =	wrdreg s0  }
0x15: {  	s23 =	sadd.s32 $0xC80, s4;
	s24 =	sadd.s32 s12, s22;
	[dreg:$0xd] =	wrdreg s3  }
0x16: {  	s4 =	sadd.s32 $0x12C0, s4;
	s5 =	sadd.s32 s13, s22;
	[dreg:$0x11] =	wrdreg s24  }
0x17: {  	s31 =	smul.u32 $0x3FF0, s1;
	s25 =	sadd.s32 s12, s23;
	[dreg:$0x12] =	wrdreg s5  }
0x18: {  	v1 =	vmov s20;
	s20 =	simm.s32 $0x15700;
	s26 =	sadd.s32 s13, s23;
	[dreg:$0x13] =	wrdreg s25  }
.Ltmp0:
0x19: {  	v0 =	vlaneseq.u32;
	v3 =	vimm.f32 $-2.000000000e+09;
	v4 =	vimm.s32 $0x0;
	s29 =	sadd.s32 s12, s4;
	[dreg:$0x14] =	wrdreg s26;
	(pc) =	sbr.rel .LBB2_1-.Ltmp0, $4  }
0x1a: {  	v7 =	vimm.s32 $0x1;
	vm0 =	vcmask $0x300;
	vm1 =	vcmask $0x704;
	s4 =	sadd.s32 s13, s4;
	s12 =	simm.s32 $0x13700;
	[dreg:$0x16] =	wrdreg s29  }
0x1b: {  	vm2 =	vmmov $0x1;
	v5 =	vmul.u32 $0x2, v0;
	v8 =	vmul.u32 $0xFFFFFFFF, v0;
	s13 =	simm.s32 $0x1;
	s14 =	simm.s32 $0x80;
	[dreg:$0x17] =	wrdreg s4  }
0x1c: {  	vm3 =	vcmask $0x308;
	v9 =	vimm.f32 $0.0e+00;
	v6 =	vmul.u32 $0x400, v0;
	s21 =	simm.s32 $0x14F80;
	s3 =	sadd.s32 s17, s7;
	[dreg:$0x19] =	wrdreg s31  }
0x1d: {  	v5 =	vor.u32 $0x1, v5;
	v8 =	vadd.s32 $0xF, v8;
	v2 =	vmov s2;
	s17 =	simm.s32 $0x2;
	[dreg:$0xe] =	wrdreg s3;
	s3 =	simm.s32 $0x11F80  }
.LBB2_81:
0x1e: {  	s6 =	rddreg [dreg:$0x1a]  }
0x1f: {  	s0 =	rddreg [dreg:$0x18];
	s6 =	sadd.s32 $0x1, s6  }
0x20: {  	p0 =	sne.s32 s6, s0  }
.Ltmp1:
0x21: {  	_ = 	snop;
	(pc) =	sbr.rel @!p0 .LBB2_82-.Ltmp1, $1  }
0x22: {  	_ =	sdelay $0x3  }
.LBB2_1:
0x23: {  	s0 =	simm.s32 $0x40;
	s2 =	simm.s32 $0x0  }
.LBB2_2:
0x24: {  	p0 =	sne.s32 s0, $0x600;
	[tilespmem:s2+$0x15200] =	vst v3;
	s4 =	smov.u32 s0;
	s0 =	sadd.s32 $0x40, s0  }
.Ltmp2:
0x25: {  	[tilespmem:s2+$0x15400] =	vst v4;
	(pc) =	sbr.rel @p0 .LBB2_2-.Ltmp2, $2  }
0x26: {  	_ =	sdelay $0x2  }
0x27: {  	s2 =	sshra.s32 s4, $0x2  }
0x28: {  	[tilespmem:s2+$0x15200] =	vst v3;
	s0 =	simm.s32 $0x0  }
0x29: {  	[tilespmem:s2+$0x15400] =	vst v4;
	s24 =	rddreg [dreg:$0xb];
	s4 =	simm.s32 $0x15200;
	s25 =	simm.s32 $0x3  }
0x2a: {  	[hbm4b:s24+s0] =	stream.linear.scatter [tilespmem:s4], [sflag:$0x3], $0x190, $0x38;
	[tilespmem:$0x15B90] =	vst v63  }
0x2b: {  	_ =	swait.ge [sflag:s25], $0x190  }
0x2c: {  	[sflag:s25] =	ssyncset.done $0x0  }
0x2d: {  	s5 =	simm.s32 $0x15400;
	s26 =	rddreg [dreg:$0xc];
	[sflag:s25] =	ssyncadd.s32 $0xFFFFFE70  }
0x2e: {  	[hbm4b:s26+s0] =	stream.linear.scatter [tilespmem:s5], [sflag:$0x3], $0x190, $0x38;
	[tilespmem:$0x15B90] =	vst v63  }
0x2f: {  	_ =	swait.ge [sflag:s25], $0x190  }
0x30: {  	[sflag:s25] =	ssyncset.done $0x0  }
0x31: {  	v10 =	vor.u32 s0, v5;
	s28 =	rddreg [dreg:$0xd];
	[sflag:s25] =	ssyncadd.s32 $0xFFFFFE70  }
0x32: {  	[tilespmem:s0], [sflag:$0x3] =	stream.linear.gather [hbm4b:s28+s0], $0x7FE0, $0x38;
	[tilespmem:$0x15B90] =	vst v63  }
0x33: {  	_ =	swait.ge [sflag:s25], $0x7FE0  }
0x34: {  	[sflag:s25] =	ssyncset.done $0x0  }
0x35: {  	[sflag:s25] =	ssyncadd.s32 $0xFFFF8020  }
0x36: {  	s29 =	simm.s32 $0x20;
	v10 =	vld.idx.msk [tilespmem:v10+s0+$0x0], $0xffff  }
0x37: {  	v11 =	vor.u32 s29, v5;
	_ =	sdelay $0x2  }
0x38: {  	s2 =	simm.s32 $0x8000  }
0x39: {  	[tilespmem:s2+$0x0] =	vst v10  }
0x3a: {  	s31 =	simm.s32 $0x40;
	v10 =	vld.idx.msk [tilespmem:v11+s0+$0x0], $0xffff  }
0x3b: {  	s4 =	simm.s32 $0x60;
	v11 =	vor.u32 s31, v5  }
.LBB2_4:
0x3c: {  	p0 =	sne.s32 s4, $0x7FC0;
	_ =	sdelay $0x1  }
.Ltmp3:
0x3d: {  	s2 =	sadd.s32 $0x10, s2;
	(pc) =	sbr.rel @p0 .LBB2_4-.Ltmp3, $3  }
0x3e: {  	[tilespmem:s2+$0x0] =	vst v10  }
0x3f: {  	v10 =	vld.idx.msk [tilespmem:v11+s0+$0x0], $0xffff;
	_ =	sdelay $0x1  }
0x40: {  	v11 =	vor.u32 s4, v5;
	s4 =	sadd.s32 $0x20, s4  }
0x41: {  	_ =	sdelay $0x1  }
0x42: {  	s2 =	sadd.s32 $0x10, s2  }
0x43: {  	[tilespmem:s2+$0x0] =	vst v10  }
0x44: {  	v10 =	vld.idx.msk [tilespmem:v11+s0+$0x0], $0xffff;
	_ =	sdelay $0x3  }
0x45: {  	s31 =	sadd.s32 $0x10, s2  }
0x46: {  	s2 =	simm.s32 $0x0;
	s0 =	simm.s32 $0x40;
	[tilespmem:s31+$0x0] =	vst v10  }
.LBB2_6:
0x47: {  	p0 =	sne.s32 s0, $0xFFC0;
	[tilespmem:s2+$0xC000] =	vst v4;
	s2 =	smov.u32 s0;
	s0 =	sadd.s32 $0x40, s0  }
.Ltmp4:
0x48: {  	(pc) =	sbr.rel @p0 .LBB2_6-.Ltmp4, $2  }
0x49: {  	_ =	sdelay $0x2  }
0x4a: {  	s2 =	sshra.s32 s2, $0x2  }
0x4b: {  	[tilespmem:s2+$0xC000] =	vst v4;
	s0 =	simm.s32 $0x0;
	s2 =	simm.s32 $0x0  }
.LBB2_8:
0x4c: {  	s4 =	sshra.s32 s2, $0x2  }
0x4d: {  	v10 =	vld [tilespmem:s4+$0x8000];
	_ =	sdelay $0x4  }
0x4e: {  	v11 =	vshrl.u32 v10, $0x14  }
0x4f: {  	vm4 =	vlt.u32 v10, $0x40000000;
	v10 =	vand.u32 $0x3FF, v11  }
0x50: {  	p0 =	sne.s32 s2, $0xFF80;
	v10 =	vor.u32 v6, v10  }
.Ltmp5:
0x51: {  	_ = 	snop;
	(pc) =	sbr.rel @p0 .LBB2_8-.Ltmp5, $2  }
0x52: {  	_ =	sdelay $0x2  }
0x53: {  	s2 =	sadd.s32 $0x40, s2;
	[tilespmem:v10+s19+$0x0] =	vst.idx.add.s32.msk vm4, v7  }
0x54: {  	s0 =	sand.u32 $0x3F0, s0  }
0x55: {  	v10 =	vld [tilespmem:s0+$0xC400]  }
0x56: {  	v11 =	vld [tilespmem:s0+$0xC000]  }
0x57: {  	v12 =	vld [tilespmem:s0+$0xC800]  }
0x58: {  	v13 =	vld [tilespmem:s0+$0xCC00]  }
0x59: {  	v14 =	vld [tilespmem:s0+$0xD000]  }
0x5a: {  	v15 =	vld [tilespmem:s0+$0xD400]  }
0x5b: {  	v10 =	vadd.s32 v11, v10;
	v11 =	vld [tilespmem:s0+$0xD800]  }
0x5c: {  	v56 =	vld [tilespmem:s0+$0xDC00];
	v10 =	vadd.s32 v10, v12  }
0x5d: {  	v57 =	vld [tilespmem:s0+$0xE000];
	v10 =	vadd.s32 v10, v13  }
0x5e: {  	v58 =	vld [tilespmem:s0+$0xE400];
	v10 =	vadd.s32 v10, v14  }
0x5f: {  	v59 =	vld [tilespmem:s0+$0xE800];
	v10 =	vadd.s32 v10, v15  }
0x60: {  	v10 =	vadd.s32 v10, v11;
	v11 =	vld [tilespmem:s0+$0xEC00]  }
0x61: {  	v60 =	vld [tilespmem:s0+$0xF000];
	v10 =	vadd.s32 v10, v56  }
0x62: {  	v61 =	vld [tilespmem:s0+$0xF400];
	v10 =	vadd.s32 v10, v57  }
0x63: {  	v62 =	vld [tilespmem:s0+$0xF800];
	v10 =	vadd.s32 v10, v58  }
0x64: {  	v63 =	vld [tilespmem:s0+$0xFC00];
	v10 =	vadd.s32 v10, v59  }
0x65: {  	v10 =	vadd.s32 v10, v11  }
0x66: {  	v10 =	vadd.s32 v10, v60  }
0x67: {  	v10 =	vadd.s32 v10, v61  }
0x68: {  	v10 =	vadd.s32 v10, v62  }
0x69: {  	s2 =	simm.s32 $0x10;
	s0 =	simm.s32 $0x10000;
	v10 =	vadd.s32 v10, v63  }
0x6a: {  	s2 =	sand.u32 $0x3F0, s2;
	[tilespmem:s0+$0x0] =	vst v10  }
0x6b: {  	s4 =	simm.s32 $0x20;
	v10 =	vld [tilespmem:s2+$0xC400]  }
.LBB2_10:
0x6c: {  	p0 =	sne.s32 s4, $0x3F0;
	v11 =	vld [tilespmem:s2+$0xC000]  }
0x6d: {  	v12 =	vld [tilespmem:s2+$0xC800]  }
0x6e: {  	v13 =	vld [tilespmem:s2+$0xCC00]  }
0x6f: {  	v14 =	vld [tilespmem:s2+$0xD000]  }
0x70: {  	v15 =	vld [tilespmem:s2+$0xD400]  }
0x71: {  	v10 =	vadd.s32 v11, v10;
	v11 =	vld [tilespmem:s2+$0xD800]  }
0x72: {  	v10 =	vadd.s32 v10, v12;
	v12 =	vld [tilespmem:s2+$0xDC00]  }
0x73: {  	v10 =	vadd.s32 v10, v13;
	v13 =	vld [tilespmem:s2+$0xE000]  }
0x74: {  	v10 =	vadd.s32 v10, v14;
	v14 =	vld [tilespmem:s2+$0xE400]  }
0x75: {  	v10 =	vadd.s32 v10, v15;
	v15 =	vld [tilespmem:s2+$0xE800]  }
0x76: {  	v10 =	vadd.s32 v10, v11;
	v11 =	vld [tilespmem:s2+$0xEC00]  }
0x77: {  	v10 =	vadd.s32 v10, v12;
	v12 =	vld [tilespmem:s2+$0xF000]  }
0x78: {  	v10 =	vadd.s32 v10, v13;
	v13 =	vld [tilespmem:s2+$0xF400]  }
0x79: {  	v10 =	vadd.s32 v10, v14;
	v14 =	vld [tilespmem:s2+$0xF800]  }
0x7a: {  	v10 =	vadd.s32 v10, v15;
	v15 =	vld [tilespmem:s2+$0xFC00]  }
0x7b: {  	v10 =	vadd.s32 v10, v11  }
0x7c: {  	v10 =	vadd.s32 v10, v12  }
.Ltmp6:
0x7d: {  	v10 =	vadd.s32 v10, v13;
	(pc) =	sbr.rel @p0 .LBB2_10-.Ltmp6, $4  }
0x7e: {  	v10 =	vadd.s32 v10, v14  }
0x7f: {  	s0 =	sadd.s32 $0x10, s0;
	v10 =	vadd.s32 v10, v15  }
0x80: {  	s2 =	sand.u32 $0x3F0, s4;
	[tilespmem:s0+$0x0] =	vst v10  }
0x81: {  	s4 =	sadd.s32 $0x10, s4;
	v10 =	vld [tilespmem:s2+$0xC400]  }
0x82: {  	v11 =	vld [tilespmem:s2+$0xC000]  }
0x83: {  	v12 =	vld [tilespmem:s2+$0xC800]  }
0x84: {  	v13 =	vld [tilespmem:s2+$0xCC00]  }
0x85: {  	v14 =	vld [tilespmem:s2+$0xD000]  }
0x86: {  	v15 =	vld [tilespmem:s2+$0xD400]  }
0x87: {  	v10 =	vadd.s32 v11, v10;
	v11 =	vld [tilespmem:s2+$0xD800]  }
0x88: {  	v44 =	vld [tilespmem:s2+$0xDC00];
	v10 =	vadd.s32 v10, v12  }
0x89: {  	v45 =	vld [tilespmem:s2+$0xE000];
	v10 =	vadd.s32 v10, v13  }
0x8a: {  	v46 =	vld [tilespmem:s2+$0xE400];
	v10 =	vadd.s32 v10, v14  }
0x8b: {  	v47 =	vld [tilespmem:s2+$0xE800];
	v10 =	vadd.s32 v10, v15  }
0x8c: {  	v10 =	vadd.s32 v10, v11;
	v11 =	vld [tilespmem:s2+$0xEC00]  }
0x8d: {  	v48 =	vld [tilespmem:s2+$0xF000];
	v10 =	vadd.s32 v10, v44  }
0x8e: {  	v49 =	vld [tilespmem:s2+$0xF400];
	v10 =	vadd.s32 v10, v45  }
0x8f: {  	v50 =	vld [tilespmem:s2+$0xF800];
	v10 =	vadd.s32 v10, v46  }
0x90: {  	v51 =	vld [tilespmem:s2+$0xFC00];
	v10 =	vadd.s32 v10, v47  }
0x91: {  	v10 =	vadd.s32 v10, v11  }
0x92: {  	v10 =	vadd.s32 v10, v48  }
0x93: {  	v10 =	vadd.s32 v10, v49  }
0x94: {  	v10 =	vadd.s32 v10, v50  }
0x95: {  	s0 =	sadd.s32 $0x10, s0;
	v10 =	vadd.s32 v10, v51  }
0x96: {  	s24 =	rddreg [dreg:$0xe];
	s25 =	simm.s32 $0x10000;
	s26 =	simm.s32 $0x3;
	[tilespmem:s0+$0x0] =	vst v10  }
0x97: {  	[spmem:s24] =	stream.linear.scatter [tilespmem:s25], [sflag:$0x3], $0x400, $0x38;
	[tilespmem:$0x15B90] =	vst v63  }
0x98: {  	_ =	swait.ge [sflag:s26], $0x400  }
0x99: {  	[sflag:s26] =	ssyncset.done $0x0  }
0x9a: {  	[sflag:s26] =	ssyncadd.s32 $0xFFFFFC00  }
0x9b: {  	[bflag:$0x0] =	sbarrier.arrive $0xFFFF  }
0x9c: {  	s28 =	rddreg [dreg:$0x1]  }
0x9d: {  	[tilespmem:s19], [sflag:$0x3] =	stream.linear.gather [spmem:s28], $0x4000, $0x38;
	[tilespmem:$0x15B90] =	vst v63  }
0x9e: {  	_ =	swait.ge [sflag:s26], $0x4000  }
0x9f: {  	[sflag:s26] =	ssyncset.done $0x0  }
0xa0: {  	s24 =	simm.s32 $0x0;
	[sflag:s26] =	ssyncadd.s32 $0xFFFFC000  }
0xa1: {  	s29 =	sand.u32 $0x3F0, s24;
	[bflag:$0x0] =	sbarrier.arrive $0xFFFF  }
0xa2: {  	v10 =	vld [tilespmem:s29+$0xC400]  }
0xa3: {  	v11 =	vld [tilespmem:s29+$0xC000]  }
0xa4: {  	v52 =	vld [tilespmem:s29+$0xC800]  }
0xa5: {  	v53 =	vld [tilespmem:s29+$0xCC00]  }
0xa6: {  	v54 =	vld [tilespmem:s29+$0xD000]  }
0xa7: {  	v55 =	vld [tilespmem:s29+$0xD400]  }
0xa8: {  	v10 =	vadd.s32 v11, v10;
	v11 =	vld [tilespmem:s29+$0xD800]  }
0xa9: {  	v56 =	vld [tilespmem:s29+$0xDC00];
	v10 =	vadd.s32 v10, v52  }
0xaa: {  	v57 =	vld [tilespmem:s29+$0xE000];
	v10 =	vadd.s32 v10, v53  }
0xab: {  	v58 =	vld [tilespmem:s29+$0xE400];
	v10 =	vadd.s32 v10, v54  }
0xac: {  	v59 =	vld [tilespmem:s29+$0xE800];
	v10 =	vadd.s32 v10, v55  }
0xad: {  	v10 =	vadd.s32 v10, v11;
	v11 =	vld [tilespmem:s29+$0xEC00]  }
0xae: {  	v60 =	vld [tilespmem:s29+$0xF000];
	v10 =	vadd.s32 v10, v56  }
0xaf: {  	v61 =	vld [tilespmem:s29+$0xF400];
	v10 =	vadd.s32 v10, v57  }
0xb0: {  	v62 =	vld [tilespmem:s29+$0xF800];
	v10 =	vadd.s32 v10, v58  }
0xb1: {  	v63 =	vld [tilespmem:s29+$0xFC00];
	v10 =	vadd.s32 v10, v59  }
0xb2: {  	v10 =	vadd.s32 v10, v11  }
0xb3: {  	v10 =	vadd.s32 v10, v60  }
0xb4: {  	v10 =	vadd.s32 v10, v61  }
0xb5: {  	v10 =	vadd.s32 v10, v62  }
0xb6: {  	s31 =	simm.s32 $0x10;
	s0 =	simm.s32 $0x10400;
	v10 =	vadd.s32 v10, v63  }
0xb7: {  	s2 =	sand.u32 $0x3F0, s31;
	[tilespmem:s0+$0x0] =	vst v10  }
0xb8: {  	s4 =	simm.s32 $0x20;
	v10 =	vld [tilespmem:s2+$0xC400]  }
.LBB2_12:
0xb9: {  	p0 =	sne.s32 s4, $0x3F0;
	v11 =	vld [tilespmem:s2+$0xC000]  }
0xba: {  	v12 =	vld [tilespmem:s2+$0xC800]  }
0xbb: {  	v13 =	vld [tilespmem:s2+$0xCC00]  }
0xbc: {  	v14 =	vld [tilespmem:s2+$0xD000]  }
0xbd: {  	v15 =	vld [tilespmem:s2+$0xD400]  }
0xbe: {  	v10 =	vadd.s32 v11, v10;
	v11 =	vld [tilespmem:s2+$0xD800]  }
0xbf: {  	v10 =	vadd.s32 v10, v12;
	v12 =	vld [tilespmem:s2+$0xDC00]  }
0xc0: {  	v10 =	vadd.s32 v10, v13;
	v13 =	vld [tilespmem:s2+$0xE000]  }
0xc1: {  	v10 =	vadd.s32 v10, v14;
	v14 =	vld [tilespmem:s2+$0xE400]  }
0xc2: {  	v10 =	vadd.s32 v10, v15;
	v15 =	vld [tilespmem:s2+$0xE800]  }
0xc3: {  	v10 =	vadd.s32 v10, v11;
	v11 =	vld [tilespmem:s2+$0xEC00]  }
0xc4: {  	v10 =	vadd.s32 v10, v12;
	v12 =	vld [tilespmem:s2+$0xF000]  }
0xc5: {  	v10 =	vadd.s32 v10, v13;
	v13 =	vld [tilespmem:s2+$0xF400]  }
0xc6: {  	v10 =	vadd.s32 v10, v14;
	v14 =	vld [tilespmem:s2+$0xF800]  }
0xc7: {  	v10 =	vadd.s32 v10, v15;
	v15 =	vld [tilespmem:s2+$0xFC00]  }
0xc8: {  	v10 =	vadd.s32 v10, v11  }
0xc9: {  	v10 =	vadd.s32 v10, v12  }
.Ltmp7:
0xca: {  	v10 =	vadd.s32 v10, v13;
	(pc) =	sbr.rel @p0 .LBB2_12-.Ltmp7, $4  }
0xcb: {  	v10 =	vadd.s32 v10, v14  }
0xcc: {  	s0 =	sadd.s32 $0x10, s0;
	v10 =	vadd.s32 v10, v15  }
0xcd: {  	s2 =	sand.u32 $0x3F0, s4;
	[tilespmem:s0+$0x0] =	vst v10  }
0xce: {  	s4 =	sadd.s32 $0x10, s4;
	v10 =	vld [tilespmem:s2+$0xC400]  }
0xcf: {  	v11 =	vld [tilespmem:s2+$0xC000]  }
0xd0: {  	v12 =	vld [tilespmem:s2+$0xC800]  }
0xd1: {  	v13 =	vld [tilespmem:s2+$0xCC00]  }
0xd2: {  	v14 =	vld [tilespmem:s2+$0xD000]  }
0xd3: {  	v15 =	vld [tilespmem:s2+$0xD400]  }
0xd4: {  	v10 =	vadd.s32 v11, v10;
	v11 =	vld [tilespmem:s2+$0xD800]  }
0xd5: {  	v56 =	vld [tilespmem:s2+$0xDC00];
	v10 =	vadd.s32 v10, v12  }
0xd6: {  	v57 =	vld [tilespmem:s2+$0xE000];
	v10 =	vadd.s32 v10, v13  }
0xd7: {  	v58 =	vld [tilespmem:s2+$0xE400];
	v10 =	vadd.s32 v10, v14  }
0xd8: {  	v59 =	vld [tilespmem:s2+$0xE800];
	v10 =	vadd.s32 v10, v15  }
0xd9: {  	v10 =	vadd.s32 v10, v11;
	v11 =	vld [tilespmem:s2+$0xEC00]  }
0xda: {  	v60 =	vld [tilespmem:s2+$0xF000];
	v10 =	vadd.s32 v10, v56  }
0xdb: {  	v61 =	vld [tilespmem:s2+$0xF400];
	v10 =	vadd.s32 v10, v57  }
0xdc: {  	v62 =	vld [tilespmem:s2+$0xF800];
	v10 =	vadd.s32 v10, v58  }
0xdd: {  	v63 =	vld [tilespmem:s2+$0xFC00];
	v10 =	vadd.s32 v10, v59  }
0xde: {  	p2 =	por $0x0, $0x0;
	v10 =	vadd.s32 v10, v11  }
.Ltmp8:
0xdf: {  	v10 =	vadd.s32 v10, v60;
	(pc) =	sbr.rel @p2 .LBB2_14-.Ltmp8, $4  }
0xe0: {  	v10 =	vadd.s32 v10, v61  }
0xe1: {  	v10 =	vadd.s32 v10, v62  }
0xe2: {  	s0 =	sadd.s32 $0x10, s0;
	v10 =	vadd.s32 v10, v63  }
0xe3: {  	s18 =	simm.s32 $0x3FF;
	[dreg:$0x1a] =	wrdreg s6;
	s2 =	simm.s32 $0x107F0;
	[tilespmem:s0+$0x0] =	vst v10  }
0xe4: {  	p2 =	por $0x0, $0x0  }
.Ltmp9:
0xe5: {  	_ = 	snop;
	(pc) =	sbr.rel @p2 .LBB2_16-.Ltmp9, $1  }
0xe6: {  	_ =	sdelay $0x3  }
0xe7: {  	p2 =	por $0x0, $0x0  }
.Ltmp10:
0xe8: {  	_ = 	snop;
	(pc) =	sbr.rel @p2 .LBB2_18-.Ltmp10, $2  }
0xe9: {  	_ =	sdelay $0x2  }
0xea: {  	v19 =	vld [tilespmem:s2+$0x0]  }
0xeb: {  	_ =	sdelay $0x3  }
0xec: {  	v11 =	vperm.xlane v19, v8  }
0xed: {  	(xrf0) =	vadd.scan.msk.s32 $0xffff, v19  }
0xee: {  	(xrf0) =	vadd.scan.msk.s32 $0xffff, v11  }
0xef: {  	p2 =	por $0x0, $0x0  }
.Ltmp11:
0xf0: {  	_ = 	snop;
	(pc) =	sbr.rel @p2 .LBB2_20-.Ltmp11, $3  }
0xf1: {  	_ =	sdelay $0x1  }
0xf2: {  	s29 =	simm.s32 $0x107E0;
	v10, _, _ =	vpop (xrf0)  }
0xf3: {  	v19 =	vld [tilespmem:s29+$0x0];
	(v2sf) =	vpush v10, $0xF;
	v12, _, _ =	vpop (xrf0)  }
0xf4: {  	_ =	sdelay $0x3  }
0xf5: {  	v16 =	vperm.xlane v19, v8  }
0xf6: {  	(xrf0) =	vadd.scan.msk.s32 $0xffff, v19  }
0xf7: {  	(xrf0) =	vadd.scan.msk.s32 $0xffff, v16  }
0xf8: {  	p2 =	por $0x0, $0x0  }
.Ltmp12:
0xf9: {  	_ = 	snop;
	(pc) =	sbr.rel @p2 .LBB2_22-.Ltmp12, $4  }
0xfa: {  	p0 =	por $0x1, $0x1  }
0xfb: {  	s31 =	simm.s32 $0x1770;
	s0 =	simm.s32 @!p0 $0x0  }
0xfc: {  	s29 =	simm.s32 $0x107D0;
	vm4 =	vlt.s32 v12, s31;
	s0 =	simm.s32 @p0 $0x1;
	v10, _, _ =	vpop (xrf0)  }
0xfd: {  	v14 =	vsel vm4, $0x1, v4;
	[smem:$0x7FA] =	sst s0;
	s0 =	simm.s32 $0x3AF;
	v19 =	vld [tilespmem:s29+$0x0];
	(v2sf) =	vpush v10, $0xF;
	v17, _, _ =	vpop (xrf0)  }
0xfe: {  	_ = 	snop  }
0xff: {  	s2 =	simm.s32 $0x3DF;
	(xrf0) =	vadd.scan.msk.s32 $0xffff, v14  }
0x100: {  	[smem:$0x7F1] =	sst s2;
	s2 =	spop (v2sf)  }
0x101: {  	s4 =	sadd.s32 $0x0, s2  }
0x102: {  	p2 =	por $0x1, $0x1;
	p3 =	sgt.s32 s4, $0x176F;
	v10 =	vperm.xlane v19, v8  }
0x103: {  	(xrf0) =	vadd.scan.msk.s32 $0xffff, v19;
	p2 =	por !p2, !p3  }
0x104: {  	p6 =	por !p2, !p2;
	(xrf0) =	vadd.scan.msk.s32 $0xffff, v10  }
0x105: {  	p2 =	por $0x0, $0x0;
	s2 =	simm.s32 @p6 $0x0;
	v13, _, _ =	vpop (xrf0)  }
.Ltmp13:
0x106: {  	s15 =	simm.s32 $0x0;
	v15 =	vbroadcast v13, $0xF;
	s22 =	sadd.s32 $0x0, s2;
	(pc) =	sbr.rel @p2 .LBB2_24-.Ltmp13, $4  }
0x107: {  	s15 =	simm.s32 @p6 $0x1;
	s10 =	ssub.s32 $0x1770, s22  }
0x108: {  	[smem:$0x7FD] =	sst s15;
	s2 =	simm.s32 @!p6 $0x0;
	vm4 =	vlt.s32 v17, s10  }
0x109: {  	s29 =	simm.s32 $0x107C0;
	(v2sf) =	vpush v13, $0xF;
	s2 =	simm.s32 @p6 $0x1;
	vm5 =	veq.s32 v15, v0;
	[smem:$0x7F2] =	sst s10;
	v18, _, _ =	vpop (xrf0);
	v20 =	vsel vm4, $0x1, v4  }
0x10a: {  	s4 =	simm.s32 $0x39F;
	v19 =	vld [tilespmem:s29+$0x0];
	[smem:$0x7F3] =	sst s2;
	v22 =	vnsel vm5, $0x0, v11;
	v23 =	vnsel vm5, $0x0, v12;
	(v2sf) =	vpush v18, $0xF;
	v15, _, _ =	vpop (xrf0)  }
0x10b: {  	_ =	sdelay $0x1  }
0x10c: {  	s2 =	simm.s32 $0x3BF;
	p0 =	por $0x1, $0x1;
	(xrf0) =	vadd.scan.msk.s32 $0xffff, v20  }
0x10d: {  	[smem:$0x7EC] =	sst s2;
	s2 =	simm.s32 @!p0 $0x0  }
0x10e: {  	s2 =	simm.s32 @p0 $0x1;
	p0 =	por $0x1, $0x1;
	(xrf0) =	vadd.scan.msk.s32 $0xffff, v19  }
0x10f: {  	[smem:$0x7F6] =	sst s2;
	s2 =	simm.s32 @!p0 $0x0;
	(xrf0) =	vadd.scan.msk.s32 $0xffff, v23  }
0x110: {  	s2 =	simm.s32 @p0 $0x1;
	p0 =	por $0x1, $0x1  }
0x111: {  	[smem:$0x7F7] =	sst s2;
	s2 =	simm.s32 @!p0 $0x0  }
0x112: {  	s2 =	simm.s32 @p0 $0x1;
	p0 =	por $0x1, $0x1;
	v13, _, _ =	vpop (xrf0)  }
0x113: {  	[smem:$0x7F8] =	sst s2;
	s2 =	simm.s32 @!p0 $0x0;
	(v2sf) =	vpush v13, $0xF  }
0x114: {  	v18 =	vperm.xlane v19, v8;
	s2 =	simm.s32 @p0 $0x1;
	v19, _, _ =	vpop (xrf0)  }
0x115: {  	v21 =	vbroadcast v13, $0xF;
	[smem:$0x7F9] =	sst s2;
	s2 =	spop (v2sf);
	(v2sf) =	vpush v19, $0xF;
	v13, _, _ =	vpop (xrf0)  }
0x116: {  	s5 =	sadd.s32 s22, s2;
	(v2sf) =	vpush v13, $0xF  }
0x117: {  	p2 =	seq.s32 s15, $0x0;
	p3 =	sgt.s32 s5, $0x176F  }
0x118: {  	s26 =	simm.s32 $0x3CF;
	s28 =	simm.s32 $0x3EF;
	p2 =	por !p2, !p3  }
0x119: {  	s31 =	simm.s32 $0x1770;
	[smem:$0x7ED] =	sst s26;
	p1 =	por !p2, !p2  }
0x11a: {  	[dreg:$0x1f] =	wrdreg s28;
	(xrf0) =	vadd.scan.msk.s32 $0xffff, v18;
	p0 =	por $0x1, $0x1;
	s2 =	simm.s32 @p1 $0x0  }
0x11b: {  	[dreg:$0x1d] =	wrdreg s31;
	(xrf0) =	vadd.scan.msk.s32 $0xffff, v22;
	s22 =	sadd.s32 s22, s2;
	s2 =	simm.s32 @!p0 $0x0  }
0x11c: {  	p2 =	por $0x0, $0x0;
	s15 =	simm.s32 @p1 $0x1;
	s2 =	simm.s32 @p0 $0x1  }
.Ltmp14:
0x11d: {  	[smem:$0x7F5] =	sst s2;
	s2 =	simm.s32 @!p1 $0x0;
	(pc) =	sbr.rel @p2 .LBB2_26-.Ltmp14, $4  }
0x11e: {  	p5 =	por p6, p6;
	[smem:$0x7FC] =	sst s15;
	s2 =	simm.s32 @p1 $0x1  }
0x11f: {  	s11 =	ssub.s32 $0x1770, s22;
	[smem:$0x7EF] =	sst s2;
	s2 =	simm.s32 @!p5 $0x0  }
0x120: {  	s29 =	simm.s32 $0x107B0;
	vm5 =	veq.s32 v21, v0;
	v24, _, _ =	vpop (xrf0);
	vm4 =	vlt.s32 v15, s11;
	[smem:$0x7EE] =	sst s11;
	s2 =	simm.s32 @p5 $0x1  }
0x121: {  	v29 =	vld [tilespmem:s29+$0x0];
	v32 =	vnsel vm5, $0x0, v16;
	v31 =	vnsel vm5, $0x0, v17;
	s5 =	simm.s32 $0x38F;
	v28, _, _ =	vpop (xrf0);
	v27 =	vsel vm4, $0x1, v4;
	[smem:$0x7F0] =	sst s2  }
0x122: {  	_ =	sdelay $0x2  }
0x123: {  	(xrf0) =	vadd.scan.msk.s32 $0xffff, v27  }
0x124: {  	s2 =	spop (v2sf);
	(xrf0) =	vadd.scan.msk.s32 $0xffff, v29  }
0x125: {  	p2 =	seq.s32 s15, $0x0;
	s6 =	spop (v2sf);
	(xrf0) =	vadd.scan.msk.s32 $0xffff, v31  }
0x126: {  	(v2sf) =	vpush v28, $0xF;
	s29 =	simm.s32 $0x107A0;
	p0 =	por $0x1, $0x1;
	s7 =	sadd.s32 s22, s6;
	v13 =	vperm.xlane v29, v8  }
0x127: {  	s31 =	simm.s32 $0x3EF;
	s25 =	simm.s32 $0x3DF;
	p3 =	sgt.s32 s7, $0x176F  }
0x128: {  	s23 =	smov.u32 s10;
	s28 =	smov.u32 s11;
	p4 =	por !p2, !p3;
	(xrf0) =	vadd.scan.msk.s32 $0xffff, v13  }
0x129: {  	s9 =	simm.s32 $0x0;
	s16 =	simm.s32 $0x3CF;
	p6 =	por !p4, !p4;
	v19, _, _ =	vpop (xrf0);
	(xrf0) =	vadd.scan.msk.s32 $0xffff, v32  }
0x12a: {  	s8 =	simm.s32 $0x3BF;
	p2 =	por $0x0, $0x0;
	s6 =	simm.s32 @p6 $0x0;
	(v2sf) =	vpush v19, $0xF;
	v21, _, _ =	vpop (xrf0)  }
.Ltmp15:
0x12b: {  	s7 =	ssub.s32 $0x3FF, s2;
	s22 =	sadd.s32 s22, s6;
	v25 =	vbroadcast v19, $0xF;
	(v2sf) =	vpush v21, $0xF;
	v19, _, _ =	vpop (xrf0);
	(pc) =	sbr.rel @p2 .LBB2_28-.Ltmp15, $4  }
0x12c: {  	s2 =	simm.s32 $0x0;
	p3 =	por p5, p5;
	s26 =	ssub.s32 $0x1770, s22;
	(v2sf) =	vpush v19, $0xF  }
0x12d: {  	p5 =	por p1, p1;
	s2 =	smov.u32 @p3 s7;
	s6 =	simm.s32 @!p0 $0x0;
	vm4 =	vlt.s32 v24, s26;
	vm5 =	veq.s32 v25, v0;
	v19 =	vld [tilespmem:s29+$0x0]  }
0x12e: {  	s7 =	simm.s32 $0x37F;
	p4 =	por p3, p3;
	s6 =	simm.s32 @p0 $0x1;
	v30 =	vsel vm4, $0x1, v4;
	v35 =	vnsel vm5, $0x0, v10;
	v26, _, _ =	vpop (xrf0)  }
0x12f: {  	s15 =	simm.s32 @p6 $0x1;
	[smem:$0x7FB] =	sst s6;
	s6 =	simm.s32 $0x1770;
	v34 =	vnsel vm5, $0x0, v15;
	v21 =	vmov v18;
	v25 =	vmov v24;
	v33, _, _ =	vpop (xrf0)  }
.LBB2_29:
0x130: {  	p3 =	seq.s32 s7, $0xF;
	(xrf0) =	vadd.scan.msk.s32 $0xffff, v30;
	s10 =	spop (v2sf)  }
0x131: {  	(v2sf) =	vpush v33, $0xF;
	v33 =	vmovc v21;
	v21 =	vmovc v13;
	v36 =	vmov v25;
	v25 =	vmov v26;
	p2 =	por p5, p5;
	p5 =	por p6, p6;
	p6 =	seq.s32 s15, $0x0  }
0x132: {  	v13 =	vperm.xlane v19, v8;
	(xrf0) =	vadd.scan.msk.s32 $0xffff, v19;
	s11 =	spop (v2sf);
	s10 =	ssub.s32 s31, s10;
	s31 =	smov.u32 s25  }
0x133: {  	s25 =	sadd.s32 s22, s11;
	(xrf0) =	vadd.scan.msk.s32 $0xffff, v34;
	s2 =	smov.u32 @p2 s10;
	s10 =	spop (v2sf)  }
0x134: {  	s29 =	sadd.s32 $0xFFFFFFF0, s29;
	(xrf0) =	vadd.scan.msk.s32 $0xffff, v13;
	p1 =	sgt.s32 s25, $0x176F;
	s10 =	ssub.s32 s6, s10  }
0x135: {  	s6 =	smov.u32 s23;
	p1 =	por !p6, !p1;
	(xrf0) =	vadd.scan.msk.s32 $0xffff, v35;
	s25 =	spop (v2sf)  }
0x136: {  	s23 =	smov.u32 s28;
	p6 =	por !p1, !p1;
	s10 =	sadd.s32 s25, s10  }
.Ltmp16:
0x137: {  	s11 =	simm.s32 @p6 $0x0;
	s15 =	simm.s32 @p6 $0x1;
	v26, _, _ =	vpop (xrf0);
	(pc) =	sbr.rel @!p3 .LBB2_29-.Ltmp16, $4  }
0x138: {  	s28 =	smov.u32 s26;
	s9 =	smov.u32 @p4 s10;
	v19 =	vld [tilespmem:s29+$0x0];
	v30, _, _ =	vpop (xrf0);
	v34 =	vbroadcast v26, $0xF;
	s22 =	sadd.s32 s22, s11;
	(v2sf) =	vpush v26, $0xF  }
0x139: {  	s25 =	smov.u32 s16;
	s16 =	smov.u32 s8;
	(v2sf) =	vpush v30, $0xF;
	s26 =	ssub.s32 $0x1770, s22;
	v30, _, _ =	vpop (xrf0)  }
0x13a: {  	s8 =	smov.u32 s0;
	s0 =	smov.u32 s4;
	s4 =	smov.u32 s5;
	v26, _, _ =	vpop (xrf0);
	vm4 =	vlt.s32 v25, s26;
	vm5 =	veq.s32 v34, v0;
	(v2sf) =	vpush v30, $0xF  }
0x13b: {  	s5 =	smov.u32 s7;
	s7 =	sadd.s32 $0xFFFFFFF0, s7;
	p4 =	por p2, p2;
	v30 =	vsel vm4, $0x1, v4;
	v35 =	vnsel vm5, $0x0, v33;
	v34 =	vnsel vm5, $0x0, v36;
	v33, _, _ =	vpop (xrf0)  }
0x13c: {  	[smem:$0x7F4] =	sst s0;
	s0 =	smov.u32 s5  }
.LBB2_31:
0x13d: {  	s10 =	sld [smem:$0x7F5]  }
0x13e: {  	s5 =	sld [smem:$0x7F7];
	_ =	sdelay $0x1  }
0x13f: {  	p3 =	seq.s32 s10, $0x1  }
0x140: {  	p2 =	seq.s32 s5, $0x1;
	s5 =	simm.s32 @!p3 $0x0  }
0x141: {  	s5 =	simm.s32 @p3 $0x1  }
0x142: {  	[smem:$0x7F5] =	sst s5;
	s5 =	spop @p3 (v2sf)  }
0x143: {  	s5 =	ssub.s32 @p3 s31, s5;
	s31 =	sld [smem:$0x7FB]  }
0x144: {  	p0 =	por @p3 p5, p5  }
0x145: {  	s11 =	sld [smem:$0x7FA];
	s7 =	simm.s32 @!p0 $0x0;
	p1 =	por !p0, !p3  }
0x146: {  	s7 =	simm.s32 @p0 $0x1;
	s10 =	spop @p2 (v2sf);
	p0 =	seq.s32 s31, $0x1  }
0x147: {  	(xrf0) =	vadd.scan.msk.s32 @p2 $0xffff, v30;
	[smem:$0x7DD] =	sst s7;
	s7 =	spop @p0 (v2sf)  }
0x148: {  	s5 =	smov.u32 @p1 s2;
	s2 =	ssub.s32 @p0 s6, s7;
	s6 =	spop @p0 (v2sf)  }
0x149: {  	p1 =	por !p4, !p0;
	s2 =	sadd.s32 @p0 s6, s2  }
0x14a: {  	p5 =	seq.s32 s11, $0x1;
	s2 =	smov.u32 @p1 s9;
	s9 =	sld [smem:$0x7F6]  }
0x14b: {  	s11 =	sld [smem:$0x7F5];
	p4 =	por p2, p2;
	s6 =	sadd.s32 @p2 s22, s10  }
0x14c: {  	s7 =	smov.u32 s18;
	p1 =	sgt.s32 @p2 s6, $0x176F;
	s6 =	simm.s32 $0x0  }
0x14d: {  	(v2sf) =	vpush @p3 v33, $0xF;
	v33, _, _ =	vpop @p2 (xrf0);
	p2 =	seq.s32 @p2 s15, $0x0;
	s6 =	smov.u32 @p0 s2;
	p3 =	seq.s32 s9, $0x1  }
0x14e: {  	p1 =	por @p4 !p2, !p1;
	p0 =	seq.s32 s11, $0x1;
	s2 =	smov.u32 @p3 s25  }
0x14f: {  	p1 =	por @p4 !p1, !p1;
	s7 =	smov.u32 @p3 s2;
	s2 =	simm.s32 $0x0  }
0x150: {  	s25 =	sld [smem:$0x7F0];
	s2 =	smov.u32 @p0 s5;
	s5 =	simm.s32 @!p1 $0x0  }
0x151: {  	s31 =	sld [smem:$0x7EF];
	s5 =	simm.s32 @p1 $0x1  }
0x152: {  	p2 =	por @p3 p6, p6;
	[smem:$0x7E2] =	sst s5  }
0x153: {  	p0 =	seq.s32 s25, $0x1;
	p1 =	por !p1, !p4;
	s9 =	sld [smem:$0x7E2]  }
0x154: {  	p2 =	por @!p3 p0, p0;
	s5 =	spop @p3 (v2sf);
	s10 =	simm.s32 @!p1 $0x0  }
0x155: {  	s15 =	simm.s32 @!p1 $0x1;
	p0 =	seq.s32 s31, $0x1;
	p2 =	por @p3 p2, p2  }
0x156: {  	s7 =	ssub.s32 @p3 s7, s5;
	s5 =	simm.s32 @!p2 $0x0;
	p1 =	seq.s32 s9, $0x1  }
0x157: {  	s5 =	simm.s32 @p2 $0x1;
	p1 =	por @!p4 p0, p0  }
0x158: {  	[smem:$0x7E5] =	sst s5;
	s5 =	simm.s32 @!p1 $0x0  }
0x159: {  	s5 =	simm.s32 @p1 $0x1  }
0x15a: {  	p1 =	por !p2, !p3;
	[smem:$0x7E2] =	sst s5  }
0x15b: {  	s7 =	smov.u32 @p1 s2;
	s2 =	sadd.s32 @p5 $0xFFFFFFF0, s29;
	s5 =	simm.s32 $0x107F0  }
0x15c: {  	s5 =	smov.u32 @p5 s2;
	s2 =	sadd.s32 @p4 s22, s10;
	s22 =	sld [smem:$0x7F5]  }
0x15d: {  	_ = 	snop  }
0x15e: {  	s11 =	sld [smem:$0x7F8]  }
0x15f: {  	p0 =	seq.s32 s22, $0x1;
	s22 =	sld [smem:$0x7FC];
	_ =	sdelay $0x1  }
0x160: {  	p6 =	por p4, p4;
	s9 =	simm.s32 $0x0  }
0x161: {  	(v2sf) =	vpush @p4 v33, $0xF;
	s9 =	smov.u32 @p4 s2;
	p4 =	seq.s32 s11, $0x1;
	s22 =	smov.u32 @p6 s15  }
0x162: {  	p2 =	seq.s32 @p4 s22, $0x0  }
0x163: {  	s11 =	smov.u32 @p0 s23;
	s23 =	simm.s32 @!p2 $0x0  }
0x164: {  	s23 =	simm.s32 @p2 $0x1  }
0x165: {  	[smem:$0x7DC] =	sst s23  }
0x166: {  	s29 =	sld [smem:$0x7DC]  }
0x167: {  	s10 =	spop @p4 (v2sf)  }
0x168: {  	s15 =	sadd.s32 @p4 s9, s10  }
0x169: {  	(xrf0) =	vadd.scan.msk.s32 @p5 $0xffff, v19;
	s31 =	sld [smem:$0x7F5];
	p2 =	sgt.s32 @p4 s15, $0x176F;
	p1 =	seq.s32 s29, $0x1  }
0x16a: {  	s23 =	sld [smem:$0x7DD];
	p2 =	por @p4 !p1, !p2  }
0x16b: {  	s25 =	sld [smem:$0x7F9];
	s15 =	simm.s32 @!p2 $0x0  }
0x16c: {  	s15 =	simm.s32 @p2 $0x1  }
0x16d: {  	p1 =	seq.s32 s23, $0x1;
	p2 =	seq.s32 s31, $0x1;
	[smem:$0x7DE] =	sst s15  }
0x16e: {  	p0 =	seq.s32 s25, $0x1;
	p1 =	por @p2 p1, p1;
	s25 =	sld [smem:$0x7DE]  }
0x16f: {  	v30, _, _ =	vpop @p5 (xrf0);
	p1 =	por @!p2 p0, p0  }
0x170: {  	(v2sf) =	vpush @p5 v30, $0xF;
	s15 =	simm.s32 @!p1 $0x0  }
0x171: {  	s15 =	simm.s32 @p1 $0x1;
	p1 =	seq.s32 s25, $0x1  }
0x172: {  	p1 =	por @p4 !p1, !p1  }
0x173: {  	[smem:$0x7DF] =	sst s15;
	s23 =	simm.s32 @!p1 $0x0  }
0x174: {  	s29 =	sld [smem:$0x7DF];
	s23 =	simm.s32 @p1 $0x1;
	p1 =	por !p1, !p4  }
0x175: {  	[smem:$0x7E6] =	sst s23;
	s23 =	simm.s32 @!p1 $0x0  }
0x176: {  	s23 =	simm.s32 @p1 $0x1;
	s25 =	sld [smem:$0x7E6]  }
0x177: {  	s11 =	smov.u32 @p2 s11;
	s15 =	spop @p2 (v2sf);
	[smem:$0x7E0] =	sst s23  }
0x178: {  	s11 =	ssub.s32 @p2 s11, s15;
	s15 =	spop @p2 (v2sf);
	s31 =	sld [smem:$0x7E0]  }
0x179: {  	s10 =	simm.s32 @!p1 $0x0;
	p1 =	seq.s32 s29, $0x1;
	s23 =	sld [smem:$0x7F3]  }
0x17a: {  	s11 =	sadd.s32 @p2 s15, s11;
	p1 =	por !p1, !p2  }
0x17b: {  	s11 =	smov.u32 @p1 s6;
	p2 =	seq.s32 s31, $0x1  }
0x17c: {  	p1 =	seq.s32 s23, $0x1;
	s22 =	simm.s32 @!p2 $0x1;
	p2 =	seq.s32 s25, $0x1  }
0x17d: {  	s2 =	ssub.s32 @p4 $0x1770, s9;
	s9 =	sadd.s32 @p4 s9, s10;
	p2 =	por @!p4 p1, p1  }
0x17e: {  	s10 =	spop @p6 (v2sf);
	s6 =	simm.s32 $0x0;
	s15 =	simm.s32 @!p2 $0x0  }
0x17f: {  	s6 =	smov.u32 @p4 s9;
	s9 =	spop @p5 (v2sf);
	s15 =	simm.s32 @p2 $0x1  }
0x180: {  	[smem:$0x7E6] =	sst s15;
	s15 =	sadd.s32 @p5 s6, s9  }
0x181: {  	p1 =	sgt.s32 @p5 s15, $0x176F  }
0x182: {  	v30 =	vperm.xlane @p5 v19, v8;
	s29 =	sld [smem:$0x7F5];
	s15 =	simm.s32 @!p1 $0x0  }
0x183: {  	(xrf0) =	vadd.scan.msk.s32 @p3 $0xffff, v34;
	s31 =	sld [smem:$0x7FD];
	s15 =	simm.s32 @p1 $0x1  }
0x184: {  	(xrf0) =	vadd.scan.msk.s32 @p5 $0xffff, v30;
	[smem:$0x7E1] =	sst s15  }
0x185: {  	v33 =	vbroadcast @p6 v33, $0xF;
	(xrf0) =	vadd.scan.msk.s32 @p3 $0xffff, v35;
	s23 =	sld [smem:$0x7E1]  }
0x186: {  	vm4 =	vlt.s32 @p4 v26, s2;
	v19 =	vld @p0 [tilespmem:s5+$0x0];
	s25 =	sld [smem:$0x7E2]  }
0x187: {  	vm5 =	veq.s32 @p6 v33, v0;
	v33 =	vsel @p4 vm4, $0x1, v4;
	s31 =	smov.u32 @p4 s22;
	s22 =	simm.s32 $0x0;
	p1 =	seq.s32 s29, $0x1  }
0x188: {  	v27 =	vpsel p4, v33, v27;
	p2 =	seq.s32 @p5 s31, $0x0;
	s22 =	smov.u32 @p1 s11;
	p1 =	seq.s32 s23, $0x1  }
0x189: {  	v34, _, _ =	vpop @p3 (xrf0);
	(xrf0) =	vadd.scan.msk.s32 @p4 $0xffff, v27;
	s29 =	rddreg [dreg:$0x1f];
	p1 =	por @p5 !p2, !p1  }
0x18a: {  	v25 =	vnsel @p6 vm5, $0x0, v25;
	v21 =	vnsel @p6 vm5, $0x0, v21;
	v35, _, _ =	vpop @p5 (xrf0);
	s5 =	sadd.s32 @p0 $0xFFFFFFF0, s5;
	s15 =	smov.u32 s29;
	s11 =	simm.s32 @!p1 $0x0  }
0x18b: {  	v25 =	vpsel p6, v25, v31;
	(v2sf) =	vpush @p3 v34, $0xF;
	v34, _, _ =	vpop @p3 (xrf0);
	v29 =	vpsel p0, v19, v29;
	s23 =	simm.s32 $0x107F0;
	s11 =	simm.s32 @p1 $0x1;
	p1 =	seq.s32 s25, $0x1  }
0x18c: {  	v21 =	vpsel p6, v21, v32;
	v28 =	vpsel p3, v34, v28;
	v19 =	vperm.xlane @p0 v29, v8;
	(xrf0) =	vadd.scan.msk.s32 @p0 $0xffff, v29;
	[smem:$0x7E3] =	sst s11;
	s11 =	smov.u32 @p6 s16;
	p1 =	por @p6 p1, p1  }
0x18d: {  	(v2sf) =	vpush @p3 v28, $0xF;
	(xrf0) =	vadd.scan.msk.s32 @p6 $0xffff, v25;
	s23 =	smov.u32 @p0 s5;
	s15 =	smov.u32 @p6 s11;
	p1 =	por @!p6 p0, p0  }
0x18e: {  	(xrf0) =	vadd.scan.msk.s32 @p0 $0xffff, v19;
	s11 =	simm.s32 $0x0;
	s16 =	sld [smem:$0x7E3];
	p2 =	por @p6 p1, p1  }
0x18f: {  	(xrf0) =	vadd.scan.msk.s32 @p6 $0xffff, v21;
	v21, _, _ =	vpop @p4 (xrf0);
	s11 =	smov.u32 @p3 s7;
	s7 =	smov.u32 @p6 s15;
	s15 =	simm.s32 @!p2 $0x0  }
0x190: {  	(v2sf) =	vpush @p4 v21, $0xF;
	s7 =	smov.u32 @p6 s7;
	s15 =	simm.s32 @p2 $0x1;
	p2 =	por !p2, !p6  }
0x191: {  	s5 =	sld [smem:$0x7E5];
	s10 =	ssub.s32 @p6 s7, s10;
	s7 =	simm.s32 @!p2 $0x0  }
0x192: {  	p1 =	seq.s32 s16, $0x1;
	[smem:$0x7E7] =	sst s15;
	s7 =	simm.s32 @p2 $0x1  }
0x193: {  	v25, _, _ =	vpop @p0 (xrf0);
	p1 =	por @p5 !p1, !p1;
	[smem:$0x7E4] =	sst s7  }
0x194: {  	(v2sf) =	vpush @p0 v25, $0xF;
	v25, _, _ =	vpop @p6 (xrf0);
	s15 =	simm.s32 @!p1 $0x0;
	s7 =	sld [smem:$0x7E4]  }
0x195: {  	v27, _, _ =	vpop @p0 (xrf0);
	s25 =	rddreg [dreg:$0x1d];
	p2 =	por !p1, !p5;
	s15 =	simm.s32 @p1 $0x1  }
0x196: {  	v28, _, _ =	vpop @p6 (xrf0);
	s9 =	simm.s32 @!p2 $0x0;
	s31 =	simm.s32 @!p2 $0x1;
	[smem:$0x7E9] =	sst s15  }
0x197: {  	(v2sf) =	vpush @p6 v25, $0xF;
	v25 =	vpsel p6, v28, v0;
	p1 =	seq.s32 s7, $0x1;
	s7 =	smov.u32 @p3 s28;
	s28 =	sld [smem:$0x7F1]  }
0x198: {  	(v2sf) =	vpush @p6 v25, $0xF;
	s15 =	smov.u32 s25;
	s10 =	smov.u32 @p1 s11;
	s11 =	smov.u32 @p6 s26  }
0x199: {  	s15 =	smov.u32 @p3 s7;
	p1 =	seq.s32 s5, $0x1;
	s26 =	sld [smem:$0x7F2]  }
0x19a: {  	s7 =	smov.u32 @p3 s15;
	p1 =	por @p3 p1, p1;
	s16 =	smov.u32 s28  }
0x19b: {  	s5 =	smov.u32 @p3 s7;
	s7 =	spop @p3 (v2sf);
	p1 =	por @!p3 p0, p0  }
0x19c: {  	s16 =	smov.u32 @p4 s8;
	s5 =	ssub.s32 @p3 s5, s7;
	s8 =	spop @p3 (v2sf)  }
0x19d: {  	s15 =	smov.u32 s26;
	s7 =	ssub.s32 @p5 $0x1770, s6;
	p1 =	por !p1, !p3  }
0x19e: {  	s6 =	sadd.s32 @p5 s6, s9;
	s5 =	sadd.s32 @p3 s8, s5;
	s15 =	smov.u32 @p6 s11  }
0x19f: {  	s8 =	smov.u32 @p4 s16;
	s11 =	smov.u32 s18;
	s9 =	spop @p4 (v2sf)  }
0x1a0: {  	s5 =	smov.u32 @p1 s22;
	s16 =	smov.u32 @p6 s15;
	s15 =	simm.s32 $0x0  }
0x1a1: {  	s11 =	smov.u32 @p4 s8;
	s22 =	simm.s32 $0x0;
	s15 =	smov.u32 @p3 s5  }
0x1a2: {  	s5 =	smov.u32 @p6 s16;
	s8 =	smov.u32 @p4 s11;
	s11 =	simm.s32 $0x0  }
0x1a3: {  	s22 =	smov.u32 @p6 s10;
	s10 =	spop @p0 (v2sf);
	s11 =	smov.u32 @p5 s6  }
0x1a4: {  	s6 =	simm.s32 $0x0;
	s8 =	smov.u32 @p4 s8;
	s5 =	smov.u32 @p6 s5  }
0x1a5: {  	v58 =	vld [tilespmem:s23+$0x0];
	s6 =	smov.u32 @p5 s31;
	s23 =	sadd.s32 @p0 s11, s10;
	s9 =	ssub.s32 @p4 s8, s9  }
0x1a6: {  	v24 =	vpsel p5, v35, v24;
	p1 =	seq.s32 @p0 s6, $0x0;
	p2 =	sgt.s32 @p0 s23, $0x176F;
	s23 =	spop @p6 (v2sf)  }
0x1a7: {  	vm4 =	vlt.s32 @p5 v24, s7;
	p1 =	por @p0 !p1, !p2;
	s5 =	ssub.s32 @p6 s5, s23;
	s23 =	spop @p6 (v2sf)  }
0x1a8: {  	v21 =	vbroadcast @p4 v21, $0xF;
	v28 =	vsel @p5 vm4, $0x1, v4;
	p1 =	por @p0 !p1, !p1;
	s8 =	sadd.s32 @p6 s23, s5;
	s23 =	sld [smem:$0x7E6]  }
0x1a9: {  	v20 =	vpsel p5, v28, v20;
	s31 =	simm.s32 @!p1 $0x0  }
0x1aa: {  	v26 =	vpsel p4, v26, v15;
	vm4 =	veq.s32 @p4 v21, v0;
	s31 =	simm.s32 @p1 $0x1  }
0x1ab: {  	v13 =	vpsel p4, v13, v10;
	v21 =	vnsel @p4 vm4, $0x0, v26;
	(xrf0) =	vadd.scan.msk.s32 @p5 $0xffff, v20;
	p2 =	por !p1, !p0;
	[smem:$0x7EB] =	sst s31;
	p1 =	seq.s32 s23, $0x1  }
0x1ac: {  	v21 =	vpsel p4, v21, v23;
	(xrf0) =	vadd.scan.msk.s32 $0xffff, v58;
	v20 =	vmov @p4 v13;
	s5 =	simm.s32 @!p2 $0x0;
	s31 =	sld [smem:$0x7E7];
	p1 =	por @p4 p1, p1  }
0x1ad: {  	v59 =	vperm.xlane v58, v8;
	s16 =	ssub.s32 @p0 $0x1770, s11;
	(xrf0) =	vadd.scan.msk.s32 @p4 $0xffff, v21;
	v20 =	vnsel @p4 vm4, $0x0, v20;
	s5 =	simm.s32 @p2 $0x1;
	p1 =	por @!p4 p0, p0  }
0x1ae: {  	v20 =	vpsel p4, v20, v22;
	s10 =	simm.s32 @!p2 $0x0;
	[smem:$0x7E8] =	sst s5;
	p1 =	por @p4 p1, p1  }
0x1af: {  	v15 =	vpsel p0, v27, v15;
	(xrf0) =	vadd.scan.msk.s32 $0xffff, v59;
	s5 =	sadd.s32 @p0 s11, s10;
	p3 =	seq.s32 s31, $0x1;
	s11 =	simm.s32 @!p1 $0x0  }
0x1b0: {  	v18 =	vpsel p5, v30, v18;
	vm4 =	vlt.s32 @p0 v15, s16;
	(xrf0) =	vadd.scan.msk.s32 @p4 $0xffff, v20;
	p3 =	por @p6 p3, p3;
	s11 =	simm.s32 @p1 $0x1  }
0x1b1: {  	v21 =	vsel @p0 vm4, $0x1, v4;
	v20, _, _ =	vpop @p5 (xrf0);
	p3 =	por @!p6 p0, p0;
	[smem:$0x7EA] =	sst s11  }
0x1b2: {  	v14 =	vpsel p0, v21, v14;
	v60, _, _ =	vpop (xrf0);
	v23 =	vbroadcast @p5 v20, $0xF;
	p2 =	por !p3, !p6;
	s11 =	sld [smem:$0x7EE]  }
0x1b3: {  	v16 =	vpsel p5, v18, v16;
	v18, _, _ =	vpop @p4 (xrf0);
	(xrf0) =	vadd.scan.msk.s32 @p0 $0xffff, v14;
	p3 =	por !p1, !p4;
	s8 =	smov.u32 @p2 s15;
	s15 =	sld [smem:$0x7E8]  }
0x1b4: {  	v17 =	vpsel p5, v24, v17;
	(v2sf) =	vpush @p5 v20, $0xF;
	vm4 =	veq.s32 @p5 v23, v0;
	s9 =	smov.u32 @p3 s22;
	s22 =	sld [smem:$0x7EC]  }
0x1b5: {  	v14 =	vmov @p5 v17;
	(v2sf) =	vpush v60, $0xF;
	v61, _, _ =	vpop (xrf0);
	v16 =	vnsel @p5 vm4, $0x0, v16;
	s11 =	smov.u32 @p4 s2;
	s2 =	sld [smem:$0x7F4]  }
0x1b6: {  	s10 =	simm.s32 $0x0;
	(v2sf) =	vpush @p4 v18, $0xF;
	v14 =	vnsel @p5 vm4, $0x0, v14;
	v18, _, _ =	vpop @p4 (xrf0);
	v16 =	vpsel p5, v16, v0;
	p1 =	seq.s32 s15, $0x1;
	s15 =	sld [smem:$0x7ED]  }
0x1b7: {  	s10 =	smov.u32 @p0 s5;
	v18 =	vpsel p4, v18, v0;
	v14 =	vpsel p5, v14, v0  }
0x1b8: {  	s5 =	ssub.s32 $0x1770, s10;
	(v2sf) =	vpush @p4 v18, $0xF;
	(xrf0) =	vadd.scan.msk.s32 @p5 $0xffff, v14  }
0x1b9: {  	vm4 =	vlt.s32 v61, s5;
	(xrf0) =	vadd.scan.msk.s32 @p5 $0xffff, v16;
	v16, _, _ =	vpop @p0 (xrf0);
	s22 =	smov.u32 @p0 s4;
	s15 =	smov.u32 @p5 s2  }
0x1ba: {  	v62 =	vsel vm4, $0x1, v4;
	v14 =	vbroadcast @p0 v16, $0xF;
	s2 =	smov.u32 @p4 s11;
	s11 =	smov.u32 s25;
	s25 =	smov.u32 @p0 s16  }
0x1bb: {  	v10 =	vpsel p0, v19, v10;
	v12 =	vpsel p0, v15, v12;
	(xrf0) =	vadd.scan.msk.s32 $0xffff, v62;
	s16 =	sld [smem:$0x7E9];
	s11 =	smov.u32 @p4 s2;
	s2 =	smov.u32 @p5 s15  }
0x1bc: {  	v10 =	vpsel p0, v10, v11;
	v11 =	vmov @p0 v12;
	s26 =	smov.u32 @p5 s7;
	vm4 =	veq.s32 @p0 v14, v0;
	s29 =	smov.u32 @p5 s2;
	s2 =	smov.u32 @p0 s22  }
0x1bd: {  	s6 =	simm.s32 @!p1 $0x1;
	v11 =	vnsel @p0 vm4, $0x0, v11;
	s22 =	sld [smem:$0x7EA];
	s28 =	smov.u32 @p0 s2  }
0x1be: {  	v11 =	vpsel p0, v11, v0;
	s2 =	smov.u32 @p4 s11;
	s4 =	smov.u32 @p5 s29;
	p1 =	seq.s32 s16, $0x1  }
0x1bf: {  	v12, _, _ =	vpop @p5 (xrf0);
	p1 =	por @!p5 p0, p0;
	s7 =	smov.u32 @p0 s28;
	s4 =	smov.u32 @p5 s4  }
0x1c0: {  	(v2sf) =	vpush @p0 v16, $0xF;
	v10 =	vnsel @p0 vm4, $0x0, v10;
	v14, _, _ =	vpop @p5 (xrf0);
	s2 =	smov.u32 @p4 s2;
	s18 =	smov.u32 @p0 s7;
	p2 =	por @p5 p1, p1  }
0x1c1: {  	v10 =	vpsel p0, v10, v0;
	(xrf0) =	vadd.scan.msk.s32 @p0 $0xffff, v11;
	v11, _, _ =	vpop (xrf0);
	s7 =	simm.s32 $0x0;
	s4 =	smov.u32 @p5 s4;
	s2 =	smov.u32 @p4 s2  }
0x1c2: {  	(xrf0) =	vadd.scan.msk.s32 @p0 $0xffff, v10;
	v10 =	vbroadcast v11, $0xF;
	p1 =	seq.s32 s22, $0x1;
	s7 =	smov.u32 @p4 s9;
	s9 =	simm.s32 $0x0  }
0x1c3: {  	p2 =	por @!p5 p0, p0;
	s9 =	smov.u32 @p0 s6;
	s6 =	simm.s32 $0x0  }
0x1c4: {  	vm4 =	veq.s32 v10, v0;
	p3 =	por @p4 p1, p1;
	s6 =	smov.u32 @p6 s8;
	s8 =	spop @p5 (v2sf)  }
0x1c5: {  	(v2sf) =	vpush @p5 v12, $0xF;
	v12 =	vpsel p5, v14, v0;
	v10 =	vnsel vm4, $0x0, v61;
	p3 =	por @!p4 p0, p0;
	p6 =	por @p5 p2, p2;
	s23 =	spop (v2sf)  }
0x1c6: {  	(v2sf) =	vpush @p5 v12, $0xF;
	s4 =	ssub.s32 @p5 s4, s8;
	s8 =	sadd.s32 s10, s23;
	s10 =	spop @p4 (v2sf)  }
0x1c7: {  	v63 =	vnsel vm4, $0x0, v59;
	(xrf0) =	vadd.scan.msk.s32 $0xffff, v10;
	p1 =	por !p6, !p5;
	s2 =	ssub.s32 @p4 s2, s10;
	s10 =	spop @p4 (v2sf)  }
0x1c8: {  	v10, _, _ =	vpop @p0 (xrf0);
	(xrf0) =	vadd.scan.msk.s32 $0xffff, v63;
	s4 =	smov.u32 @p1 s7;
	p1 =	por !p3, !p4;
	s2 =	sadd.s32 @p4 s10, s2  }
0x1c9: {  	(v2sf) =	vpush v11, $0xF;
	v11, _, _ =	vpop @p0 (xrf0);
	s2 =	smov.u32 @p1 s6;
	s6 =	simm.s32 $0x0  }
0x1ca: {  	s7 =	smov.u32 @p0 s18;
	(v2sf) =	vpush @p0 v10, $0xF;
	v10 =	vpsel p0, v11, v0;
	s6 =	smov.u32 @p4 s2  }
0x1cb: {  	(v2sf) =	vpush @p0 v10, $0xF;
	s2 =	smov.u32 @p0 s7;
	s7 =	smov.u32 @p5 s26;
	s26 =	sld [smem:$0x7EB]  }
0x1cc: {  	_ = 	snop  }
0x1cd: {  	p3 =	seq.s32 s9, $0x0;
	v10, _, _ =	vpop (xrf0)  }
0x1ce: {  	p2 =	sgt.s32 s8, $0x176F;
	s8 =	simm.s32 $0x0;
	(v2sf) =	vpush v10, $0xF;
	v10, _, _ =	vpop (xrf0);
	p1 =	seq.s32 s26, $0x1  }
0x1cf: {  	s8 =	smov.u32 @p5 s4;
	s4 =	spop @p0 (v2sf);
	(v2sf) =	vpush v10, $0xF;
	p1 =	por @!p0 p0, p0  }
0x1d0: {  	p3 =	por !p3, !p2;
	s2 =	smov.u32 @p0 s2;
	p1 =	por @p0 p1, p1  }
0x1d1: {  	s2 =	ssub.s32 @p0 s2, s4;
	s4 =	smov.u32 @p5 s7;
	p1 =	por @!p0 p0, p0  }
0x1d2: {  	s7 =	smov.u32 @p0 s25;
	s4 =	smov.u32 @p5 s4;
	p4 =	por @p0 p1, p1  }
0x1d3: {  	s7 =	smov.u32 @p0 s7;
	s4 =	smov.u32 @p5 s4;
	p1 =	por !p4, !p0  }
0x1d4: {  	s2 =	smov.u32 @p1 s8;
	p1 =	por @p5 p6, p6;
	s8 =	spop @p5 (v2sf)  }
0x1d5: {  	p1 =	por @!p5 p0, p0;
	s4 =	ssub.s32 @p5 s4, s8;
	s8 =	spop @p5 (v2sf)  }
0x1d6: {  	p6 =	por !p3, !p3;
	s4 =	sadd.s32 @p5 s8, s4;
	p1 =	por !p1, !p5  }
0x1d7: {  	s4 =	smov.u32 @p1 s6;
	s6 =	smov.u32 @p0 s7;
	s7 =	simm.s32 $0x0  }
0x1d8: {  	s28 =	spop (v2sf);
	s7 =	smov.u32 @p5 s4;
	s4 =	smov.u32 @p0 s6  }
0x1d9: {  	p1 =	por @p0 p4, p4;
	s8 =	spop @p0 (v2sf);
	s4 =	smov.u32 @p0 s4  }
0x1da: {  	p1 =	por @!p0 p0, p0;
	s4 =	ssub.s32 @p0 s4, s8;
	s8 =	spop @p0 (v2sf)  }
0x1db: {  	s0 =	ssub.s32 s0, s28;
	p1 =	por !p1, !p0;
	s4 =	sadd.s32 @p0 s8, s4  }
0x1dc: {  	s8 =	simm.s32 $0x0;
	s4 =	smov.u32 @p1 s7;
	p1 =	por p6, p6  }
0x1dd: {  	s8 =	smov.u32 @p0 s2;
	s29 =	spop (v2sf);
	p1 =	por p1, p1  }
0x1de: {  	s2 =	ssub.s32 s5, s29;
	s31 =	spop (v2sf);
	s24 =	smov.u32 @p0 s4  }
0x1df: {  	s2 =	sadd.s32 s31, s2;
	p0 =	por p1, p1;
	s8 =	smov.u32 @p1 s0  }
0x1e0: {  	s0 =	simm.s32 $0x40;
	s24 =	smov.u32 @p0 s2;
	s2 =	simm.s32 $0x0  }
.LBB2_32:
0x1e1: {  	p0 =	seq.s32 s0, $0xFFC0;
	[tilespmem:s2+$0xC000] =	vst v4;
	s2 =	smov.u32 s0;
	s0 =	sadd.s32 $0x40, s0  }
.Ltmp17:
0x1e2: {  	(pc) =	sbr.rel @!p0 .LBB2_32-.Ltmp17, $2  }
0x1e3: {  	_ =	sdelay $0x2  }
0x1e4: {  	s2 =	sshra.s32 s2, $0x2  }
0x1e5: {  	[tilespmem:s2+$0xC000] =	vst v4;
	v10 =	vmov s8;
	s0 =	simm.s32 $0x0;
	s2 =	simm.s32 $0x0  }
.LBB2_34:
0x1e6: {  	s4 =	sshra.s32 s2, $0x2  }
0x1e7: {  	v11 =	vld [tilespmem:s4+$0x8000];
	_ =	sdelay $0x4  }
0x1e8: {  	v12 =	vshrl.u32 v11, $0x14;
	v11 =	vshrl.u32 v11, $0xA  }
0x1e9: {  	vm4 =	veq.s32 v12, v10;
	v11 =	vand.u32 $0x3FF, v11  }
0x1ea: {  	p0 =	sne.s32 s2, $0xFF80;
	v11 =	vor.u32 v6, v11  }
.Ltmp18:
0x1eb: {  	_ = 	snop;
	(pc) =	sbr.rel @p0 .LBB2_34-.Ltmp18, $2  }
0x1ec: {  	_ =	sdelay $0x2  }
0x1ed: {  	s2 =	sadd.s32 $0x40, s2;
	[tilespmem:v11+s19+$0x0] =	vst.idx.add.s32.msk vm4, v7  }
0x1ee: {  	s0 =	sand.u32 $0x3F0, s0  }
0x1ef: {  	v10 =	vld [tilespmem:s0+$0xC400]  }
0x1f0: {  	v11 =	vld [tilespmem:s0+$0xC000]  }
0x1f1: {  	v12 =	vld [tilespmem:s0+$0xC800]  }
0x1f2: {  	v13 =	vld [tilespmem:s0+$0xCC00]  }
0x1f3: {  	v14 =	vld [tilespmem:s0+$0xD000]  }
0x1f4: {  	v15 =	vld [tilespmem:s0+$0xD400]  }
0x1f5: {  	v10 =	vadd.s32 v11, v10;
	v11 =	vld [tilespmem:s0+$0xD800]  }
0x1f6: {  	v56 =	vld [tilespmem:s0+$0xDC00];
	v10 =	vadd.s32 v10, v12  }
0x1f7: {  	v57 =	vld [tilespmem:s0+$0xE000];
	v10 =	vadd.s32 v10, v13  }
0x1f8: {  	v58 =	vld [tilespmem:s0+$0xE400];
	v10 =	vadd.s32 v10, v14  }
0x1f9: {  	v59 =	vld [tilespmem:s0+$0xE800];
	v10 =	vadd.s32 v10, v15  }
0x1fa: {  	v10 =	vadd.s32 v10, v11;
	v11 =	vld [tilespmem:s0+$0xEC00]  }
0x1fb: {  	v60 =	vld [tilespmem:s0+$0xF000];
	v10 =	vadd.s32 v10, v56  }
0x1fc: {  	v61 =	vld [tilespmem:s0+$0xF400];
	v10 =	vadd.s32 v10, v57  }
0x1fd: {  	v62 =	vld [tilespmem:s0+$0xF800];
	v10 =	vadd.s32 v10, v58  }
0x1fe: {  	v63 =	vld [tilespmem:s0+$0xFC00];
	v10 =	vadd.s32 v10, v59  }
0x1ff: {  	v10 =	vadd.s32 v10, v11  }
0x200: {  	v10 =	vadd.s32 v10, v60  }
0x201: {  	v10 =	vadd.s32 v10, v61  }
0x202: {  	v10 =	vadd.s32 v10, v62  }
0x203: {  	s2 =	simm.s32 $0x10;
	s0 =	simm.s32 $0x10000;
	v10 =	vadd.s32 v10, v63  }
0x204: {  	s2 =	sand.u32 $0x3F0, s2;
	[tilespmem:s0+$0x0] =	vst v10  }
0x205: {  	s4 =	simm.s32 $0x20;
	v10 =	vld [tilespmem:s2+$0xC400]  }
.LBB2_36:
0x206: {  	p0 =	sne.s32 s4, $0x3F0;
	v11 =	vld [tilespmem:s2+$0xC000]  }
0x207: {  	v12 =	vld [tilespmem:s2+$0xC800]  }
0x208: {  	v13 =	vld [tilespmem:s2+$0xCC00]  }
0x209: {  	v14 =	vld [tilespmem:s2+$0xD000]  }
0x20a: {  	v15 =	vld [tilespmem:s2+$0xD400]  }
0x20b: {  	v10 =	vadd.s32 v11, v10;
	v11 =	vld [tilespmem:s2+$0xD800]  }
0x20c: {  	v10 =	vadd.s32 v10, v12;
	v12 =	vld [tilespmem:s2+$0xDC00]  }
0x20d: {  	v10 =	vadd.s32 v10, v13;
	v13 =	vld [tilespmem:s2+$0xE000]  }
0x20e: {  	v10 =	vadd.s32 v10, v14;
	v14 =	vld [tilespmem:s2+$0xE400]  }
0x20f: {  	v10 =	vadd.s32 v10, v15;
	v15 =	vld [tilespmem:s2+$0xE800]  }
0x210: {  	v10 =	vadd.s32 v10, v11;
	v11 =	vld [tilespmem:s2+$0xEC00]  }
0x211: {  	v10 =	vadd.s32 v10, v12;
	v12 =	vld [tilespmem:s2+$0xF000]  }
0x212: {  	v10 =	vadd.s32 v10, v13;
	v13 =	vld [tilespmem:s2+$0xF400]  }
0x213: {  	v10 =	vadd.s32 v10, v14;
	v14 =	vld [tilespmem:s2+$0xF800]  }
0x214: {  	v10 =	vadd.s32 v10, v15;
	v15 =	vld [tilespmem:s2+$0xFC00]  }
0x215: {  	v10 =	vadd.s32 v10, v11  }
0x216: {  	v10 =	vadd.s32 v10, v12  }
.Ltmp19:
0x217: {  	v10 =	vadd.s32 v10, v13;
	(pc) =	sbr.rel @p0 .LBB2_36-.Ltmp19, $4  }
0x218: {  	v10 =	vadd.s32 v10, v14  }
0x219: {  	s0 =	sadd.s32 $0x10, s0;
	v10 =	vadd.s32 v10, v15  }
0x21a: {  	s2 =	sand.u32 $0x3F0, s4;
	[tilespmem:s0+$0x0] =	vst v10  }
0x21b: {  	s4 =	sadd.s32 $0x10, s4;
	v10 =	vld [tilespmem:s2+$0xC400]  }
0x21c: {  	v11 =	vld [tilespmem:s2+$0xC000]  }
0x21d: {  	v12 =	vld [tilespmem:s2+$0xC800]  }
0x21e: {  	v13 =	vld [tilespmem:s2+$0xCC00]  }
0x21f: {  	v14 =	vld [tilespmem:s2+$0xD000]  }
0x220: {  	v15 =	vld [tilespmem:s2+$0xD400]  }
0x221: {  	v10 =	vadd.s32 v11, v10;
	v11 =	vld [tilespmem:s2+$0xD800]  }
0x222: {  	v44 =	vld [tilespmem:s2+$0xDC00];
	v10 =	vadd.s32 v10, v12  }
0x223: {  	v45 =	vld [tilespmem:s2+$0xE000];
	v10 =	vadd.s32 v10, v13  }
0x224: {  	v46 =	vld [tilespmem:s2+$0xE400];
	v10 =	vadd.s32 v10, v14  }
0x225: {  	v47 =	vld [tilespmem:s2+$0xE800];
	v10 =	vadd.s32 v10, v15  }
0x226: {  	v10 =	vadd.s32 v10, v11;
	v11 =	vld [tilespmem:s2+$0xEC00]  }
0x227: {  	v48 =	vld [tilespmem:s2+$0xF000];
	v10 =	vadd.s32 v10, v44  }
0x228: {  	v49 =	vld [tilespmem:s2+$0xF400];
	v10 =	vadd.s32 v10, v45  }
0x229: {  	v50 =	vld [tilespmem:s2+$0xF800];
	v10 =	vadd.s32 v10, v46  }
0x22a: {  	v51 =	vld [tilespmem:s2+$0xFC00];
	v10 =	vadd.s32 v10, v47  }
0x22b: {  	v10 =	vadd.s32 v10, v11  }
0x22c: {  	v10 =	vadd.s32 v10, v48  }
0x22d: {  	v10 =	vadd.s32 v10, v49  }
0x22e: {  	v10 =	vadd.s32 v10, v50  }
0x22f: {  	s0 =	sadd.s32 $0x10, s0;
	v10 =	vadd.s32 v10, v51  }
0x230: {  	s23 =	rddreg [dreg:$0xe];
	s25 =	simm.s32 $0x10000;
	s26 =	simm.s32 $0x3;
	[tilespmem:s0+$0x0] =	vst v10  }
0x231: {  	[spmem:s23] =	stream.linear.scatter [tilespmem:s25], [sflag:$0x3], $0x400, $0x38;
	[tilespmem:$0x15B90] =	vst v63  }
0x232: {  	_ =	swait.ge [sflag:s26], $0x400  }
0x233: {  	[sflag:s26] =	ssyncset.done $0x0  }
0x234: {  	[sflag:s26] =	ssyncadd.s32 $0xFFFFFC00  }
0x235: {  	[bflag:$0x0] =	sbarrier.arrive $0xFFFF  }
0x236: {  	s28 =	rddreg [dreg:$0x1]  }
0x237: {  	[tilespmem:s19], [sflag:$0x3] =	stream.linear.gather [spmem:s28], $0x4000, $0x38;
	[tilespmem:$0x15B90] =	vst v63  }
0x238: {  	_ =	swait.ge [sflag:s26], $0x4000  }
0x239: {  	[sflag:s26] =	ssyncset.done $0x0  }
0x23a: {  	s6 =	simm.s32 $0x0;
	[sflag:s26] =	ssyncadd.s32 $0xFFFFC000  }
0x23b: {  	s29 =	sand.u32 $0x3F0, s6;
	[bflag:$0x0] =	sbarrier.arrive $0xFFFF  }
0x23c: {  	v10 =	vld [tilespmem:s29+$0xC400]  }
0x23d: {  	v11 =	vld [tilespmem:s29+$0xC000]  }
0x23e: {  	v52 =	vld [tilespmem:s29+$0xC800]  }
0x23f: {  	v53 =	vld [tilespmem:s29+$0xCC00]  }
0x240: {  	v54 =	vld [tilespmem:s29+$0xD000]  }
0x241: {  	v55 =	vld [tilespmem:s29+$0xD400]  }
0x242: {  	v10 =	vadd.s32 v11, v10;
	v11 =	vld [tilespmem:s29+$0xD800]  }
0x243: {  	v56 =	vld [tilespmem:s29+$0xDC00];
	v10 =	vadd.s32 v10, v52  }
0x244: {  	v57 =	vld [tilespmem:s29+$0xE000];
	v10 =	vadd.s32 v10, v53  }
0x245: {  	v58 =	vld [tilespmem:s29+$0xE400];
	v10 =	vadd.s32 v10, v54  }
0x246: {  	v59 =	vld [tilespmem:s29+$0xE800];
	v10 =	vadd.s32 v10, v55  }
0x247: {  	v10 =	vadd.s32 v10, v11;
	v11 =	vld [tilespmem:s29+$0xEC00]  }
0x248: {  	v60 =	vld [tilespmem:s29+$0xF000];
	v10 =	vadd.s32 v10, v56  }
0x249: {  	v61 =	vld [tilespmem:s29+$0xF400];
	v10 =	vadd.s32 v10, v57  }
0x24a: {  	v62 =	vld [tilespmem:s29+$0xF800];
	v10 =	vadd.s32 v10, v58  }
0x24b: {  	v63 =	vld [tilespmem:s29+$0xFC00];
	v10 =	vadd.s32 v10, v59  }
0x24c: {  	v10 =	vadd.s32 v10, v11  }
0x24d: {  	v10 =	vadd.s32 v10, v60  }
0x24e: {  	v10 =	vadd.s32 v10, v61  }
0x24f: {  	v10 =	vadd.s32 v10, v62  }
0x250: {  	s31 =	simm.s32 $0x10;
	s0 =	simm.s32 $0x10400;
	v10 =	vadd.s32 v10, v63  }
0x251: {  	s2 =	sand.u32 $0x3F0, s31;
	[tilespmem:s0+$0x0] =	vst v10  }
0x252: {  	s4 =	simm.s32 $0x20;
	v10 =	vld [tilespmem:s2+$0xC400]  }
.LBB2_38:
0x253: {  	p0 =	sne.s32 s4, $0x3F0;
	v11 =	vld [tilespmem:s2+$0xC000]  }
0x254: {  	v12 =	vld [tilespmem:s2+$0xC800]  }
0x255: {  	v13 =	vld [tilespmem:s2+$0xCC00]  }
0x256: {  	v14 =	vld [tilespmem:s2+$0xD000]  }
0x257: {  	v15 =	vld [tilespmem:s2+$0xD400]  }
0x258: {  	v10 =	vadd.s32 v11, v10;
	v11 =	vld [tilespmem:s2+$0xD800]  }
0x259: {  	v10 =	vadd.s32 v10, v12;
	v12 =	vld [tilespmem:s2+$0xDC00]  }
0x25a: {  	v10 =	vadd.s32 v10, v13;
	v13 =	vld [tilespmem:s2+$0xE000]  }
0x25b: {  	v10 =	vadd.s32 v10, v14;
	v14 =	vld [tilespmem:s2+$0xE400]  }
0x25c: {  	v10 =	vadd.s32 v10, v15;
	v15 =	vld [tilespmem:s2+$0xE800]  }
0x25d: {  	v10 =	vadd.s32 v10, v11;
	v11 =	vld [tilespmem:s2+$0xEC00]  }
0x25e: {  	v10 =	vadd.s32 v10, v12;
	v12 =	vld [tilespmem:s2+$0xF000]  }
0x25f: {  	v10 =	vadd.s32 v10, v13;
	v13 =	vld [tilespmem:s2+$0xF400]  }
0x260: {  	v10 =	vadd.s32 v10, v14;
	v14 =	vld [tilespmem:s2+$0xF800]  }
0x261: {  	v10 =	vadd.s32 v10, v15;
	v15 =	vld [tilespmem:s2+$0xFC00]  }
0x262: {  	v10 =	vadd.s32 v10, v11  }
0x263: {  	v10 =	vadd.s32 v10, v12  }
.Ltmp20:
0x264: {  	v10 =	vadd.s32 v10, v13;
	(pc) =	sbr.rel @p0 .LBB2_38-.Ltmp20, $4  }
0x265: {  	v10 =	vadd.s32 v10, v14  }
0x266: {  	s0 =	sadd.s32 $0x10, s0;
	v10 =	vadd.s32 v10, v15  }
0x267: {  	s2 =	sand.u32 $0x3F0, s4;
	[tilespmem:s0+$0x0] =	vst v10  }
0x268: {  	s4 =	sadd.s32 $0x10, s4;
	v10 =	vld [tilespmem:s2+$0xC400]  }
0x269: {  	v11 =	vld [tilespmem:s2+$0xC000]  }
0x26a: {  	v12 =	vld [tilespmem:s2+$0xC800]  }
0x26b: {  	v13 =	vld [tilespmem:s2+$0xCC00]  }
0x26c: {  	v14 =	vld [tilespmem:s2+$0xD000]  }
0x26d: {  	v15 =	vld [tilespmem:s2+$0xD400]  }
0x26e: {  	v10 =	vadd.s32 v11, v10;
	v11 =	vld [tilespmem:s2+$0xD800]  }
0x26f: {  	v56 =	vld [tilespmem:s2+$0xDC00];
	v10 =	vadd.s32 v10, v12  }
0x270: {  	v57 =	vld [tilespmem:s2+$0xE000];
	v10 =	vadd.s32 v10, v13  }
0x271: {  	v58 =	vld [tilespmem:s2+$0xE400];
	v10 =	vadd.s32 v10, v14  }
0x272: {  	v59 =	vld [tilespmem:s2+$0xE800];
	v10 =	vadd.s32 v10, v15  }
0x273: {  	v10 =	vadd.s32 v10, v11;
	v11 =	vld [tilespmem:s2+$0xEC00]  }
0x274: {  	v60 =	vld [tilespmem:s2+$0xF000];
	v10 =	vadd.s32 v10, v56  }
0x275: {  	v61 =	vld [tilespmem:s2+$0xF400];
	v10 =	vadd.s32 v10, v57  }
0x276: {  	v62 =	vld [tilespmem:s2+$0xF800];
	v10 =	vadd.s32 v10, v58  }
0x277: {  	v63 =	vld [tilespmem:s2+$0xFC00];
	v10 =	vadd.s32 v10, v59  }
0x278: {  	p2 =	por $0x0, $0x0;
	v10 =	vadd.s32 v10, v11  }
.Ltmp21:
0x279: {  	v10 =	vadd.s32 v10, v60;
	(pc) =	sbr.rel @p2 .LBB2_40-.Ltmp21, $4  }
0x27a: {  	v10 =	vadd.s32 v10, v61  }
0x27b: {  	v10 =	vadd.s32 v10, v62  }
0x27c: {  	s0 =	sadd.s32 $0x10, s0;
	v10 =	vadd.s32 v10, v63  }
0x27d: {  	[dreg:$0x1b] =	wrdreg s8;
	s2 =	simm.s32 $0x107F0;
	[tilespmem:s0+$0x0] =	vst v10  }
0x27e: {  	p2 =	por $0x0, $0x0  }
.Ltmp22:
0x27f: {  	_ = 	snop;
	(pc) =	sbr.rel @p2 .LBB2_42-.Ltmp22, $1  }
0x280: {  	_ =	sdelay $0x3  }
0x281: {  	p2 =	por $0x0, $0x0  }
.Ltmp23:
0x282: {  	_ = 	snop;
	(pc) =	sbr.rel @p2 .LBB2_44-.Ltmp23, $2  }
0x283: {  	_ =	sdelay $0x2  }
0x284: {  	v19 =	vld [tilespmem:s2+$0x0]  }
0x285: {  	_ =	sdelay $0x3  }
0x286: {  	v11 =	vperm.xlane v19, v8  }
0x287: {  	(xrf0) =	vadd.scan.msk.s32 $0xffff, v19  }
0x288: {  	(xrf0) =	vadd.scan.msk.s32 $0xffff, v11  }
0x289: {  	p2 =	por $0x0, $0x0  }
.Ltmp24:
0x28a: {  	_ = 	snop;
	(pc) =	sbr.rel @p2 .LBB2_46-.Ltmp24, $3  }
0x28b: {  	_ =	sdelay $0x1  }
0x28c: {  	s0 =	simm.s32 $0x107E0;
	v10, _, _ =	vpop (xrf0)  }
0x28d: {  	v19 =	vld [tilespmem:s0+$0x0];
	(v2sf) =	vpush v10, $0xF;
	v12, _, _ =	vpop (xrf0)  }
0x28e: {  	_ =	sdelay $0x3  }
0x28f: {  	v16 =	vperm.xlane v19, v8  }
0x290: {  	(xrf0) =	vadd.scan.msk.s32 $0xffff, v19  }
0x291: {  	(xrf0) =	vadd.scan.msk.s32 $0xffff, v16  }
0x292: {  	p2 =	por $0x0, $0x0  }
.Ltmp25:
0x293: {  	_ = 	snop;
	(pc) =	sbr.rel @p2 .LBB2_48-.Ltmp25, $4  }
0x294: {  	_ = 	snop  }
0x295: {  	s11 =	ssub.s32 s24, s6  }
0x296: {  	s0 =	simm.s32 $0x107D0;
	vm4 =	vlt.s32 v12, s11;
	v10, _, _ =	vpop (xrf0)  }
0x297: {  	s7 =	simm.s32 $0x3AF;
	[dreg:$0x1e] =	wrdreg s11;
	v14 =	vsel vm4, $0x1, v4;
	v19 =	vld [tilespmem:s0+$0x0];
	(v2sf) =	vpush v10, $0xF;
	v17, _, _ =	vpop (xrf0)  }
0x298: {  	p0 =	por $0x1, $0x1  }
0x299: {  	(xrf0) =	vadd.scan.msk.s32 $0xffff, v14;
	s0 =	simm.s32 @!p0 $0x0  }
0x29a: {  	s0 =	simm.s32 @p0 $0x1  }
0x29b: {  	[smem:$0x7D9] =	sst s0;
	s0 =	spop (v2sf)  }
0x29c: {  	v10 =	vperm.xlane v19, v8;
	s2 =	sadd.s32 $0x0, s0  }
0x29d: {  	p2 =	por $0x1, $0x1;
	(xrf0) =	vadd.scan.msk.s32 $0xffff, v19;
	p3 =	sge.s32 s2, s24  }
0x29e: {  	(xrf0) =	vadd.scan.msk.s32 $0xffff, v10;
	p2 =	por !p2, !p3  }
0x29f: {  	v13, _, _ =	vpop (xrf0);
	p6 =	por !p2, !p2;
	p2 =	por $0x0, $0x0  }
.Ltmp26:
0x2a0: {  	s5 =	simm.s32 $0x0;
	v15 =	vbroadcast v13, $0xF;
	s0 =	simm.s32 @p6 $0x0;
	(pc) =	sbr.rel @p2 .LBB2_50-.Ltmp26, $4  }
0x2a1: {  	s5 =	simm.s32 @p6 $0x1;
	s2 =	simm.s32 @!p6 $0x0;
	s25 =	sadd.s32 $0x0, s0  }
0x2a2: {  	vm5 =	veq.s32 v15, v0;
	s2 =	simm.s32 @p6 $0x1;
	[smem:$0x7DB] =	sst s5;
	s18 =	ssub.s32 s24, s25  }
0x2a3: {  	(v2sf) =	vpush v13, $0xF;
	s0 =	simm.s32 $0x107C0;
	v18, _, _ =	vpop (xrf0);
	v22 =	vnsel vm5, $0x0, v11;
	[smem:$0x7D2] =	sst s2;
	vm4 =	vlt.s32 v17, s18  }
0x2a4: {  	s28 =	simm.s32 $0x39F;
	v19 =	vld [tilespmem:s0+$0x0];
	v23 =	vnsel vm5, $0x0, v12;
	(v2sf) =	vpush v18, $0xF;
	[smem:$0x7D1] =	sst s18;
	v15, _, _ =	vpop (xrf0);
	v21 =	vsel vm4, $0x1, v4  }
0x2a5: {  	_ =	sdelay $0x1  }
0x2a6: {  	(xrf0) =	vadd.scan.msk.s32 $0xffff, v21  }
0x2a7: {  	s0 =	simm.s32 $0x3BF;
	p0 =	por $0x1, $0x1  }
0x2a8: {  	[smem:$0x7CA] =	sst s0;
	s0 =	simm.s32 @!p0 $0x0;
	(xrf0) =	vadd.scan.msk.s32 $0xffff, v19  }
0x2a9: {  	s0 =	simm.s32 @p0 $0x1;
	p0 =	por $0x1, $0x1;
	(xrf0) =	vadd.scan.msk.s32 $0xffff, v23  }
0x2aa: {  	[smem:$0x7D6] =	sst s0;
	s0 =	simm.s32 @!p0 $0x0  }
0x2ab: {  	s0 =	simm.s32 @p0 $0x1;
	p0 =	por $0x1, $0x1  }
0x2ac: {  	[smem:$0x7D7] =	sst s0;
	s0 =	simm.s32 @!p0 $0x0;
	v13, _, _ =	vpop (xrf0)  }
0x2ad: {  	s0 =	simm.s32 @p0 $0x1;
	p0 =	por $0x1, $0x1;
	(v2sf) =	vpush v13, $0xF  }
0x2ae: {  	v18 =	vperm.xlane v19, v8;
	[smem:$0x7D8] =	sst s0;
	s0 =	simm.s32 @!p0 $0x0;
	v19, _, _ =	vpop (xrf0)  }
0x2af: {  	v20 =	vbroadcast v13, $0xF;
	s0 =	simm.s32 @p0 $0x1;
	(v2sf) =	vpush v19, $0xF;
	v13, _, _ =	vpop (xrf0)  }
0x2b0: {  	s22 =	simm.s32 $0x3CF;
	[smem:$0x7DA] =	sst s0;
	s0 =	spop (v2sf);
	(v2sf) =	vpush v13, $0xF  }
0x2b1: {  	s23 =	simm.s32 $0x3DF;
	s26 =	simm.s32 $0x3EF;
	s31 =	simm.s32 $0x3FF  }
0x2b2: {  	p2 =	seq.s32 s5, $0x0;
	s10 =	smov.u32 s5;
	[smem:$0x7CB] =	sst s22  }
0x2b3: {  	[smem:$0x7CF] =	sst s23;
	p0 =	por $0x1, $0x1;
	s2 =	sadd.s32 s25, s0  }
0x2b4: {  	[smem:$0x7D0] =	sst s26;
	(xrf0) =	vadd.scan.msk.s32 $0xffff, v18;
	p3 =	sge.s32 s2, s24;
	s2 =	simm.s32 @!p0 $0x0  }
0x2b5: {  	[dreg:$0x1c] =	wrdreg s31;
	(xrf0) =	vadd.scan.msk.s32 $0xffff, v22;
	p2 =	por !p2, !p3;
	s2 =	simm.s32 @p0 $0x1  }
0x2b6: {  	p1 =	por !p2, !p2;
	p2 =	por $0x0, $0x0;
	[smem:$0x7D5] =	sst s2  }
.Ltmp27:
0x2b7: {  	s0 =	simm.s32 @p1 $0x0;
	s2 =	simm.s32 @!p1 $0x0;
	(pc) =	sbr.rel @p2 .LBB2_52-.Ltmp27, $4  }
0x2b8: {  	p3 =	por p6, p6;
	s25 =	sadd.s32 s25, s0;
	s2 =	simm.s32 @p1 $0x1  }
0x2b9: {  	s29 =	ssub.s32 s24, s25;
	[smem:$0x7CD] =	sst s2;
	s2 =	simm.s32 @!p3 $0x0  }
0x2ba: {  	vm5 =	veq.s32 v20, v0;
	v24, _, _ =	vpop (xrf0);
	s0 =	simm.s32 $0x107B0;
	vm4 =	vlt.s32 v15, s29;
	[smem:$0x7CC] =	sst s29;
	s2 =	simm.s32 @p3 $0x1  }
0x2bb: {  	s26 =	simm.s32 $0x38F;
	v32 =	vnsel vm5, $0x0, v16;
	v31 =	vnsel vm5, $0x0, v17;
	v28, _, _ =	vpop (xrf0);
	s10 =	simm.s32 @p1 $0x1;
	v29 =	vld [tilespmem:s0+$0x0];
	v27 =	vsel vm4, $0x1, v4;
	[smem:$0x7CE] =	sst s2  }
0x2bc: {  	_ =	sdelay $0x2  }
0x2bd: {  	(xrf0) =	vadd.scan.msk.s32 $0xffff, v27  }
0x2be: {  	s0 =	spop (v2sf);
	(xrf0) =	vadd.scan.msk.s32 $0xffff, v29  }
0x2bf: {  	p4 =	seq.s32 s10, $0x0;
	p2 =	por $0x0, $0x0;
	s5 =	spop (v2sf);
	(xrf0) =	vadd.scan.msk.s32 $0xffff, v31  }
0x2c0: {  	p3 =	por p3, p3;
	s4 =	simm.s32 $0x0;
	(v2sf) =	vpush v28, $0xF;
	s2 =	sadd.s32 s25, s5;
	v13 =	vperm.xlane v29, v8  }
0x2c1: {  	s19 =	smov.u32 s10;
	p0 =	por $0x1, $0x1;
	p5 =	sge.s32 s2, s24  }
0x2c2: {  	s23 =	simm.s32 $0x3EF;
	s31 =	simm.s32 $0x3DF;
	p4 =	por !p4, !p5;
	(xrf0) =	vadd.scan.msk.s32 $0xffff, v13  }
0x2c3: {  	s22 =	smov.u32 s18;
	s9 =	simm.s32 $0x0;
	p6 =	por !p4, !p4;
	v19, _, _ =	vpop (xrf0);
	(xrf0) =	vadd.scan.msk.s32 $0xffff, v32  }
0x2c4: {  	s16 =	simm.s32 $0x3CF;
	s8 =	simm.s32 $0x3BF;
	s5 =	simm.s32 @p6 $0x0;
	(v2sf) =	vpush v19, $0xF;
	v20, _, _ =	vpop (xrf0)  }
.Ltmp28:
0x2c5: {  	s0 =	ssub.s32 $0x3FF, s0;
	v25 =	vbroadcast v19, $0xF;
	s25 =	sadd.s32 s25, s5;
	(v2sf) =	vpush v20, $0xF;
	v19, _, _ =	vpop (xrf0);
	(pc) =	sbr.rel @p2 .LBB2_54-.Ltmp28, $4  }
0x2c6: {  	s4 =	smov.u32 @p3 s0;
	s0 =	simm.s32 $0x107A0;
	s15 =	ssub.s32 s24, s25;
	(v2sf) =	vpush v19, $0xF  }
0x2c7: {  	s2 =	smov.u32 s10;
	s10 =	simm.s32 $0x37F;
	s5 =	simm.s32 @!p0 $0x0;
	vm4 =	vlt.s32 v24, s15;
	vm5 =	veq.s32 v25, v0;
	v19 =	vld [tilespmem:s0+$0x0]  }
0x2c8: {  	p5 =	por p1, p1;
	p4 =	por p3, p3;
	s5 =	simm.s32 @p0 $0x1;
	v30 =	vsel vm4, $0x1, v4;
	v35 =	vnsel vm5, $0x0, v10;
	v26, _, _ =	vpop (xrf0)  }
0x2c9: {  	s2 =	simm.s32 @p6 $0x1;
	[smem:$0x7D4] =	sst s5;
	s5 =	smov.u32 s11;
	v34 =	vnsel vm5, $0x0, v15;
	v20 =	vmov v18;
	v25 =	vmov v24;
	v33, _, _ =	vpop (xrf0)  }
.LBB2_55:
0x2ca: {  	p3 =	seq.s32 s10, $0xF;
	(xrf0) =	vadd.scan.msk.s32 $0xffff, v30;
	s11 =	spop (v2sf)  }
0x2cb: {  	(v2sf) =	vpush v33, $0xF;
	v33 =	vmovc v20;
	v20 =	vmovc v13;
	v36 =	vmov v25;
	v25 =	vmov v26;
	p2 =	por p5, p5;
	p5 =	por p6, p6;
	p6 =	seq.s32 s2, $0x0  }
0x2cc: {  	v13 =	vperm.xlane v19, v8;
	(xrf0) =	vadd.scan.msk.s32 $0xffff, v19;
	s18 =	spop (v2sf);
	s11 =	ssub.s32 s23, s11;
	s23 =	smov.u32 s31  }
0x2cd: {  	s31 =	sadd.s32 s25, s18;
	(xrf0) =	vadd.scan.msk.s32 $0xffff, v34;
	s4 =	smov.u32 @p2 s11;
	s11 =	spop (v2sf)  }
0x2ce: {  	s0 =	sadd.s32 $0xFFFFFFF0, s0;
	(xrf0) =	vadd.scan.msk.s32 $0xffff, v13;
	p1 =	sge.s32 s31, s24;
	s11 =	ssub.s32 s5, s11  }
0x2cf: {  	s5 =	smov.u32 s22;
	p1 =	por !p6, !p1;
	(xrf0) =	vadd.scan.msk.s32 $0xffff, v35;
	s31 =	spop (v2sf)  }
0x2d0: {  	s22 =	smov.u32 s29;
	p6 =	por !p1, !p1;
	s11 =	sadd.s32 s31, s11  }
.Ltmp29:
0x2d1: {  	s18 =	simm.s32 @p6 $0x0;
	s2 =	simm.s32 @p6 $0x1;
	v26, _, _ =	vpop (xrf0);
	(pc) =	sbr.rel @!p3 .LBB2_55-.Ltmp29, $4  }
0x2d2: {  	s29 =	smov.u32 s15;
	s9 =	smov.u32 @p4 s11;
	v19 =	vld [tilespmem:s0+$0x0];
	v30, _, _ =	vpop (xrf0);
	v34 =	vbroadcast v26, $0xF;
	s25 =	sadd.s32 s25, s18;
	(v2sf) =	vpush v26, $0xF  }
0x2d3: {  	s31 =	smov.u32 s16;
	s16 =	smov.u32 s8;
	(v2sf) =	vpush v30, $0xF;
	s15 =	ssub.s32 s24, s25;
	v30, _, _ =	vpop (xrf0)  }
0x2d4: {  	s8 =	smov.u32 s7;
	s7 =	smov.u32 s28;
	s28 =	smov.u32 s26;
	v26, _, _ =	vpop (xrf0);
	vm4 =	vlt.s32 v25, s15;
	vm5 =	veq.s32 v34, v0;
	(v2sf) =	vpush v30, $0xF  }
0x2d5: {  	s26 =	smov.u32 s10;
	s10 =	sadd.s32 $0xFFFFFFF0, s10;
	p4 =	por p2, p2;
	v30 =	vsel vm4, $0x1, v4;
	v35 =	vnsel vm5, $0x0, v33;
	v34 =	vnsel vm5, $0x0, v36;
	v33, _, _ =	vpop (xrf0)  }
0x2d6: {  	[smem:$0x7D3] =	sst s7;
	s7 =	smov.u32 s26  }
.LBB2_57:
0x2d7: {  	s10 =	sld [smem:$0x7D5]  }
0x2d8: {  	s11 =	sld [smem:$0x7D7]  }
0x2d9: {  	s18 =	sld [smem:$0x7DA]  }
0x2da: {  	p1 =	seq.s32 s10, $0x1  }
0x2db: {  	s10 =	simm.s32 @!p1 $0x0  }
0x2dc: {  	p2 =	seq.s32 s11, $0x1;
	p0 =	seq.s32 s18, $0x1;
	s10 =	simm.s32 @p1 $0x1  }
0x2dd: {  	s18 =	simm.s32 @!p0 $0x0;
	[smem:$0x7D5] =	sst s10;
	s10 =	spop @p1 (v2sf)  }
0x2de: {  	s18 =	simm.s32 @p0 $0x1;
	s11 =	spop @p2 (v2sf)  }
0x2df: {  	(xrf0) =	vadd.scan.msk.s32 @p2 $0xffff, v30;
	[smem:$0x7DA] =	sst s18;
	s18 =	sadd.s32 @p2 s25, s11  }
0x2e0: {  	(xrf0) =	vadd.scan.msk.s32 @p0 $0xffff, v19;
	p0 =	sge.s32 @p2 s18, s24  }
0x2e1: {  	s10 =	ssub.s32 @p1 s23, s10;
	s23 =	sld [smem:$0x7D4];
	s18 =	simm.s32 @!p0 $0x0  }
0x2e2: {  	s18 =	simm.s32 @p0 $0x1  }
0x2e3: {  	[smem:$0x7BD] =	sst s18  }
0x2e4: {  	p3 =	seq.s32 s23, $0x1;
	s26 =	sld [smem:$0x7BD]  }
0x2e5: {  	s23 =	sld [smem:$0x7D5];
	s18 =	spop @p3 (v2sf)  }
0x2e6: {  	(v2sf) =	vpush @p1 v33, $0xF;
	p1 =	seq.s32 @p2 s2, $0x0;
	s5 =	ssub.s32 @p3 s5, s18;
	s18 =	spop @p3 (v2sf)  }
0x2e7: {  	s5 =	sadd.s32 @p3 s18, s5;
	s18 =	simm.s32 @!p3 $0x0;
	p0 =	seq.s32 s26, $0x1  }
0x2e8: {  	s18 =	simm.s32 @p3 $0x1;
	p0 =	por @p2 !p1, !p0  }
0x2e9: {  	[smem:$0x7D4] =	sst s18;
	s18 =	simm.s32 @!p0 $0x0  }
0x2ea: {  	s18 =	simm.s32 @p0 $0x1;
	p0 =	seq.s32 s23, $0x1;
	s23 =	sld [smem:$0x7DA]  }
0x2eb: {  	[smem:$0x7BE] =	sst s18  }
0x2ec: {  	p4 =	por !p4, !p3;
	p1 =	por @p0 p5, p5;
	s26 =	sld [smem:$0x7BE]  }
0x2ed: {  	s5 =	smov.u32 @p4 s9;
	s18 =	simm.s32 @!p1 $0x0  }
0x2ee: {  	s9 =	simm.s32 $0x0;
	p3 =	por !p1, !p0;
	s18 =	simm.s32 @p1 $0x1  }
0x2ef: {  	s10 =	smov.u32 @p3 s4;
	p1 =	seq.s32 s23, $0x1;
	p5 =	seq.s32 s26, $0x1  }
0x2f0: {  	s4 =	simm.s32 $0x107F0;
	s26 =	sld [smem:$0x7D6];
	p5 =	por @p2 !p5, !p5  }
0x2f1: {  	[smem:$0x7C0] =	sst s18;
	s0 =	sadd.s32 @p1 $0xFFFFFFF0, s0;
	p3 =	por !p5, !p2  }
0x2f2: {  	s4 =	smov.u32 @p1 s0;
	s18 =	simm.s32 @!p5 $0x0;
	s11 =	simm.s32 @!p3 $0x0  }
0x2f3: {  	s18 =	simm.s32 @p5 $0x1;
	p5 =	seq.s32 s26, $0x1;
	s0 =	sadd.s32 @p2 s25, s11  }
0x2f4: {  	s9 =	smov.u32 @p2 s0;
	s0 =	smov.u32 @p5 s31;
	s31 =	sld [smem:$0x7D4]  }
0x2f5: {  	[smem:$0x7C2] =	sst s18  }
0x2f6: {  	s25 =	rddreg [dreg:$0x1c];
	s18 =	simm.s32 $0x0  }
0x2f7: {  	s18 =	smov.u32 @p0 s10;
	s10 =	simm.s32 $0x0;
	p0 =	seq.s32 s31, $0x1  }
0x2f8: {  	s10 =	smov.u32 @p0 s5;
	s5 =	sld [smem:$0x7CE]  }
0x2f9: {  	s2 =	simm.s32 @!p3 $0x1;
	s11 =	smov.u32 s25  }
0x2fa: {  	s11 =	smov.u32 @p5 s0;
	s0 =	spop @p5 (v2sf);
	p0 =	por @p5 p6, p6  }
0x2fb: {  	p3 =	seq.s32 s5, $0x1;
	s5 =	ssub.s32 @p5 s11, s0;
	s11 =	sld [smem:$0x7D8]  }
0x2fc: {  	p0 =	por @!p5 p3, p3  }
0x2fd: {  	p3 =	por @p5 p0, p0  }
0x2fe: {  	p4 =	seq.s32 s11, $0x1;
	s11 =	simm.s32 @!p3 $0x0  }
0x2ff: {  	s19 =	smov.u32 @p2 s2;
	s2 =	spop @p4 (v2sf);
	s11 =	simm.s32 @p3 $0x1  }
0x300: {  	[smem:$0x7C3] =	sst s11;
	s11 =	sadd.s32 @p4 s9, s2  }
0x301: {  	p0 =	sge.s32 @p4 s11, s24  }
0x302: {  	v33, _, _ =	vpop @p2 (xrf0);
	s11 =	simm.s32 @!p0 $0x0  }
0x303: {  	(v2sf) =	vpush @p2 v33, $0xF;
	s23 =	sld [smem:$0x7D5];
	v30, _, _ =	vpop @p1 (xrf0);
	s11 =	simm.s32 @p0 $0x1  }
0x304: {  	(v2sf) =	vpush @p1 v30, $0xF;
	v30 =	vperm.xlane @p1 v19, v8;
	[smem:$0x7BF] =	sst s11  }
0x305: {  	(xrf0) =	vadd.scan.msk.s32 @p5 $0xffff, v34;
	s11 =	sld [smem:$0x7D9]  }
0x306: {  	(xrf0) =	vadd.scan.msk.s32 @p1 $0xffff, v30;
	p1 =	seq.s32 s23, $0x1;
	s26 =	sld [smem:$0x7BF]  }
0x307: {  	s31 =	sld [smem:$0x7DA];
	s0 =	smov.u32 @p1 s22;
	p6 =	por !p3, !p5  }
0x308: {  	p3 =	seq.s32 @p4 s19, $0x0;
	s5 =	smov.u32 @p6 s18;
	s22 =	spop @p1 (v2sf)  }
0x309: {  	p0 =	seq.s32 s11, $0x1;
	s11 =	smov.u32 @p1 s0;
	p6 =	seq.s32 s26, $0x1  }
0x30a: {  	s11 =	ssub.s32 @p1 s11, s22;
	s22 =	sld [smem:$0x7C0];
	p6 =	por @p4 !p3, !p6  }
0x30b: {  	s23 =	sld [smem:$0x7CD];
	p6 =	por @p4 !p6, !p6  }
0x30c: {  	v34, _, _ =	vpop @p5 (xrf0);
	s0 =	ssub.s32 @p4 s24, s9;
	p3 =	seq.s32 s31, $0x1;
	s18 =	simm.s32 @!p6 $0x0  }
0x30d: {  	(xrf0) =	vadd.scan.msk.s32 @p5 $0xffff, v35;
	s26 =	sld [smem:$0x7C2];
	v35, _, _ =	vpop @p3 (xrf0);
	p3 =	seq.s32 s22, $0x1;
	s18 =	simm.s32 @p6 $0x1  }
0x30e: {  	p3 =	por @p1 p3, p3;
	[smem:$0x7C4] =	sst s18;
	s18 =	spop @p1 (v2sf)  }
0x30f: {  	p3 =	por @!p1 p0, p0;
	s11 =	sadd.s32 @p1 s18, s11;
	p1 =	por !p6, !p4  }
0x310: {  	v33 =	vbroadcast @p2 v33, $0xF;
	s22 =	sld [smem:$0x7D5];
	p6 =	seq.s32 s23, $0x1;
	s18 =	simm.s32 @!p1 $0x0  }
0x311: {  	s23 =	sld [smem:$0x7DA];
	s18 =	simm.s32 @p1 $0x1;
	p1 =	seq.s32 s26, $0x1  }
0x312: {  	vm5 =	veq.s32 @p2 v33, v0;
	[smem:$0x7C1] =	sst s18;
	p1 =	por @!p2 p6, p6;
	p6 =	por p2, p2  }
0x313: {  	v25 =	vnsel @p2 vm5, $0x0, v25;
	p2 =	seq.s32 s22, $0x1;
	s18 =	simm.s32 @!p1 $0x0;
	s31 =	sld [smem:$0x7C1]  }
0x314: {  	s26 =	sld [smem:$0x7D2];
	p3 =	por !p3, !p2;
	s18 =	simm.s32 @p1 $0x1  }
0x315: {  	s11 =	smov.u32 @p3 s10;
	s10 =	spop @p6 (v2sf);
	[smem:$0x7C2] =	sst s18  }
0x316: {  	s18 =	simm.s32 @!p5 $0x0;
	p1 =	seq.s32 s31, $0x1;
	s31 =	sld [smem:$0x7C4]  }
0x317: {  	(v2sf) =	vpush @p5 v34, $0xF;
	v34, _, _ =	vpop @p5 (xrf0);
	p3 =	seq.s32 s26, $0x1;
	s18 =	simm.s32 @p5 $0x1;
	s22 =	sld [smem:$0x7C2]  }
0x318: {  	v28 =	vpsel p5, v34, v28;
	[smem:$0x7D6] =	sst s18;
	s2 =	simm.s32 @!p1 $0x0;
	s19 =	simm.s32 @!p1 $0x1  }
0x319: {  	(v2sf) =	vpush @p5 v28, $0xF;
	p1 =	seq.s32 s23, $0x1;
	s23 =	sld [smem:$0x7DB];
	p5 =	seq.s32 s31, $0x1  }
0x31a: {  	s9 =	sadd.s32 @p4 s9, s2;
	s2 =	simm.s32 $0x0;
	p5 =	por @!p4 p3, p3  }
0x31b: {  	v19 =	vld @p0 [tilespmem:s4+$0x0];
	s26 =	sld [smem:$0x7D6];
	s2 =	smov.u32 @p4 s9;
	s18 =	simm.s32 @!p5 $0x0  }
0x31c: {  	vm4 =	vlt.s32 @p4 v26, s0;
	s9 =	spop @p1 (v2sf);
	s31 =	sld [smem:$0x7D0];
	s18 =	simm.s32 @p5 $0x1  }
0x31d: {  	s4 =	sadd.s32 @p0 $0xFFFFFFF0, s4;
	v33 =	vsel @p4 vm4, $0x1, v4;
	[smem:$0x7C4] =	sst s18;
	s18 =	sadd.s32 @p1 s2, s9  }
0x31e: {  	v27 =	vpsel p4, v33, v27;
	s23 =	smov.u32 @p4 s19;
	p5 =	sge.s32 @p1 s18, s24;
	s18 =	simm.s32 $0x0  }
0x31f: {  	(xrf0) =	vadd.scan.msk.s32 @p4 $0xffff, v27;
	s19 =	sld [smem:$0x7CF];
	p3 =	seq.s32 @p1 s23, $0x0;
	s18 =	smov.u32 @p2 s11  }
0x320: {  	v29 =	vpsel p0, v19, v29;
	p3 =	por @p1 !p3, !p5;
	p5 =	por p1, p1;
	s11 =	smov.u32 @p6 s16  }
0x321: {  	(xrf0) =	vadd.scan.msk.s32 @p0 $0xffff, v29;
	v20 =	vnsel @p6 vm5, $0x0, v20;
	s16 =	smov.u32 s31;
	p1 =	seq.s32 s22, $0x1;
	p2 =	seq.s32 s26, $0x1  }
0x322: {  	v19 =	vperm.xlane @p0 v29, v8;
	v25 =	vpsel p6, v25, v31;
	v20 =	vpsel p6, v20, v32;
	s22 =	simm.s32 $0x107F0;
	s26 =	sld [smem:$0x7D1];
	s16 =	smov.u32 @p6 s11  }
0x323: {  	(xrf0) =	vadd.scan.msk.s32 @p6 $0xffff, v25;
	p1 =	por @p6 p1, p1;
	s11 =	simm.s32 $0x0;
	p3 =	por @p5 !p3, !p3  }
0x324: {  	(xrf0) =	vadd.scan.msk.s32 @p0 $0xffff, v19;
	s11 =	smov.u32 @p2 s5;
	s5 =	smov.u32 @p6 s16;
	p1 =	por @!p6 p0, p0  }
0x325: {  	(xrf0) =	vadd.scan.msk.s32 @p6 $0xffff, v20;
	v20, _, _ =	vpop @p4 (xrf0);
	s22 =	smov.u32 @p0 s4;
	s5 =	smov.u32 @p6 s5;
	p1 =	por @p6 p1, p1  }
0x326: {  	(v2sf) =	vpush @p4 v20, $0xF;
	s4 =	sld [smem:$0x7C3];
	s16 =	simm.s32 @!p1 $0x0;
	s10 =	ssub.s32 @p6 s5, s10  }
0x327: {  	v25, _, _ =	vpop @p0 (xrf0);
	s5 =	smov.u32 @p2 s29;
	s29 =	rddreg [dreg:$0x1e];
	s16 =	simm.s32 @p1 $0x1  }
0x328: {  	(v2sf) =	vpush @p0 v25, $0xF;
	v58 =	vld [tilespmem:s22+$0x0];
	s22 =	simm.s32 $0x0;
	p1 =	por !p1, !p6;
	[smem:$0x7C5] =	sst s16  }
0x329: {  	s16 =	simm.s32 @!p3 $0x0;
	s10 =	smov.u32 @p1 s11;
	s11 =	smov.u32 @p6 s15  }
0x32a: {  	s15 =	smov.u32 s29;
	p1 =	seq.s32 s4, $0x1;
	s16 =	simm.s32 @p3 $0x1  }
0x32b: {  	v25, _, _ =	vpop @p6 (xrf0);
	p3 =	por !p3, !p5;
	p5 =	por p6, p6;
	s15 =	smov.u32 @p2 s5  }
0x32c: {  	v27, _, _ =	vpop @p0 (xrf0);
	(v2sf) =	vpush @p6 v25, $0xF;
	p1 =	por @p2 p1, p1;
	[smem:$0x7C7] =	sst s16;
	s9 =	simm.s32 @!p3 $0x0  }
0x32d: {  	v28, _, _ =	vpop @p6 (xrf0);
	s23 =	simm.s32 @!p3 $0x1;
	s16 =	smov.u32 s19;
	s5 =	smov.u32 @p2 s15  }
0x32e: {  	v25 =	vpsel p6, v28, v0;
	s15 =	sld [smem:$0x7DA];
	p1 =	por @!p2 p0, p0;
	s22 =	smov.u32 @p5 s10  }
0x32f: {  	(v2sf) =	vpush @p6 v25, $0xF;
	s16 =	smov.u32 @p4 s8;
	s4 =	smov.u32 @p2 s5;
	s5 =	spop @p2 (v2sf)  }
0x330: {  	p1 =	por !p1, !p2;
	s4 =	ssub.s32 @p2 s4, s5;
	s8 =	spop @p2 (v2sf)  }
0x331: {  	p6 =	seq.s32 s15, $0x1;
	s15 =	smov.u32 s26;
	s4 =	sadd.s32 @p2 s8, s4  }
0x332: {  	s8 =	smov.u32 @p4 s16;
	s5 =	ssub.s32 @p6 s24, s2;
	s4 =	smov.u32 @p1 s18  }
0x333: {  	s15 =	smov.u32 @p5 s11;
	s11 =	smov.u32 s25;
	s2 =	sadd.s32 @p6 s2, s9  }
0x334: {  	s18 =	simm.s32 $0x0;
	s16 =	smov.u32 @p5 s15;
	s11 =	smov.u32 @p4 s8  }
0x335: {  	s15 =	simm.s32 $0x0;
	s18 =	smov.u32 @p6 s2;
	s2 =	spop @p4 (v2sf)  }
0x336: {  	s15 =	smov.u32 @p2 s4;
	s4 =	smov.u32 @p5 s16;
	s8 =	smov.u32 @p4 s11  }
0x337: {  	s10 =	spop @p0 (v2sf);
	s11 =	smov.u32 @p5 s4;
	s4 =	simm.s32 $0x0  }
0x338: {  	s9 =	sadd.s32 @p0 s18, s10;
	s4 =	smov.u32 @p6 s23  }
0x339: {  	v24 =	vpsel p6, v35, v24;
	p2 =	sge.s32 @p0 s9, s24;
	p1 =	seq.s32 @p0 s4, $0x0  }
0x33a: {  	v20 =	vbroadcast @p4 v20, $0xF;
	vm4 =	vlt.s32 @p6 v24, s5;
	p1 =	por @p0 !p1, !p2  }
0x33b: {  	v28 =	vsel @p6 vm4, $0x1, v4;
	s9 =	smov.u32 @p5 s11;
	s11 =	spop @p5 (v2sf);
	p1 =	por @p0 !p1, !p1  }
0x33c: {  	vm4 =	veq.s32 @p4 v20, v0;
	v20 =	vpsel p6, v28, v21;
	s11 =	ssub.s32 @p5 s9, s11;
	s9 =	simm.s32 @!p1 $0x0  }
0x33d: {  	v26 =	vpsel p4, v26, v15;
	s9 =	simm.s32 @p1 $0x1  }
0x33e: {  	v13 =	vpsel p4, v13, v10;
	v21 =	vnsel @p4 vm4, $0x0, v26;
	s8 =	smov.u32 @p4 s8;
	(xrf0) =	vadd.scan.msk.s32 @p6 $0xffff, v20;
	s23 =	spop @p5 (v2sf);
	[smem:$0x7C9] =	sst s9  }
0x33f: {  	v21 =	vpsel p4, v21, v23;
	(xrf0) =	vadd.scan.msk.s32 $0xffff, v58;
	v20 =	vmov @p4 v13;
	s9 =	ssub.s32 @p4 s8, s2;
	s8 =	sadd.s32 @p5 s23, s11;
	s11 =	sld [smem:$0x7C5]  }
0x340: {  	(xrf0) =	vadd.scan.msk.s32 @p4 $0xffff, v21;
	v20 =	vnsel @p4 vm4, $0x0, v20  }
0x341: {  	v59 =	vperm.xlane v58, v8;
	v20 =	vpsel p4, v20, v22  }
0x342: {  	v15 =	vpsel p0, v27, v15;
	s16 =	ssub.s32 @p0 s24, s18;
	p2 =	por !p1, !p0;
	p3 =	seq.s32 s11, $0x1  }
0x343: {  	v18 =	vpsel p6, v30, v18;
	(xrf0) =	vadd.scan.msk.s32 $0xffff, v59;
	vm4 =	vlt.s32 @p0 v15, s16;
	s2 =	simm.s32 @!p2 $0x0;
	s23 =	sld [smem:$0x7C4];
	p3 =	por @p5 p3, p3  }
0x344: {  	v21 =	vsel @p0 vm4, $0x1, v4;
	(xrf0) =	vadd.scan.msk.s32 @p4 $0xffff, v20;
	v20, _, _ =	vpop @p6 (xrf0);
	s2 =	simm.s32 @p2 $0x1;
	p3 =	por @!p5 p0, p0  }
0x345: {  	v14 =	vpsel p0, v21, v14;
	s10 =	simm.s32 @!p2 $0x0;
	v60, _, _ =	vpop (xrf0);
	v23 =	vbroadcast @p6 v20, $0xF;
	[smem:$0x7C6] =	sst s2;
	p2 =	por !p3, !p5  }
0x346: {  	v16 =	vpsel p6, v18, v16;
	p1 =	seq.s32 s23, $0x1;
	v18, _, _ =	vpop @p4 (xrf0);
	(xrf0) =	vadd.scan.msk.s32 @p0 $0xffff, v14;
	s8 =	smov.u32 @p2 s15;
	s15 =	sld [smem:$0x7C6]  }
0x347: {  	v17 =	vpsel p6, v24, v17;
	s2 =	sadd.s32 @p0 s18, s10;
	s10 =	simm.s32 $0x0;
	p1 =	por @p4 p1, p1;
	vm4 =	veq.s32 @p6 v23, v0  }
0x348: {  	v14 =	vmov @p6 v17;
	s10 =	smov.u32 @p0 s2;
	p1 =	por @!p4 p0, p0;
	v16 =	vnsel @p6 vm4, $0x0, v16  }
0x349: {  	(v2sf) =	vpush @p6 v20, $0xF;
	v14 =	vnsel @p6 vm4, $0x0, v14;
	p1 =	por @p4 p1, p1;
	v16 =	vpsel p6, v16, v0;
	p2 =	seq.s32 s15, $0x1;
	s15 =	sld [smem:$0x7CC]  }
0x34a: {  	s18 =	sld [smem:$0x7CB];
	(v2sf) =	vpush v60, $0xF;
	v61, _, _ =	vpop (xrf0);
	s2 =	ssub.s32 s24, s10;
	v14 =	vpsel p6, v14, v0;
	p3 =	por !p1, !p4  }
0x34b: {  	(v2sf) =	vpush @p4 v18, $0xF;
	v18, _, _ =	vpop @p4 (xrf0);
	s11 =	simm.s32 @!p1 $0x0;
	(xrf0) =	vadd.scan.msk.s32 @p6 $0xffff, v14;
	s9 =	smov.u32 @p3 s22;
	s22 =	sld [smem:$0x7CA]  }
0x34c: {  	vm4 =	vlt.s32 v61, s2;
	s11 =	simm.s32 @p1 $0x1;
	(xrf0) =	vadd.scan.msk.s32 @p6 $0xffff, v16;
	v16, _, _ =	vpop @p0 (xrf0);
	s15 =	smov.u32 @p4 s0;
	s0 =	sld [smem:$0x7D3]  }
0x34d: {  	v18 =	vpsel p4, v18, v0;
	v62 =	vsel vm4, $0x1, v4;
	[smem:$0x7C8] =	sst s11;
	s11 =	smov.u32 @p0 s28;
	v14 =	vbroadcast @p0 v16, $0xF  }
0x34e: {  	v10 =	vpsel p0, v19, v10;
	v12 =	vpsel p0, v15, v12;
	s26 =	smov.u32 @p6 s5;
	(v2sf) =	vpush @p4 v18, $0xF;
	(xrf0) =	vadd.scan.msk.s32 $0xffff, v62;
	s22 =	smov.u32 @p0 s11  }
0x34f: {  	v10 =	vpsel p0, v10, v11;
	v11 =	vmov @p0 v12;
	vm4 =	veq.s32 @p0 v14, v0;
	s18 =	smov.u32 @p6 s0;
	s0 =	smov.u32 @p4 s15;
	s15 =	smov.u32 s29  }
0x350: {  	v11 =	vnsel @p0 vm4, $0x0, v11;
	s15 =	smov.u32 @p4 s0;
	s0 =	smov.u32 @p6 s18;
	s18 =	sld [smem:$0x7C7]  }
0x351: {  	p1 =	por p6, p6;
	v11 =	vpsel p0, v11, v0;
	s31 =	smov.u32 @p6 s0;
	s0 =	smov.u32 @p0 s22  }
0x352: {  	s4 =	simm.s32 @!p2 $0x1;
	v12, _, _ =	vpop @p6 (xrf0);
	s22 =	sld [smem:$0x7C8];
	s19 =	smov.u32 @p0 s0  }
0x353: {  	(v2sf) =	vpush @p0 v16, $0xF;
	v10 =	vnsel @p0 vm4, $0x0, v10;
	v14, _, _ =	vpop @p6 (xrf0);
	s0 =	smov.u32 @p4 s15;
	s5 =	smov.u32 @p6 s31;
	p2 =	seq.s32 s18, $0x1  }
0x354: {  	v10 =	vpsel p0, v10, v0;
	(xrf0) =	vadd.scan.msk.s32 @p0 $0xffff, v11;
	v11, _, _ =	vpop (xrf0);
	s11 =	smov.u32 @p0 s19;
	s5 =	smov.u32 @p6 s5;
	s0 =	smov.u32 @p4 s0  }
0x355: {  	(xrf0) =	vadd.scan.msk.s32 @p0 $0xffff, v10;
	v10 =	vbroadcast v11, $0xF;
	p2 =	por @!p6 p0, p0;
	s25 =	smov.u32 @p0 s11;
	s11 =	simm.s32 $0x0  }
0x356: {  	s5 =	smov.u32 @p1 s5;
	p6 =	por @p6 p2, p2;
	s11 =	smov.u32 @p4 s9  }
0x357: {  	vm4 =	veq.s32 v10, v0;
	s9 =	simm.s32 $0x0;
	p2 =	por p1, p1;
	p6 =	por @!p1 p0, p0  }
0x358: {  	(v2sf) =	vpush @p1 v12, $0xF;
	v12 =	vpsel p1, v14, v0;
	v10 =	vnsel vm4, $0x0, v61;
	s9 =	smov.u32 @p0 s4;
	s4 =	simm.s32 $0x0;
	p1 =	seq.s32 s22, $0x1  }
0x359: {  	s0 =	smov.u32 @p4 s0;
	p3 =	por @p4 p1, p1;
	s4 =	smov.u32 @p5 s8  }
0x35a: {  	s8 =	spop @p2 (v2sf);
	(v2sf) =	vpush @p2 v12, $0xF;
	p6 =	por @p2 p6, p6;
	p3 =	por @!p4 p0, p0  }
0x35b: {  	v63 =	vnsel vm4, $0x0, v59;
	(xrf0) =	vadd.scan.msk.s32 $0xffff, v10;
	v10, _, _ =	vpop @p0 (xrf0);
	s5 =	ssub.s32 @p2 s5, s8;
	s23 =	spop (v2sf);
	p1 =	por !p6, !p2;
	(v2sf) =	vpush v11, $0xF  }
0x35c: {  	(xrf0) =	vadd.scan.msk.s32 $0xffff, v63;
	v11, _, _ =	vpop @p0 (xrf0);
	s8 =	sadd.s32 s10, s23;
	s10 =	spop @p4 (v2sf);
	s5 =	smov.u32 @p1 s11  }
0x35d: {  	p1 =	por !p3, !p4;
	(v2sf) =	vpush @p0 v10, $0xF;
	v10 =	vpsel p0, v11, v0;
	s0 =	ssub.s32 @p4 s0, s10;
	s10 =	spop @p4 (v2sf)  }
0x35e: {  	(v2sf) =	vpush @p0 v10, $0xF;
	p3 =	sge.s32 s8, s24;
	s8 =	smov.u32 @p2 s26;
	s26 =	sld [smem:$0x7C9]  }
0x35f: {  	p5 =	seq.s32 s9, $0x0;
	s9 =	simm.s32 $0x0  }
0x360: {  	s29 =	smov.u32 @p0 s16;
	s9 =	smov.u32 @p2 s5;
	s0 =	sadd.s32 @p4 s10, s0  }
0x361: {  	s10 =	smov.u32 @p0 s25;
	s0 =	smov.u32 @p1 s4;
	v10, _, _ =	vpop (xrf0);
	p1 =	seq.s32 s26, $0x1  }
0x362: {  	s5 =	spop @p0 (v2sf);
	s4 =	simm.s32 $0x0;
	(v2sf) =	vpush v10, $0xF;
	v10, _, _ =	vpop (xrf0);
	p1 =	por @!p0 p0, p0  }
0x363: {  	s4 =	smov.u32 @p4 s0;
	s0 =	smov.u32 @p0 s10;
	(v2sf) =	vpush v10, $0xF;
	p1 =	por @p0 p1, p1  }
0x364: {  	p3 =	por !p5, !p3;
	s0 =	smov.u32 @p0 s0;
	p1 =	por @!p0 p0, p0  }
0x365: {  	s0 =	ssub.s32 @p0 s0, s5;
	s5 =	smov.u32 @p2 s8;
	p4 =	por @p0 p1, p1  }
0x366: {  	s8 =	smov.u32 @p0 s29;
	s5 =	smov.u32 @p2 s5;
	p1 =	por !p4, !p0  }
0x367: {  	s8 =	smov.u32 @p0 s8;
	s5 =	smov.u32 @p2 s5;
	s0 =	smov.u32 @p1 s9  }
0x368: {  	p1 =	por @p2 p6, p6;
	s9 =	spop @p2 (v2sf);
	p6 =	por !p3, !p3  }
0x369: {  	p1 =	por @!p2 p0, p0;
	s5 =	ssub.s32 @p2 s5, s9;
	s9 =	spop @p2 (v2sf)  }
0x36a: {  	p1 =	por !p1, !p2;
	s5 =	sadd.s32 @p2 s9, s5;
	s28 =	spop (v2sf)  }
0x36b: {  	s5 =	smov.u32 @p1 s4;
	s4 =	smov.u32 @p0 s8;
	s8 =	simm.s32 $0x0  }
0x36c: {  	p1 =	por @p0 p4, p4;
	s9 =	spop @p0 (v2sf);
	s4 =	smov.u32 @p0 s4  }
0x36d: {  	s8 =	smov.u32 @p2 s5;
	s4 =	ssub.s32 @p0 s4, s9;
	s9 =	spop @p0 (v2sf)  }
0x36e: {  	p1 =	por @!p0 p0, p0;
	s4 =	sadd.s32 @p0 s9, s4;
	s9 =	simm.s32 $0x0  }
0x36f: {  	s5 =	rddreg [dreg:$0x1b];
	p1 =	por !p1, !p0;
	s9 =	smov.u32 @p0 s0  }
0x370: {  	s4 =	smov.u32 @p1 s8;
	p1 =	por p6, p6;
	s0 =	ssub.s32 s7, s28  }
0x371: {  	s29 =	spop (v2sf);
	s7 =	simm.s32 $0xC000;
	p1 =	por p1, p1  }
0x372: {  	s2 =	ssub.s32 s2, s29;
	s31 =	spop (v2sf);
	s6 =	smov.u32 @p0 s4  }
0x373: {  	s2 =	sadd.s32 s31, s2;
	p0 =	por p1, p1;
	s9 =	smov.u32 @p1 s0  }
0x374: {  	s0 =	simm.s32 $0x40;
	s6 =	smov.u32 @p0 s2;
	s2 =	simm.s32 $0x0  }
.LBB2_58:
0x375: {  	p0 =	seq.s32 s0, $0xFFC0;
	[tilespmem:s2+$0xC000] =	vst v4;
	s2 =	smov.u32 s0;
	s0 =	sadd.s32 $0x40, s0  }
.Ltmp30:
0x376: {  	(pc) =	sbr.rel @!p0 .LBB2_58-.Ltmp30, $2  }
0x377: {  	_ =	sdelay $0x2  }
0x378: {  	s2 =	sshra.s32 s2, $0x2  }
0x379: {  	s0 =	sshll.u32 s5, $0xA  }
0x37a: {  	s0 =	sor.u32 s0, s9  }
0x37b: {  	[tilespmem:s2+$0xC000] =	vst v4;
	s2 =	simm.s32 $0x0;
	v10 =	vmov s0;
	s0 =	simm.s32 $0x0  }
.LBB2_60:
0x37c: {  	s4 =	sshra.s32 s2, $0x2  }
0x37d: {  	v11 =	vld [tilespmem:s4+$0x8000];
	_ =	sdelay $0x4  }
0x37e: {  	v12 =	vshrl.u32 v11, $0xA  }
0x37f: {  	v11 =	vand.u32 $0x3FF, v11;
	vm4 =	veq.s32 v12, v10  }
0x380: {  	p0 =	sne.s32 s2, $0xFF80;
	v11 =	vor.u32 v6, v11  }
.Ltmp31:
0x381: {  	_ = 	snop;
	(pc) =	sbr.rel @p0 .LBB2_60-.Ltmp31, $2  }
0x382: {  	_ =	sdelay $0x2  }
0x383: {  	s2 =	sadd.s32 $0x40, s2;
	[tilespmem:v11+s7+$0x0] =	vst.idx.add.s32.msk vm4, v7  }
0x384: {  	s0 =	sand.u32 $0x3F0, s0  }
0x385: {  	v10 =	vld [tilespmem:s0+$0xC400]  }
0x386: {  	v11 =	vld [tilespmem:s0+$0xC000]  }
0x387: {  	v12 =	vld [tilespmem:s0+$0xC800]  }
0x388: {  	v13 =	vld [tilespmem:s0+$0xCC00]  }
0x389: {  	v14 =	vld [tilespmem:s0+$0xD000]  }
0x38a: {  	v15 =	vld [tilespmem:s0+$0xD400]  }
0x38b: {  	v10 =	vadd.s32 v11, v10;
	v11 =	vld [tilespmem:s0+$0xD800]  }
0x38c: {  	v56 =	vld [tilespmem:s0+$0xDC00];
	v10 =	vadd.s32 v10, v12  }
0x38d: {  	v57 =	vld [tilespmem:s0+$0xE000];
	v10 =	vadd.s32 v10, v13  }
0x38e: {  	v58 =	vld [tilespmem:s0+$0xE400];
	v10 =	vadd.s32 v10, v14  }
0x38f: {  	v59 =	vld [tilespmem:s0+$0xE800];
	v10 =	vadd.s32 v10, v15  }
0x390: {  	v10 =	vadd.s32 v10, v11;
	v11 =	vld [tilespmem:s0+$0xEC00]  }
0x391: {  	v60 =	vld [tilespmem:s0+$0xF000];
	v10 =	vadd.s32 v10, v56  }
0x392: {  	v61 =	vld [tilespmem:s0+$0xF400];
	v10 =	vadd.s32 v10, v57  }
0x393: {  	v62 =	vld [tilespmem:s0+$0xF800];
	v10 =	vadd.s32 v10, v58  }
0x394: {  	v63 =	vld [tilespmem:s0+$0xFC00];
	v10 =	vadd.s32 v10, v59  }
0x395: {  	v10 =	vadd.s32 v10, v11  }
0x396: {  	v10 =	vadd.s32 v10, v60  }
0x397: {  	v10 =	vadd.s32 v10, v61  }
0x398: {  	v10 =	vadd.s32 v10, v62  }
0x399: {  	s2 =	simm.s32 $0x10;
	s0 =	simm.s32 $0x10000;
	v10 =	vadd.s32 v10, v63  }
0x39a: {  	s2 =	sand.u32 $0x3F0, s2;
	[tilespmem:s0+$0x0] =	vst v10  }
0x39b: {  	s4 =	simm.s32 $0x20;
	v10 =	vld [tilespmem:s2+$0xC400]  }
.LBB2_62:
0x39c: {  	p0 =	sne.s32 s4, $0x3F0;
	v11 =	vld [tilespmem:s2+$0xC000]  }
0x39d: {  	v12 =	vld [tilespmem:s2+$0xC800]  }
0x39e: {  	v13 =	vld [tilespmem:s2+$0xCC00]  }
0x39f: {  	v14 =	vld [tilespmem:s2+$0xD000]  }
0x3a0: {  	v15 =	vld [tilespmem:s2+$0xD400]  }
0x3a1: {  	v10 =	vadd.s32 v11, v10;
	v11 =	vld [tilespmem:s2+$0xD800]  }
0x3a2: {  	v10 =	vadd.s32 v10, v12;
	v12 =	vld [tilespmem:s2+$0xDC00]  }
0x3a3: {  	v10 =	vadd.s32 v10, v13;
	v13 =	vld [tilespmem:s2+$0xE000]  }
0x3a4: {  	v10 =	vadd.s32 v10, v14;
	v14 =	vld [tilespmem:s2+$0xE400]  }
0x3a5: {  	v10 =	vadd.s32 v10, v15;
	v15 =	vld [tilespmem:s2+$0xE800]  }
0x3a6: {  	v10 =	vadd.s32 v10, v11;
	v11 =	vld [tilespmem:s2+$0xEC00]  }
0x3a7: {  	v10 =	vadd.s32 v10, v12;
	v12 =	vld [tilespmem:s2+$0xF000]  }
0x3a8: {  	v10 =	vadd.s32 v10, v13;
	v13 =	vld [tilespmem:s2+$0xF400]  }
0x3a9: {  	v10 =	vadd.s32 v10, v14;
	v14 =	vld [tilespmem:s2+$0xF800]  }
0x3aa: {  	v10 =	vadd.s32 v10, v15;
	v15 =	vld [tilespmem:s2+$0xFC00]  }
0x3ab: {  	v10 =	vadd.s32 v10, v11  }
0x3ac: {  	v10 =	vadd.s32 v10, v12  }
.Ltmp32:
0x3ad: {  	v10 =	vadd.s32 v10, v13;
	(pc) =	sbr.rel @p0 .LBB2_62-.Ltmp32, $4  }
0x3ae: {  	v10 =	vadd.s32 v10, v14  }
0x3af: {  	s0 =	sadd.s32 $0x10, s0;
	v10 =	vadd.s32 v10, v15  }
0x3b0: {  	s2 =	sand.u32 $0x3F0, s4;
	[tilespmem:s0+$0x0] =	vst v10  }
0x3b1: {  	s4 =	sadd.s32 $0x10, s4;
	v10 =	vld [tilespmem:s2+$0xC400]  }
0x3b2: {  	v11 =	vld [tilespmem:s2+$0xC000]  }
0x3b3: {  	v12 =	vld [tilespmem:s2+$0xC800]  }
0x3b4: {  	v13 =	vld [tilespmem:s2+$0xCC00]  }
0x3b5: {  	v14 =	vld [tilespmem:s2+$0xD000]  }
0x3b6: {  	v15 =	vld [tilespmem:s2+$0xD400]  }
0x3b7: {  	v10 =	vadd.s32 v11, v10;
	v11 =	vld [tilespmem:s2+$0xD800]  }
0x3b8: {  	v44 =	vld [tilespmem:s2+$0xDC00];
	v10 =	vadd.s32 v10, v12  }
0x3b9: {  	v45 =	vld [tilespmem:s2+$0xE000];
	v10 =	vadd.s32 v10, v13  }
0x3ba: {  	v46 =	vld [tilespmem:s2+$0xE400];
	v10 =	vadd.s32 v10, v14  }
0x3bb: {  	v47 =	vld [tilespmem:s2+$0xE800];
	v10 =	vadd.s32 v10, v15  }
0x3bc: {  	v10 =	vadd.s32 v10, v11;
	v11 =	vld [tilespmem:s2+$0xEC00]  }
0x3bd: {  	v48 =	vld [tilespmem:s2+$0xF000];
	v10 =	vadd.s32 v10, v44  }
0x3be: {  	v49 =	vld [tilespmem:s2+$0xF400];
	v10 =	vadd.s32 v10, v45  }
0x3bf: {  	v50 =	vld [tilespmem:s2+$0xF800];
	v10 =	vadd.s32 v10, v46  }
0x3c0: {  	v51 =	vld [tilespmem:s2+$0xFC00];
	v10 =	vadd.s32 v10, v47  }
0x3c1: {  	v10 =	vadd.s32 v10, v11  }
0x3c2: {  	v10 =	vadd.s32 v10, v48  }
0x3c3: {  	v10 =	vadd.s32 v10, v49  }
0x3c4: {  	v10 =	vadd.s32 v10, v50  }
0x3c5: {  	[smem:$0x7BC] =	sst s9;
	s0 =	sadd.s32 $0x10, s0;
	v10 =	vadd.s32 v10, v51  }
0x3c6: {  	s24 =	rddreg [dreg:$0xe];
	s25 =	simm.s32 $0x10000;
	s26 =	simm.s32 $0x3;
	[tilespmem:s0+$0x0] =	vst v10  }
0x3c7: {  	[spmem:s24] =	stream.linear.scatter [tilespmem:s25], [sflag:$0x3], $0x400, $0x38;
	[tilespmem:$0x15B90] =	vst v63  }
0x3c8: {  	_ =	swait.ge [sflag:s26], $0x400  }
0x3c9: {  	[sflag:s26] =	ssyncset.done $0x0  }
0x3ca: {  	[sflag:s26] =	ssyncadd.s32 $0xFFFFFC00  }
0x3cb: {  	[bflag:$0x0] =	sbarrier.arrive $0xFFFF  }
0x3cc: {  	s28 =	rddreg [dreg:$0x1]  }
0x3cd: {  	[tilespmem:s7], [sflag:$0x3] =	stream.linear.gather [spmem:s28], $0x4000, $0x38;
	[tilespmem:$0x15B90] =	vst v63  }
0x3ce: {  	_ =	swait.ge [sflag:s26], $0x4000  }
0x3cf: {  	[sflag:s26] =	ssyncset.done $0x0  }
0x3d0: {  	s24 =	simm.s32 $0x0;
	[sflag:s26] =	ssyncadd.s32 $0xFFFFC000  }
0x3d1: {  	s29 =	sand.u32 $0x3F0, s24;
	[bflag:$0x0] =	sbarrier.arrive $0xFFFF  }
0x3d2: {  	v10 =	vld [tilespmem:s29+$0xC400]  }
0x3d3: {  	v11 =	vld [tilespmem:s29+$0xC000]  }
0x3d4: {  	v52 =	vld [tilespmem:s29+$0xC800]  }
0x3d5: {  	v53 =	vld [tilespmem:s29+$0xCC00]  }
0x3d6: {  	v54 =	vld [tilespmem:s29+$0xD000]  }
0x3d7: {  	v55 =	vld [tilespmem:s29+$0xD400]  }
0x3d8: {  	v10 =	vadd.s32 v11, v10;
	v11 =	vld [tilespmem:s29+$0xD800]  }
0x3d9: {  	v56 =	vld [tilespmem:s29+$0xDC00];
	v10 =	vadd.s32 v10, v52  }
0x3da: {  	v57 =	vld [tilespmem:s29+$0xE000];
	v10 =	vadd.s32 v10, v53  }
0x3db: {  	v58 =	vld [tilespmem:s29+$0xE400];
	v10 =	vadd.s32 v10, v54  }
0x3dc: {  	v59 =	vld [tilespmem:s29+$0xE800];
	v10 =	vadd.s32 v10, v55  }
0x3dd: {  	v10 =	vadd.s32 v10, v11;
	v11 =	vld [tilespmem:s29+$0xEC00]  }
0x3de: {  	v60 =	vld [tilespmem:s29+$0xF000];
	v10 =	vadd.s32 v10, v56  }
0x3df: {  	v61 =	vld [tilespmem:s29+$0xF400];
	v10 =	vadd.s32 v10, v57  }
0x3e0: {  	v62 =	vld [tilespmem:s29+$0xF800];
	v10 =	vadd.s32 v10, v58  }
0x3e1: {  	v63 =	vld [tilespmem:s29+$0xFC00];
	v10 =	vadd.s32 v10, v59  }
0x3e2: {  	v10 =	vadd.s32 v10, v11  }
0x3e3: {  	v10 =	vadd.s32 v10, v60  }
0x3e4: {  	v10 =	vadd.s32 v10, v61  }
0x3e5: {  	v10 =	vadd.s32 v10, v62  }
0x3e6: {  	s31 =	simm.s32 $0x10;
	s0 =	simm.s32 $0x10400;
	v10 =	vadd.s32 v10, v63  }
0x3e7: {  	s2 =	sand.u32 $0x3F0, s31;
	[tilespmem:s0+$0x0] =	vst v10  }
0x3e8: {  	s4 =	simm.s32 $0x20;
	v10 =	vld [tilespmem:s2+$0xC400]  }
.LBB2_64:
0x3e9: {  	p0 =	sne.s32 s4, $0x3F0;
	v11 =	vld [tilespmem:s2+$0xC000]  }
0x3ea: {  	v12 =	vld [tilespmem:s2+$0xC800]  }
0x3eb: {  	v13 =	vld [tilespmem:s2+$0xCC00]  }
0x3ec: {  	v14 =	vld [tilespmem:s2+$0xD000]  }
0x3ed: {  	v15 =	vld [tilespmem:s2+$0xD400]  }
0x3ee: {  	v10 =	vadd.s32 v11, v10;
	v11 =	vld [tilespmem:s2+$0xD800]  }
0x3ef: {  	v10 =	vadd.s32 v10, v12;
	v12 =	vld [tilespmem:s2+$0xDC00]  }
0x3f0: {  	v10 =	vadd.s32 v10, v13;
	v13 =	vld [tilespmem:s2+$0xE000]  }
0x3f1: {  	v10 =	vadd.s32 v10, v14;
	v14 =	vld [tilespmem:s2+$0xE400]  }
0x3f2: {  	v10 =	vadd.s32 v10, v15;
	v15 =	vld [tilespmem:s2+$0xE800]  }
0x3f3: {  	v10 =	vadd.s32 v10, v11;
	v11 =	vld [tilespmem:s2+$0xEC00]  }
0x3f4: {  	v10 =	vadd.s32 v10, v12;
	v12 =	vld [tilespmem:s2+$0xF000]  }
0x3f5: {  	v10 =	vadd.s32 v10, v13;
	v13 =	vld [tilespmem:s2+$0xF400]  }
0x3f6: {  	v10 =	vadd.s32 v10, v14;
	v14 =	vld [tilespmem:s2+$0xF800]  }
0x3f7: {  	v10 =	vadd.s32 v10, v15;
	v15 =	vld [tilespmem:s2+$0xFC00]  }
0x3f8: {  	v10 =	vadd.s32 v10, v11  }
0x3f9: {  	v10 =	vadd.s32 v10, v12  }
.Ltmp33:
0x3fa: {  	v10 =	vadd.s32 v10, v13;
	(pc) =	sbr.rel @p0 .LBB2_64-.Ltmp33, $4  }
0x3fb: {  	v10 =	vadd.s32 v10, v14  }
0x3fc: {  	s0 =	sadd.s32 $0x10, s0;
	v10 =	vadd.s32 v10, v15  }
0x3fd: {  	s2 =	sand.u32 $0x3F0, s4;
	[tilespmem:s0+$0x0] =	vst v10  }
0x3fe: {  	s4 =	sadd.s32 $0x10, s4;
	v10 =	vld [tilespmem:s2+$0xC400]  }
0x3ff: {  	v11 =	vld [tilespmem:s2+$0xC000]  }
0x400: {  	v12 =	vld [tilespmem:s2+$0xC800]  }
0x401: {  	v13 =	vld [tilespmem:s2+$0xCC00]  }
0x402: {  	v14 =	vld [tilespmem:s2+$0xD000]  }
0x403: {  	v15 =	vld [tilespmem:s2+$0xD400]  }
0x404: {  	v10 =	vadd.s32 v11, v10;
	v11 =	vld [tilespmem:s2+$0xD800]  }
0x405: {  	v10 =	vadd.s32 v10, v12;
	v12 =	vld [tilespmem:s2+$0xDC00]  }
0x406: {  	v10 =	vadd.s32 v10, v13;
	v13 =	vld [tilespmem:s2+$0xE000]  }
0x407: {  	v10 =	vadd.s32 v10, v14;
	v14 =	vld [tilespmem:s2+$0xE400]  }
0x408: {  	v10 =	vadd.s32 v10, v15;
	v15 =	vld [tilespmem:s2+$0xE800]  }
0x409: {  	v10 =	vadd.s32 v10, v11;
	v11 =	vld [tilespmem:s2+$0xEC00]  }
0x40a: {  	v10 =	vadd.s32 v10, v12;
	v12 =	vld [tilespmem:s2+$0xF000]  }
0x40b: {  	v10 =	vadd.s32 v10, v13;
	v13 =	vld [tilespmem:s2+$0xF400]  }
0x40c: {  	v10 =	vadd.s32 v10, v14;
	v14 =	vld [tilespmem:s2+$0xF800]  }
0x40d: {  	v10 =	vadd.s32 v10, v15;
	v15 =	vld [tilespmem:s2+$0xFC00]  }
0x40e: {  	v10 =	vadd.s32 v10, v11  }
0x40f: {  	v10 =	vadd.s32 v10, v12  }
0x410: {  	v10 =	vadd.s32 v10, v13  }
0x411: {  	v10 =	vadd.s32 v10, v14  }
0x412: {  	s0 =	sadd.s32 $0x10, s0;
	v10 =	vadd.s32 v10, v15  }
0x413: {  	s19 =	simm.s32 $0x107F0;
	[tilespmem:s0+$0x0] =	vst v10  }
0x414: {  	v10 =	vld [tilespmem:s19+$0x0];
	_ =	sdelay $0x4  }
0x415: {  	(xrf0) =	vadd.scan.msk.s32 $0xffff, v10;
	_ =	sdelay $0x3  }
0x416: {  	s22 =	simm.s32 $0x107E0  }
0x417: {  	v11 =	vld [tilespmem:s22+$0x0]  }
0x418: {  	v12, _, _ =	vpop (xrf0)  }
0x419: {  	v10 =	vperm.xlane v10, v8;
	(v2sf) =	vpush v12, $0xF;
	_ =	sdelay $0x1  }
0x41a: {  	(xrf0) =	vadd.scan.msk.s32 $0xffff, v10  }
0x41b: {  	(xrf0) =	vadd.scan.msk.s32 $0xffff, v11;
	_ =	sdelay $0x4  }
0x41c: {  	s23 =	simm.s32 $0x107D0;
	v12, _, _ =	vpop (xrf0)  }
0x41d: {  	v13 =	vld [tilespmem:s23+$0x0];
	v14, _, _ =	vpop (xrf0)  }
0x41e: {  	s2 =	ssub.s32 s6, s24;
	v15 =	vperm.xlane v11, v8;
	(v2sf) =	vpush v14, $0xF  }
0x41f: {  	vm4 =	vlt.s32 v12, s2  }
0x420: {  	(xrf0) =	vadd.scan.msk.s32 $0xffff, v15;
	v11 =	vsel vm4, $0x1, v4  }
0x421: {  	(xrf0) =	vadd.scan.msk.s32 $0xffff, v11  }
0x422: {  	(xrf0) =	vadd.scan.msk.s32 $0xffff, v13  }
0x423: {  	s0 =	spop (v2sf)  }
0x424: {  	s4 =	sadd.s32 $0x0, s0  }
0x425: {  	p0 =	por $0x1, $0x1;
	p1 =	sge.s32 s4, s6  }
0x426: {  	v14, _, _ =	vpop (xrf0);
	p0 =	por !p0, !p1  }
0x427: {  	v11, _, _ =	vpop (xrf0);
	p0 =	por !p0, !p0  }
0x428: {  	v16, _, _ =	vpop (xrf0);
	(v2sf) =	vpush v11, $0xF;
	s0 =	simm.s32 @p0 $0x0  }
0x429: {  	(v2sf) =	vpush v16, $0xF;
	s0 =	sadd.s32 $0x0, s0  }
0x42a: {  	v16 =	vperm.xlane v13, v8;
	s4 =	ssub.s32 s6, s0  }
0x42b: {  	vm4 =	vlt.s32 v14, s4  }
0x42c: {  	s7 =	simm.s32 $0x107C0;
	(xrf0) =	vadd.scan.msk.s32 $0xffff, v16;
	v13 =	vsel vm4, $0x1, v4  }
0x42d: {  	s5 =	simm.s32 $0x0;
	v17 =	vld [tilespmem:s7+$0x0];
	v11 =	vbroadcast v11, $0xF;
	s8 =	spop (v2sf);
	(xrf0) =	vadd.scan.msk.s32 $0xffff, v13  }
0x42e: {  	s5 =	simm.s32 @p0 $0x1;
	s25 =	sadd.s32 s0, s8  }
0x42f: {  	p5 =	seq.s32 s5, $0x0;
	p2 =	sge.s32 s25, s6;
	vm4 =	veq.s32 v11, v0  }
0x430: {  	p1 =	por !p5, !p2;
	v12 =	vnsel vm4, $0x0, v12  }
0x431: {  	p1 =	por !p1, !p1  }
0x432: {  	v19, _, _ =	vpop (xrf0);
	s8 =	simm.s32 @p1 $0x0;
	(xrf0) =	vadd.scan.msk.s32 $0xffff, v17  }
0x433: {  	s26 =	simm.s32 $0x107B0;
	v11 =	vperm.xlane v17, v8;
	s0 =	sadd.s32 s0, s8;
	(xrf0) =	vadd.scan.msk.s32 $0xffff, v12;
	v12, _, _ =	vpop (xrf0)  }
0x434: {  	v13 =	vld [tilespmem:s26+$0x0];
	s8 =	ssub.s32 s6, s0;
	v17 =	vbroadcast v12, $0xF  }
0x435: {  	v10 =	vnsel vm4, $0x0, v10;
	(xrf0) =	vadd.scan.msk.s32 $0xffff, v11;
	vm4 =	vlt.s32 v19, s8  }
0x436: {  	(xrf0) =	vadd.scan.msk.s32 $0xffff, v10;
	v10 =	vsel vm4, $0x1, v4;
	vm4 =	veq.s32 v17, v0  }
0x437: {  	s29 =	spop (v2sf);
	v14 =	vnsel vm4, $0x0, v14  }
0x438: {  	s9 =	spop (v2sf);
	(xrf0) =	vadd.scan.msk.s32 $0xffff, v10;
	(v2sf) =	vpush v12, $0xF  }
0x439: {  	v10 =	vperm.xlane v13, v8;
	(xrf0) =	vadd.scan.msk.s32 $0xffff, v13;
	v13, _, _ =	vpop (xrf0)  }
0x43a: {  	(v2sf) =	vpush v13, $0xF;
	(xrf0) =	vadd.scan.msk.s32 $0xffff, v14;
	v14, _, _ =	vpop (xrf0)  }
0x43b: {  	v12, _, _ =	vpop (xrf0);
	(v2sf) =	vpush v14, $0xF  }
0x43c: {  	v13, _, _ =	vpop (xrf0)  }
0x43d: {  	(v2sf) =	vpush v13, $0xF  }
0x43e: {  	s5 =	simm.s32 @p1 $0x1;
	s10 =	sadd.s32 s0, s9  }
0x43f: {  	s28 =	simm.s32 $0x3EF;
	p6 =	seq.s32 s5, $0x0;
	p3 =	sge.s32 s10, s6;
	v15 =	vnsel vm4, $0x0, v15;
	(xrf0) =	vadd.scan.msk.s32 $0xffff, v10  }
0x440: {  	s31 =	simm.s32 $0x3DF;
	s15 =	simm.s32 $0x39F;
	p2 =	por !p6, !p3;
	(xrf0) =	vadd.scan.msk.s32 $0xffff, v15;
	v13, _, _ =	vpop (xrf0)  }
0x441: {  	s16 =	simm.s32 $0x0;
	p0 =	por p0, p0;
	p2 =	por !p2, !p2;
	v14, _, _ =	vpop (xrf0);
	(v2sf) =	vpush v13, $0xF  }
0x442: {  	p0 =	por p0, p0;
	s7 =	ssub.s32 $0x3FF, s29;
	s9 =	simm.s32 @p2 $0x0;
	(v2sf) =	vpush v14, $0xF;
	v14, _, _ =	vpop (xrf0)  }
0x443: {  	s16 =	smov.u32 @p0 s7;
	s7 =	simm.s32 $0x107A0;
	s0 =	sadd.s32 s0, s9;
	v15 =	vbroadcast v13, $0xF;
	(v2sf) =	vpush v14, $0xF  }
0x444: {  	s22 =	simm.s32 $0x3AF;
	s23 =	simm.s32 $0x38F;
	s9 =	ssub.s32 s6, s0;
	v14 =	vld [tilespmem:s7+$0x0]  }
0x445: {  	s25 =	simm.s32 $0x3CF;
	s26 =	simm.s32 $0x3BF;
	p1 =	por p1, p1;
	vm4 =	vlt.s32 v12, s9;
	v13, _, _ =	vpop (xrf0);
	vm5 =	veq.s32 v15, v0  }
0x446: {  	p0 =	por p0, p0;
	s10 =	simm.s32 $0x37F;
	s5 =	simm.s32 @p2 $0x1;
	v18 =	vsel vm4, $0x1, v4;
	v15 =	vnsel vm5, $0x0, v16;
	v16 =	vnsel vm5, $0x0, v19;
	v17, _, _ =	vpop (xrf0)  }
.LBB2_66:
0x447: {  	p3 =	sne.s32 s10, $0xF;
	(xrf0) =	vadd.scan.msk.s32 $0xffff, v18;
	s11 =	spop (v2sf)  }
0x448: {  	v19 =	vmovc v12;
	v12 =	vmovc v13;
	p4 =	por p1, p1;
	p1 =	por p2, p2;
	p2 =	seq.s32 s5, $0x0;
	(v2sf) =	vpush v17, $0xF;
	v17 =	vmov v11;
	v11 =	vmov v10  }
0x449: {  	v10 =	vperm.xlane v14, v8;
	s11 =	ssub.s32 s28, s11;
	s28 =	smov.u32 s31;
	(xrf0) =	vadd.scan.msk.s32 $0xffff, v14;
	s18 =	spop (v2sf)  }
0x44a: {  	s16 =	smov.u32 @p4 s11;
	s29 =	sadd.s32 s0, s18;
	(xrf0) =	vadd.scan.msk.s32 $0xffff, v16;
	s11 =	spop (v2sf)  }
0x44b: {  	s7 =	sadd.s32 $0xFFFFFFF0, s7;
	(xrf0) =	vadd.scan.msk.s32 $0xffff, v10;
	p5 =	sge.s32 s29, s6;
	s11 =	ssub.s32 s2, s11  }
0x44c: {  	s2 =	smov.u32 s4;
	p2 =	por !p2, !p5;
	(xrf0) =	vadd.scan.msk.s32 $0xffff, v15;
	s29 =	spop (v2sf)  }
0x44d: {  	s4 =	smov.u32 s8;
	p2 =	por !p2, !p2;
	s11 =	sadd.s32 s29, s11  }
.Ltmp34:
0x44e: {  	s18 =	simm.s32 @p2 $0x0;
	s5 =	simm.s32 @p2 $0x1;
	v13, _, _ =	vpop (xrf0);
	(pc) =	sbr.rel @p3 .LBB2_66-.Ltmp34, $4  }
0x44f: {  	s8 =	smov.u32 s9;
	s24 =	smov.u32 @p0 s11;
	v14 =	vld [tilespmem:s7+$0x0];
	v15, _, _ =	vpop (xrf0);
	v16 =	vbroadcast v13, $0xF;
	s0 =	sadd.s32 s0, s18;
	(v2sf) =	vpush v13, $0xF  }
0x450: {  	s31 =	smov.u32 s25;
	s25 =	smov.u32 s26;
	(v2sf) =	vpush v15, $0xF;
	s9 =	ssub.s32 s6, s0;
	v15, _, _ =	vpop (xrf0)  }
0x451: {  	s26 =	smov.u32 s22;
	s22 =	smov.u32 s15;
	s15 =	smov.u32 s23;
	v13, _, _ =	vpop (xrf0);
	vm4 =	vlt.s32 v12, s9;
	vm5 =	veq.s32 v16, v0;
	(v2sf) =	vpush v15, $0xF  }
0x452: {  	s23 =	smov.u32 s10;
	s10 =	sadd.s32 $0xFFFFFFF0, s10;
	p0 =	por p4, p4;
	v18 =	vsel vm4, $0x1, v4;
	v15 =	vnsel vm5, $0x0, v17;
	v16 =	vnsel vm5, $0x0, v19;
	v17, _, _ =	vpop (xrf0)  }
0x453: {  	s10 =	spop (v2sf)  }
0x454: {  	[smem:$0x7AE] =	sst s10;
	s10 =	spop (v2sf)  }
0x455: {  	s11 =	sadd.s32 s0, s10  }
0x456: {  	p3 =	seq.s32 s5, $0x0;
	p4 =	sge.s32 s11, s6  }
0x457: {  	p3 =	por !p3, !p4  }
0x458: {  	(xrf0) =	vadd.scan.msk.s32 $0xffff, v18;
	p3 =	por !p3, !p3  }
0x459: {  	s10 =	simm.s32 @p3 $0x0  }
0x45a: {  	(xrf0) =	vadd.scan.msk.s32 $0xffff, v14;
	v14 =	vperm.xlane v14, v8;
	s0 =	sadd.s32 s0, s10  }
0x45b: {  	(xrf0) =	vadd.scan.msk.s32 $0xffff, v16;
	s19 =	ssub.s32 s6, s0  }
0x45c: {  	(v2sf) =	vpush v17, $0xF;
	(xrf0) =	vadd.scan.msk.s32 $0xffff, v14;
	vm4 =	vlt.s32 v13, s19  }
0x45d: {  	s7 =	sadd.s32 $0xFFFFFFF0, s7;
	(xrf0) =	vadd.scan.msk.s32 $0xffff, v15;
	v15 =	vsel vm4, $0x1, v4  }
0x45e: {  	v54 =	vld [tilespmem:s7+$0x0];
	v55, _, _ =	vpop (xrf0);
	(xrf0) =	vadd.scan.msk.s32 $0xffff, v15;
	_ =	sdelay $0x1  }
0x45f: {  	(v2sf) =	vpush v55, $0xF;
	v15, _, _ =	vpop (xrf0)  }
0x460: {  	s11 =	simm.s32 @!p3 $0x0;
	(v2sf) =	vpush v15, $0xF;
	v15, _, _ =	vpop (xrf0)  }
0x461: {  	s11 =	simm.s32 @p3 $0x1;
	v56, _, _ =	vpop (xrf0)  }
0x462: {  	[smem:$0x7AF] =	sst s11;
	s11 =	spop (v2sf);
	(xrf0) =	vadd.scan.msk.s32 $0xffff, v54;
	(v2sf) =	vpush v15, $0xF;
	v15, _, _ =	vpop (xrf0)  }
0x463: {  	s18 =	spop (v2sf);
	(v2sf) =	vpush v15, $0xF;
	v15, _, _ =	vpop (xrf0)  }
0x464: {  	s10 =	spop (v2sf);
	(v2sf) =	vpush v15, $0xF  }
0x465: {  	[smem:$0x7B0] =	sst s11;
	s11 =	spop (v2sf)  }
0x466: {  	s5 =	simm.s32 @p3 $0x1;
	v16 =	vbroadcast v55, $0xF;
	[smem:$0x7B1] =	sst s18;
	s18 =	sadd.s32 s0, s11  }
0x467: {  	p3 =	seq.s32 s5, $0x0;
	p6 =	sge.s32 s18, s6  }
0x468: {  	vm4 =	veq.s32 v16, v0;
	p3 =	por !p3, !p6;
	v19, _, _ =	vpop (xrf0)  }
0x469: {  	v16 =	vnsel vm4, $0x0, v12;
	v12 =	vperm.xlane v54, v8;
	s29 =	spop (v2sf);
	p5 =	por !p3, !p3;
	(v2sf) =	vpush v19, $0xF  }
0x46a: {  	[smem:$0x7B2] =	sst s29;
	s29 =	spop (v2sf);
	s11 =	simm.s32 @p5 $0x0;
	(xrf0) =	vadd.scan.msk.s32 $0xffff, v16  }
0x46b: {  	v11 =	vnsel vm4, $0x0, v11;
	[smem:$0x7B4] =	sst s29;
	s29 =	sadd.s32 $0xFFFFFFF0, s7;
	s11 =	sadd.s32 s0, s11;
	(xrf0) =	vadd.scan.msk.s32 $0xffff, v12  }
0x46c: {  	v57 =	vld [tilespmem:s29+$0x0];
	s0 =	ssub.s32 s6, s11;
	(xrf0) =	vadd.scan.msk.s32 $0xffff, v11;
	v11 =	vbroadcast v15, $0xF  }
0x46d: {  	vm4 =	vlt.s32 v56, s0  }
0x46e: {  	v15 =	vsel vm4, $0x1, v4;
	s7 =	spop (v2sf);
	vm4 =	veq.s32 v11, v0  }
0x46f: {  	v11 =	vnsel vm4, $0x0, v13;
	s18 =	spop (v2sf)  }
0x470: {  	(xrf0) =	vadd.scan.msk.s32 $0xffff, v15;
	s29 =	sadd.s32 s11, s18  }
0x471: {  	(xrf0) =	vadd.scan.msk.s32 $0xffff, v57;
	v15, _, _ =	vpop (xrf0);
	p4 =	sge.s32 s29, s6;
	s29 =	spop (v2sf)  }
0x472: {  	(xrf0) =	vadd.scan.msk.s32 $0xffff, v11;
	v11, _, _ =	vpop (xrf0);
	[smem:$0x7B5] =	sst s29;
	s29 =	spop (v2sf)  }
0x473: {  	s5 =	simm.s32 @p5 $0x1;
	[smem:$0x7BA] =	sst s0;
	v58, _, _ =	vpop (xrf0);
	s0 =	spop (v2sf);
	(v2sf) =	vpush v15, $0xF  }
0x474: {  	p6 =	seq.s32 s5, $0x0;
	(v2sf) =	vpush v58, $0xF  }
0x475: {  	p3 =	por !p6, !p4  }
0x476: {  	p4 =	por !p3, !p3  }
0x477: {  	v13 =	vperm.xlane v57, v8;
	s18 =	simm.s32 @p4 $0x0  }
0x478: {  	s11 =	sadd.s32 s11, s18;
	s18 =	spop (v2sf)  }
0x479: {  	(xrf0) =	vadd.scan.msk.s32 $0xffff, v13;
	[smem:$0x7B7] =	sst s29;
	s5 =	simm.s32 @p4 $0x1;
	s29 =	sadd.s32 s11, s18  }
0x47a: {  	v59, _, _ =	vpop (xrf0);
	p6 =	seq.s32 s5, $0x0;
	p3 =	sge.s32 s29, s6  }
0x47b: {  	v10 =	vnsel vm4, $0x0, v10;
	v60, _, _ =	vpop (xrf0);
	(v2sf) =	vpush v59, $0xF;
	p3 =	por !p6, !p3  }
0x47c: {  	v15 =	vbroadcast v59, $0xF;
	(v2sf) =	vpush v60, $0xF;
	s29 =	ssub.s32 s6, s11;
	p3 =	por !p3, !p3  }
0x47d: {  	vm4 =	vlt.s32 v11, s29;
	s18 =	simm.s32 @p3 $0x0  }
0x47e: {  	(xrf0) =	vadd.scan.msk.s32 $0xffff, v10;
	v10, _, _ =	vpop (xrf0);
	vm5 =	veq.s32 v15, v0;
	v15 =	vsel vm4, $0x1, v4;
	s11 =	sadd.s32 s11, s18  }
0x47f: {  	v61, _, _ =	vpop (xrf0);
	v17 =	vnsel vm5, $0x0, v56;
	[smem:$0x7BB] =	sst s29;
	(xrf0) =	vadd.scan.msk.s32 $0xffff, v15;
	s29 =	ssub.s32 s6, s11  }
0x480: {  	v14 =	vnsel vm5, $0x0, v14;
	(xrf0) =	vadd.scan.msk.s32 $0xffff, v17;
	vm4 =	vlt.s32 v61, s29  }
0x481: {  	(xrf0) =	vadd.scan.msk.s32 $0xffff, v14;
	v14 =	vsel vm4, $0x1, v4  }
0x482: {  	(xrf0) =	vadd.scan.msk.s32 $0xffff, v14;
	s18 =	spop (v2sf)  }
0x483: {  	[smem:$0x7B8] =	sst s18;
	s18 =	spop (v2sf)  }
0x484: {  	(v2sf) =	vpush v10, $0xF;
	v10, _, _ =	vpop (xrf0);
	[smem:$0x7B9] =	sst s18  }
0x485: {  	(v2sf) =	vpush v10, $0xF;
	v14, _, _ =	vpop (xrf0);
	s18 =	sld [smem:$0x7AE]  }
0x486: {  	(v2sf) =	vpush v14, $0xF;
	v10, _, _ =	vpop (xrf0)  }
0x487: {  	p1 =	por p1, p1;
	(v2sf) =	vpush v10, $0xF;
	v10, _, _ =	vpop (xrf0)  }
0x488: {  	(v2sf) =	vpush v10, $0xF;
	v15, _, _ =	vpop (xrf0);
	s18 =	ssub.s32 s28, s18;
	s28 =	simm.s32 @!p1 $0x0  }
0x489: {  	(v2sf) =	vpush v15, $0xF;
	s28 =	simm.s32 @p1 $0x1  }
0x48a: {  	[smem:$0x7B3] =	sst s28;
	s28 =	spop (v2sf)  }
0x48b: {  	p2 =	por p2, p2;
	s16 =	smov.u32 @p1 s18;
	s18 =	spop (v2sf)  }
0x48c: {  	p5 =	por p5, p5;
	p1 =	por p2, p2;
	s11 =	sadd.s32 s11, s18  }
0x48d: {  	p2 =	sge.s32 s11, s6;
	s6 =	ssub.s32 s25, s7;
	s25 =	sld [smem:$0x7AF]  }
0x48e: {  	s10 =	ssub.s32 s31, s10;
	p5 =	por p5, p5;
	p4 =	por p4, p4  }
0x48f: {  	s0 =	ssub.s32 s26, s0;
	s5 =	simm.s32 @p3 $0x1;
	s18 =	simm.s32 @!p1 $0x0  }
0x490: {  	s16 =	smov.u32 @p1 s10;
	s18 =	simm.s32 @p1 $0x1;
	p1 =	seq.s32 s25, $0x1  }
0x491: {  	p4 =	por p4, p4;
	p6 =	seq.s32 s5, $0x0;
	p1 =	por p1, p1  }
0x492: {  	p3 =	por p3, p3;
	p2 =	por !p6, !p2;
	p6 =	por p1, p1  }
0x493: {  	p3 =	por p3, p3;
	s16 =	smov.u32 @p6 s6;
	s6 =	spop (v2sf)  }
0x494: {  	s10 =	rddreg [dreg:$0x1b];
	s7 =	ssub.s32 s22, s28;
	s5 =	spop (v2sf)  }
0x495: {  	s11 =	sld [smem:$0x7BC];
	p2 =	por !p2, !p2;
	s26 =	spop (v2sf)  }
0x496: {  	p2 =	por p2, p2;
	s16 =	smov.u32 @p5 s0;
	s25 =	spop (v2sf)  }
0x497: {  	p1 =	por p2, p2;
	s16 =	smov.u32 @p4 s7;
	s22 =	spop (v2sf)  }
0x498: {  	s7 =	sshll.u32 s10, $0x14;
	s0 =	ssub.s32 s15, s26;
	s31 =	spop (v2sf)  }
0x499: {  	s10 =	sshll.u32 s11, $0xA;
	s16 =	smov.u32 @p3 s0;
	s0 =	ssub.s32 s23, s31  }
0x49a: {  	s15 =	sor.u32 s7, s10;
	s16 =	smov.u32 @p1 s0  }
0x49b: {  	s0 =	sor.u32 s16, s15  }
0x49c: {  	v10 =	vmov s0  }
0x49d: {  	[tilespmem:$0x14E80] =	vst v10  }
0x49e: {  	[tilespmem:$0x14E90] =	vst v10  }
0x49f: {  	[tilespmem:$0x14EA0] =	vst v10  }
0x4a0: {  	[tilespmem:$0x14EB0] =	vst v10  }
0x4a1: {  	[tilespmem:$0x14EC0] =	vst v10  }
0x4a2: {  	[tilespmem:$0x14ED0] =	vst v10  }
0x4a3: {  	[tilespmem:$0x14EE0] =	vst v10  }
0x4a4: {  	v14 =	vbroadcast v14, $0xF;
	[smem:$0x7B6] =	sst s18;
	s18 =	simm.s32 $0x0;
	[tilespmem:$0x14EF0] =	vst v10  }
0x4a5: {  	v62 =	vld [tilespmem:s18+$0x8000]  }
0x4a6: {  	vm4 =	veq.s32 v14, v0;
	v14 =	vbroadcast v15, $0xF  }
0x4a7: {  	v11 =	vnsel vm4, $0x0, v11  }
0x4a8: {  	v12 =	vnsel vm4, $0x0, v12;
	(xrf0) =	vadd.scan.msk.s32 $0xffff, v11;
	vm4 =	veq.s32 v14, v0  }
0x4a9: {  	(xrf0) =	vadd.scan.msk.s32 $0xffff, v12;
	v11 =	vnsel vm4, $0x0, v61  }
0x4aa: {  	v12 =	vnsel vm4, $0x0, v13;
	(xrf0) =	vadd.scan.msk.s32 $0xffff, v11;
	vm4 =	vgt.u32 v62, v10  }
0x4ab: {  	(xrf0) =	vadd.scan.msk.s32 $0xffff, v12;
	vm5 =	veq.s32 v62, v10;
	v11 =	vsel vm4, $0x1, v4  }
0x4ac: {  	(xrf0) =	vadd.scan.msk.s32 $0xffff, v11;
	v11 =	vsel vm5, $0x1, v4;
	_ =	sdelay $0x1  }
0x4ad: {  	v12, _, _ =	vpop (xrf0);
	s23 =	simm.s32 $0x0;
	(xrf0) =	vadd.scan.msk.s32 $0xffff, v11  }
0x4ae: {  	v13 =	vmov s23;
	v11, _, _ =	vpop (xrf0)  }
0x4af: {  	v13 =	vadd.s32 $0xFFFFFFFF, v13;
	v14, _, _ =	vpop (xrf0)  }
0x4b0: {  	v13 =	vbroadcast v13, $0x0;
	v15, _, _ =	vpop (xrf0)  }
0x4b1: {  	v63, _, _ =	vpop (xrf0)  }
0x4b2: {  	(v2sf) =	vpush v12, $0xF;
	v12 =	vadd.s32 v63, v13  }
0x4b3: {  	(v2sf) =	vpush v11, $0xF;
	v11, _, _ =	vpop (xrf0);
	vm6 =	vlt.s32 v12, $0x1780  }
0x4b4: {  	(v2sf) =	vpush v14, $0xF;
	v13 =	vadd.s32 v11, v13;
	vm4 =	vmand vm4, vm6  }
0x4b5: {  	(v2sf) =	vpush v15, $0xF;
	vm6 =	vlt.s32 v13, $0x1780  }
0x4b6: {  	(v2sf) =	vpush v63, $0xF;
	vm5 =	vmand vm5, vm6;
	_ =	sdelay $0x1  }
0x4b7: {  	s16 =	rddreg [dreg:$0x19];
	(v2sf) =	vpush v11, $0xF  }
0x4b8: {  	s28 =	sld [smem:$0x7B0];
	v11 =	vor.u32 s16, v0  }
0x4b9: {  	s11 =	sld [smem:$0x7B4];
	[tilespmem:v12+s30+$0x0] =	vst.idx.msk vm4, v11  }
0x4ba: {  	s7 =	sld [smem:$0x7B2];
	[tilespmem:v12+s3+$0x0] =	vst.idx.msk vm4, v62  }
0x4bb: {  	s26 =	simm.s32 $0x10;
	s31 =	sld [smem:$0x7B1];
	[tilespmem:v13+s12+$0x0] =	vst.idx.msk vm5, v11  }
0x4bc: {  	s10 =	sld [smem:$0x7B3];
	v11 =	vld [tilespmem:s26+$0x8000]  }
0x4bd: {  	s23 =	sld [smem:$0x7B7];
	s0 =	ssub.s32 s2, s28  }
0x4be: {  	s15 =	sld [smem:$0x7B5];
	s0 =	sadd.s32 s31, s0  }
0x4bf: {  	p2 =	seq.s32 s10, $0x1;
	s28 =	sld [smem:$0x7B8];
	s24 =	smov.u32 @p0 s0  }
0x4c0: {  	s0 =	ssub.s32 s4, s7;
	s7 =	spop (v2sf);
	p0 =	por p2, p2  }
0x4c1: {  	s18 =	sld [smem:$0x7B6];
	s0 =	sadd.s32 s11, s0;
	s10 =	spop (v2sf);
	vm4 =	vgt.u32 v11, v10  }
0x4c2: {  	s24 =	smov.u32 @p0 s0;
	s0 =	ssub.s32 s8, s15;
	s8 =	spop (v2sf);
	v12 =	vsel vm4, $0x1, v4  }
0x4c3: {  	s2 =	ssub.s32 s9, s28;
	s11 =	spop (v2sf);
	vm5 =	veq.s32 v11, v10;
	(xrf0) =	vadd.scan.msk.s32 $0xffff, v12  }
0x4c4: {  	p2 =	seq.s32 s18, $0x1;
	s18 =	sld [smem:$0x7B9];
	s26 =	spop (v2sf);
	v12 =	vsel vm5, $0x1, v4  }
0x4c5: {  	s28 =	sld [smem:$0x7BB];
	s0 =	sadd.s32 s23, s0;
	s4 =	sadd.s32 $0x0, s26;
	(xrf0) =	vadd.scan.msk.s32 $0xffff, v12  }
0x4c6: {  	s23 =	ssub.s32 s19, s6;
	s31 =	spop (v2sf);
	s26 =	sld [smem:$0x7BA];
	v12 =	vmov s4  }
0x4c7: {  	p0 =	por p2, p2;
	s15 =	sadd.s32 s18, s2;
	s2 =	sadd.s32 $0x0, s31;
	v12 =	vadd.s32 $0xFFFFFFFF, v12  }
0x4c8: {  	s24 =	smov.u32 @p0 s0;
	p0 =	por p6, p6;
	s0 =	sadd.s32 s5, s23;
	v13 =	vmov s2;
	v12 =	vbroadcast v12, $0x0  }
0x4c9: {  	s24 =	smov.u32 @p0 s15;
	p0 =	por p5, p5;
	s5 =	ssub.s32 s26, s25;
	v13 =	vadd.s32 $0xFFFFFFFF, v13;
	v14, _, _ =	vpop (xrf0)  }
0x4ca: {  	s24 =	smov.u32 @p0 s0;
	p0 =	por p4, p4;
	s0 =	sadd.s32 s22, s5;
	v13 =	vbroadcast v13, $0x0;
	v12 =	vadd.s32 v14, v12;
	(v2sf) =	vpush v14, $0xF  }
0x4cb: {  	s6 =	smov.u32 s16;
	s24 =	smov.u32 @p0 s0;
	s0 =	ssub.s32 s28, s7;
	v15, _, _ =	vpop (xrf0);
	vm6 =	vlt.s32 v12, $0x1780  }
0x4cc: {  	s31 =	ssub.s32 s29, s8;
	p0 =	por p3, p3;
	s0 =	sadd.s32 s10, s0;
	v13 =	vadd.s32 v15, v13;
	(v2sf) =	vpush v15, $0xF;
	vm4 =	vmand vm4, vm6  }
0x4cd: {  	s24 =	smov.u32 @p0 s0;
	p0 =	por p1, p1;
	s0 =	sadd.s32 s11, s31;
	vm7 =	vlt.s32 v13, $0x1780  }
0x4ce: {  	s5 =	simm.s32 $0xC0;
	s24 =	smov.u32 @p0 s0;
	s0 =	simm.s32 $0x80;
	vm5 =	vmand vm5, vm7  }
.LBB2_68:
0x4cf: {  	p0 =	sne.s32 s5, $0xFF80  }
0x4d0: {  	s6 =	sadd.s32 $0x10, s6  }
0x4d1: {  	v14 =	vor.u32 s6, v0  }
0x4d2: {  	[tilespmem:v12+s30+$0x0] =	vst.idx.msk vm4, v14  }
0x4d3: {  	[tilespmem:v12+s3+$0x0] =	vst.idx.msk vm4, v11  }
0x4d4: {  	s7 =	sshra.s32 s0, $0x2;
	s0 =	smov.u32 s5;
	[tilespmem:v13+s12+$0x0] =	vst.idx.msk vm5, v14  }
0x4d5: {  	v11 =	vld [tilespmem:s7+$0x8000];
	_ =	sdelay $0x3  }
0x4d6: {  	s7 =	spop (v2sf)  }
0x4d7: {  	vm4 =	vgt.u32 v11, v10;
	s4 =	sadd.s32 s4, s7  }
0x4d8: {  	v12 =	vsel vm4, $0x1, v4;
	s7 =	spop (v2sf)  }
0x4d9: {  	vm5 =	veq.s32 v11, v10;
	(xrf0) =	vadd.scan.msk.s32 $0xffff, v12;
	s2 =	sadd.s32 s2, s7  }
0x4da: {  	v12 =	vsel vm5, $0x1, v4  }
0x4db: {  	(xrf0) =	vadd.scan.msk.s32 $0xffff, v12  }
0x4dc: {  	v12 =	vmov s4  }
0x4dd: {  	v12 =	vadd.s32 $0xFFFFFFFF, v12  }
0x4de: {  	v13 =	vmov s2;
	v12 =	vbroadcast v12, $0x0  }
0x4df: {  	v13 =	vadd.s32 $0xFFFFFFFF, v13;
	v14, _, _ =	vpop (xrf0)  }
.Ltmp35:
0x4e0: {  	v13 =	vbroadcast v13, $0x0;
	v12 =	vadd.s32 v14, v12;
	(v2sf) =	vpush v14, $0xF;
	(pc) =	sbr.rel @p0 .LBB2_68-.Ltmp35, $4  }
0x4e1: {  	vm6 =	vlt.s32 v12, $0x1780;
	v14, _, _ =	vpop (xrf0)  }
0x4e2: {  	v13 =	vadd.s32 v14, v13;
	vm4 =	vmand vm4, vm6;
	(v2sf) =	vpush v14, $0xF  }
0x4e3: {  	vm6 =	vlt.s32 v13, $0x1780  }
0x4e4: {  	s5 =	sadd.s32 $0x40, s5;
	vm5 =	vmand vm5, vm6  }
0x4e5: {  	_ =	sdelay $0x2  }
0x4e6: {  	s5 =	sadd.s32 $0x10, s6  }
0x4e7: {  	v14 =	vor.u32 s5, v0  }
0x4e8: {  	[tilespmem:v12+s30+$0x0] =	vst.idx.msk vm4, v14  }
0x4e9: {  	[tilespmem:v12+s3+$0x0] =	vst.idx.msk vm4, v11  }
0x4ea: {  	s0 =	sshra.s32 s0, $0x2;
	[tilespmem:v13+s12+$0x0] =	vst.idx.msk vm5, v14  }
0x4eb: {  	v11 =	vld [tilespmem:s0+$0x8000];
	_ =	sdelay $0x4  }
0x4ec: {  	vm4 =	vgt.u32 v11, v10  }
0x4ed: {  	v47 =	vsel vm4, $0x1, v4  }
0x4ee: {  	vm5 =	veq.s32 v11, v10;
	(xrf0) =	vadd.scan.msk.s32 $0xffff, v47  }
0x4ef: {  	v10 =	vsel vm5, $0x1, v4  }
0x4f0: {  	(xrf0) =	vadd.scan.msk.s32 $0xffff, v10;
	_ =	sdelay $0x3  }
0x4f1: {  	v10, _, _ =	vpop (xrf0)  }
0x4f2: {  	(v2sf) =	vpush v10, $0xF  }
0x4f3: {  	v48, _, _ =	vpop (xrf0)  }
0x4f4: {  	(v2sf) =	vpush v48, $0xF  }
0x4f5: {  	s9 =	spop (v2sf)  }
0x4f6: {  	s0 =	sadd.s32 s4, s9  }
0x4f7: {  	s10 =	spop (v2sf);
	v49 =	vmov s0  }
0x4f8: {  	s4 =	sadd.s32 s2, s10;
	v13 =	vadd.s32 $0xFFFFFFFF, v49  }
0x4f9: {  	v13 =	vbroadcast v13, $0x0;
	v50 =	vmov s4  }
0x4fa: {  	v14 =	vadd.s32 $0xFFFFFFFF, v50  }
0x4fb: {  	v13 =	vadd.s32 v10, v13;
	v10 =	vbroadcast v14, $0x0  }
0x4fc: {  	vm6 =	vlt.s32 v13, $0x1780  }
0x4fd: {  	v12 =	vadd.s32 v48, v10;
	vm4 =	vmand vm4, vm6  }
0x4fe: {  	vm15 =	vlt.s32 v12, $0x1780  }
0x4ff: {  	vm5 =	vmand vm5, vm15;
	_ =	sdelay $0x1  }
0x500: {  	s11 =	sadd.s32 $0x10, s5;
	s15 =	spop (v2sf)  }
0x501: {  	v51 =	vor.u32 s11, v0;
	s16 =	sadd.s32 s0, s15  }
0x502: {  	[tilespmem:v13+s30+$0x0] =	vst.idx.msk vm4, v51;
	s18 =	spop (v2sf);
	v10 =	vmov s16  }
0x503: {  	s19 =	rddreg [dreg:$0xf];
	[tilespmem:v13+s3+$0x0] =	vst.idx.msk vm4, v11;
	s0 =	sadd.s32 s4, s18;
	v11 =	vnsel vm0, $0x0, v10  }
0x504: {  	[tilespmem:v12+s12+$0x0] =	vst.idx.msk vm5, v51;
	[smem:$0x7AC] =	sst s16;
	v11 =	vsel vm1, s0, v11  }
0x505: {  	s22 =	simm.s32 $0x15080;
	s23 =	simm.s32 $0x3;
	[smem:$0x7AD] =	sst s0;
	[tilespmem:$0x15080] =	vst v11  }
0x506: {  	[spmem:s19] =	stream.linear.scatter [tilespmem:s22], [sflag:$0x3], $0x10, $0x38;
	[tilespmem:$0x15B90] =	vst v63  }
0x507: {  	_ =	swait.ge [sflag:s23], $0x10  }
0x508: {  	[sflag:s23] =	ssyncset.done $0x0  }
0x509: {  	[sflag:s23] =	ssyncadd.s32 $0xFFFFFFF0  }
0x50a: {  	[bflag:$0x0] =	sbarrier.arrive $0xFFFF  }
0x50b: {  	s25 =	simm.s32 $0x15100;
	s26 =	rddreg [dreg:$0x2]  }
0x50c: {  	[tilespmem:s25], [sflag:$0x3] =	stream.linear.gather [spmem:s26], $0x100, $0x38;
	[tilespmem:$0x15B90] =	vst v63  }
0x50d: {  	_ =	swait.ge [sflag:s23], $0x100  }
0x50e: {  	[sflag:s23] =	ssyncset.done $0x0  }
0x50f: {  	[sflag:s23] =	ssyncadd.s32 $0xFFFFFF00  }
0x510: {  	[bflag:$0x0] =	sbarrier.arrive $0xFFFF  }
0x511: {  	v11 =	vld [tilespmem:s25+$0x0];
	_ =	sdelay $0x2  }
0x512: {  	s28 =	simm.s32 $0x15110  }
0x513: {  	v53 =	vld [tilespmem:s28+$0x0]  }
0x514: {  	s29 =	simm.s32 $0x15120;
	v52 =	vsel vm3, $0x0, v11  }
0x515: {  	v55 =	vld [tilespmem:s29+$0x0];
	v11 =	vnsel vm2, $0x0, v11;
	(xrf0) =	vadd.scan.msk.s32 $0xffff, v52  }
0x516: {  	(xrf0) =	vadd.scan.msk.s32 $0xffff, v11;
	_ =	sdelay $0x1  }
0x517: {  	v11 =	vsel vm3, $0x0, v53  }
0x518: {  	v12 =	vnsel vm2, $0x0, v53;
	(xrf0) =	vadd.scan.msk.s32 $0xffff, v11  }
0x519: {  	v11 =	vsel vm3, $0x0, v55;
	(xrf0) =	vadd.scan.msk.s32 $0xffff, v12  }
0x51a: {  	v56 =	vnsel vm2, $0x0, v55;
	(xrf0) =	vadd.scan.msk.s32 $0xffff, v11;
	v54, _, _ =	vpop (xrf0)  }
0x51b: {  	(xrf0) =	vadd.scan.msk.s32 $0xffff, v56;
	(v2sf) =	vpush v54, $0xF;
	v57, _, _ =	vpop (xrf0)  }
0x51c: {  	(v2sf) =	vpush v57, $0xF;
	_ =	sdelay $0x1  }
0x51d: {  	v58, _, _ =	vpop (xrf0)  }
0x51e: {  	v59, _, _ =	vpop (xrf0);
	(v2sf) =	vpush v58, $0xF  }
0x51f: {  	(v2sf) =	vpush v59, $0xF;
	v61, _, _ =	vpop (xrf0)  }
0x520: {  	(v2sf) =	vpush v61, $0xF;
	v63, _, _ =	vpop (xrf0)  }
0x521: {  	s31 =	simm.s32 $0x15130;
	(v2sf) =	vpush v63, $0xF  }
0x522: {  	v11 =	vld [tilespmem:s31+$0x0];
	_ =	sdelay $0x3  }
0x523: {  	s8 =	simm.s32 $0x0;
	s7 =	simm.s32 $0x1  }
0x524: {  	s6 =	simm.s32 $0x2;
	p0 =	sgt.u32 s1, $0x0;
	s5 =	simm.s32 $0x3;
	v60 =	vsel vm3, $0x0, v11  }
0x525: {  	s9 =	simm.s32 $0x0;
	s15 =	simm.s32 $0x0;
	s16 =	simm.s32 $0x15140;
	v62 =	vnsel vm2, $0x0, v11;
	(xrf0) =	vadd.scan.msk.s32 $0xffff, v60  }
0x526: {  	s4 =	simm.s32 $0x4;
	s22 =	simm.s32 $0x5;
	v11 =	vld [tilespmem:s16+$0x0];
	(xrf0) =	vadd.scan.msk.s32 $0xffff, v62;
	s10 =	spop (v2sf)  }
.LBB2_70:
0x527: {  	p1 =	sne.s32 s22, $0xF;
	s10 =	simm.s32 @!p0 $0x0;
	s11 =	spop (v2sf)  }
0x528: {  	s8 =	sadd.s32 s8, s10;
	s15 =	sadd.s32 s15, s11;
	s11 =	simm.s32 @!p0 $0x0  }
.Ltmp36:
0x529: {  	s10 =	smov.u32 s7;
	s9 =	sadd.s32 s9, s11;
	(pc) =	sbr.rel @p1 .LBB2_70-.Ltmp36, $4  }
0x52a: {  	s7 =	smov.u32 s6;
	s6 =	smov.u32 s5;
	s5 =	smov.u32 s4  }
0x52b: {  	s4 =	smov.u32 s22;
	v12 =	vnsel vm2, $0x0, v11;
	v11 =	vsel vm3, $0x0, v11;
	v13, _, _ =	vpop (xrf0)  }
0x52c: {  	s16 =	sadd.s32 $0x10, s16;
	(xrf0) =	vadd.scan.msk.s32 $0xffff, v11;
	v14, _, _ =	vpop (xrf0);
	(v2sf) =	vpush v13, $0xF  }
0x52d: {  	s22 =	sadd.s32 $0x1, s22;
	p0 =	slt.u32 s10, s1;
	v11 =	vld [tilespmem:s16+$0x0];
	(xrf0) =	vadd.scan.msk.s32 $0xffff, v12;
	(v2sf) =	vpush v14, $0xF;
	s10 =	spop (v2sf)  }
0x52e: {  	[tilespmem:$0x15200] =	vst v9  }
0x52f: {  	[tilespmem:$0x15210] =	vst v9  }
0x530: {  	[tilespmem:$0x15220] =	vst v9  }
0x531: {  	[tilespmem:$0x15230] =	vst v9  }
0x532: {  	[tilespmem:$0x15240] =	vst v9  }
0x533: {  	[tilespmem:$0x15250] =	vst v9  }
0x534: {  	[tilespmem:$0x15260] =	vst v9  }
0x535: {  	[tilespmem:$0x15270] =	vst v9  }
0x536: {  	[tilespmem:$0x15280] =	vst v9;
	v12 =	vsel vm3, $0x0, v11  }
0x537: {  	[tilespmem:$0x15290] =	vst v9;
	v11 =	vnsel vm2, $0x0, v11;
	(xrf0) =	vadd.scan.msk.s32 $0xffff, v12  }
0x538: {  	[tilespmem:$0x152A0] =	vst v9;
	(xrf0) =	vadd.scan.msk.s32 $0xffff, v11  }
0x539: {  	[tilespmem:$0x152B0] =	vst v9  }
0x53a: {  	[tilespmem:$0x152C0] =	vst v9  }
0x53b: {  	[tilespmem:$0x152D0] =	vst v9;
	v11, _, _ =	vpop (xrf0)  }
0x53c: {  	[tilespmem:$0x152E0] =	vst v9;
	v62, _, _ =	vpop (xrf0);
	(v2sf) =	vpush v11, $0xF  }
0x53d: {  	[tilespmem:$0x152F0] =	vst v9;
	(v2sf) =	vpush v62, $0xF;
	v11, _, _ =	vpop (xrf0)  }
0x53e: {  	[tilespmem:$0x15300] =	vst v9;
	v63, _, _ =	vpop (xrf0);
	(v2sf) =	vpush v11, $0xF  }
0x53f: {  	[tilespmem:$0x15310] =	vst v9;
	(v2sf) =	vpush v63, $0xF  }
0x540: {  	[tilespmem:$0x15320] =	vst v9  }
0x541: {  	[tilespmem:$0x15330] =	vst v9  }
0x542: {  	[tilespmem:$0x15340] =	vst v9  }
0x543: {  	[tilespmem:$0x15350] =	vst v9  }
0x544: {  	[tilespmem:$0x15360] =	vst v9  }
0x545: {  	s11 =	spop (v2sf);
	[tilespmem:$0x15370] =	vst v9;
	s31 =	simm.s32 $0x0  }
0x546: {  	[tilespmem:$0x15380] =	vst v9;
	s0 =	rddreg [dreg:$0x10];
	s2 =	simm.s32 $0x15200;
	s18 =	spop (v2sf)  }
0x547: {  	[hbm4b:s0+s31] =	stream.linear.scatter [tilespmem:s2], [sflag:$0x3], $0x190, $0x38;
	[tilespmem:$0x15B90] =	vst v63  }
0x548: {  	s23 =	spop (v2sf)  }
0x549: {  	s25 =	spop (v2sf)  }
0x54a: {  	s26 =	spop (v2sf)  }
0x54b: {  	s28 =	spop (v2sf)  }
0x54c: {  	s29 =	spop (v2sf)  }
0x54d: {  	s16 =	spop (v2sf)  }
0x54e: {  	s19 =	simm.s32 $0x3;
	s22 =	spop (v2sf)  }
0x54f: {  	_ =	swait.ge [sflag:s19], $0x190  }
0x550: {  	[sflag:s19] =	ssyncset.done $0x0  }
0x551: {  	s0 =	rddreg [dreg:$0x15];
	[sflag:s19] =	ssyncadd.s32 $0xFFFFFE70  }
0x552: {  	[hbm4b:s0+s31] =	stream.linear.scatter [tilespmem:s2], [sflag:$0x3], $0x190, $0x38;
	[tilespmem:$0x15B90] =	vst v63  }
0x553: {  	_ =	swait.ge [sflag:s19], $0x190  }
0x554: {  	[sflag:s19] =	ssyncset.done $0x0  }
0x555: {  	s0 =	rddreg [dreg:$0x11];
	[sflag:s19] =	ssyncadd.s32 $0xFFFFFE70  }
0x556: {  	[hbm4b:s0+s31] =	stream.linear.scatter [tilespmem:s2], [sflag:$0x3], $0x190, $0x38;
	[tilespmem:$0x15B90] =	vst v63  }
0x557: {  	_ =	swait.ge [sflag:s19], $0x190  }
0x558: {  	[sflag:s19] =	ssyncset.done $0x0  }
0x559: {  	s0 =	rddreg [dreg:$0x12];
	[sflag:s19] =	ssyncadd.s32 $0xFFFFFE70  }
0x55a: {  	[hbm4b:s0+s31] =	stream.linear.scatter [tilespmem:s2], [sflag:$0x3], $0x190, $0x38;
	[tilespmem:$0x15B90] =	vst v63  }
0x55b: {  	_ =	swait.ge [sflag:s19], $0x190  }
0x55c: {  	s10 =	simm.s32 @!p0 $0x0;
	s15 =	sadd.s32 s15, s11;
	[sflag:s19] =	ssyncset.done $0x0  }
0x55d: {  	s11 =	simm.s32 @!p0 $0x0;
	s0 =	rddreg [dreg:$0x13];
	[sflag:s19] =	ssyncadd.s32 $0xFFFFFE70  }
0x55e: {  	[hbm4b:s0+s31] =	stream.linear.scatter [tilespmem:s2], [sflag:$0x3], $0x190, $0x38;
	[tilespmem:$0x15B90] =	vst v63  }
0x55f: {  	s8 =	sadd.s32 s8, s10;
	p0 =	slt.u32 s7, s1;
	_ =	swait.ge [sflag:s19], $0x190  }
0x560: {  	s9 =	sadd.s32 s9, s11;
	s18 =	simm.s32 @!p0 $0x0;
	[sflag:s19] =	ssyncset.done $0x0  }
0x561: {  	s11 =	sadd.s32 s15, s23;
	s15 =	rddreg [dreg:$0x14];
	[sflag:s19] =	ssyncadd.s32 $0xFFFFFE70  }
0x562: {  	[hbm4b:s15+s31] =	stream.linear.scatter [tilespmem:s2], [sflag:$0x3], $0x190, $0x38;
	[tilespmem:$0x15B90] =	vst v63  }
0x563: {  	s23 =	simm.s32 @!p0 $0x0;
	s8 =	sadd.s32 s8, s18;
	_ =	swait.ge [sflag:s19], $0x190  }
0x564: {  	p0 =	slt.u32 s6, s1;
	s9 =	sadd.s32 s9, s23;
	[sflag:s19] =	ssyncset.done $0x0  }
0x565: {  	s25 =	simm.s32 @!p0 $0x0;
	s7 =	rddreg [dreg:$0x16];
	[sflag:s19] =	ssyncadd.s32 $0xFFFFFE70  }
0x566: {  	[hbm4b:s7+s31] =	stream.linear.scatter [tilespmem:s2], [sflag:$0x3], $0x190, $0x38;
	[tilespmem:$0x15B90] =	vst v63  }
0x567: {  	s23 =	sadd.s32 s11, s26;
	s26 =	simm.s32 @!p0 $0x0;
	_ =	swait.ge [sflag:s19], $0x190  }
0x568: {  	s8 =	sadd.s32 s8, s25;
	[sflag:s19] =	ssyncset.done $0x0;
	s11 =	sld [smem:$0x7AC]  }
0x569: {  	p0 =	slt.u32 s5, s1;
	s10 =	rddreg [dreg:$0x17];
	[sflag:s19] =	ssyncadd.s32 $0xFFFFFE70  }
0x56a: {  	[hbm4b:s10+s31] =	stream.linear.scatter [tilespmem:s2], [sflag:$0x3], $0x190, $0x38;
	[tilespmem:$0x15B90] =	vst v63  }
0x56b: {  	s9 =	sadd.s32 s9, s26;
	s28 =	simm.s32 @!p0 $0x0;
	s15 =	sadd.s32 $0x7F, s11  }
0x56c: {  	s5 =	sadd.s32 s23, s29;
	s29 =	simm.s32 @!p0 $0x0;
	s18 =	sand.u32 $0x7F, s15  }
0x56d: {  	s23 =	sshra.s32 s15, $0x1F;
	p6 =	slt.s32 s15, $0x1;
	p1 =	sne.s32 s18, $0x0  }
0x56e: {  	s25 =	sshrl.u32 s23, $0x19;
	p0 =	por !p6, !p1;
	p1 =	slt.u32 s4, s1  }
0x56f: {  	s2 =	sadd.s32 s25, s15;
	s4 =	simm.s32 $0x1;
	p0 =	por !p0, !p0  }
0x570: {  	_ =	swait.ge [sflag:s19], $0x190;
	s26 =	sshra.s32 s2, $0x7;
	s4 =	simm.s32 @!p0 $0x0  }
0x571: {  	s7 =	sadd.s32 s8, s28;
	s28 =	rddreg [dreg:$0x8];
	s6 =	ssub.s32 s26, s4  }
0x572: {  	s8 =	sadd.s32 s9, s29;
	s29 =	rddreg [dreg:$0x9];
	p0 =	slt.s32 s6, $0x1  }
.Ltmp37:
0x573: {  	s31 =	rddreg [dreg:$0xa];
	(pc) =	sbr.rel @p0 .LBB2_76-.Ltmp37, $4  }
0x574: {  	[sflag:s19] =	ssyncset.done $0x0;
	s18 =	rddreg [dreg:$0x4]  }
0x575: {  	[sflag:s19] =	ssyncadd.s32 $0xFFFFFE70;
	s19 =	simm.s32 $0xC000;
	s25 =	rddreg [dreg:$0x6]  }
0x576: {  	s16 =	simm.s32 @!p1 $0x0;
	s2 =	sadd.s32 s5, s22;
	s22 =	simm.s32 @!p1 $0x0  }
0x577: {  	s5 =	sadd.s32 s8, s22;
	s4 =	sadd.s32 s7, s16;
	s26 =	rddreg [dreg:$0x7]  }
0x578: {  	s7 =	rddreg [dreg:$0x5]  }
0x579: {  	s5 =	sadd.s32 s7, s5  }
0x57a: {  	s8 =	simm.s32 $0x0;
	s9 =	simm.s32 $0x0;
	v11 =	vmov s5;
	s5 =	simm.s32 $0x10800  }
.LBB2_73:
0x57b: {  	v12 =	vmov s5  }
0x57c: {  	v13 =	vor.u32 s8, v0  }
0x57d: {  	vm4 =	vlt.s32 v13, v10;
	v13 =	vadd.s32 v11, v13  }
0x57e: {  	s15 =	simm.s32 $0x0;
	v13 =	vsel vm4, v13, v1  }
0x57f: {  	[tilespmem:s15+$0x14F00] =	vst v13  }
0x580: {  	v13 =	vld.idx.msk [tilespmem:v12+s15+$0x0 ss:$0x1], $0xffff;
	_ =	sdelay $0x4  }
0x581: {  	s16 =	sadd.s32 $0x10, s8;
	vm4 =	vgt.s32 v13, $0x0  }
0x582: {  	s7 =	sshll.u32 s9, $0x7;
	v14 =	vor.u32 s16, v0;
	v15 =	vnsel vm4, $0x0, v13  }
0x583: {  	s22 =	simm.s32 $0x40;
	s23 =	simm.s32 $0x80;
	s10 =	sadd.s32 $0x10800, s7;
	vm4 =	vlt.s32 v14, v10;
	v13 =	vadd.s32 v11, v14;
	v14 =	vmin.u32 v15, $0x3FEFF  }
.LBB2_74:
0x584: {  	p0 =	sne.s32 s23, $0x1C0;
	v13 =	vsel vm4, v13, v1;
	s11 =	sshra.s32 s22, $0x2;
	v14 =	vadd.s32 v2, v14;
	s22 =	smov.u32 s23  }
0x585: {  	[tilespmem:s11+$0x14F00] =	vst v13;
	v13 =	vshll.u32 v14, $0x2  }
0x586: {  	[tilespmem:s15+$0x15000] =	vst v13;
	s15 =	smov.u32 s11  }
0x587: {  	v13 =	vld.idx.msk [tilespmem:v12+s15+$0x0 ss:$0x1], $0xffff;
	_ =	sdelay $0x3  }
.Ltmp38:
0x588: {  	(pc) =	sbr.rel @p0 .LBB2_74-.Ltmp38, $4  }
0x589: {  	_ = 	snop  }
0x58a: {  	s16 =	sadd.s32 $0x10, s16;
	vm4 =	vgt.s32 v13, $0x0  }
0x58b: {  	v14 =	vor.u32 s16, v0;
	v15 =	vnsel vm4, $0x0, v13  }
0x58c: {  	s23 =	sadd.s32 $0x40, s23;
	vm4 =	vlt.s32 v14, v10;
	v13 =	vadd.s32 v11, v14;
	v14 =	vmin.u32 v15, $0x3FEFF  }
0x58d: {  	_ = 	snop  }
0x58e: {  	v13 =	vsel vm4, v13, v1;
	s11 =	sshra.s32 s22, $0x2;
	v14 =	vadd.s32 v2, v14  }
0x58f: {  	[tilespmem:s11+$0x14F00] =	vst v13;
	v45 =	vshll.u32 v14, $0x2  }
0x590: {  	[tilespmem:s15+$0x15000] =	vst v45  }
0x591: {  	v12 =	vld.idx.msk [tilespmem:v12+s11+$0x0 ss:$0x1], $0xffff;
	_ =	sdelay $0x4  }
0x592: {  	vm4 =	vgt.s32 v12, $0x0  }
0x593: {  	v12 =	vnsel vm4, $0x0, v12  }
0x594: {  	v12 =	vmin.u32 v12, $0x3FEFF  }
0x595: {  	v12 =	vadd.s32 v2, v12  }
0x596: {  	v12 =	vshll.u32 v12, $0x2  }
0x597: {  	s0 =	simm.s32 $0x14F00;
	[tilespmem:s11+$0x15000] =	vst v12  }
0x598: {  	[hbm4b:s28+s14] =	stream.indirect.scatter [tilespmem:s10], [sflag:$0x1], $0x1, s0, s14, $0xb8;
	[tilespmem:$0x15B90] =	vst v63  }
0x599: {  	s7 =	sadd.s32 $0x11F80, s7  }
0x59a: {  	[hbm4b:s26+s14] =	stream.indirect.scatter [tilespmem:s7], [sflag:$0x2], $0x1, s0, s14, $0xb8;
	[tilespmem:$0x15B90] =	vst v63  }
0x59b: {  	_ =	swait.ge [sflag:s13], $0x80  }
0x59c: {  	[sflag:s13] =	ssyncset.done $0x0  }
0x59d: {  	[sflag:s13] =	ssyncadd.s32 $0xFFFFFF80  }
0x59e: {  	_ =	swait.ge [sflag:s17], $0x80  }
0x59f: {  	[sflag:s17] =	ssyncset.done $0x0  }
0x5a0: {  	[sflag:s17] =	ssyncadd.s32 $0xFFFFFF80  }
0x5a1: {  	v46 =	vld [tilespmem:$0x15000]  }
0x5a2: {  	v47 =	vld [tilespmem:$0x14F00]  }
0x5a3: {  	v48 =	vld [tilespmem:$0x15010]  }
0x5a4: {  	v15 =	vld [tilespmem:$0x14F10]  }
0x5a5: {  	v16 =	vld [tilespmem:$0x15020]  }
0x5a6: {  	v49 =	vld [tilespmem:$0x14F20];
	[tilespmem:$0x15600] =	vst v46  }
0x5a7: {  	v50 =	vld [tilespmem:$0x15030];
	[tilespmem:$0x14F80] =	vst v47  }
0x5a8: {  	v51 =	vld [tilespmem:$0x14F30];
	[tilespmem:$0x15610] =	vst v48  }
0x5a9: {  	v52 =	vld [tilespmem:$0x15040];
	[tilespmem:$0x14F90] =	vst v15  }
0x5aa: {  	v53 =	vld [tilespmem:$0x14F40];
	[tilespmem:$0x15620] =	vst v16  }
0x5ab: {  	v54 =	vld [tilespmem:$0x15050];
	[tilespmem:$0x14FA0] =	vst v49  }
0x5ac: {  	v55 =	vld [tilespmem:$0x14F50];
	[tilespmem:$0x15630] =	vst v50  }
0x5ad: {  	v56 =	vld [tilespmem:$0x15060];
	[tilespmem:$0x14FB0] =	vst v51  }
0x5ae: {  	v57 =	vld [tilespmem:$0x14F60];
	[tilespmem:$0x15640] =	vst v52  }
0x5af: {  	v58 =	vld [tilespmem:$0x15070];
	[tilespmem:$0x14FC0] =	vst v53  }
0x5b0: {  	v59 =	vld [tilespmem:$0x14F70];
	[tilespmem:$0x15650] =	vst v54  }
0x5b1: {  	[tilespmem:$0x14FD0] =	vst v55  }
0x5b2: {  	[tilespmem:$0x15660] =	vst v56  }
0x5b3: {  	[tilespmem:$0x14FE0] =	vst v57  }
0x5b4: {  	[tilespmem:$0x15670] =	vst v58  }
0x5b5: {  	s22 =	simm.s32 $0x15600;
	s23 =	simm.s32 $0x15680;
	[tilespmem:$0x14FF0] =	vst v59  }
0x5b6: {  	[tilespmem:s23], [sflag:$0x1] =	stream.indirect.gather [hbm4b:s18+s14], $0x1, s22, s14, $0xb8;
	[tilespmem:$0x15B90] =	vst v63  }
0x5b7: {  	_ = 	snop  }
0x5b8: {  	[tilespmem:s20], [sflag:$0x2] =	stream.indirect.gather [hbm4b:s25+s14], $0x1, s22, s14, $0xb8;
	[tilespmem:$0x15B90] =	vst v63  }
0x5b9: {  	_ =	swait.ge [sflag:s13], $0x80  }
0x5ba: {  	[sflag:s13] =	ssyncset.done $0x0  }
0x5bb: {  	[sflag:s13] =	ssyncadd.s32 $0xFFFFFF80  }
0x5bc: {  	_ =	swait.ge [sflag:s17], $0x80  }
0x5bd: {  	[sflag:s17] =	ssyncset.done $0x0  }
0x5be: {  	[sflag:s17] =	ssyncadd.s32 $0xFFFFFF80  }
0x5bf: {  	[hbm4b:s29+s14] =	stream.indirect.scatter [tilespmem:s23], [sflag:$0x1], $0x1, s21, s14, $0xb8;
	[tilespmem:$0x15B90] =	vst v63  }
0x5c0: {  	_ = 	snop  }
0x5c1: {  	[hbm4b:s31+s14] =	stream.indirect.scatter [tilespmem:s20], [sflag:$0x2], $0x1, s21, s14, $0xb8;
	[tilespmem:$0x15B90] =	vst v63  }
0x5c2: {  	_ =	swait.ge [sflag:s13], $0x80  }
0x5c3: {  	[sflag:s13] =	ssyncset.done $0x0  }
0x5c4: {  	[sflag:s13] =	ssyncadd.s32 $0xFFFFFF80  }
0x5c5: {  	_ =	swait.ge [sflag:s17], $0x80  }
0x5c6: {  	[sflag:s17] =	ssyncset.done $0x0  }
0x5c7: {  	[sflag:s17] =	ssyncadd.s32 $0xFFFFFF80  }
0x5c8: {  	v60 =	vld [tilespmem:$0x15000]  }
0x5c9: {  	v61 =	vld [tilespmem:$0x14F00]  }
0x5ca: {  	v62 =	vld [tilespmem:$0x15010]  }
0x5cb: {  	v63 =	vld [tilespmem:$0x14F10]  }
0x5cc: {  	v20 =	vld [tilespmem:$0x15020]  }
0x5cd: {  	v17 =	vld [tilespmem:$0x14F20];
	v12 =	vadd.s32 $0x1, v60  }
0x5ce: {  	v22 =	vld [tilespmem:$0x15030];
	v21 =	vadd.s32 $0x3200, v61;
	[tilespmem:$0x15600] =	vst v12  }
0x5cf: {  	v24 =	vld [tilespmem:$0x14F30];
	v23 =	vadd.s32 $0x1, v62;
	[tilespmem:$0x14F80] =	vst v21  }
0x5d0: {  	v26 =	vld [tilespmem:$0x15040];
	v25 =	vadd.s32 $0x3200, v63;
	[tilespmem:$0x15610] =	vst v23  }
0x5d1: {  	v28 =	vld [tilespmem:$0x14F40];
	v27 =	vadd.s32 $0x1, v20;
	[tilespmem:$0x14F90] =	vst v25  }
0x5d2: {  	v30 =	vld [tilespmem:$0x15050];
	v29 =	vadd.s32 $0x3200, v17;
	[tilespmem:$0x15620] =	vst v27  }
0x5d3: {  	v32 =	vld [tilespmem:$0x14F50];
	v31 =	vadd.s32 $0x1, v22;
	[tilespmem:$0x14FA0] =	vst v29  }
0x5d4: {  	v34 =	vld [tilespmem:$0x15060];
	v33 =	vadd.s32 $0x3200, v24;
	[tilespmem:$0x15630] =	vst v31  }
0x5d5: {  	v36 =	vld [tilespmem:$0x14F60];
	v35 =	vadd.s32 $0x1, v26;
	[tilespmem:$0x14FB0] =	vst v33  }
0x5d6: {  	v38 =	vld [tilespmem:$0x15070];
	v37 =	vadd.s32 $0x3200, v28;
	[tilespmem:$0x15640] =	vst v35  }
0x5d7: {  	v40 =	vld [tilespmem:$0x14F70];
	v39 =	vadd.s32 $0x1, v30;
	[tilespmem:$0x14FC0] =	vst v37  }
0x5d8: {  	v41 =	vadd.s32 $0x3200, v32;
	[tilespmem:$0x15650] =	vst v39  }
0x5d9: {  	v42 =	vadd.s32 $0x1, v34;
	[tilespmem:$0x14FD0] =	vst v41  }
0x5da: {  	v43 =	vadd.s32 $0x3200, v36;
	[tilespmem:$0x15660] =	vst v42  }
0x5db: {  	v44 =	vadd.s32 $0x1, v38;
	[tilespmem:$0x14FE0] =	vst v43  }
0x5dc: {  	v45 =	vadd.s32 $0x3200, v40;
	[tilespmem:$0x15670] =	vst v44  }
0x5dd: {  	[tilespmem:$0x14FF0] =	vst v45  }
0x5de: {  	[tilespmem:s23], [sflag:$0x1] =	stream.indirect.gather [hbm4b:s18+s14], $0x1, s22, s14, $0xb8;
	[tilespmem:$0x15B90] =	vst v63  }
0x5df: {  	_ = 	snop  }
0x5e0: {  	[tilespmem:s20], [sflag:$0x2] =	stream.indirect.gather [hbm4b:s25+s14], $0x1, s22, s14, $0xb8;
	[tilespmem:$0x15B90] =	vst v63  }
0x5e1: {  	_ =	swait.ge [sflag:s13], $0x80  }
0x5e2: {  	[sflag:s13] =	ssyncset.done $0x0  }
0x5e3: {  	[sflag:s13] =	ssyncadd.s32 $0xFFFFFF80  }
0x5e4: {  	_ =	swait.ge [sflag:s17], $0x80  }
0x5e5: {  	[sflag:s17] =	ssyncset.done $0x0  }
0x5e6: {  	[sflag:s17] =	ssyncadd.s32 $0xFFFFFF80  }
0x5e7: {  	[hbm4b:s29+s14] =	stream.indirect.scatter [tilespmem:s23], [sflag:$0x1], $0x1, s21, s14, $0xb8;
	[tilespmem:$0x15B90] =	vst v63  }
0x5e8: {  	_ = 	snop  }
0x5e9: {  	[hbm4b:s31+s14] =	stream.indirect.scatter [tilespmem:s20], [sflag:$0x2], $0x1, s21, s14, $0xb8;
	[tilespmem:$0x15B90] =	vst v63  }
0x5ea: {  	_ =	swait.ge [sflag:s13], $0x80  }
0x5eb: {  	[sflag:s13] =	ssyncset.done $0x0  }
0x5ec: {  	[sflag:s13] =	ssyncadd.s32 $0xFFFFFF80  }
0x5ed: {  	_ =	swait.ge [sflag:s17], $0x80  }
0x5ee: {  	[sflag:s17] =	ssyncset.done $0x0  }
0x5ef: {  	[sflag:s17] =	ssyncadd.s32 $0xFFFFFF80  }
0x5f0: {  	v46 =	vld [tilespmem:$0x15000]  }
0x5f1: {  	v47 =	vld [tilespmem:$0x14F00]  }
0x5f2: {  	v48 =	vld [tilespmem:$0x15010]  }
0x5f3: {  	v49 =	vld [tilespmem:$0x14F10]  }
0x5f4: {  	v50 =	vld [tilespmem:$0x15020]  }
0x5f5: {  	v51 =	vld [tilespmem:$0x14F20];
	v12 =	vadd.s32 $0x2, v46  }
0x5f6: {  	v53 =	vld [tilespmem:$0x15030];
	v52 =	vadd.s32 $0x6400, v47;
	[tilespmem:$0x15600] =	vst v12  }
0x5f7: {  	v55 =	vld [tilespmem:$0x14F30];
	v54 =	vadd.s32 $0x2, v48;
	[tilespmem:$0x14F80] =	vst v52  }
0x5f8: {  	v57 =	vld [tilespmem:$0x15040];
	v56 =	vadd.s32 $0x6400, v49;
	[tilespmem:$0x15610] =	vst v54  }
0x5f9: {  	v59 =	vld [tilespmem:$0x14F40];
	v58 =	vadd.s32 $0x2, v50;
	[tilespmem:$0x14F90] =	vst v56  }
0x5fa: {  	v61 =	vld [tilespmem:$0x15050];
	v60 =	vadd.s32 $0x6400, v51;
	[tilespmem:$0x15620] =	vst v58  }
0x5fb: {  	v63 =	vld [tilespmem:$0x14F50];
	v62 =	vadd.s32 $0x2, v53;
	[tilespmem:$0x14FA0] =	vst v60  }
0x5fc: {  	v21 =	vld [tilespmem:$0x15060];
	v20 =	vadd.s32 $0x6400, v55;
	[tilespmem:$0x15630] =	vst v62  }
0x5fd: {  	v23 =	vld [tilespmem:$0x14F60];
	v22 =	vadd.s32 $0x2, v57;
	[tilespmem:$0x14FB0] =	vst v20  }
0x5fe: {  	v25 =	vld [tilespmem:$0x15070];
	v24 =	vadd.s32 $0x6400, v59;
	[tilespmem:$0x15640] =	vst v22  }
0x5ff: {  	v27 =	vld [tilespmem:$0x14F70];
	v26 =	vadd.s32 $0x2, v61;
	[tilespmem:$0x14FC0] =	vst v24  }
0x600: {  	v28 =	vadd.s32 $0x6400, v63;
	[tilespmem:$0x15650] =	vst v26  }
0x601: {  	v29 =	vadd.s32 $0x2, v21;
	[tilespmem:$0x14FD0] =	vst v28  }
0x602: {  	v30 =	vadd.s32 $0x6400, v23;
	[tilespmem:$0x15660] =	vst v29  }
0x603: {  	v31 =	vadd.s32 $0x2, v25;
	[tilespmem:$0x14FE0] =	vst v30  }
0x604: {  	v32 =	vadd.s32 $0x6400, v27;
	[tilespmem:$0x15670] =	vst v31  }
0x605: {  	[tilespmem:$0x14FF0] =	vst v32  }
0x606: {  	[tilespmem:s23], [sflag:$0x1] =	stream.indirect.gather [hbm4b:s18+s14], $0x1, s22, s14, $0xb8;
	[tilespmem:$0x15B90] =	vst v63  }
0x607: {  	_ = 	snop  }
0x608: {  	[tilespmem:s20], [sflag:$0x2] =	stream.indirect.gather [hbm4b:s25+s14], $0x1, s22, s14, $0xb8;
	[tilespmem:$0x15B90] =	vst v63  }
0x609: {  	_ =	swait.ge [sflag:s13], $0x80  }
0x60a: {  	[sflag:s13] =	ssyncset.done $0x0  }
0x60b: {  	[sflag:s13] =	ssyncadd.s32 $0xFFFFFF80  }
0x60c: {  	_ =	swait.ge [sflag:s17], $0x80  }
0x60d: {  	[sflag:s17] =	ssyncset.done $0x0  }
0x60e: {  	[sflag:s17] =	ssyncadd.s32 $0xFFFFFF80  }
0x60f: {  	[hbm4b:s29+s14] =	stream.indirect.scatter [tilespmem:s23], [sflag:$0x1], $0x1, s21, s14, $0xb8;
	[tilespmem:$0x15B90] =	vst v63  }
0x610: {  	_ = 	snop  }
0x611: {  	[hbm4b:s31+s14] =	stream.indirect.scatter [tilespmem:s20], [sflag:$0x2], $0x1, s21, s14, $0xb8;
	[tilespmem:$0x15B90] =	vst v63  }
0x612: {  	_ =	swait.ge [sflag:s13], $0x80  }
0x613: {  	[sflag:s13] =	ssyncset.done $0x0  }
0x614: {  	[sflag:s13] =	ssyncadd.s32 $0xFFFFFF80  }
0x615: {  	_ =	swait.ge [sflag:s17], $0x80  }
0x616: {  	[sflag:s17] =	ssyncset.done $0x0  }
0x617: {  	[sflag:s17] =	ssyncadd.s32 $0xFFFFFF80  }
0x618: {  	v33 =	vld [tilespmem:$0x15000]  }
0x619: {  	v34 =	vld [tilespmem:$0x14F00]  }
0x61a: {  	v35 =	vld [tilespmem:$0x15010]  }
0x61b: {  	v36 =	vld [tilespmem:$0x14F10]  }
0x61c: {  	v37 =	vld [tilespmem:$0x15020]  }
0x61d: {  	v38 =	vld [tilespmem:$0x14F20];
	v12 =	vadd.s32 $0x3, v33  }
0x61e: {  	v40 =	vld [tilespmem:$0x15030];
	v39 =	vadd.s32 $0x9600, v34;
	[tilespmem:$0x15600] =	vst v12  }
0x61f: {  	v42 =	vld [tilespmem:$0x14F30];
	v41 =	vadd.s32 $0x3, v35;
	[tilespmem:$0x14F80] =	vst v39  }
0x620: {  	v44 =	vld [tilespmem:$0x15040];
	v43 =	vadd.s32 $0x9600, v36;
	[tilespmem:$0x15610] =	vst v41  }
0x621: {  	v46 =	vld [tilespmem:$0x14F40];
	v45 =	vadd.s32 $0x3, v37;
	[tilespmem:$0x14F90] =	vst v43  }
0x622: {  	v48 =	vld [tilespmem:$0x15050];
	v47 =	vadd.s32 $0x9600, v38;
	[tilespmem:$0x15620] =	vst v45  }
0x623: {  	v50 =	vld [tilespmem:$0x14F50];
	v49 =	vadd.s32 $0x3, v40;
	[tilespmem:$0x14FA0] =	vst v47  }
0x624: {  	v52 =	vld [tilespmem:$0x15060];
	v51 =	vadd.s32 $0x9600, v42;
	[tilespmem:$0x15630] =	vst v49  }
0x625: {  	v54 =	vld [tilespmem:$0x14F60];
	v53 =	vadd.s32 $0x3, v44;
	[tilespmem:$0x14FB0] =	vst v51  }
0x626: {  	v56 =	vld [tilespmem:$0x15070];
	v55 =	vadd.s32 $0x9600, v46;
	[tilespmem:$0x15640] =	vst v53  }
0x627: {  	v58 =	vld [tilespmem:$0x14F70];
	v57 =	vadd.s32 $0x3, v48;
	[tilespmem:$0x14FC0] =	vst v55  }
0x628: {  	v59 =	vadd.s32 $0x9600, v50;
	[tilespmem:$0x15650] =	vst v57  }
0x629: {  	v60 =	vadd.s32 $0x3, v52;
	[tilespmem:$0x14FD0] =	vst v59  }
0x62a: {  	v61 =	vadd.s32 $0x9600, v54;
	[tilespmem:$0x15660] =	vst v60  }
0x62b: {  	v62 =	vadd.s32 $0x3, v56;
	[tilespmem:$0x14FE0] =	vst v61  }
0x62c: {  	v63 =	vadd.s32 $0x9600, v58;
	[tilespmem:$0x15670] =	vst v62  }
0x62d: {  	[tilespmem:$0x14FF0] =	vst v63  }
0x62e: {  	[tilespmem:s23], [sflag:$0x1] =	stream.indirect.gather [hbm4b:s18+s14], $0x1, s22, s14, $0xb8;
	[tilespmem:$0x15B90] =	vst v63  }
0x62f: {  	_ = 	snop  }
0x630: {  	[tilespmem:s20], [sflag:$0x2] =	stream.indirect.gather [hbm4b:s25+s14], $0x1, s22, s14, $0xb8;
	[tilespmem:$0x15B90] =	vst v63  }
0x631: {  	_ =	swait.ge [sflag:s13], $0x80  }
0x632: {  	[sflag:s13] =	ssyncset.done $0x0  }
0x633: {  	[sflag:s13] =	ssyncadd.s32 $0xFFFFFF80  }
0x634: {  	_ =	swait.ge [sflag:s17], $0x80  }
0x635: {  	[sflag:s17] =	ssyncset.done $0x0  }
0x636: {  	[sflag:s17] =	ssyncadd.s32 $0xFFFFFF80  }
0x637: {  	[hbm4b:s29+s14] =	stream.indirect.scatter [tilespmem:s23], [sflag:$0x1], $0x1, s21, s14, $0xb8;
	[tilespmem:$0x15B90] =	vst v63  }
0x638: {  	s9 =	sadd.s32 $0x1, s9  }
0x639: {  	[hbm4b:s31+s14] =	stream.indirect.scatter [tilespmem:s20], [sflag:$0x2], $0x1, s21, s14, $0xb8;
	[tilespmem:$0x15B90] =	vst v63  }
0x63a: {  	p0 =	sne.s32 s9, s6;
	_ =	swait.ge [sflag:s13], $0x80  }
.Ltmp39:
0x63b: {  	[sflag:s13] =	ssyncset.done $0x0;
	(pc) =	sbr.rel @p0 .LBB2_73-.Ltmp39, $4  }
0x63c: {  	[sflag:s13] =	ssyncadd.s32 $0xFFFFFF80  }
0x63d: {  	_ =	swait.ge [sflag:s17], $0x80  }
0x63e: {  	[sflag:s17] =	ssyncset.done $0x0  }
0x63f: {  	s5 =	sadd.s32 $0x80, s5;
	s8 =	sadd.s32 $0x80, s8;
	[sflag:s17] =	ssyncadd.s32 $0xFFFFFF80  }
.LBB2_76:
0x640: {  	s5 =	ssub.s32 s24, s4;
	s0 =	sld [smem:$0x7AD]  }
0x641: {  	p0 =	sgt.s32 s5, $0x0  }
0x642: {  	s5 =	simm.s32 @!p0 $0x0  }
0x643: {  	p0 =	slt.s32 s0, s5  }
0x644: {  	s5 =	smov.u32 @p0 s0  }
0x645: {  	s0 =	sadd.s32 $0x7F, s5  }
0x646: {  	s6 =	sand.u32 $0x7F, s0  }
0x647: {  	s23 =	sshra.s32 s0, $0x1F;
	p1 =	slt.s32 s0, $0x1;
	p6 =	sne.s32 s6, $0x0  }
0x648: {  	s6 =	sshrl.u32 s23, $0x19;
	p0 =	por !p1, !p6  }
0x649: {  	s0 =	sadd.s32 s6, s0;
	s6 =	simm.s32 $0x1;
	p0 =	por !p0, !p0  }
0x64a: {  	s0 =	sshra.s32 s0, $0x7;
	s6 =	simm.s32 @!p0 $0x0  }
0x64b: {  	s0 =	ssub.s32 s0, s6  }
0x64c: {  	p0 =	slt.s32 s0, $0x1  }
.Ltmp40:
0x64d: {  	_ = 	snop;
	(pc) =	sbr.rel @p0 .LBB2_81-.Ltmp40, $2  }
0x64e: {  	_ =	sdelay $0x2  }
0x64f: {  	s11 =	simm.s32 $0x14E80  }
0x650: {  	p0 =	sgt.s32 s24, s4;
	s6 =	rddreg [dreg:$0x5]  }
0x651: {  	s2 =	sadd.s32 s6, s2;
	s24 =	smov.u32 @p0 s4  }
0x652: {  	s2 =	sadd.s32 s24, s2  }
0x653: {  	v10 =	vmov s5;
	s5 =	simm.s32 $0x0;
	s4 =	simm.s32 $0x0;
	v11 =	vmov s2;
	s2 =	simm.s32 $0x13700  }
.LBB2_78:
0x654: {  	v12 =	vmov s2  }
0x655: {  	v13 =	vor.u32 s4, v0  }
0x656: {  	vm4 =	vlt.s32 v13, v10;
	v13 =	vadd.s32 v11, v13  }
0x657: {  	s6 =	simm.s32 $0x0;
	v13 =	vsel vm4, v13, v1  }
0x658: {  	[tilespmem:s6+$0x14F00] =	vst v13  }
0x659: {  	v13 =	vld.idx.msk [tilespmem:v12+s6+$0x0 ss:$0x1], $0xffff;
	_ =	sdelay $0x4  }
0x65a: {  	s7 =	sadd.s32 $0x10, s4;
	vm4 =	vgt.s32 v13, $0x0  }
0x65b: {  	v14 =	vor.u32 s7, v0;
	v15 =	vnsel vm4, $0x0, v13  }
0x65c: {  	s8 =	simm.s32 $0x40;
	s9 =	simm.s32 $0x80;
	vm4 =	vlt.s32 v14, v10;
	v13 =	vadd.s32 v11, v14;
	v14 =	vmin.u32 v15, $0x3FEFF  }
.LBB2_79:
0x65d: {  	p0 =	sne.s32 s9, $0x1C0;
	v13 =	vsel vm4, v13, v1;
	s10 =	sshra.s32 s8, $0x2;
	v14 =	vadd.s32 v2, v14;
	s8 =	smov.u32 s9  }
0x65e: {  	[tilespmem:s10+$0x14F00] =	vst v13;
	v13 =	vshll.u32 v14, $0x2  }
0x65f: {  	[tilespmem:s6+$0x15000] =	vst v13;
	s6 =	smov.u32 s10  }
0x660: {  	v13 =	vld.idx.msk [tilespmem:v12+s6+$0x0 ss:$0x1], $0xffff;
	_ =	sdelay $0x3  }
.Ltmp41:
0x661: {  	(pc) =	sbr.rel @p0 .LBB2_79-.Ltmp41, $4  }
0x662: {  	_ = 	snop  }
0x663: {  	s7 =	sadd.s32 $0x10, s7;
	vm4 =	vgt.s32 v13, $0x0  }
0x664: {  	v14 =	vor.u32 s7, v0;
	v15 =	vnsel vm4, $0x0, v13  }
0x665: {  	s9 =	sadd.s32 $0x40, s9;
	vm4 =	vlt.s32 v14, v10;
	v13 =	vadd.s32 v11, v14;
	v14 =	vmin.u32 v15, $0x3FEFF  }
0x666: {  	_ = 	snop  }
0x667: {  	v13 =	vsel vm4, v13, v1;
	s7 =	sshra.s32 s8, $0x2;
	v14 =	vadd.s32 v2, v14  }
0x668: {  	[tilespmem:s7+$0x14F00] =	vst v13;
	v45 =	vshll.u32 v14, $0x2  }
0x669: {  	[tilespmem:s6+$0x15000] =	vst v45  }
0x66a: {  	v12 =	vld.idx.msk [tilespmem:v12+s7+$0x0 ss:$0x1], $0xffff;
	_ =	sdelay $0x4  }
0x66b: {  	vm4 =	vgt.s32 v12, $0x0  }
0x66c: {  	v12 =	vnsel vm4, $0x0, v12  }
0x66d: {  	v12 =	vmin.u32 v12, $0x3FEFF  }
0x66e: {  	s16 =	sshll.u32 s5, $0x9;
	v12 =	vadd.s32 v2, v12  }
0x66f: {  	s6 =	sshra.s32 s16, $0x2;
	v12 =	vshll.u32 v12, $0x2  }
0x670: {  	s22 =	simm.s32 $0x14F00;
	s6 =	sadd.s32 $0x13700, s6;
	[tilespmem:s7+$0x15000] =	vst v12  }
0x671: {  	[hbm4b:s28+s14] =	stream.indirect.scatter [tilespmem:s6], [sflag:$0x1], $0x1, s22, s14, $0xb8;
	[tilespmem:$0x15B90] =	vst v63  }
0x672: {  	_ = 	snop  }
0x673: {  	[hbm4b:s26+s14] =	stream.indirect.scatter [tilespmem:s11], [sflag:$0x2], $0x1, s22, s14, $0xb8;
	[tilespmem:$0x15B90] =	vst v63  }
0x674: {  	_ =	swait.ge [sflag:s13], $0x80  }
0x675: {  	[sflag:s13] =	ssyncset.done $0x0  }
0x676: {  	[sflag:s13] =	ssyncadd.s32 $0xFFFFFF80  }
0x677: {  	_ =	swait.ge [sflag:s17], $0x80  }
0x678: {  	[sflag:s17] =	ssyncset.done $0x0  }
0x679: {  	[sflag:s17] =	ssyncadd.s32 $0xFFFFFF80  }
0x67a: {  	v46 =	vld [tilespmem:$0x15000]  }
0x67b: {  	v47 =	vld [tilespmem:$0x14F00]  }
0x67c: {  	v48 =	vld [tilespmem:$0x15010]  }
0x67d: {  	v15 =	vld [tilespmem:$0x14F10]  }
0x67e: {  	v16 =	vld [tilespmem:$0x15020]  }
0x67f: {  	v49 =	vld [tilespmem:$0x14F20];
	[tilespmem:$0x15600] =	vst v46  }
0x680: {  	v50 =	vld [tilespmem:$0x15030];
	[tilespmem:$0x14F80] =	vst v47  }
0x681: {  	v51 =	vld [tilespmem:$0x14F30];
	[tilespmem:$0x15610] =	vst v48  }
0x682: {  	v52 =	vld [tilespmem:$0x15040];
	[tilespmem:$0x14F90] =	vst v15  }
0x683: {  	v53 =	vld [tilespmem:$0x14F40];
	[tilespmem:$0x15620] =	vst v16  }
0x684: {  	v54 =	vld [tilespmem:$0x15050];
	[tilespmem:$0x14FA0] =	vst v49  }
0x685: {  	v55 =	vld [tilespmem:$0x14F50];
	[tilespmem:$0x15630] =	vst v50  }
0x686: {  	v56 =	vld [tilespmem:$0x15060];
	[tilespmem:$0x14FB0] =	vst v51  }
0x687: {  	v57 =	vld [tilespmem:$0x14F60];
	[tilespmem:$0x15640] =	vst v52  }
0x688: {  	v58 =	vld [tilespmem:$0x15070];
	[tilespmem:$0x14FC0] =	vst v53  }
0x689: {  	v59 =	vld [tilespmem:$0x14F70];
	[tilespmem:$0x15650] =	vst v54  }
0x68a: {  	[tilespmem:$0x14FD0] =	vst v55  }
0x68b: {  	[tilespmem:$0x15660] =	vst v56  }
0x68c: {  	[tilespmem:$0x14FE0] =	vst v57  }
0x68d: {  	[tilespmem:$0x15670] =	vst v58  }
0x68e: {  	s23 =	simm.s32 $0x15600;
	s24 =	simm.s32 $0x15680;
	[tilespmem:$0x14FF0] =	vst v59  }
0x68f: {  	[tilespmem:s24], [sflag:$0x1] =	stream.indirect.gather [hbm4b:s18+s14], $0x1, s23, s14, $0xb8;
	[tilespmem:$0x15B90] =	vst v63  }
0x690: {  	_ = 	snop  }
0x691: {  	[tilespmem:s20], [sflag:$0x2] =	stream.indirect.gather [hbm4b:s25+s14], $0x1, s23, s14, $0xb8;
	[tilespmem:$0x15B90] =	vst v63  }
0x692: {  	_ =	swait.ge [sflag:s13], $0x80  }
0x693: {  	[sflag:s13] =	ssyncset.done $0x0  }
0x694: {  	[sflag:s13] =	ssyncadd.s32 $0xFFFFFF80  }
0x695: {  	_ =	swait.ge [sflag:s17], $0x80  }
0x696: {  	[sflag:s17] =	ssyncset.done $0x0  }
0x697: {  	[sflag:s17] =	ssyncadd.s32 $0xFFFFFF80  }
0x698: {  	[hbm4b:s29+s14] =	stream.indirect.scatter [tilespmem:s24], [sflag:$0x1], $0x1, s21, s14, $0xb8;
	[tilespmem:$0x15B90] =	vst v63  }
0x699: {  	_ = 	snop  }
0x69a: {  	[hbm4b:s31+s14] =	stream.indirect.scatter [tilespmem:s20], [sflag:$0x2], $0x1, s21, s14, $0xb8;
	[tilespmem:$0x15B90] =	vst v63  }
0x69b: {  	_ =	swait.ge [sflag:s13], $0x80  }
0x69c: {  	[sflag:s13] =	ssyncset.done $0x0  }
0x69d: {  	[sflag:s13] =	ssyncadd.s32 $0xFFFFFF80  }
0x69e: {  	_ =	swait.ge [sflag:s17], $0x80  }
0x69f: {  	[sflag:s17] =	ssyncset.done $0x0  }
0x6a0: {  	[sflag:s17] =	ssyncadd.s32 $0xFFFFFF80  }
0x6a1: {  	v60 =	vld [tilespmem:$0x15000]  }
0x6a2: {  	v61 =	vld [tilespmem:$0x14F00]  }
0x6a3: {  	v62 =	vld [tilespmem:$0x15010]  }
0x6a4: {  	v63 =	vld [tilespmem:$0x14F10]  }
0x6a5: {  	v20 =	vld [tilespmem:$0x15020]  }
0x6a6: {  	v17 =	vld [tilespmem:$0x14F20];
	v12 =	vadd.s32 $0x1, v60  }
0x6a7: {  	v22 =	vld [tilespmem:$0x15030];
	v21 =	vadd.s32 $0x3200, v61;
	[tilespmem:$0x15600] =	vst v12  }
0x6a8: {  	v24 =	vld [tilespmem:$0x14F30];
	v23 =	vadd.s32 $0x1, v62;
	[tilespmem:$0x14F80] =	vst v21  }
0x6a9: {  	v26 =	vld [tilespmem:$0x15040];
	v25 =	vadd.s32 $0x3200, v63;
	[tilespmem:$0x15610] =	vst v23  }
0x6aa: {  	v28 =	vld [tilespmem:$0x14F40];
	v27 =	vadd.s32 $0x1, v20;
	[tilespmem:$0x14F90] =	vst v25  }
0x6ab: {  	v30 =	vld [tilespmem:$0x15050];
	v29 =	vadd.s32 $0x3200, v17;
	[tilespmem:$0x15620] =	vst v27  }
0x6ac: {  	v32 =	vld [tilespmem:$0x14F50];
	v31 =	vadd.s32 $0x1, v22;
	[tilespmem:$0x14FA0] =	vst v29  }
0x6ad: {  	v34 =	vld [tilespmem:$0x15060];
	v33 =	vadd.s32 $0x3200, v24;
	[tilespmem:$0x15630] =	vst v31  }
0x6ae: {  	v36 =	vld [tilespmem:$0x14F60];
	v35 =	vadd.s32 $0x1, v26;
	[tilespmem:$0x14FB0] =	vst v33  }
0x6af: {  	v38 =	vld [tilespmem:$0x15070];
	v37 =	vadd.s32 $0x3200, v28;
	[tilespmem:$0x15640] =	vst v35  }
0x6b0: {  	v40 =	vld [tilespmem:$0x14F70];
	v39 =	vadd.s32 $0x1, v30;
	[tilespmem:$0x14FC0] =	vst v37  }
0x6b1: {  	v41 =	vadd.s32 $0x3200, v32;
	[tilespmem:$0x15650] =	vst v39  }
0x6b2: {  	v42 =	vadd.s32 $0x1, v34;
	[tilespmem:$0x14FD0] =	vst v41  }
0x6b3: {  	v43 =	vadd.s32 $0x3200, v36;
	[tilespmem:$0x15660] =	vst v42  }
0x6b4: {  	v44 =	vadd.s32 $0x1, v38;
	[tilespmem:$0x14FE0] =	vst v43  }
0x6b5: {  	v45 =	vadd.s32 $0x3200, v40;
	[tilespmem:$0x15670] =	vst v44  }
0x6b6: {  	[tilespmem:$0x14FF0] =	vst v45  }
0x6b7: {  	[tilespmem:s24], [sflag:$0x1] =	stream.indirect.gather [hbm4b:s18+s14], $0x1, s23, s14, $0xb8;
	[tilespmem:$0x15B90] =	vst v63  }
0x6b8: {  	_ = 	snop  }
0x6b9: {  	[tilespmem:s20], [sflag:$0x2] =	stream.indirect.gather [hbm4b:s25+s14], $0x1, s23, s14, $0xb8;
	[tilespmem:$0x15B90] =	vst v63  }
0x6ba: {  	_ =	swait.ge [sflag:s13], $0x80  }
0x6bb: {  	[sflag:s13] =	ssyncset.done $0x0  }
0x6bc: {  	[sflag:s13] =	ssyncadd.s32 $0xFFFFFF80  }
0x6bd: {  	_ =	swait.ge [sflag:s17], $0x80  }
0x6be: {  	[sflag:s17] =	ssyncset.done $0x0  }
0x6bf: {  	[sflag:s17] =	ssyncadd.s32 $0xFFFFFF80  }
0x6c0: {  	[hbm4b:s29+s14] =	stream.indirect.scatter [tilespmem:s24], [sflag:$0x1], $0x1, s21, s14, $0xb8;
	[tilespmem:$0x15B90] =	vst v63  }
0x6c1: {  	_ = 	snop  }
0x6c2: {  	[hbm4b:s31+s14] =	stream.indirect.scatter [tilespmem:s20], [sflag:$0x2], $0x1, s21, s14, $0xb8;
	[tilespmem:$0x15B90] =	vst v63  }
0x6c3: {  	_ =	swait.ge [sflag:s13], $0x80  }
0x6c4: {  	[sflag:s13] =	ssyncset.done $0x0  }
0x6c5: {  	[sflag:s13] =	ssyncadd.s32 $0xFFFFFF80  }
0x6c6: {  	_ =	swait.ge [sflag:s17], $0x80  }
0x6c7: {  	[sflag:s17] =	ssyncset.done $0x0  }
0x6c8: {  	[sflag:s17] =	ssyncadd.s32 $0xFFFFFF80  }
0x6c9: {  	v46 =	vld [tilespmem:$0x15000]  }
0x6ca: {  	v47 =	vld [tilespmem:$0x14F00]  }
0x6cb: {  	v48 =	vld [tilespmem:$0x15010]  }
0x6cc: {  	v49 =	vld [tilespmem:$0x14F10]  }
0x6cd: {  	v50 =	vld [tilespmem:$0x15020]  }
0x6ce: {  	v51 =	vld [tilespmem:$0x14F20];
	v12 =	vadd.s32 $0x2, v46  }
0x6cf: {  	v53 =	vld [tilespmem:$0x15030];
	v52 =	vadd.s32 $0x6400, v47;
	[tilespmem:$0x15600] =	vst v12  }
0x6d0: {  	v55 =	vld [tilespmem:$0x14F30];
	v54 =	vadd.s32 $0x2, v48;
	[tilespmem:$0x14F80] =	vst v52  }
0x6d1: {  	v57 =	vld [tilespmem:$0x15040];
	v56 =	vadd.s32 $0x6400, v49;
	[tilespmem:$0x15610] =	vst v54  }
0x6d2: {  	v59 =	vld [tilespmem:$0x14F40];
	v58 =	vadd.s32 $0x2, v50;
	[tilespmem:$0x14F90] =	vst v56  }
0x6d3: {  	v61 =	vld [tilespmem:$0x15050];
	v60 =	vadd.s32 $0x6400, v51;
	[tilespmem:$0x15620] =	vst v58  }
0x6d4: {  	v63 =	vld [tilespmem:$0x14F50];
	v62 =	vadd.s32 $0x2, v53;
	[tilespmem:$0x14FA0] =	vst v60  }
0x6d5: {  	v21 =	vld [tilespmem:$0x15060];
	v20 =	vadd.s32 $0x6400, v55;
	[tilespmem:$0x15630] =	vst v62  }
0x6d6: {  	v23 =	vld [tilespmem:$0x14F60];
	v22 =	vadd.s32 $0x2, v57;
	[tilespmem:$0x14FB0] =	vst v20  }
0x6d7: {  	v25 =	vld [tilespmem:$0x15070];
	v24 =	vadd.s32 $0x6400, v59;
	[tilespmem:$0x15640] =	vst v22  }
0x6d8: {  	v27 =	vld [tilespmem:$0x14F70];
	v26 =	vadd.s32 $0x2, v61;
	[tilespmem:$0x14FC0] =	vst v24  }
0x6d9: {  	v28 =	vadd.s32 $0x6400, v63;
	[tilespmem:$0x15650] =	vst v26  }
0x6da: {  	v29 =	vadd.s32 $0x2, v21;
	[tilespmem:$0x14FD0] =	vst v28  }
0x6db: {  	v30 =	vadd.s32 $0x6400, v23;
	[tilespmem:$0x15660] =	vst v29  }
0x6dc: {  	v31 =	vadd.s32 $0x2, v25;
	[tilespmem:$0x14FE0] =	vst v30  }
0x6dd: {  	v32 =	vadd.s32 $0x6400, v27;
	[tilespmem:$0x15670] =	vst v31  }
0x6de: {  	[tilespmem:$0x14FF0] =	vst v32  }
0x6df: {  	[tilespmem:s24], [sflag:$0x1] =	stream.indirect.gather [hbm4b:s18+s14], $0x1, s23, s14, $0xb8;
	[tilespmem:$0x15B90] =	vst v63  }
0x6e0: {  	_ = 	snop  }
0x6e1: {  	[tilespmem:s20], [sflag:$0x2] =	stream.indirect.gather [hbm4b:s25+s14], $0x1, s23, s14, $0xb8;
	[tilespmem:$0x15B90] =	vst v63  }
0x6e2: {  	_ =	swait.ge [sflag:s13], $0x80  }
0x6e3: {  	[sflag:s13] =	ssyncset.done $0x0  }
0x6e4: {  	[sflag:s13] =	ssyncadd.s32 $0xFFFFFF80  }
0x6e5: {  	_ =	swait.ge [sflag:s17], $0x80  }
0x6e6: {  	[sflag:s17] =	ssyncset.done $0x0  }
0x6e7: {  	[sflag:s17] =	ssyncadd.s32 $0xFFFFFF80  }
0x6e8: {  	[hbm4b:s29+s14] =	stream.indirect.scatter [tilespmem:s24], [sflag:$0x1], $0x1, s21, s14, $0xb8;
	[tilespmem:$0x15B90] =	vst v63  }
0x6e9: {  	_ = 	snop  }
0x6ea: {  	[hbm4b:s31+s14] =	stream.indirect.scatter [tilespmem:s20], [sflag:$0x2], $0x1, s21, s14, $0xb8;
	[tilespmem:$0x15B90] =	vst v63  }
0x6eb: {  	_ =	swait.ge [sflag:s13], $0x80  }
0x6ec: {  	[sflag:s13] =	ssyncset.done $0x0  }
0x6ed: {  	[sflag:s13] =	ssyncadd.s32 $0xFFFFFF80  }
0x6ee: {  	_ =	swait.ge [sflag:s17], $0x80  }
0x6ef: {  	[sflag:s17] =	ssyncset.done $0x0  }
0x6f0: {  	[sflag:s17] =	ssyncadd.s32 $0xFFFFFF80  }
0x6f1: {  	v33 =	vld [tilespmem:$0x15000]  }
0x6f2: {  	v34 =	vld [tilespmem:$0x14F00]  }
0x6f3: {  	v35 =	vld [tilespmem:$0x15010]  }
0x6f4: {  	v36 =	vld [tilespmem:$0x14F10]  }
0x6f5: {  	v37 =	vld [tilespmem:$0x15020]  }
0x6f6: {  	v38 =	vld [tilespmem:$0x14F20];
	v12 =	vadd.s32 $0x3, v33  }
0x6f7: {  	v40 =	vld [tilespmem:$0x15030];
	v39 =	vadd.s32 $0x9600, v34;
	[tilespmem:$0x15600] =	vst v12  }
0x6f8: {  	v42 =	vld [tilespmem:$0x14F30];
	v41 =	vadd.s32 $0x3, v35;
	[tilespmem:$0x14F80] =	vst v39  }
0x6f9: {  	v44 =	vld [tilespmem:$0x15040];
	v43 =	vadd.s32 $0x9600, v36;
	[tilespmem:$0x15610] =	vst v41  }
0x6fa: {  	v46 =	vld [tilespmem:$0x14F40];
	v45 =	vadd.s32 $0x3, v37;
	[tilespmem:$0x14F90] =	vst v43  }
0x6fb: {  	v48 =	vld [tilespmem:$0x15050];
	v47 =	vadd.s32 $0x9600, v38;
	[tilespmem:$0x15620] =	vst v45  }
0x6fc: {  	v50 =	vld [tilespmem:$0x14F50];
	v49 =	vadd.s32 $0x3, v40;
	[tilespmem:$0x14FA0] =	vst v47  }
0x6fd: {  	v52 =	vld [tilespmem:$0x15060];
	v51 =	vadd.s32 $0x9600, v42;
	[tilespmem:$0x15630] =	vst v49  }
0x6fe: {  	v54 =	vld [tilespmem:$0x14F60];
	v53 =	vadd.s32 $0x3, v44;
	[tilespmem:$0x14FB0] =	vst v51  }
0x6ff: {  	v56 =	vld [tilespmem:$0x15070];
	v55 =	vadd.s32 $0x9600, v46;
	[tilespmem:$0x15640] =	vst v53  }
0x700: {  	v58 =	vld [tilespmem:$0x14F70];
	v57 =	vadd.s32 $0x3, v48;
	[tilespmem:$0x14FC0] =	vst v55  }
0x701: {  	v59 =	vadd.s32 $0x9600, v50;
	[tilespmem:$0x15650] =	vst v57  }
0x702: {  	v60 =	vadd.s32 $0x3, v52;
	[tilespmem:$0x14FD0] =	vst v59  }
0x703: {  	v61 =	vadd.s32 $0x9600, v54;
	[tilespmem:$0x15660] =	vst v60  }
0x704: {  	v62 =	vadd.s32 $0x3, v56;
	[tilespmem:$0x14FE0] =	vst v61  }
0x705: {  	v63 =	vadd.s32 $0x9600, v58;
	[tilespmem:$0x15670] =	vst v62  }
0x706: {  	[tilespmem:$0x14FF0] =	vst v63  }
0x707: {  	[tilespmem:s24], [sflag:$0x1] =	stream.indirect.gather [hbm4b:s18+s14], $0x1, s23, s14, $0xb8;
	[tilespmem:$0x15B90] =	vst v63  }
0x708: {  	_ = 	snop  }
0x709: {  	[tilespmem:s20], [sflag:$0x2] =	stream.indirect.gather [hbm4b:s25+s14], $0x1, s23, s14, $0xb8;
	[tilespmem:$0x15B90] =	vst v63  }
0x70a: {  	_ =	swait.ge [sflag:s13], $0x80  }
0x70b: {  	[sflag:s13] =	ssyncset.done $0x0  }
0x70c: {  	[sflag:s13] =	ssyncadd.s32 $0xFFFFFF80  }
0x70d: {  	_ =	swait.ge [sflag:s17], $0x80  }
0x70e: {  	[sflag:s17] =	ssyncset.done $0x0  }
0x70f: {  	[sflag:s17] =	ssyncadd.s32 $0xFFFFFF80  }
0x710: {  	[hbm4b:s29+s14] =	stream.indirect.scatter [tilespmem:s24], [sflag:$0x1], $0x1, s21, s14, $0xb8;
	[tilespmem:$0x15B90] =	vst v63  }
0x711: {  	s5 =	sadd.s32 $0x1, s5  }
0x712: {  	[hbm4b:s31+s14] =	stream.indirect.scatter [tilespmem:s20], [sflag:$0x2], $0x1, s21, s14, $0xb8;
	[tilespmem:$0x15B90] =	vst v63  }
0x713: {  	p0 =	sne.s32 s5, s0;
	_ =	swait.ge [sflag:s13], $0x80  }
.Ltmp42:
0x714: {  	[sflag:s13] =	ssyncset.done $0x0;
	(pc) =	sbr.rel @p0 .LBB2_78-.Ltmp42, $4  }
.Ltmp43:
0x715: {  	[sflag:s13] =	ssyncadd.s32 $0xFFFFFF80;
	(pc) =	sbr.rel @!p0 .LBB2_81-.Ltmp43, $4  }
0x716: {  	_ =	swait.ge [sflag:s17], $0x80  }
0x717: {  	[sflag:s17] =	ssyncset.done $0x0  }
0x718: {  	s2 =	sadd.s32 $0x80, s2;
	s4 =	sadd.s32 $0x80, s4;
	[sflag:s17] =	ssyncadd.s32 $0xFFFFFF80  }
0x719: {  	_ = 	snop  }
.LBB2_14:
0x71a: {  	p0 =	por $0x0, $0x0  }
0x71b: {  	s0 =	simm.s32 @!p0 $0x0  }
0x71c: {  	s0 =	simm.s32 @p0 $0x1;
	p0 =	por $0x0, $0x0  }
0x71d: {  	[smem:$0x7F5] =	sst s0;
	s0 =	simm.s32 @!p0 $0x0  }
0x71e: {  	s0 =	simm.s32 @p0 $0x1;
	p0 =	por $0x0, $0x0  }
0x71f: {  	[smem:$0x7F6] =	sst s0;
	s0 =	simm.s32 @!p0 $0x0  }
0x720: {  	s0 =	simm.s32 @p0 $0x1;
	p0 =	por $0x0, $0x0  }
0x721: {  	[smem:$0x7F7] =	sst s0;
	s0 =	simm.s32 @!p0 $0x0  }
0x722: {  	s0 =	simm.s32 @p0 $0x1;
	p0 =	por $0x0, $0x0  }
0x723: {  	[smem:$0x7F8] =	sst s0;
	s0 =	simm.s32 @!p0 $0x0  }
0x724: {  	s22 =	simm.s32 $0x0;
	s0 =	simm.s32 @p0 $0x1;
	p0 =	por $0x0, $0x0  }
0x725: {  	s2 =	simm.s32 $0x0;
	[smem:$0x7F9] =	sst s0;
	s0 =	simm.s32 @!p0 $0x0  }
.Ltmp44:
0x726: {  	s0 =	simm.s32 @p0 $0x1;
	p0 =	por $0x0, $0x0;
	(pc) =	sbr.rel .LBB2_31-.Ltmp44, $4  }
0x727: {  	s10 =	simm.s32 $0x0;
	[smem:$0x7FA] =	sst s0;
	s0 =	simm.s32 @!p0 $0x0  }
0x728: {  	s15 =	simm.s32 $0x0;
	[smem:$0x7FC] =	sst s10;
	s0 =	simm.s32 @p0 $0x1  }
0x729: {  	s29 =	simm.s32 $0x107F0;
	s11 =	simm.s32 $0x0;
	[smem:$0x7FB] =	sst s0  }
0x72a: {  	s9 =	simm.s32 $0x0;
	[smem:$0x7FD] =	sst s11;
	s0 =	simm.s32 $0x3FF  }
.LBB2_40:
0x72b: {  	p0 =	por $0x0, $0x0  }
0x72c: {  	s0 =	simm.s32 @!p0 $0x0  }
0x72d: {  	s0 =	simm.s32 @p0 $0x1;
	p0 =	por $0x0, $0x0  }
0x72e: {  	[smem:$0x7D4] =	sst s0;
	s0 =	simm.s32 @!p0 $0x0  }
0x72f: {  	s0 =	simm.s32 @p0 $0x1;
	p0 =	por $0x0, $0x0  }
0x730: {  	[smem:$0x7D5] =	sst s0;
	s0 =	simm.s32 @!p0 $0x0  }
0x731: {  	s0 =	simm.s32 @p0 $0x1;
	p0 =	por $0x0, $0x0  }
0x732: {  	[smem:$0x7D6] =	sst s0;
	s0 =	simm.s32 @!p0 $0x0  }
0x733: {  	s0 =	simm.s32 @p0 $0x1;
	p0 =	por $0x0, $0x0  }
0x734: {  	[smem:$0x7D7] =	sst s0;
	s0 =	simm.s32 @!p0 $0x0  }
0x735: {  	s0 =	simm.s32 @p0 $0x1;
	p0 =	por $0x0, $0x0  }
0x736: {  	s25 =	simm.s32 $0x0;
	[smem:$0x7D8] =	sst s0;
	s0 =	simm.s32 @!p0 $0x0  }
.Ltmp45:
0x737: {  	s0 =	simm.s32 @p0 $0x1;
	p0 =	por $0x0, $0x0;
	(pc) =	sbr.rel .LBB2_57-.Ltmp45, $4  }
0x738: {  	s4 =	simm.s32 $0x0;
	[smem:$0x7D9] =	sst s0;
	s0 =	simm.s32 @!p0 $0x0  }
0x739: {  	s2 =	simm.s32 $0x0;
	s26 =	simm.s32 $0x0;
	s0 =	simm.s32 @p0 $0x1  }
0x73a: {  	s9 =	simm.s32 $0x0;
	s19 =	simm.s32 $0x0;
	[smem:$0x7DB] =	sst s26  }
0x73b: {  	s7 =	simm.s32 $0x3FF;
	[smem:$0x7DA] =	sst s0;
	s0 =	simm.s32 $0x107F0  }
.LBB2_16:
0x73c: {  	p0 =	por $0x0, $0x0  }
0x73d: {  	s0 =	simm.s32 @!p0 $0x0  }
0x73e: {  	s0 =	simm.s32 @p0 $0x1;
	p0 =	por $0x0, $0x0  }
0x73f: {  	[smem:$0x7F5] =	sst s0;
	s0 =	simm.s32 @!p0 $0x0  }
0x740: {  	s0 =	simm.s32 @p0 $0x1;
	p0 =	por $0x0, $0x0  }
0x741: {  	[smem:$0x7F6] =	sst s0;
	s0 =	simm.s32 @!p0 $0x0  }
0x742: {  	s0 =	simm.s32 @p0 $0x1;
	p0 =	por $0x0, $0x0  }
0x743: {  	[smem:$0x7F7] =	sst s0;
	s0 =	simm.s32 @!p0 $0x0  }
0x744: {  	s0 =	simm.s32 @p0 $0x1;
	p0 =	por $0x1, $0x1  }
0x745: {  	s22 =	simm.s32 $0x0;
	[smem:$0x7F8] =	sst s0;
	s0 =	simm.s32 @!p0 $0x0  }
0x746: {  	s2 =	simm.s32 $0x0;
	s0 =	simm.s32 @p0 $0x1;
	p0 =	por $0x0, $0x0  }
0x747: {  	s15 =	simm.s32 $0x0;
	[smem:$0x7F9] =	sst s0;
	s0 =	simm.s32 @!p0 $0x0  }
.Ltmp46:
0x748: {  	s0 =	simm.s32 @p0 $0x1;
	p0 =	por $0x0, $0x0;
	(pc) =	sbr.rel .LBB2_31-.Ltmp46, $4  }
0x749: {  	s10 =	simm.s32 $0x0;
	[smem:$0x7FA] =	sst s0;
	s0 =	simm.s32 @!p0 $0x0  }
0x74a: {  	s29 =	simm.s32 $0x107F0;
	[smem:$0x7FC] =	sst s10;
	s0 =	simm.s32 @p0 $0x1  }
0x74b: {  	s9 =	simm.s32 $0x0;
	s11 =	simm.s32 $0x0;
	[smem:$0x7FB] =	sst s0  }
0x74c: {  	s4 =	simm.s32 $0x3FF;
	[smem:$0x7FD] =	sst s11;
	s0 =	simm.s32 $0x3EF  }
.LBB2_42:
0x74d: {  	p0 =	por $0x0, $0x0  }
0x74e: {  	s0 =	simm.s32 @!p0 $0x0  }
0x74f: {  	s0 =	simm.s32 @p0 $0x1;
	p0 =	por $0x0, $0x0  }
0x750: {  	[smem:$0x7D4] =	sst s0;
	s0 =	simm.s32 @!p0 $0x0  }
0x751: {  	s0 =	simm.s32 @p0 $0x1;
	p0 =	por $0x0, $0x0  }
0x752: {  	[smem:$0x7D5] =	sst s0;
	s0 =	simm.s32 @!p0 $0x0  }
0x753: {  	s0 =	simm.s32 @p0 $0x1;
	p0 =	por $0x0, $0x0  }
0x754: {  	[smem:$0x7D6] =	sst s0;
	s0 =	simm.s32 @!p0 $0x0  }
0x755: {  	s0 =	simm.s32 @p0 $0x1;
	p0 =	por $0x0, $0x0  }
0x756: {  	[smem:$0x7D7] =	sst s0;
	s0 =	simm.s32 @!p0 $0x0  }
0x757: {  	s25 =	simm.s32 $0x0;
	s0 =	simm.s32 @p0 $0x1;
	p0 =	por $0x1, $0x1  }
0x758: {  	s4 =	simm.s32 $0x0;
	[smem:$0x7D8] =	sst s0;
	s0 =	simm.s32 @!p0 $0x0  }
.Ltmp47:
0x759: {  	s0 =	simm.s32 @p0 $0x1;
	p0 =	por $0x0, $0x0;
	(pc) =	sbr.rel .LBB2_57-.Ltmp47, $4  }
0x75a: {  	s2 =	simm.s32 $0x0;
	[smem:$0x7D9] =	sst s0;
	s0 =	simm.s32 @!p0 $0x0  }
0x75b: {  	s9 =	simm.s32 $0x0;
	s26 =	simm.s32 $0x0;
	s0 =	simm.s32 @p0 $0x1  }
0x75c: {  	s28 =	simm.s32 $0x3FF;
	s19 =	simm.s32 $0x0;
	[smem:$0x7DB] =	sst s26  }
0x75d: {  	s7 =	simm.s32 $0x3EF;
	[smem:$0x7DA] =	sst s0;
	s0 =	simm.s32 $0x107F0  }
.LBB2_18:
0x75e: {  	p0 =	por $0x0, $0x0  }
0x75f: {  	s0 =	simm.s32 @!p0 $0x0  }
0x760: {  	s0 =	simm.s32 @p0 $0x1;
	p0 =	por $0x0, $0x0  }
0x761: {  	[smem:$0x7F5] =	sst s0;
	s0 =	simm.s32 @!p0 $0x0  }
0x762: {  	s22 =	simm.s32 $0x0;
	s0 =	simm.s32 @p0 $0x1;
	p0 =	por $0x0, $0x0  }
0x763: {  	s2 =	simm.s32 $0x0;
	[smem:$0x7F6] =	sst s0;
	s0 =	simm.s32 @!p0 $0x0  }
0x764: {  	s15 =	simm.s32 $0x0;
	s0 =	simm.s32 @p0 $0x1;
	p0 =	por $0x0, $0x0  }
0x765: {  	s29 =	simm.s32 $0x107F0;
	[smem:$0x7F7] =	sst s0;
	s0 =	simm.s32 @!p0 $0x0  }
0x766: {  	s8 =	simm.s32 $0x3FF;
	s0 =	simm.s32 @p0 $0x1;
	p0 =	por $0x1, $0x1  }
0x767: {  	s10 =	simm.s32 $0x0;
	[smem:$0x7F8] =	sst s0;
	s0 =	simm.s32 @!p0 $0x0  }
0x768: {  	[smem:$0x7F4] =	sst s8;
	s0 =	simm.s32 @p0 $0x1;
	p0 =	por $0x1, $0x1  }
.Ltmp48:
0x769: {  	[smem:$0x7F9] =	sst s0;
	s0 =	simm.s32 @!p0 $0x0;
	(pc) =	sbr.rel .LBB2_31-.Ltmp48, $4  }
0x76a: {  	[smem:$0x7FC] =	sst s10;
	s0 =	simm.s32 @p0 $0x1;
	p0 =	por $0x0, $0x0  }
0x76b: {  	s11 =	simm.s32 $0x0;
	[smem:$0x7FA] =	sst s0;
	s0 =	simm.s32 @!p0 $0x0  }
0x76c: {  	s9 =	simm.s32 $0x0;
	[smem:$0x7FD] =	sst s11;
	s0 =	simm.s32 @p0 $0x1  }
0x76d: {  	s4 =	simm.s32 $0x3EF;
	[smem:$0x7FB] =	sst s0;
	s0 =	simm.s32 $0x3DF  }
.LBB2_44:
0x76e: {  	p0 =	por $0x0, $0x0  }
0x76f: {  	s0 =	simm.s32 @!p0 $0x0  }
0x770: {  	s0 =	simm.s32 @p0 $0x1;
	p0 =	por $0x0, $0x0  }
0x771: {  	[smem:$0x7D4] =	sst s0;
	s0 =	simm.s32 @!p0 $0x0  }
0x772: {  	s0 =	simm.s32 @p0 $0x1;
	p0 =	por $0x0, $0x0  }
0x773: {  	[smem:$0x7D5] =	sst s0;
	s0 =	simm.s32 @!p0 $0x0  }
0x774: {  	s0 =	simm.s32 @p0 $0x1;
	p0 =	por $0x0, $0x0  }
0x775: {  	[smem:$0x7D6] =	sst s0;
	s0 =	simm.s32 @!p0 $0x0  }
0x776: {  	s25 =	simm.s32 $0x0;
	s0 =	simm.s32 @p0 $0x1;
	p0 =	por $0x0, $0x0  }
0x777: {  	s4 =	simm.s32 $0x0;
	[smem:$0x7D7] =	sst s0;
	s0 =	simm.s32 @!p0 $0x0  }
0x778: {  	s2 =	simm.s32 $0x0;
	s0 =	simm.s32 @p0 $0x1;
	p0 =	por $0x1, $0x1  }
0x779: {  	s9 =	simm.s32 $0x0;
	[smem:$0x7D8] =	sst s0;
	s0 =	simm.s32 @!p0 $0x0  }
.Ltmp49:
0x77a: {  	s0 =	simm.s32 @p0 $0x1;
	p0 =	por $0x1, $0x1;
	(pc) =	sbr.rel .LBB2_57-.Ltmp49, $4  }
0x77b: {  	s5 =	simm.s32 $0x3FF;
	[smem:$0x7D9] =	sst s0;
	s0 =	simm.s32 @!p0 $0x0  }
0x77c: {  	s26 =	simm.s32 $0x0;
	[smem:$0x7D3] =	sst s5;
	s0 =	simm.s32 @p0 $0x1  }
0x77d: {  	s28 =	simm.s32 $0x3EF;
	s7 =	simm.s32 $0x3DF;
	[smem:$0x7DB] =	sst s26  }
0x77e: {  	s19 =	simm.s32 $0x0;
	[smem:$0x7DA] =	sst s0;
	s0 =	simm.s32 $0x107F0  }
.LBB2_20:
0x77f: {  	p0 =	por $0x0, $0x0  }
0x780: {  	s0 =	simm.s32 @!p0 $0x0  }
0x781: {  	s0 =	simm.s32 @p0 $0x1;
	p0 =	por $0x0, $0x0  }
0x782: {  	[smem:$0x7F5] =	sst s0;
	s0 =	simm.s32 @!p0 $0x0  }
0x783: {  	s0 =	simm.s32 @p0 $0x1;
	p0 =	por $0x0, $0x0  }
0x784: {  	[smem:$0x7F6] =	sst s0;
	s0 =	simm.s32 @!p0 $0x0  }
0x785: {  	s0 =	simm.s32 @p0 $0x1;
	p0 =	por $0x1, $0x1  }
0x786: {  	[smem:$0x7F7] =	sst s0;
	s0 =	simm.s32 @!p0 $0x0  }
0x787: {  	s0 =	simm.s32 @p0 $0x1;
	p0 =	por $0x1, $0x1  }
0x788: {  	[smem:$0x7F8] =	sst s0;
	s0 =	simm.s32 @!p0 $0x0  }
0x789: {  	s0 =	simm.s32 @p0 $0x1;
	p0 =	por $0x1, $0x1  }
0x78a: {  	[smem:$0x7F9] =	sst s0;
	s0 =	simm.s32 @!p0 $0x0  }
0x78b: {  	s22 =	simm.s32 $0x0;
	s0 =	simm.s32 @p0 $0x1  }
0x78c: {  	s2 =	simm.s32 $0x0;
	s15 =	simm.s32 $0x0;
	s7 =	simm.s32 $0x3EF  }
.Ltmp50:
0x78d: {  	s10 =	simm.s32 $0x0;
	[smem:$0x7F4] =	sst s7;
	(pc) =	sbr.rel .LBB2_31-.Ltmp50, $4  }
0x78e: {  	s11 =	simm.s32 $0x0;
	[smem:$0x7FC] =	sst s10;
	p0 =	por $0x0, $0x0  }
0x78f: {  	s9 =	simm.s32 $0x0;
	[smem:$0x7FD] =	sst s11;
	s5 =	simm.s32 @!p0 $0x0  }
0x790: {  	s8 =	simm.s32 $0x3FF;
	[smem:$0x7FA] =	sst s0;
	s5 =	simm.s32 @p0 $0x1  }
0x791: {  	v13 =	vmov v11;
	v26 =	vmov v12;
	s4 =	simm.s32 $0x3DF;
	s0 =	simm.s32 $0x3CF;
	[smem:$0x7FB] =	sst s5  }
.LBB2_46:
0x792: {  	p0 =	por $0x0, $0x0  }
0x793: {  	s2 =	simm.s32 @!p0 $0x0  }
0x794: {  	s2 =	simm.s32 @p0 $0x1;
	p0 =	por $0x0, $0x0  }
0x795: {  	[smem:$0x7D4] =	sst s2;
	s2 =	simm.s32 @!p0 $0x0  }
0x796: {  	s2 =	simm.s32 @p0 $0x1;
	p0 =	por $0x0, $0x0  }
0x797: {  	[smem:$0x7D5] =	sst s2;
	s2 =	simm.s32 @!p0 $0x0  }
0x798: {  	s2 =	simm.s32 @p0 $0x1;
	p0 =	por $0x0, $0x0  }
0x799: {  	[smem:$0x7D6] =	sst s2;
	s2 =	simm.s32 @!p0 $0x0  }
0x79a: {  	s25 =	simm.s32 $0x0;
	s2 =	simm.s32 @p0 $0x1;
	p0 =	por $0x1, $0x1  }
0x79b: {  	s4 =	simm.s32 $0x0;
	[smem:$0x7D7] =	sst s2;
	s2 =	simm.s32 @!p0 $0x0  }
0x79c: {  	s9 =	simm.s32 $0x0;
	s2 =	simm.s32 @p0 $0x1;
	p0 =	por $0x1, $0x1  }
0x79d: {  	s8 =	simm.s32 $0x3FF;
	[smem:$0x7D8] =	sst s2;
	s2 =	simm.s32 @!p0 $0x0  }
.Ltmp51:
0x79e: {  	s2 =	simm.s32 @p0 $0x1;
	p0 =	por $0x1, $0x1;
	(pc) =	sbr.rel .LBB2_57-.Ltmp51, $4  }
0x79f: {  	s5 =	simm.s32 $0x3EF;
	[smem:$0x7D9] =	sst s2;
	s2 =	simm.s32 @!p0 $0x0  }
0x7a0: {  	s26 =	simm.s32 $0x0;
	[smem:$0x7D3] =	sst s5;
	s2 =	simm.s32 @p0 $0x1  }
0x7a1: {  	s28 =	simm.s32 $0x3DF;
	s7 =	simm.s32 $0x3CF;
	[smem:$0x7DB] =	sst s26  }
0x7a2: {  	v13 =	vmov v11;
	v26 =	vmov v12;
	s19 =	simm.s32 $0x0;
	[smem:$0x7DA] =	sst s2;
	s2 =	simm.s32 $0x0  }
.LBB2_22:
0x7a3: {  	p0 =	por $0x0, $0x0  }
0x7a4: {  	s0 =	simm.s32 @!p0 $0x0  }
0x7a5: {  	s0 =	simm.s32 @p0 $0x1;
	p0 =	por $0x0, $0x0  }
0x7a6: {  	[smem:$0x7F5] =	sst s0;
	s0 =	simm.s32 @!p0 $0x0  }
0x7a7: {  	s0 =	simm.s32 @p0 $0x1;
	p0 =	por $0x1, $0x1  }
0x7a8: {  	[smem:$0x7F6] =	sst s0;
	s0 =	simm.s32 @!p0 $0x0  }
0x7a9: {  	s0 =	simm.s32 @p0 $0x1;
	p0 =	por $0x1, $0x1  }
0x7aa: {  	s6 =	simm.s32 $0x1770;
	[smem:$0x7F7] =	sst s0;
	s0 =	simm.s32 @!p0 $0x0  }
0x7ab: {  	s22 =	simm.s32 $0x0;
	s0 =	simm.s32 @p0 $0x1;
	p0 =	por $0x1, $0x1  }
0x7ac: {  	s2 =	simm.s32 $0x0;
	[smem:$0x7F8] =	sst s0;
	s0 =	simm.s32 @!p0 $0x0  }
0x7ad: {  	s15 =	simm.s32 $0x0;
	s9 =	simm.s32 $0x0;
	s0 =	simm.s32 @p0 $0x1  }
0x7ae: {  	s26 =	simm.s32 $0x1770;
	s7 =	simm.s32 $0x3DF;
	[dreg:$0x1d] =	wrdreg s6  }
.Ltmp52:
0x7af: {  	s10 =	simm.s32 $0x0;
	[smem:$0x7F4] =	sst s7;
	(pc) =	sbr.rel .LBB2_31-.Ltmp52, $4  }
0x7b0: {  	s11 =	simm.s32 $0x0;
	[smem:$0x7FC] =	sst s10;
	p0 =	por $0x0, $0x0  }
0x7b1: {  	s16 =	simm.s32 $0x3FF;
	[smem:$0x7FD] =	sst s11;
	s5 =	simm.s32 @!p0 $0x0  }
0x7b2: {  	s8 =	simm.s32 $0x3EF;
	[smem:$0x7F9] =	sst s0;
	s5 =	simm.s32 @p0 $0x1  }
0x7b3: {  	v13 =	vmovc v16;
	v26 =	vmovc v17;
	s4 =	simm.s32 $0x3CF;
	v30 =	vmov v14;
	v21 =	vmov v11;
	v25 =	vmov v12;
	s0 =	simm.s32 $0x3BF;
	[smem:$0x7FB] =	sst s5  }
.LBB2_48:
0x7b4: {  	p0 =	por $0x0, $0x0  }
0x7b5: {  	s2 =	simm.s32 @!p0 $0x0  }
0x7b6: {  	s2 =	simm.s32 @p0 $0x1;
	p0 =	por $0x0, $0x0  }
0x7b7: {  	[smem:$0x7D4] =	sst s2;
	s2 =	simm.s32 @!p0 $0x0  }
0x7b8: {  	s25 =	simm.s32 $0x3FF;
	s2 =	simm.s32 @p0 $0x1;
	p0 =	por $0x0, $0x0  }
0x7b9: {  	s4 =	simm.s32 $0x0;
	[smem:$0x7D5] =	sst s2;
	s2 =	simm.s32 @!p0 $0x0  }
0x7ba: {  	s9 =	simm.s32 $0x0;
	s2 =	simm.s32 @p0 $0x1;
	p0 =	por $0x1, $0x1  }
0x7bb: {  	s16 =	simm.s32 $0x3FF;
	[smem:$0x7D6] =	sst s2;
	s2 =	simm.s32 @!p0 $0x0  }
0x7bc: {  	s8 =	simm.s32 $0x3EF;
	s2 =	simm.s32 @p0 $0x1;
	p0 =	por $0x1, $0x1  }
0x7bd: {  	s5 =	simm.s32 $0x3DF;
	[smem:$0x7D7] =	sst s2;
	s2 =	simm.s32 @!p0 $0x0  }
0x7be: {  	[dreg:$0x1c] =	wrdreg s25;
	s2 =	simm.s32 @p0 $0x1;
	p0 =	por $0x1, $0x1  }
0x7bf: {  	s28 =	simm.s32 $0x3CF;
	[smem:$0x7D8] =	sst s2;
	s2 =	simm.s32 @!p0 $0x0  }
.Ltmp53:
0x7c0: {  	s2 =	simm.s32 @p0 $0x1;
	p0 =	por $0x1, $0x1;
	(pc) =	sbr.rel .LBB2_57-.Ltmp53, $4  }
0x7c1: {  	s15 =	smov.u32 s11;
	[smem:$0x7D9] =	sst s2;
	s2 =	simm.s32 @!p0 $0x0  }
0x7c2: {  	s26 =	simm.s32 $0x0;
	[smem:$0x7D3] =	sst s5;
	s2 =	simm.s32 @p0 $0x1  }
0x7c3: {  	s7 =	simm.s32 $0x3BF;
	s19 =	simm.s32 $0x0;
	[smem:$0x7DB] =	sst s26  }
0x7c4: {  	v13 =	vmovc v16;
	v26 =	vmovc v17;
	v30 =	vmov v14;
	v20 =	vmov v11;
	v25 =	vmov v12;
	s25 =	simm.s32 $0x0;
	[smem:$0x7DA] =	sst s2;
	s2 =	simm.s32 $0x0  }
.LBB2_24:
0x7c5: {  	s2 =	simm.s32 $0x3EF;
	p0 =	por $0x0, $0x0  }
0x7c6: {  	[dreg:$0x1f] =	wrdreg s2;
	s2 =	simm.s32 @!p0 $0x0  }
0x7c7: {  	s2 =	simm.s32 @p0 $0x1;
	p0 =	por $0x1, $0x1  }
0x7c8: {  	[smem:$0x7F5] =	sst s2;
	s2 =	simm.s32 @!p0 $0x0  }
0x7c9: {  	s2 =	simm.s32 @p0 $0x1;
	p0 =	por $0x1, $0x1  }
0x7ca: {  	[smem:$0x7F6] =	sst s2;
	s2 =	simm.s32 @!p0 $0x0  }
0x7cb: {  	s2 =	simm.s32 @p0 $0x1;
	p0 =	por $0x1, $0x1  }
0x7cc: {  	s26 =	simm.s32 $0x1770;
	[smem:$0x7F7] =	sst s2;
	s2 =	simm.s32 @!p0 $0x0  }
0x7cd: {  	s25 =	simm.s32 $0x3FF;
	s2 =	simm.s32 @p0 $0x1;
	p0 =	por $0x1, $0x1  }
0x7ce: {  	s5 =	simm.s32 $0x0;
	[smem:$0x7F8] =	sst s2;
	s2 =	simm.s32 @!p0 $0x0  }
0x7cf: {  	s28 =	simm.s32 $0x1770;
	[smem:$0x7FC] =	sst s5;
	s2 =	simm.s32 @p0 $0x1  }
.Ltmp54:
0x7d0: {  	s9 =	simm.s32 $0x0;
	s16 =	simm.s32 $0x3EF;
	(pc) =	sbr.rel .LBB2_31-.Ltmp54, $4  }
0x7d1: {  	s4 =	simm.s32 $0x3CF;
	[dreg:$0x1d] =	wrdreg s26;
	p0 =	por $0x0, $0x0  }
0x7d2: {  	s8 =	simm.s32 $0x3DF;
	[smem:$0x7F4] =	sst s4;
	s5 =	simm.s32 @!p0 $0x0  }
0x7d3: {  	v30 =	vmov v20;
	v21 =	vmov v16;
	s26 =	smov.u32 s10;
	[smem:$0x7F9] =	sst s2;
	s5 =	simm.s32 @p0 $0x1  }
0x7d4: {  	v13 =	vmovc v10;
	v25 =	vmovc v17;
	v26 =	vmov v15;
	v34 =	vmov v23;
	v35 =	vmov v22;
	s4 =	simm.s32 $0x3BF;
	s2 =	simm.s32 $0x0;
	[smem:$0x7FB] =	sst s5  }
.LBB2_50:
0x7d5: {  	p0 =	por $0x0, $0x0  }
0x7d6: {  	s22 =	simm.s32 $0x3DF;
	s23 =	simm.s32 $0x3EF;
	s26 =	simm.s32 $0x3FF  }
0x7d7: {  	s31 =	simm.s32 $0x3FF;
	s4 =	simm.s32 $0x0;
	s2 =	simm.s32 @!p0 $0x0  }
0x7d8: {  	s9 =	simm.s32 $0x0;
	s2 =	simm.s32 @p0 $0x1;
	p0 =	por $0x0, $0x0  }
0x7d9: {  	s16 =	simm.s32 $0x3EF;
	[smem:$0x7D4] =	sst s2;
	s2 =	simm.s32 @!p0 $0x0  }
0x7da: {  	s8 =	simm.s32 $0x3DF;
	s2 =	simm.s32 @p0 $0x1;
	p0 =	por $0x1, $0x1  }
0x7db: {  	s29 =	smov.u32 s11;
	[smem:$0x7D5] =	sst s2;
	s2 =	simm.s32 @!p0 $0x0  }
0x7dc: {  	[smem:$0x7CF] =	sst s22;
	s2 =	simm.s32 @p0 $0x1;
	p0 =	por $0x1, $0x1  }
0x7dd: {  	s10 =	simm.s32 $0x3CF;
	[smem:$0x7D6] =	sst s2;
	s2 =	simm.s32 @!p0 $0x0  }
0x7de: {  	[smem:$0x7D0] =	sst s23;
	s2 =	simm.s32 @p0 $0x1;
	p0 =	por $0x1, $0x1  }
.Ltmp55:
0x7df: {  	[smem:$0x7D7] =	sst s2;
	s2 =	simm.s32 @!p0 $0x0;
	(pc) =	sbr.rel .LBB2_57-.Ltmp55, $4  }
0x7e0: {  	[smem:$0x7D3] =	sst s10;
	s2 =	simm.s32 @p0 $0x1;
	p0 =	por $0x1, $0x1  }
0x7e1: {  	s15 =	smov.u32 s18;
	[smem:$0x7D8] =	sst s2;
	s2 =	simm.s32 @!p0 $0x0  }
0x7e2: {  	v30 =	vmov v21;
	v20 =	vmov v16;
	s28 =	simm.s32 $0x3BF;
	[dreg:$0x1c] =	wrdreg s26;
	s2 =	simm.s32 @p0 $0x1  }
0x7e3: {  	v13 =	vmovc v10;
	v25 =	vmovc v17;
	v26 =	vmov v15;
	v34 =	vmov v23;
	v35 =	vmov v22;
	s19 =	simm.s32 $0x0;
	[smem:$0x7DA] =	sst s2;
	s2 =	smov.u32 s5  }
0x7e4: {  	_ = 	snop  }
.LBB2_26:
0x7e5: {  	s31 =	simm.s32 $0x3FF  }
0x7e6: {  	s25 =	simm.s32 $0x3EF;
	s2 =	simm.s32 $0x0;
	s23 =	simm.s32 $0x1770  }
.Ltmp56:
0x7e7: {  	s9 =	simm.s32 $0x0;
	s16 =	simm.s32 $0x3DF;
	(pc) =	sbr.rel .LBB2_31-.Ltmp56, $4  }
0x7e8: {  	s8 =	simm.s32 $0x3CF;
	p6 =	por p1, p1;
	p0 =	por $0x0, $0x0  }
0x7e9: {  	s28 =	smov.u32 s10;
	s0 =	simm.s32 $0x3BF;
	s5 =	simm.s32 @!p0 $0x0  }
0x7ea: {  	v30 =	vmovc v27;
	v33 =	vmov v28;
	v21 =	vmov v10;
	v13 =	vmov v18;
	s26 =	smov.u32 s11;
	[smem:$0x7F4] =	sst s0;
	s5 =	simm.s32 @p0 $0x1  }
0x7eb: {  	v25 =	vmovc v15;
	v26 =	vmovc v24;
	v34 =	vmov v31;
	v35 =	vmov v32;
	s4 =	simm.s32 $0x3AF;
	s0 =	simm.s32 $0x39F;
	[smem:$0x7FB] =	sst s5;
	v19 =	vmov v29  }
.LBB2_52:
0x7ec: {  	p0 =	por $0x0, $0x0  }
0x7ed: {  	s23 =	simm.s32 $0x3FF;
	s31 =	simm.s32 $0x3EF;
	s4 =	simm.s32 $0x0  }
0x7ee: {  	s9 =	simm.s32 $0x0;
	s16 =	simm.s32 $0x3DF;
	s8 =	simm.s32 $0x3CF  }
.Ltmp57:
0x7ef: {  	p5 =	por p3, p3;
	p6 =	por p1, p1;
	(pc) =	sbr.rel .LBB2_57-.Ltmp57, $4  }
0x7f0: {  	s19 =	smov.u32 s10;
	s22 =	smov.u32 s11;
	s15 =	smov.u32 s29  }
0x7f1: {  	s29 =	smov.u32 s18;
	s7 =	simm.s32 $0x3BF;
	s2 =	simm.s32 @!p0 $0x0  }
0x7f2: {  	v30 =	vmovc v27;
	v33 =	vmov v28;
	v20 =	vmov v10;
	v13 =	vmov v18;
	s28 =	simm.s32 $0x3AF;
	[smem:$0x7D3] =	sst s7;
	s2 =	simm.s32 @p0 $0x1  }
0x7f3: {  	v25 =	vmovc v15;
	v26 =	vmovc v24;
	v34 =	vmov v31;
	v35 =	vmov v32;
	s7 =	simm.s32 $0x39F;
	[smem:$0x7D4] =	sst s2;
	s2 =	smov.u32 s10;
	v19 =	vmov v29  }
.LBB2_28:
.Ltmp58:
0x7f4: {  	(pc) =	sbr.rel .LBB2_31-.Ltmp58, $4  }
0x7f5: {  	s31 =	simm.s32 $0x3EF;
	s25 =	simm.s32 $0x3DF  }
0x7f6: {  	s6 =	simm.s32 $0x1770;
	s9 =	simm.s32 $0x0;
	s23 =	sld [smem:$0x7F2]  }
0x7f7: {  	s16 =	simm.s32 $0x3CF;
	s28 =	sld [smem:$0x7EE];
	s0 =	simm.s32 $0x3AF  }
0x7f8: {  	v21 =	vmov v18;
	v25 =	vmov v24;
	s8 =	simm.s32 $0x3BF;
	[smem:$0x7F4] =	sst s0;
	s0 =	simm.s32 $0x38F  }
.LBB2_54:
.Ltmp59:
0x7f9: {  	(pc) =	sbr.rel .LBB2_57-.Ltmp59, $4  }
0x7fa: {  	s23 =	simm.s32 $0x3EF;
	s5 =	rddreg [dreg:$0x1e]  }
0x7fb: {  	s31 =	simm.s32 $0x3DF;
	s9 =	simm.s32 $0x0;
	s22 =	sld [smem:$0x7D1]  }
0x7fc: {  	s16 =	simm.s32 $0x3CF;
	s29 =	sld [smem:$0x7CC];
	s7 =	simm.s32 $0x3AF  }
0x7fd: {  	v20 =	vmov v18;
	v25 =	vmov v24;
	s8 =	simm.s32 $0x3BF;
	[smem:$0x7D3] =	sst s7;
	s7 =	simm.s32 $0x38F  }
.LBB2_82:
0x7fe: {  	_ =	sfence.sel $0x180000  }
0x7ff: {  	[bflag:$0x0] =	sbarrier.arrive $0xFFFF  }
0x800: {  	_ =	strace $0x90000047  }
0x801: {  	[bflag:$0x2] =	sbarrier.arrive $0xFFFF  }
0x802: {  	p0 =	sne.s32 s1, $0x0;
	s0 =	rddreg [dreg:$0x3]  }
0x803: {  	s0 =	sadd.s32 @!p0 $0x100000, s0  }
0x804: {  	[sflag:s0] =	ssyncadd.tile.s32 @!p0 $0x1;
	_ =	shalt  }
.Lfunc_end2:
_tile_overlayer_lowered:
.L_overlay_start_2:
0x805: {  	(tag) =	ssettag $0x2  }
0x806: {  	s0 =	rddreg [dreg:$0x0];
	s2 =	stileid.u32  }
0x807: {  	s1 =	rddreg [dreg:$0x1];
	p0 =	sne.s32 s2, $0x0  }
0x808: {  	s3 =	rddreg [dreg:$0x2];
	[bflag:$0x3] =	sbarrier.arrive $0xFFFF;
	s2 =	simm.s32 @!p0 $0x1C03  }
0x809: {  	[timem:s3], [sflag:s2] =	dma.local @!p0 [hbm:s0], s1  }
0x80a: {  	s0 =	simm.s32 @!p0 $0x3  }
0x80b: {  	_ =	swait.ge @!p0 [sflag:s0], s1  }
0x80c: {  	s1 =	ssub.s32 @!p0 $0x0, s1;
	[sflag:s0] =	ssyncset.done @!p0 $0x0  }
0x80d: {  	[sflag:s0] =	ssyncadd.s32 @!p0 s1  }
0x80e: {  	[bflag:$0x3] =	sbarrier.arrive $0xFFFF  }
0x80f: {  	_ =	shalt  }

</sc_bundles>
